<compile_context>
chip_gen: v7x
topology: tpu7x:2x2x1
jax: 0.10.2.dev20260603
libtpu: 0.0.44.dev20260713+nightly
codegen_flags: <defaults>
</compile_context>

<pallas_src>
import functools

import jax
import jax.numpy as jnp
from jax import lax
from jax.experimental import pallas as pl
from jax.experimental.pallas import tpu as pltpu
from jax.experimental.pallas import tpu_sc as plsc

N = 10000
E = 320000
D_IN = 128
D_H = 64

NC = 2
NS = 16
NW = NC * NS
K = 80
NJ = 128
EPW = NJ * K
E_PAD = NW * EPW
NP = 10240
RPT = 640
L = 16
ZC = 80
NBUF = 8
DG = 4
DS = 4

_mesh = plsc.VectorSubcoreMesh(core_axis_name="c", subcore_axis_name="s")
_sc_params = pltpu.CompilerParams(use_tc_tiling_on_sc=False)



@functools.partial(
    pl.kernel,
    out_type=jax.ShapeDtypeStruct((NC, N, L), jnp.float32),
    mesh=_mesh,
    compiler_params=_sc_params,
    scratch_types=[
        pltpu.VMEM((NJ, K), jnp.int32),
        pltpu.VMEM((K, L), jnp.float32),
        pltpu.VMEM_SHARED((NP, L), jnp.float32),
    ],
)
def _deg_kernel(dst_hbm, out_hbm, dst_v, ones_v, acc):
    c = lax.axis_index("c")
    s = lax.axis_index("s")
    w = s * NC + c
    pltpu.sync_copy(dst_hbm.at[w], dst_v)

    def fill(i, carry):
        ones_v[i, :] = jnp.full((L,), carry, jnp.float32)
        return carry

    lax.fori_loop(0, K, fill, 0.0)
    base = s * RPT
    for m in range(RPT // ZC):
        if (m + 1) * ZC <= 400:
            pltpu.sync_copy(ones_v.at[pl.ds(0, ZC)],
                            acc.at[pl.ds(base + m * ZC, ZC)])
        else:
            @pl.when(s < NS - 1)
            def _():
                pltpu.sync_copy(ones_v.at[pl.ds(0, ZC)],
                                acc.at[pl.ds(base + m * ZC, ZC)])
    lax.fori_loop(0, K, fill, 1.0)
    plsc.subcore_barrier()

    def body(j, carry):
        pltpu.sync_copy(ones_v, acc.at[dst_v.at[j]], add=True)
        return carry

    lax.fori_loop(0, NJ, body, 0)
    plsc.subcore_barrier()

    @pl.when(s < NS - 1)
    def _():
        pltpu.sync_copy(acc.at[pl.ds(base, RPT)], out_hbm.at[c, pl.ds(base, RPT)])

    @pl.when(s == NS - 1)
    def _():
        pltpu.sync_copy(acc.at[pl.ds(N - 400, 400)],
                        out_hbm.at[c, pl.ds(N - 400, 400)])


@functools.partial(
    pl.kernel,
    out_type=jax.ShapeDtypeStruct((NC, N, D_H), jnp.float32),
    mesh=_mesh,
    compiler_params=_sc_params,
    scratch_types=[
        pltpu.VMEM((NJ, K), jnp.int32),
        pltpu.VMEM((NJ, K), jnp.int32),
        [pltpu.VMEM((K, D_H), jnp.float32)] * NBUF,
        pltpu.VMEM_SHARED((NP, D_H), jnp.float32),
        [pltpu.SemaphoreType.DMA] * NBUF,
        [pltpu.SemaphoreType.DMA] * NBUF,
    ],
)
def _edge_kernel(hs_hbm, src_hbm, dst_hbm, out_hbm, src_v, dst_v, rows,
                 acc, semg, sems):
    c = lax.axis_index("c")
    s = lax.axis_index("s")
    w = s * NC + c

    pltpu.sync_copy(src_hbm.at[w], src_v)
    pltpu.sync_copy(dst_hbm.at[w], dst_v)

    zero = jnp.zeros((L,), jnp.float32)

    def zbody(i, carry):
        def zcol(k2, carry2):
            rows[0][i, pl.ds(k2 * L, L)] = zero
            return carry2

        return lax.fori_loop(0, D_H // L, zcol, carry)

    lax.fori_loop(0, K, zbody, 0)

    base = s * RPT
    for m in range(RPT // ZC):
        if (m + 1) * ZC <= 400:
            pltpu.sync_copy(rows[0].at[pl.ds(0, ZC)],
                            acc.at[pl.ds(base + m * ZC, ZC)])
        else:
            @pl.when(s < NS - 1)
            def _():
                pltpu.sync_copy(rows[0].at[pl.ds(0, ZC)],
                                acc.at[pl.ds(base + m * ZC, ZC)])
    plsc.subcore_barrier()

    def gwait(j, b):
        pltpu.make_async_copy(hs_hbm.at[src_v.at[j]], rows[b], semg[b]).wait()

    def swait(j, b):
        pltpu.make_async_copy(rows[b], acc.at[dst_v.at[j]], sems[b]).wait()

    def sfire(j, b):
        pltpu.async_copy(rows[b], acc.at[dst_v.at[j]], sems[b], add=True)

    def gfire(j, b):
        pltpu.async_copy(hs_hbm.at[src_v.at[j]], rows[b], semg[b])

    assert (NJ - DS - DG) % NBUF == 0
    for b in range(DG):
        gfire(b, b)
    for p in range(DS):
        gwait(p, p % NBUF)
        sfire(p, p % NBUF)
        gfire(p + DG, (p + DG) % NBUF)

    def body(i, carry):
        p0 = DS + NBUF * i
        for u in range(NBUF):
            b = (DS + u) % NBUF
            bn = (b + DG) % NBUF
            gwait(p0 + u, b)
            sfire(p0 + u, b)
            swait(p0 + u - DS, bn)
            gfire(p0 + u + DG, bn)
        return carry

    lax.fori_loop(0, (NJ - DS - DG) // NBUF, body, 0)
    for p in range(NJ - DG, NJ):
        b = p % NBUF
        gwait(p, b)
        sfire(p, b)
        swait(p - DS, (b + DG) % NBUF)
    for p in range(NJ - DS, NJ):
        swait(p, p % NBUF)
    plsc.subcore_barrier()

    @pl.when(s < NS - 1)
    def _():
        pltpu.sync_copy(acc.at[pl.ds(base, RPT)], out_hbm.at[c, pl.ds(base, RPT)])

    @pl.when(s == NS - 1)
    def _():
        pltpu.sync_copy(acc.at[pl.ds(N - 400, 400)],
                        out_hbm.at[c, pl.ds(N - 400, 400)])



def _tc_first_body(hist_ref, x_ref, w0_ref, dinv_ref, hs_ref):
    deg = hist_ref[0, :, 0:1] + hist_ref[1, :, 0:1] + 1.0
    dinv = lax.rsqrt(deg)
    h = jnp.dot(x_ref[...], w0_ref[...], preferred_element_type=jnp.float32)
    dinv_ref[...] = dinv
    hs_ref[...] = dinv * h


def _tc_mid_body(acc_ref, hs_ref, dinv_ref, b_ref, gw_ref, gb_ref, ga_ref,
                 wn_ref, hsn_ref):
    dinv = dinv_ref[...]
    sacc = acc_ref[0] + acc_ref[1] + hs_ref[...]
    conv = dinv * sacc + b_ref[...]
    mean = jnp.mean(conv, axis=0, keepdims=True)
    xc = conv - ga_ref[...] * mean
    var = jnp.mean(xc * xc, axis=0, keepdims=True)
    g = gw_ref[...] * xc * lax.rsqrt(var + 1e-5) + gb_ref[...]
    hsn_ref[...] = dinv * jnp.dot(g, wn_ref[...],
                                  preferred_element_type=jnp.float32)


def _tc_last_body(acc_ref, hs_ref, dinv_ref, b_ref, gw_ref, gb_ref, ga_ref,
                  out_ref):
    sacc = acc_ref[0] + acc_ref[1] + hs_ref[...]
    conv = dinv_ref[...] * sacc + b_ref[...]
    mean = jnp.mean(conv, axis=0, keepdims=True)
    xc = conv - ga_ref[...] * mean
    var = jnp.mean(xc * xc, axis=0, keepdims=True)
    out_ref[...] = gw_ref[...] * xc * lax.rsqrt(var + 1e-5) + gb_ref[...]


_f32 = jnp.float32
_tc_first = pl.pallas_call(
    _tc_first_body,
    out_shape=[jax.ShapeDtypeStruct((N, 1), _f32),
               jax.ShapeDtypeStruct((N, D_H), _f32)],
)
_tc_mid = pl.pallas_call(
    _tc_mid_body,
    out_shape=jax.ShapeDtypeStruct((N, D_H), _f32),
)
_tc_last = pl.pallas_call(
    _tc_last_body,
    out_shape=jax.ShapeDtypeStruct((N, D_H), _f32),
)


def kernel(x, edge_index, W0, b0, gw0, gb0, ga0, W1, b1, gw1, gb1, ga1,
           W2, b2, gw2, gb2, ga2):
    pad = E_PAD - E
    pidx = jnp.arange(pad, dtype=jnp.int32)
    src_r = jnp.concatenate(
        [edge_index[0], pidx % N]).reshape(NW, NJ, K)
    dst_r = jnp.concatenate(
        [edge_index[1], N + pidx % (NP - N)]).reshape(NW, NJ, K)

    histp = _deg_kernel(dst_r)
    dinv, hs = _tc_first(histp, x, W0)

    params = [(b0, gw0, gb0, ga0), (b1, gw1, gb1, ga1), (b2, gw2, gb2, ga2)]
    row = lambda v: v.reshape(1, D_H)

    for layer in range(3):
        acc = _edge_kernel(hs, src_r, dst_r)
        b, gw, gb, ga = (row(v) for v in params[layer])
        if layer < 2:
            wn = (W1, W2)[layer]
            hs = _tc_mid(acc, hs, dinv, b, gw, gb, ga, wn)
        else:
            out = _tc_last(acc, hs, dinv, b, gw, gb, ga)
    return out

# --- scband reference (transcript-rebuilt; emitter-appended) ---
"""Pipeline reference for scband-graph-stack-66194035966586 (READ-ONLY COPY).

The authoritative reference and input builder live on the scoring server;
editing this copy changes nothing except your own understanding.
"""

import jax, jax.numpy as jnp
import numpy as np

N = 10000
E = 320000
D_IN = 128
D_H = 64


def setup_inputs(seed: int = 0) -> dict:
    key = jax.random.key(seed)
    ks = jax.random.split(key, 32)
    x = jax.random.normal(ks[0], (N, D_IN), dtype=jnp.float32)
    edge_index = jax.random.randint(ks[1], (2, E), 0, N, dtype=jnp.int32)
    inp = {"x": x, "edge_index": edge_index}
    dims = [D_IN, D_H, D_H]
    for i in range(3):
        d_in = dims[i]
        inp[f"W{i}"] = jax.random.normal(ks[2 + 5 * i], (d_in, D_H), dtype=jnp.float32) * (1.0 / np.sqrt(d_in))
        inp[f"b{i}"] = jnp.zeros((D_H,), dtype=jnp.float32)
        inp[f"gw{i}"] = jnp.ones((D_H,), dtype=jnp.float32)
        inp[f"gb{i}"] = jnp.zeros((D_H,), dtype=jnp.float32)
        inp[f"ga{i}"] = jnp.ones((D_H,), dtype=jnp.float32)  # GraphNorm mean_scale alpha
    return inp


def _gcn_conv(x, edge_index, W, b):
    # PyG GCNConv: add self-loops, symmetric normalization, linear transform, scatter-add
    n = x.shape[0]
    loop = jnp.arange(n, dtype=edge_index.dtype)
    src = jnp.concatenate([edge_index[0], loop])
    dst = jnp.concatenate([edge_index[1], loop])
    h = x @ W
    deg = jnp.zeros((n,), dtype=x.dtype).at[dst].add(1.0)
    dinv = jnp.where(deg > 0, deg ** -0.5, 0.0)
    norm = dinv[src] * dinv[dst]
    msg = norm[:, None] * jnp.take(h, src, axis=0)
    out = jnp.zeros((n, h.shape[1]), dtype=x.dtype).at[dst].add(msg)
    return out + b


def _graph_norm(x, w, b, a):
    # PyG GraphNorm over a single graph: (x - alpha*mean) / sqrt(var + eps) * weight + bias
    mean = jnp.mean(x, axis=0)
    xc = x - a * mean
    var = jnp.mean(xc * xc, axis=0)
    return w * xc / jnp.sqrt(var + 1e-5) + b


def reference(x, edge_index, W0, b0, gw0, gb0, ga0, W1, b1, gw1, gb1, ga1, W2, b2, gw2, gb2, ga2):
    h = x
    layers = [(W0, b0, gw0, gb0, ga0), (W1, b1, gw1, gb1, ga1), (W2, b2, gw2, gb2, ga2)]
    for (W, b, gw, gb, ga) in layers:
        h = _gcn_conv(h, edge_index, W, b)
        h = _graph_norm(h, gw, gb, ga)
        # Dropout is identity in eval/reference mode
    return h

if __name__ == "__main__":
    import jax
    _d = setup_inputs()
    print(jax.jit(kernel)(*tuple(_d.values())))

</pallas_src>

<mosaic_0001>
#map = affine_map<(d0, d1) -> (0, 0, 0)>
module attributes {stable_mosaic.version = 14 : i64} {
  func.func @_deg_kernel(%arg0: i32, %arg1: i32, %arg2: memref<32x128x80xi32, #tpu.memory_space<hbm>>, %arg3: memref<2x10000x16xf32, #tpu.memory_space<hbm>>, %arg4: memref<128x80xi32, #tpu.memory_space<vmem>>, %arg5: memref<80x16xf32, #tpu.memory_space<vmem>>, %arg6: memref<10240x16xf32, #tpu.memory_space<vmem_shared>>) attributes {dimension_semantics = [#tpu.dimension_semantics<core_parallel>, #tpu.dimension_semantics<subcore_parallel>], iteration_bounds = array<i64: 2, 16>, scalar_prefetch = 0 : i64, scratch_operands = 3 : i64, tpu.core_type = #tpu.core_type<sc_vector_subcore>, window_params = [{transform_indices = #map}, {transform_indices = #map}]} {
    %mul3A = arith.constant 2 : i32
    %mul3A_0 = arith.muli %arg1, %mul3A : i32
    %add3A = arith.addi %mul3A_0, %arg0 : i32
    "tpu.region"() ({
      %run_scoped3A = tpu.sem_alloc : memref<!tpu.dma_semaphore, #tpu.memory_space<semaphore_mem>>
      %dma_start3A = arith.constant 0 : i32
      %dma_start3A_52 = arith.constant 0 : i32
      %dma_start3A_53 = tpu.memref_slice %arg2[%add3A, %dma_start3A, %dma_start3A_52] : memref<32x128x80xi32, #tpu.memory_space<hbm>> -> memref<1x128x80xi32, #tpu.memory_space<hbm>>
      %dma_start3A_54 = tpu.memref_squeeze %dma_start3A_53 : memref<1x128x80xi32, #tpu.memory_space<hbm>> -> memref<128x80xi32, #tpu.memory_space<hbm>>
      %dma_start3A_55 = arith.constant 0 : i32
      %dma_start3A_56 = arith.constant 0 : i32
      %dma_start3A_57 = tpu.memref_slice %arg2[%add3A, %dma_start3A_55, %dma_start3A_56] : memref<32x128x80xi32, #tpu.memory_space<hbm>> -> memref<1x128x80xi32, #tpu.memory_space<hbm>>
      %dma_start3A_58 = tpu.memref_squeeze %dma_start3A_57 : memref<1x128x80xi32, #tpu.memory_space<hbm>> -> memref<128x80xi32, #tpu.memory_space<hbm>>
      tpu.enqueue_dma source(%dma_start3A_58 : memref<128x80xi32, #tpu.memory_space<hbm>>) target(%arg4 : memref<128x80xi32, #tpu.memory_space<vmem>>) target_semaphore(%run_scoped3A : memref<!tpu.dma_semaphore, #tpu.memory_space<semaphore_mem>>)
      %dma_wait3A = arith.constant 0 : i32
      %dma_wait3A_59 = arith.constant 0 : i32
      %dma_wait3A_60 = tpu.memref_slice %arg2[%add3A, %dma_wait3A, %dma_wait3A_59] : memref<32x128x80xi32, #tpu.memory_space<hbm>> -> memref<1x128x80xi32, #tpu.memory_space<hbm>>
      %dma_wait3A_61 = tpu.memref_squeeze %dma_wait3A_60 : memref<1x128x80xi32, #tpu.memory_space<hbm>> -> memref<128x80xi32, #tpu.memory_space<hbm>>
      %dma_wait3A_62 = arith.constant 0 : i32
      %dma_wait3A_63 = arith.constant 0 : i32
      %dma_wait3A_64 = tpu.memref_slice %arg2[%add3A, %dma_wait3A_62, %dma_wait3A_63] : memref<32x128x80xi32, #tpu.memory_space<hbm>> -> memref<1x128x80xi32, #tpu.memory_space<hbm>>
      %dma_wait3A_65 = tpu.memref_squeeze %dma_wait3A_64 : memref<1x128x80xi32, #tpu.memory_space<hbm>> -> memref<128x80xi32, #tpu.memory_space<hbm>>
      tpu.wait_dma2 semaphore(%run_scoped3A : memref<!tpu.dma_semaphore, #tpu.memory_space<semaphore_mem>>) src(%dma_wait3A_65 : memref<128x80xi32, #tpu.memory_space<hbm>>) dst(%arg4 : memref<128x80xi32, #tpu.memory_space<vmem>>)
      tpu.yield
    }) : () -> ()
    %scan3A = arith.constant 0.000000e+00 : f32
    %scan3A_1 = arith.constant 0 : i32
    %scan3A_2 = arith.constant 80 : i32
    %scan3A_3 = arith.addi %scan3A_1, %scan3A_2 : i32
    %scan3A_4 = arith.constant 1 : i32
    scf.for %scan3A_52 = %scan3A_1 to %scan3A_3 step %scan3A_4  : i32 {
      %broadcast_in_dim3A = vector.broadcast %scan3A : f32 to vector<16xf32>
      %swap3A = arith.index_cast %scan3A_52 : i32 to index
      %swap3A_53 = arith.constant 0 : index
      %swap3A_54 = tpu.vector_load %arg5[%swap3A, %swap3A_53] {strides = array<i32>} : memref<80x16xf32, #tpu.memory_space<vmem>>, vector<1x16xf32>,
      %swap3A_55 = vector.shape_cast %swap3A_54 : vector<1x16xf32> to vector<16xf32>
      %swap3A_56 = vector.shape_cast %broadcast_in_dim3A : vector<16xf32> to vector<1x16xf32>
      tpu.vector_store %arg5[%swap3A, %swap3A_53], %swap3A_56 {strides = array<i32>} : memref<80x16xf32, #tpu.memory_space<vmem>>, vector<1x16xf32>,
    }
    %scan3A_5 = arith.constant 80 : i32
    %mul3A_6 = arith.constant 640 : i32
    %mul3A_7 = arith.muli %arg1, %mul3A_6 : i32
    %add3A_8 = arith.constant 0 : i32
    %add3A_9 = arith.addi %mul3A_7, %add3A_8 : i32
    "tpu.region"() ({
      %run_scoped3A = tpu.sem_alloc : memref<!tpu.dma_semaphore, #tpu.memory_space<semaphore_mem>>
      %dma_start3A = arith.constant 0 : i32
      %dma_start3A_52 = arith.constant 0 : i32
      %dma_start3A_53 = tpu.memref_slice %arg5[%dma_start3A, %dma_start3A_52] : memref<80x16xf32, #tpu.memory_space<vmem>> -> memref<80x16xf32, #tpu.memory_space<vmem>>
      %dma_start3A_54 = arith.constant 0 : i32
      %dma_start3A_55 = tpu.memref_slice %arg6[%add3A_9, %dma_start3A_54] : memref<10240x16xf32, #tpu.memory_space<vmem_shared>> -> memref<80x16xf32, #tpu.memory_space<vmem_shared>>
      %dma_start3A_56 = arith.constant 0 : i32
      %dma_start3A_57 = tpu.memref_slice %arg6[%add3A_9, %dma_start3A_56] : memref<10240x16xf32, #tpu.memory_space<vmem_shared>> -> memref<80x16xf32, #tpu.memory_space<vmem_shared>>
      %dma_start3A_58 = arith.constant 0 : i32
      %dma_start3A_59 = arith.constant 0 : i32
      %dma_start3A_60 = tpu.memref_slice %arg5[%dma_start3A_58, %dma_start3A_59] : memref<80x16xf32, #tpu.memory_space<vmem>> -> memref<80x16xf32, #tpu.memory_space<vmem>>
      tpu.enqueue_dma source(%dma_start3A_60 : memref<80x16xf32, #tpu.memory_space<vmem>>) target(%dma_start3A_57 : memref<80x16xf32, #tpu.memory_space<vmem_shared>>) target_semaphore(%run_scoped3A : memref<!tpu.dma_semaphore, #tpu.memory_space<semaphore_mem>>)
      %dma_wait3A = arith.constant 0 : i32
      %dma_wait3A_61 = arith.constant 0 : i32
      %dma_wait3A_62 = tpu.memref_slice %arg5[%dma_wait3A, %dma_wait3A_61] : memref<80x16xf32, #tpu.memory_space<vmem>> -> memref<80x16xf32, #tpu.memory_space<vmem>>
      %dma_wait3A_63 = arith.constant 0 : i32
      %dma_wait3A_64 = tpu.memref_slice %arg6[%add3A_9, %dma_wait3A_63] : memref<10240x16xf32, #tpu.memory_space<vmem_shared>> -> memref<80x16xf32, #tpu.memory_space<vmem_shared>>
      %dma_wait3A_65 = arith.constant 0 : i32
      %dma_wait3A_66 = tpu.memref_slice %arg6[%add3A_9, %dma_wait3A_65] : memref<10240x16xf32, #tpu.memory_space<vmem_shared>> -> memref<80x16xf32, #tpu.memory_space<vmem_shared>>
      %dma_wait3A_67 = arith.constant 0 : i32
      %dma_wait3A_68 = arith.constant 0 : i32
      %dma_wait3A_69 = tpu.memref_slice %arg5[%dma_wait3A_67, %dma_wait3A_68] : memref<80x16xf32, #tpu.memory_space<vmem>> -> memref<80x16xf32, #tpu.memory_space<vmem>>
      tpu.wait_dma2 semaphore(%run_scoped3A : memref<!tpu.dma_semaphore, #tpu.memory_space<semaphore_mem>>) src(%dma_wait3A_69 : memref<80x16xf32, #tpu.memory_space<vmem>>) dst(%dma_wait3A_66 : memref<80x16xf32, #tpu.memory_space<vmem_shared>>)
      tpu.yield
    }) : () -> ()
    %add3A_10 = arith.constant 80 : i32
    %add3A_11 = arith.addi %mul3A_7, %add3A_10 : i32
    "tpu.region"() ({
      %run_scoped3A = tpu.sem_alloc : memref<!tpu.dma_semaphore, #tpu.memory_space<semaphore_mem>>
      %dma_start3A = arith.constant 0 : i32
      %dma_start3A_52 = arith.constant 0 : i32
      %dma_start3A_53 = tpu.memref_slice %arg5[%dma_start3A, %dma_start3A_52] : memref<80x16xf32, #tpu.memory_space<vmem>> -> memref<80x16xf32, #tpu.memory_space<vmem>>
      %dma_start3A_54 = arith.constant 0 : i32
      %dma_start3A_55 = tpu.memref_slice %arg6[%add3A_11, %dma_start3A_54] : memref<10240x16xf32, #tpu.memory_space<vmem_shared>> -> memref<80x16xf32, #tpu.memory_space<vmem_shared>>
      %dma_start3A_56 = arith.constant 0 : i32
      %dma_start3A_57 = tpu.memref_slice %arg6[%add3A_11, %dma_start3A_56] : memref<10240x16xf32, #tpu.memory_space<vmem_shared>> -> memref<80x16xf32, #tpu.memory_space<vmem_shared>>
      %dma_start3A_58 = arith.constant 0 : i32
      %dma_start3A_59 = arith.constant 0 : i32
      %dma_start3A_60 = tpu.memref_slice %arg5[%dma_start3A_58, %dma_start3A_59] : memref<80x16xf32, #tpu.memory_space<vmem>> -> memref<80x16xf32, #tpu.memory_space<vmem>>
      tpu.enqueue_dma source(%dma_start3A_60 : memref<80x16xf32, #tpu.memory_space<vmem>>) target(%dma_start3A_57 : memref<80x16xf32, #tpu.memory_space<vmem_shared>>) target_semaphore(%run_scoped3A : memref<!tpu.dma_semaphore, #tpu.memory_space<semaphore_mem>>)
      %dma_wait3A = arith.constant 0 : i32
      %dma_wait3A_61 = arith.constant 0 : i32
      %dma_wait3A_62 = tpu.memref_slice %arg5[%dma_wait3A, %dma_wait3A_61] : memref<80x16xf32, #tpu.memory_space<vmem>> -> memref<80x16xf32, #tpu.memory_space<vmem>>
      %dma_wait3A_63 = arith.constant 0 : i32
      %dma_wait3A_64 = tpu.memref_slice %arg6[%add3A_11, %dma_wait3A_63] : memref<10240x16xf32, #tpu.memory_space<vmem_shared>> -> memref<80x16xf32, #tpu.memory_space<vmem_shared>>
      %dma_wait3A_65 = arith.constant 0 : i32
      %dma_wait3A_66 = tpu.memref_slice %arg6[%add3A_11, %dma_wait3A_65] : memref<10240x16xf32, #tpu.memory_space<vmem_shared>> -> memref<80x16xf32, #tpu.memory_space<vmem_shared>>
      %dma_wait3A_67 = arith.constant 0 : i32
      %dma_wait3A_68 = arith.constant 0 : i32
      %dma_wait3A_69 = tpu.memref_slice %arg5[%dma_wait3A_67, %dma_wait3A_68] : memref<80x16xf32, #tpu.memory_space<vmem>> -> memref<80x16xf32, #tpu.memory_space<vmem>>
      tpu.wait_dma2 semaphore(%run_scoped3A : memref<!tpu.dma_semaphore, #tpu.memory_space<semaphore_mem>>) src(%dma_wait3A_69 : memref<80x16xf32, #tpu.memory_space<vmem>>) dst(%dma_wait3A_66 : memref<80x16xf32, #tpu.memory_space<vmem_shared>>)
      tpu.yield
    }) : () -> ()
    %add3A_12 = arith.constant 160 : i32
    %add3A_13 = arith.addi %mul3A_7, %add3A_12 : i32
    "tpu.region"() ({
      %run_scoped3A = tpu.sem_alloc : memref<!tpu.dma_semaphore, #tpu.memory_space<semaphore_mem>>
      %dma_start3A = arith.constant 0 : i32
      %dma_start3A_52 = arith.constant 0 : i32
      %dma_start3A_53 = tpu.memref_slice %arg5[%dma_start3A, %dma_start3A_52] : memref<80x16xf32, #tpu.memory_space<vmem>> -> memref<80x16xf32, #tpu.memory_space<vmem>>
      %dma_start3A_54 = arith.constant 0 : i32
      %dma_start3A_55 = tpu.memref_slice %arg6[%add3A_13, %dma_start3A_54] : memref<10240x16xf32, #tpu.memory_space<vmem_shared>> -> memref<80x16xf32, #tpu.memory_space<vmem_shared>>
      %dma_start3A_56 = arith.constant 0 : i32
      %dma_start3A_57 = tpu.memref_slice %arg6[%add3A_13, %dma_start3A_56] : memref<10240x16xf32, #tpu.memory_space<vmem_shared>> -> memref<80x16xf32, #tpu.memory_space<vmem_shared>>
      %dma_start3A_58 = arith.constant 0 : i32
      %dma_start3A_59 = arith.constant 0 : i32
      %dma_start3A_60 = tpu.memref_slice %arg5[%dma_start3A_58, %dma_start3A_59] : memref<80x16xf32, #tpu.memory_space<vmem>> -> memref<80x16xf32, #tpu.memory_space<vmem>>
      tpu.enqueue_dma source(%dma_start3A_60 : memref<80x16xf32, #tpu.memory_space<vmem>>) target(%dma_start3A_57 : memref<80x16xf32, #tpu.memory_space<vmem_shared>>) target_semaphore(%run_scoped3A : memref<!tpu.dma_semaphore, #tpu.memory_space<semaphore_mem>>)
      %dma_wait3A = arith.constant 0 : i32
      %dma_wait3A_61 = arith.constant 0 : i32
      %dma_wait3A_62 = tpu.memref_slice %arg5[%dma_wait3A, %dma_wait3A_61] : memref<80x16xf32, #tpu.memory_space<vmem>> -> memref<80x16xf32, #tpu.memory_space<vmem>>
      %dma_wait3A_63 = arith.constant 0 : i32
      %dma_wait3A_64 = tpu.memref_slice %arg6[%add3A_13, %dma_wait3A_63] : memref<10240x16xf32, #tpu.memory_space<vmem_shared>> -> memref<80x16xf32, #tpu.memory_space<vmem_shared>>
      %dma_wait3A_65 = arith.constant 0 : i32
      %dma_wait3A_66 = tpu.memref_slice %arg6[%add3A_13, %dma_wait3A_65] : memref<10240x16xf32, #tpu.memory_space<vmem_shared>> -> memref<80x16xf32, #tpu.memory_space<vmem_shared>>
      %dma_wait3A_67 = arith.constant 0 : i32
      %dma_wait3A_68 = arith.constant 0 : i32
      %dma_wait3A_69 = tpu.memref_slice %arg5[%dma_wait3A_67, %dma_wait3A_68] : memref<80x16xf32, #tpu.memory_space<vmem>> -> memref<80x16xf32, #tpu.memory_space<vmem>>
      tpu.wait_dma2 semaphore(%run_scoped3A : memref<!tpu.dma_semaphore, #tpu.memory_space<semaphore_mem>>) src(%dma_wait3A_69 : memref<80x16xf32, #tpu.memory_space<vmem>>) dst(%dma_wait3A_66 : memref<80x16xf32, #tpu.memory_space<vmem_shared>>)
      tpu.yield
    }) : () -> ()
    %add3A_14 = arith.constant 240 : i32
    %add3A_15 = arith.addi %mul3A_7, %add3A_14 : i32
    "tpu.region"() ({
      %run_scoped3A = tpu.sem_alloc : memref<!tpu.dma_semaphore, #tpu.memory_space<semaphore_mem>>
      %dma_start3A = arith.constant 0 : i32
      %dma_start3A_52 = arith.constant 0 : i32
      %dma_start3A_53 = tpu.memref_slice %arg5[%dma_start3A, %dma_start3A_52] : memref<80x16xf32, #tpu.memory_space<vmem>> -> memref<80x16xf32, #tpu.memory_space<vmem>>
      %dma_start3A_54 = arith.constant 0 : i32
      %dma_start3A_55 = tpu.memref_slice %arg6[%add3A_15, %dma_start3A_54] : memref<10240x16xf32, #tpu.memory_space<vmem_shared>> -> memref<80x16xf32, #tpu.memory_space<vmem_shared>>
      %dma_start3A_56 = arith.constant 0 : i32
      %dma_start3A_57 = tpu.memref_slice %arg6[%add3A_15, %dma_start3A_56] : memref<10240x16xf32, #tpu.memory_space<vmem_shared>> -> memref<80x16xf32, #tpu.memory_space<vmem_shared>>
      %dma_start3A_58 = arith.constant 0 : i32
      %dma_start3A_59 = arith.constant 0 : i32
      %dma_start3A_60 = tpu.memref_slice %arg5[%dma_start3A_58, %dma_start3A_59] : memref<80x16xf32, #tpu.memory_space<vmem>> -> memref<80x16xf32, #tpu.memory_space<vmem>>
      tpu.enqueue_dma source(%dma_start3A_60 : memref<80x16xf32, #tpu.memory_space<vmem>>) target(%dma_start3A_57 : memref<80x16xf32, #tpu.memory_space<vmem_shared>>) target_semaphore(%run_scoped3A : memref<!tpu.dma_semaphore, #tpu.memory_space<semaphore_mem>>)
      %dma_wait3A = arith.constant 0 : i32
      %dma_wait3A_61 = arith.constant 0 : i32
      %dma_wait3A_62 = tpu.memref_slice %arg5[%dma_wait3A, %dma_wait3A_61] : memref<80x16xf32, #tpu.memory_space<vmem>> -> memref<80x16xf32, #tpu.memory_space<vmem>>
      %dma_wait3A_63 = arith.constant 0 : i32
      %dma_wait3A_64 = tpu.memref_slice %arg6[%add3A_15, %dma_wait3A_63] : memref<10240x16xf32, #tpu.memory_space<vmem_shared>> -> memref<80x16xf32, #tpu.memory_space<vmem_shared>>
      %dma_wait3A_65 = arith.constant 0 : i32
      %dma_wait3A_66 = tpu.memref_slice %arg6[%add3A_15, %dma_wait3A_65] : memref<10240x16xf32, #tpu.memory_space<vmem_shared>> -> memref<80x16xf32, #tpu.memory_space<vmem_shared>>
      %dma_wait3A_67 = arith.constant 0 : i32
      %dma_wait3A_68 = arith.constant 0 : i32
      %dma_wait3A_69 = tpu.memref_slice %arg5[%dma_wait3A_67, %dma_wait3A_68] : memref<80x16xf32, #tpu.memory_space<vmem>> -> memref<80x16xf32, #tpu.memory_space<vmem>>
      tpu.wait_dma2 semaphore(%run_scoped3A : memref<!tpu.dma_semaphore, #tpu.memory_space<semaphore_mem>>) src(%dma_wait3A_69 : memref<80x16xf32, #tpu.memory_space<vmem>>) dst(%dma_wait3A_66 : memref<80x16xf32, #tpu.memory_space<vmem_shared>>)
      tpu.yield
    }) : () -> ()
    %add3A_16 = arith.constant 320 : i32
    %add3A_17 = arith.addi %mul3A_7, %add3A_16 : i32
    "tpu.region"() ({
      %run_scoped3A = tpu.sem_alloc : memref<!tpu.dma_semaphore, #tpu.memory_space<semaphore_mem>>
      %dma_start3A = arith.constant 0 : i32
      %dma_start3A_52 = arith.constant 0 : i32
      %dma_start3A_53 = tpu.memref_slice %arg5[%dma_start3A, %dma_start3A_52] : memref<80x16xf32, #tpu.memory_space<vmem>> -> memref<80x16xf32, #tpu.memory_space<vmem>>
      %dma_start3A_54 = arith.constant 0 : i32
      %dma_start3A_55 = tpu.memref_slice %arg6[%add3A_17, %dma_start3A_54] : memref<10240x16xf32, #tpu.memory_space<vmem_shared>> -> memref<80x16xf32, #tpu.memory_space<vmem_shared>>
      %dma_start3A_56 = arith.constant 0 : i32
      %dma_start3A_57 = tpu.memref_slice %arg6[%add3A_17, %dma_start3A_56] : memref<10240x16xf32, #tpu.memory_space<vmem_shared>> -> memref<80x16xf32, #tpu.memory_space<vmem_shared>>
      %dma_start3A_58 = arith.constant 0 : i32
      %dma_start3A_59 = arith.constant 0 : i32
      %dma_start3A_60 = tpu.memref_slice %arg5[%dma_start3A_58, %dma_start3A_59] : memref<80x16xf32, #tpu.memory_space<vmem>> -> memref<80x16xf32, #tpu.memory_space<vmem>>
      tpu.enqueue_dma source(%dma_start3A_60 : memref<80x16xf32, #tpu.memory_space<vmem>>) target(%dma_start3A_57 : memref<80x16xf32, #tpu.memory_space<vmem_shared>>) target_semaphore(%run_scoped3A : memref<!tpu.dma_semaphore, #tpu.memory_space<semaphore_mem>>)
      %dma_wait3A = arith.constant 0 : i32
      %dma_wait3A_61 = arith.constant 0 : i32
      %dma_wait3A_62 = tpu.memref_slice %arg5[%dma_wait3A, %dma_wait3A_61] : memref<80x16xf32, #tpu.memory_space<vmem>> -> memref<80x16xf32, #tpu.memory_space<vmem>>
      %dma_wait3A_63 = arith.constant 0 : i32
      %dma_wait3A_64 = tpu.memref_slice %arg6[%add3A_17, %dma_wait3A_63] : memref<10240x16xf32, #tpu.memory_space<vmem_shared>> -> memref<80x16xf32, #tpu.memory_space<vmem_shared>>
      %dma_wait3A_65 = arith.constant 0 : i32
      %dma_wait3A_66 = tpu.memref_slice %arg6[%add3A_17, %dma_wait3A_65] : memref<10240x16xf32, #tpu.memory_space<vmem_shared>> -> memref<80x16xf32, #tpu.memory_space<vmem_shared>>
      %dma_wait3A_67 = arith.constant 0 : i32
      %dma_wait3A_68 = arith.constant 0 : i32
      %dma_wait3A_69 = tpu.memref_slice %arg5[%dma_wait3A_67, %dma_wait3A_68] : memref<80x16xf32, #tpu.memory_space<vmem>> -> memref<80x16xf32, #tpu.memory_space<vmem>>
      tpu.wait_dma2 semaphore(%run_scoped3A : memref<!tpu.dma_semaphore, #tpu.memory_space<semaphore_mem>>) src(%dma_wait3A_69 : memref<80x16xf32, #tpu.memory_space<vmem>>) dst(%dma_wait3A_66 : memref<80x16xf32, #tpu.memory_space<vmem_shared>>)
      tpu.yield
    }) : () -> ()
    %lt3A = arith.constant 15 : i32
    %lt3A_18 = arith.cmpi slt, %arg1, %lt3A : i32
    %convert_element_type3A = arith.extui %lt3A_18 : i1 to i32
    %cond3A = arith.constant 0 : i32
    %cond3A_19 = arith.cmpi ne, %convert_element_type3A, %cond3A : i32
    scf.if %cond3A_19 {
      %add3A_52 = arith.constant 400 : i32
      %add3A_53 = arith.addi %mul3A_7, %add3A_52 : i32
      "tpu.region"() ({
        %run_scoped3A = tpu.sem_alloc : memref<!tpu.dma_semaphore, #tpu.memory_space<semaphore_mem>>
        %dma_start3A = arith.constant 0 : i32
        %dma_start3A_54 = arith.constant 0 : i32
        %dma_start3A_55 = tpu.memref_slice %arg5[%dma_start3A, %dma_start3A_54] : memref<80x16xf32, #tpu.memory_space<vmem>> -> memref<80x16xf32, #tpu.memory_space<vmem>>
        %dma_start3A_56 = arith.constant 0 : i32
        %dma_start3A_57 = tpu.memref_slice %arg6[%add3A_53, %dma_start3A_56] : memref<10240x16xf32, #tpu.memory_space<vmem_shared>> -> memref<80x16xf32, #tpu.memory_space<vmem_shared>>
        %dma_start3A_58 = arith.constant 0 : i32
        %dma_start3A_59 = tpu.memref_slice %arg6[%add3A_53, %dma_start3A_58] : memref<10240x16xf32, #tpu.memory_space<vmem_shared>> -> memref<80x16xf32, #tpu.memory_space<vmem_shared>>
        %dma_start3A_60 = arith.constant 0 : i32
        %dma_start3A_61 = arith.constant 0 : i32
        %dma_start3A_62 = tpu.memref_slice %arg5[%dma_start3A_60, %dma_start3A_61] : memref<80x16xf32, #tpu.memory_space<vmem>> -> memref<80x16xf32, #tpu.memory_space<vmem>>
        tpu.enqueue_dma source(%dma_start3A_62 : memref<80x16xf32, #tpu.memory_space<vmem>>) target(%dma_start3A_59 : memref<80x16xf32, #tpu.memory_space<vmem_shared>>) target_semaphore(%run_scoped3A : memref<!tpu.dma_semaphore, #tpu.memory_space<semaphore_mem>>)
        %dma_wait3A = arith.constant 0 : i32
        %dma_wait3A_63 = arith.constant 0 : i32
        %dma_wait3A_64 = tpu.memref_slice %arg5[%dma_wait3A, %dma_wait3A_63] : memref<80x16xf32, #tpu.memory_space<vmem>> -> memref<80x16xf32, #tpu.memory_space<vmem>>
        %dma_wait3A_65 = arith.constant 0 : i32
        %dma_wait3A_66 = tpu.memref_slice %arg6[%add3A_53, %dma_wait3A_65] : memref<10240x16xf32, #tpu.memory_space<vmem_shared>> -> memref<80x16xf32, #tpu.memory_space<vmem_shared>>
        %dma_wait3A_67 = arith.constant 0 : i32
        %dma_wait3A_68 = tpu.memref_slice %arg6[%add3A_53, %dma_wait3A_67] : memref<10240x16xf32, #tpu.memory_space<vmem_shared>> -> memref<80x16xf32, #tpu.memory_space<vmem_shared>>
        %dma_wait3A_69 = arith.constant 0 : i32
        %dma_wait3A_70 = arith.constant 0 : i32
        %dma_wait3A_71 = tpu.memref_slice %arg5[%dma_wait3A_69, %dma_wait3A_70] : memref<80x16xf32, #tpu.memory_space<vmem>> -> memref<80x16xf32, #tpu.memory_space<vmem>>
        tpu.wait_dma2 semaphore(%run_scoped3A : memref<!tpu.dma_semaphore, #tpu.memory_space<semaphore_mem>>) src(%dma_wait3A_71 : memref<80x16xf32, #tpu.memory_space<vmem>>) dst(%dma_wait3A_68 : memref<80x16xf32, #tpu.memory_space<vmem_shared>>)
        tpu.yield
      }) : () -> ()
    } else {
    }
    %lt3A_20 = arith.constant 15 : i32
    %lt3A_21 = arith.cmpi slt, %arg1, %lt3A_20 : i32
    %convert_element_type3A_22 = arith.extui %lt3A_21 : i1 to i32
    %cond3A_23 = arith.constant 0 : i32
    %cond3A_24 = arith.cmpi ne, %convert_element_type3A_22, %cond3A_23 : i32
    scf.if %cond3A_24 {
      %add3A_52 = arith.constant 480 : i32
      %add3A_53 = arith.addi %mul3A_7, %add3A_52 : i32
      "tpu.region"() ({
        %run_scoped3A = tpu.sem_alloc : memref<!tpu.dma_semaphore, #tpu.memory_space<semaphore_mem>>
        %dma_start3A = arith.constant 0 : i32
        %dma_start3A_54 = arith.constant 0 : i32
        %dma_start3A_55 = tpu.memref_slice %arg5[%dma_start3A, %dma_start3A_54] : memref<80x16xf32, #tpu.memory_space<vmem>> -> memref<80x16xf32, #tpu.memory_space<vmem>>
        %dma_start3A_56 = arith.constant 0 : i32
        %dma_start3A_57 = tpu.memref_slice %arg6[%add3A_53, %dma_start3A_56] : memref<10240x16xf32, #tpu.memory_space<vmem_shared>> -> memref<80x16xf32, #tpu.memory_space<vmem_shared>>
        %dma_start3A_58 = arith.constant 0 : i32
        %dma_start3A_59 = tpu.memref_slice %arg6[%add3A_53, %dma_start3A_58] : memref<10240x16xf32, #tpu.memory_space<vmem_shared>> -> memref<80x16xf32, #tpu.memory_space<vmem_shared>>
        %dma_start3A_60 = arith.constant 0 : i32
        %dma_start3A_61 = arith.constant 0 : i32
        %dma_start3A_62 = tpu.memref_slice %arg5[%dma_start3A_60, %dma_start3A_61] : memref<80x16xf32, #tpu.memory_space<vmem>> -> memref<80x16xf32, #tpu.memory_space<vmem>>
        tpu.enqueue_dma source(%dma_start3A_62 : memref<80x16xf32, #tpu.memory_space<vmem>>) target(%dma_start3A_59 : memref<80x16xf32, #tpu.memory_space<vmem_shared>>) target_semaphore(%run_scoped3A : memref<!tpu.dma_semaphore, #tpu.memory_space<semaphore_mem>>)
        %dma_wait3A = arith.constant 0 : i32
        %dma_wait3A_63 = arith.constant 0 : i32
        %dma_wait3A_64 = tpu.memref_slice %arg5[%dma_wait3A, %dma_wait3A_63] : memref<80x16xf32, #tpu.memory_space<vmem>> -> memref<80x16xf32, #tpu.memory_space<vmem>>
        %dma_wait3A_65 = arith.constant 0 : i32
        %dma_wait3A_66 = tpu.memref_slice %arg6[%add3A_53, %dma_wait3A_65] : memref<10240x16xf32, #tpu.memory_space<vmem_shared>> -> memref<80x16xf32, #tpu.memory_space<vmem_shared>>
        %dma_wait3A_67 = arith.constant 0 : i32
        %dma_wait3A_68 = tpu.memref_slice %arg6[%add3A_53, %dma_wait3A_67] : memref<10240x16xf32, #tpu.memory_space<vmem_shared>> -> memref<80x16xf32, #tpu.memory_space<vmem_shared>>
        %dma_wait3A_69 = arith.constant 0 : i32
        %dma_wait3A_70 = arith.constant 0 : i32
        %dma_wait3A_71 = tpu.memref_slice %arg5[%dma_wait3A_69, %dma_wait3A_70] : memref<80x16xf32, #tpu.memory_space<vmem>> -> memref<80x16xf32, #tpu.memory_space<vmem>>
        tpu.wait_dma2 semaphore(%run_scoped3A : memref<!tpu.dma_semaphore, #tpu.memory_space<semaphore_mem>>) src(%dma_wait3A_71 : memref<80x16xf32, #tpu.memory_space<vmem>>) dst(%dma_wait3A_68 : memref<80x16xf32, #tpu.memory_space<vmem_shared>>)
        tpu.yield
      }) : () -> ()
    } else {
    }
    %lt3A_25 = arith.constant 15 : i32
    %lt3A_26 = arith.cmpi slt, %arg1, %lt3A_25 : i32
    %convert_element_type3A_27 = arith.extui %lt3A_26 : i1 to i32
    %cond3A_28 = arith.constant 0 : i32
    %cond3A_29 = arith.cmpi ne, %convert_element_type3A_27, %cond3A_28 : i32
    scf.if %cond3A_29 {
      %add3A_52 = arith.constant 560 : i32
      %add3A_53 = arith.addi %mul3A_7, %add3A_52 : i32
      "tpu.region"() ({
        %run_scoped3A = tpu.sem_alloc : memref<!tpu.dma_semaphore, #tpu.memory_space<semaphore_mem>>
        %dma_start3A = arith.constant 0 : i32
        %dma_start3A_54 = arith.constant 0 : i32
        %dma_start3A_55 = tpu.memref_slice %arg5[%dma_start3A, %dma_start3A_54] : memref<80x16xf32, #tpu.memory_space<vmem>> -> memref<80x16xf32, #tpu.memory_space<vmem>>
        %dma_start3A_56 = arith.constant 0 : i32
        %dma_start3A_57 = tpu.memref_slice %arg6[%add3A_53, %dma_start3A_56] : memref<10240x16xf32, #tpu.memory_space<vmem_shared>> -> memref<80x16xf32, #tpu.memory_space<vmem_shared>>
        %dma_start3A_58 = arith.constant 0 : i32
        %dma_start3A_59 = tpu.memref_slice %arg6[%add3A_53, %dma_start3A_58] : memref<10240x16xf32, #tpu.memory_space<vmem_shared>> -> memref<80x16xf32, #tpu.memory_space<vmem_shared>>
        %dma_start3A_60 = arith.constant 0 : i32
        %dma_start3A_61 = arith.constant 0 : i32
        %dma_start3A_62 = tpu.memref_slice %arg5[%dma_start3A_60, %dma_start3A_61] : memref<80x16xf32, #tpu.memory_space<vmem>> -> memref<80x16xf32, #tpu.memory_space<vmem>>
        tpu.enqueue_dma source(%dma_start3A_62 : memref<80x16xf32, #tpu.memory_space<vmem>>) target(%dma_start3A_59 : memref<80x16xf32, #tpu.memory_space<vmem_shared>>) target_semaphore(%run_scoped3A : memref<!tpu.dma_semaphore, #tpu.memory_space<semaphore_mem>>)
        %dma_wait3A = arith.constant 0 : i32
        %dma_wait3A_63 = arith.constant 0 : i32
        %dma_wait3A_64 = tpu.memref_slice %arg5[%dma_wait3A, %dma_wait3A_63] : memref<80x16xf32, #tpu.memory_space<vmem>> -> memref<80x16xf32, #tpu.memory_space<vmem>>
        %dma_wait3A_65 = arith.constant 0 : i32
        %dma_wait3A_66 = tpu.memref_slice %arg6[%add3A_53, %dma_wait3A_65] : memref<10240x16xf32, #tpu.memory_space<vmem_shared>> -> memref<80x16xf32, #tpu.memory_space<vmem_shared>>
        %dma_wait3A_67 = arith.constant 0 : i32
        %dma_wait3A_68 = tpu.memref_slice %arg6[%add3A_53, %dma_wait3A_67] : memref<10240x16xf32, #tpu.memory_space<vmem_shared>> -> memref<80x16xf32, #tpu.memory_space<vmem_shared>>
        %dma_wait3A_69 = arith.constant 0 : i32
        %dma_wait3A_70 = arith.constant 0 : i32
        %dma_wait3A_71 = tpu.memref_slice %arg5[%dma_wait3A_69, %dma_wait3A_70] : memref<80x16xf32, #tpu.memory_space<vmem>> -> memref<80x16xf32, #tpu.memory_space<vmem>>
        tpu.wait_dma2 semaphore(%run_scoped3A : memref<!tpu.dma_semaphore, #tpu.memory_space<semaphore_mem>>) src(%dma_wait3A_71 : memref<80x16xf32, #tpu.memory_space<vmem>>) dst(%dma_wait3A_68 : memref<80x16xf32, #tpu.memory_space<vmem_shared>>)
        tpu.yield
      }) : () -> ()
    } else {
    }
    %scan3A_30 = arith.constant 1.000000e+00 : f32
    %scan3A_31 = arith.constant 0 : i32
    %scan3A_32 = arith.constant 80 : i32
    %scan3A_33 = arith.addi %scan3A_31, %scan3A_32 : i32
    %scan3A_34 = arith.constant 1 : i32
    scf.for %scan3A_52 = %scan3A_31 to %scan3A_33 step %scan3A_34  : i32 {
      %broadcast_in_dim3A = vector.broadcast %scan3A_30 : f32 to vector<16xf32>
      %swap3A = arith.index_cast %scan3A_52 : i32 to index
      %swap3A_53 = arith.constant 0 : index
      %swap3A_54 = tpu.vector_load %arg5[%swap3A, %swap3A_53] {strides = array<i32>} : memref<80x16xf32, #tpu.memory_space<vmem>>, vector<1x16xf32>,
      %swap3A_55 = vector.shape_cast %swap3A_54 : vector<1x16xf32> to vector<16xf32>
      %swap3A_56 = vector.shape_cast %broadcast_in_dim3A : vector<16xf32> to vector<1x16xf32>
      tpu.vector_store %arg5[%swap3A, %swap3A_53], %swap3A_56 {strides = array<i32>} : memref<80x16xf32, #tpu.memory_space<vmem>>, vector<1x16xf32>,
    }
    %scan3A_35 = arith.constant 80 : i32
    %barrier3A = arith.constant 0 : index
    tpu.barrier barrier_id(%barrier3A)
    %scan3A_36 = arith.constant 0 : i32
    %scan3A_37 = arith.constant 0 : i32
    %scan3A_38 = arith.constant 128 : i32
    %scan3A_39 = arith.addi %scan3A_37, %scan3A_38 : i32
    %scan3A_40 = arith.constant 1 : i32
    scf.for %scan3A_52 = %scan3A_37 to %scan3A_39 step %scan3A_40  : i32 {
      "tpu.region"() ({
        %run_scoped3A = tpu.sem_alloc : memref<!tpu.dma_semaphore, #tpu.memory_space<semaphore_mem>>
        %dma_start3A = arith.constant 0 : i32
        %dma_start3A_53 = tpu.memref_slice %arg4[%scan3A_52, %dma_start3A] : memref<128x80xi32, #tpu.memory_space<vmem>> -> memref<1x80xi32, #tpu.memory_space<vmem>>
        %dma_start3A_54 = tpu.memref_squeeze %dma_start3A_53 : memref<1x80xi32, #tpu.memory_space<vmem>> -> memref<80xi32, #tpu.memory_space<vmem>>
        %dma_start3A_55 = arith.constant 0 : i32
        %dma_start3A_56 = arith.constant 0 : i32
        %dma_start3A_57 = tpu.memref_slice %arg6[%dma_start3A_55, %dma_start3A_56] : memref<10240x16xf32, #tpu.memory_space<vmem_shared>> -> memref<10240x16xf32, #tpu.memory_space<vmem_shared>>
        tpu.enqueue_indirect_dma source(%arg5 : memref<80x16xf32, #tpu.memory_space<vmem>>) target(%dma_start3A_57 : memref<10240x16xf32, #tpu.memory_space<vmem_shared>>) offsets(%dma_start3A_54 : memref<80xi32, #tpu.memory_space<vmem>>) semaphore(%run_scoped3A : memref<!tpu.dma_semaphore, #tpu.memory_space<semaphore_mem>>) {add = true}
        %dma_wait3A = arith.constant 0 : i32
        %dma_wait3A_58 = tpu.memref_slice %arg4[%scan3A_52, %dma_wait3A] : memref<128x80xi32, #tpu.memory_space<vmem>> -> memref<1x80xi32, #tpu.memory_space<vmem>>
        %dma_wait3A_59 = tpu.memref_squeeze %dma_wait3A_58 : memref<1x80xi32, #tpu.memory_space<vmem>> -> memref<80xi32, #tpu.memory_space<vmem>>
        %dma_wait3A_60 = arith.constant 0 : i32
        %dma_wait3A_61 = arith.constant 0 : i32
        %dma_wait3A_62 = tpu.memref_slice %arg6[%dma_wait3A_60, %dma_wait3A_61] : memref<10240x16xf32, #tpu.memory_space<vmem_shared>> -> memref<10240x16xf32, #tpu.memory_space<vmem_shared>>
        tpu.wait_indirect_dma semaphore(%run_scoped3A : memref<!tpu.dma_semaphore, #tpu.memory_space<semaphore_mem>>) src(%arg5 : memref<80x16xf32, #tpu.memory_space<vmem>>) dst(%dma_wait3A_62 : memref<10240x16xf32, #tpu.memory_space<vmem_shared>>)
        tpu.yield
      }) : () -> ()
    }
    %scan3A_41 = arith.constant 128 : i32
    %barrier3A_42 = arith.constant 0 : index
    tpu.barrier barrier_id(%barrier3A_42)
    %lt3A_43 = arith.constant 15 : i32
    %lt3A_44 = arith.cmpi slt, %arg1, %lt3A_43 : i32
    %convert_element_type3A_45 = arith.extui %lt3A_44 : i1 to i32
    %cond3A_46 = arith.constant 0 : i32
    %cond3A_47 = arith.cmpi ne, %convert_element_type3A_45, %cond3A_46 : i32
    scf.if %cond3A_47 {
      "tpu.region"() ({
        %run_scoped3A = tpu.sem_alloc : memref<!tpu.dma_semaphore, #tpu.memory_space<semaphore_mem>>
        %dma_start3A = arith.constant 0 : i32
        %dma_start3A_52 = tpu.memref_slice %arg3[%arg0, %mul3A_7, %dma_start3A] : memref<2x10000x16xf32, #tpu.memory_space<hbm>> -> memref<1x640x16xf32, #tpu.memory_space<hbm>>
        %dma_start3A_53 = tpu.memref_squeeze %dma_start3A_52 : memref<1x640x16xf32, #tpu.memory_space<hbm>> -> memref<640x16xf32, #tpu.memory_space<hbm>>
        %dma_start3A_54 = arith.constant 0 : i32
        %dma_start3A_55 = tpu.memref_slice %arg6[%mul3A_7, %dma_start3A_54] : memref<10240x16xf32, #tpu.memory_space<vmem_shared>> -> memref<640x16xf32, #tpu.memory_space<vmem_shared>>
        tpu.enqueue_dma source(%dma_start3A_55 : memref<640x16xf32, #tpu.memory_space<vmem_shared>>) target(%dma_start3A_53 : memref<640x16xf32, #tpu.memory_space<hbm>>) target_semaphore(%run_scoped3A : memref<!tpu.dma_semaphore, #tpu.memory_space<semaphore_mem>>)
        %dma_wait3A = arith.constant 0 : i32
        %dma_wait3A_56 = tpu.memref_slice %arg3[%arg0, %mul3A_7, %dma_wait3A] : memref<2x10000x16xf32, #tpu.memory_space<hbm>> -> memref<1x640x16xf32, #tpu.memory_space<hbm>>
        %dma_wait3A_57 = tpu.memref_squeeze %dma_wait3A_56 : memref<1x640x16xf32, #tpu.memory_space<hbm>> -> memref<640x16xf32, #tpu.memory_space<hbm>>
        %dma_wait3A_58 = arith.constant 0 : i32
        %dma_wait3A_59 = tpu.memref_slice %arg6[%mul3A_7, %dma_wait3A_58] : memref<10240x16xf32, #tpu.memory_space<vmem_shared>> -> memref<640x16xf32, #tpu.memory_space<vmem_shared>>
        tpu.wait_dma2 semaphore(%run_scoped3A : memref<!tpu.dma_semaphore, #tpu.memory_space<semaphore_mem>>) src(%dma_wait3A_59 : memref<640x16xf32, #tpu.memory_space<vmem_shared>>) dst(%dma_wait3A_57 : memref<640x16xf32, #tpu.memory_space<hbm>>)
        tpu.yield
      }) : () -> ()
    } else {
    }
    %eq3A = arith.constant 15 : i32
    %eq3A_48 = arith.cmpi eq, %arg1, %eq3A : i32
    %convert_element_type3A_49 = arith.extui %eq3A_48 : i1 to i32
    %cond3A_50 = arith.constant 0 : i32
    %cond3A_51 = arith.cmpi ne, %convert_element_type3A_49, %cond3A_50 : i32
    scf.if %cond3A_51 {
      "tpu.region"() ({
        %run_scoped3A = tpu.sem_alloc : memref<!tpu.dma_semaphore, #tpu.memory_space<semaphore_mem>>
        %dma_start3A = arith.constant 9600 : i32
        %dma_start3A_52 = arith.constant 0 : i32
        %dma_start3A_53 = tpu.memref_slice %arg3[%arg0, %dma_start3A, %dma_start3A_52] : memref<2x10000x16xf32, #tpu.memory_space<hbm>> -> memref<1x400x16xf32, #tpu.memory_space<hbm>>
        %dma_start3A_54 = tpu.memref_squeeze %dma_start3A_53 : memref<1x400x16xf32, #tpu.memory_space<hbm>> -> memref<400x16xf32, #tpu.memory_space<hbm>>
        %dma_start3A_55 = arith.constant 9600 : i32
        %dma_start3A_56 = arith.constant 0 : i32
        %dma_start3A_57 = tpu.memref_slice %arg6[%dma_start3A_55, %dma_start3A_56] : memref<10240x16xf32, #tpu.memory_space<vmem_shared>> -> memref<400x16xf32, #tpu.memory_space<vmem_shared>>
        tpu.enqueue_dma source(%dma_start3A_57 : memref<400x16xf32, #tpu.memory_space<vmem_shared>>) target(%dma_start3A_54 : memref<400x16xf32, #tpu.memory_space<hbm>>) target_semaphore(%run_scoped3A : memref<!tpu.dma_semaphore, #tpu.memory_space<semaphore_mem>>)
        %dma_wait3A = arith.constant 9600 : i32
        %dma_wait3A_58 = arith.constant 0 : i32
        %dma_wait3A_59 = tpu.memref_slice %arg3[%arg0, %dma_wait3A, %dma_wait3A_58] : memref<2x10000x16xf32, #tpu.memory_space<hbm>> -> memref<1x400x16xf32, #tpu.memory_space<hbm>>
        %dma_wait3A_60 = tpu.memref_squeeze %dma_wait3A_59 : memref<1x400x16xf32, #tpu.memory_space<hbm>> -> memref<400x16xf32, #tpu.memory_space<hbm>>
        %dma_wait3A_61 = arith.constant 9600 : i32
        %dma_wait3A_62 = arith.constant 0 : i32
        %dma_wait3A_63 = tpu.memref_slice %arg6[%dma_wait3A_61, %dma_wait3A_62] : memref<10240x16xf32, #tpu.memory_space<vmem_shared>> -> memref<400x16xf32, #tpu.memory_space<vmem_shared>>
        tpu.wait_dma2 semaphore(%run_scoped3A : memref<!tpu.dma_semaphore, #tpu.memory_space<semaphore_mem>>) src(%dma_wait3A_63 : memref<400x16xf32, #tpu.memory_space<vmem_shared>>) dst(%dma_wait3A_60 : memref<400x16xf32, #tpu.memory_space<hbm>>)
        tpu.yield
      }) : () -> ()
    } else {
    }
    return
  }
}

#map = affine_map<(d0, d1) -> (0, 0)>
#map1 = affine_map<(d0, d1) -> (0, 0, 0)>
module attributes {stable_mosaic.version = 14 : i64} {
  func.func @_edge_kernel(%arg0: i32, %arg1: i32, %arg2: memref<10000x64xf32, #tpu.memory_space<hbm>>, %arg3: memref<32x128x80xi32, #tpu.memory_space<hbm>>, %arg4: memref<32x128x80xi32, #tpu.memory_space<hbm>>, %arg5: memref<2x10000x64xf32, #tpu.memory_space<hbm>>, %arg6: memref<128x80xi32, #tpu.memory_space<vmem>>, %arg7: memref<128x80xi32, #tpu.memory_space<vmem>>, %arg8: memref<80x64xf32, #tpu.memory_space<vmem>>, %arg9: memref<80x64xf32, #tpu.memory_space<vmem>>, %arg10: memref<80x64xf32, #tpu.memory_space<vmem>>, %arg11: memref<80x64xf32, #tpu.memory_space<vmem>>, %arg12: memref<80x64xf32, #tpu.memory_space<vmem>>, %arg13: memref<80x64xf32, #tpu.memory_space<vmem>>, %arg14: memref<80x64xf32, #tpu.memory_space<vmem>>, %arg15: memref<80x64xf32, #tpu.memory_space<vmem>>, %arg16: memref<10240x64xf32, #tpu.memory_space<vmem_shared>>, %arg17: memref<!tpu.dma_semaphore, #tpu.memory_space<semaphore_mem>>, %arg18: memref<!tpu.dma_semaphore, #tpu.memory_space<semaphore_mem>>, %arg19: memref<!tpu.dma_semaphore, #tpu.memory_space<semaphore_mem>>, %arg20: memref<!tpu.dma_semaphore, #tpu.memory_space<semaphore_mem>>, %arg21: memref<!tpu.dma_semaphore, #tpu.memory_space<semaphore_mem>>, %arg22: memref<!tpu.dma_semaphore, #tpu.memory_space<semaphore_mem>>, %arg23: memref<!tpu.dma_semaphore, #tpu.memory_space<semaphore_mem>>, %arg24: memref<!tpu.dma_semaphore, #tpu.memory_space<semaphore_mem>>, %arg25: memref<!tpu.dma_semaphore, #tpu.memory_space<semaphore_mem>>, %arg26: memref<!tpu.dma_semaphore, #tpu.memory_space<semaphore_mem>>, %arg27: memref<!tpu.dma_semaphore, #tpu.memory_space<semaphore_mem>>, %arg28: memref<!tpu.dma_semaphore, #tpu.memory_space<semaphore_mem>>, %arg29: memref<!tpu.dma_semaphore, #tpu.memory_space<semaphore_mem>>, %arg30: memref<!tpu.dma_semaphore, #tpu.memory_space<semaphore_mem>>, %arg31: memref<!tpu.dma_semaphore, #tpu.memory_space<semaphore_mem>>, %arg32: memref<!tpu.dma_semaphore, #tpu.memory_space<semaphore_mem>>) attributes {dimension_semantics = [#tpu.dimension_semantics<core_parallel>, #tpu.dimension_semantics<subcore_parallel>], iteration_bounds = array<i64: 2, 16>, scalar_prefetch = 0 : i64, scratch_operands = 27 : i64, tpu.core_type = #tpu.core_type<sc_vector_subcore>, window_params = [{transform_indices = #map}, {transform_indices = #map1}, {transform_indices = #map1}, {transform_indices = #map1}]} {
    %mul3A = arith.constant 2 : i32
    %mul3A_0 = arith.muli %arg1, %mul3A : i32
    %add3A = arith.addi %mul3A_0, %arg0 : i32
    "tpu.region"() ({
      %run_scoped3A = tpu.sem_alloc : memref<!tpu.dma_semaphore, #tpu.memory_space<semaphore_mem>>
      %dma_start3A_269 = arith.constant 0 : i32
      %dma_start3A_270 = arith.constant 0 : i32
      %dma_start3A_271 = tpu.memref_slice %arg3[%add3A, %dma_start3A_269, %dma_start3A_270] : memref<32x128x80xi32, #tpu.memory_space<hbm>> -> memref<1x128x80xi32, #tpu.memory_space<hbm>>
      %dma_start3A_272 = tpu.memref_squeeze %dma_start3A_271 : memref<1x128x80xi32, #tpu.memory_space<hbm>> -> memref<128x80xi32, #tpu.memory_space<hbm>>
      %dma_start3A_273 = arith.constant 0 : i32
      %dma_start3A_274 = arith.constant 0 : i32
      %dma_start3A_275 = tpu.memref_slice %arg3[%add3A, %dma_start3A_273, %dma_start3A_274] : memref<32x128x80xi32, #tpu.memory_space<hbm>> -> memref<1x128x80xi32, #tpu.memory_space<hbm>>
      %dma_start3A_276 = tpu.memref_squeeze %dma_start3A_275 : memref<1x128x80xi32, #tpu.memory_space<hbm>> -> memref<128x80xi32, #tpu.memory_space<hbm>>
      tpu.enqueue_dma source(%dma_start3A_276 : memref<128x80xi32, #tpu.memory_space<hbm>>) target(%arg6 : memref<128x80xi32, #tpu.memory_space<vmem>>) target_semaphore(%run_scoped3A : memref<!tpu.dma_semaphore, #tpu.memory_space<semaphore_mem>>)
      %dma_wait3A_277 = arith.constant 0 : i32
      %dma_wait3A_278 = arith.constant 0 : i32
      %dma_wait3A_279 = tpu.memref_slice %arg3[%add3A, %dma_wait3A_277, %dma_wait3A_278] : memref<32x128x80xi32, #tpu.memory_space<hbm>> -> memref<1x128x80xi32, #tpu.memory_space<hbm>>
      %dma_wait3A_280 = tpu.memref_squeeze %dma_wait3A_279 : memref<1x128x80xi32, #tpu.memory_space<hbm>> -> memref<128x80xi32, #tpu.memory_space<hbm>>
      %dma_wait3A_281 = arith.constant 0 : i32
      %dma_wait3A_282 = arith.constant 0 : i32
      %dma_wait3A_283 = tpu.memref_slice %arg3[%add3A, %dma_wait3A_281, %dma_wait3A_282] : memref<32x128x80xi32, #tpu.memory_space<hbm>> -> memref<1x128x80xi32, #tpu.memory_space<hbm>>
      %dma_wait3A_284 = tpu.memref_squeeze %dma_wait3A_283 : memref<1x128x80xi32, #tpu.memory_space<hbm>> -> memref<128x80xi32, #tpu.memory_space<hbm>>
      tpu.wait_dma2 semaphore(%run_scoped3A : memref<!tpu.dma_semaphore, #tpu.memory_space<semaphore_mem>>) src(%dma_wait3A_284 : memref<128x80xi32, #tpu.memory_space<hbm>>) dst(%arg6 : memref<128x80xi32, #tpu.memory_space<vmem>>)
      tpu.yield
    }) : () -> ()
    "tpu.region"() ({
      %run_scoped3A = tpu.sem_alloc : memref<!tpu.dma_semaphore, #tpu.memory_space<semaphore_mem>>
      %dma_start3A_269 = arith.constant 0 : i32
      %dma_start3A_270 = arith.constant 0 : i32
      %dma_start3A_271 = tpu.memref_slice %arg4[%add3A, %dma_start3A_269, %dma_start3A_270] : memref<32x128x80xi32, #tpu.memory_space<hbm>> -> memref<1x128x80xi32, #tpu.memory_space<hbm>>
      %dma_start3A_272 = tpu.memref_squeeze %dma_start3A_271 : memref<1x128x80xi32, #tpu.memory_space<hbm>> -> memref<128x80xi32, #tpu.memory_space<hbm>>
      %dma_start3A_273 = arith.constant 0 : i32
      %dma_start3A_274 = arith.constant 0 : i32
      %dma_start3A_275 = tpu.memref_slice %arg4[%add3A, %dma_start3A_273, %dma_start3A_274] : memref<32x128x80xi32, #tpu.memory_space<hbm>> -> memref<1x128x80xi32, #tpu.memory_space<hbm>>
      %dma_start3A_276 = tpu.memref_squeeze %dma_start3A_275 : memref<1x128x80xi32, #tpu.memory_space<hbm>> -> memref<128x80xi32, #tpu.memory_space<hbm>>
      tpu.enqueue_dma source(%dma_start3A_276 : memref<128x80xi32, #tpu.memory_space<hbm>>) target(%arg7 : memref<128x80xi32, #tpu.memory_space<vmem>>) target_semaphore(%run_scoped3A : memref<!tpu.dma_semaphore, #tpu.memory_space<semaphore_mem>>)
      %dma_wait3A_277 = arith.constant 0 : i32
      %dma_wait3A_278 = arith.constant 0 : i32
      %dma_wait3A_279 = tpu.memref_slice %arg4[%add3A, %dma_wait3A_277, %dma_wait3A_278] : memref<32x128x80xi32, #tpu.memory_space<hbm>> -> memref<1x128x80xi32, #tpu.memory_space<hbm>>
      %dma_wait3A_280 = tpu.memref_squeeze %dma_wait3A_279 : memref<1x128x80xi32, #tpu.memory_space<hbm>> -> memref<128x80xi32, #tpu.memory_space<hbm>>
      %dma_wait3A_281 = arith.constant 0 : i32
      %dma_wait3A_282 = arith.constant 0 : i32
      %dma_wait3A_283 = tpu.memref_slice %arg4[%add3A, %dma_wait3A_281, %dma_wait3A_282] : memref<32x128x80xi32, #tpu.memory_space<hbm>> -> memref<1x128x80xi32, #tpu.memory_space<hbm>>
      %dma_wait3A_284 = tpu.memref_squeeze %dma_wait3A_283 : memref<1x128x80xi32, #tpu.memory_space<hbm>> -> memref<128x80xi32, #tpu.memory_space<hbm>>
      tpu.wait_dma2 semaphore(%run_scoped3A : memref<!tpu.dma_semaphore, #tpu.memory_space<semaphore_mem>>) src(%dma_wait3A_284 : memref<128x80xi32, #tpu.memory_space<hbm>>) dst(%arg7 : memref<128x80xi32, #tpu.memory_space<vmem>>)
      tpu.yield
    }) : () -> ()
    %broadcast_in_dim3A = arith.constant 0.000000e+00 : f32
    %broadcast_in_dim3A_1 = vector.broadcast %broadcast_in_dim3A : f32 to vector<16xf32>
    %scan3A = arith.constant 0 : i32
    %scan3A_2 = arith.constant 0 : i32
    %scan3A_3 = arith.constant 80 : i32
    %scan3A_4 = arith.addi %scan3A_2, %scan3A_3 : i32
    %scan3A_5 = arith.constant 1 : i32
    scf.for %scan3A_269 = %scan3A_2 to %scan3A_4 step %scan3A_5  : i32 {
      %scan3A_270 = arith.constant 0 : i32
      %scan3A_271 = arith.constant 4 : i32
      %scan3A_272 = arith.addi %scan3A_270, %scan3A_271 : i32
      %scan3A_273 = arith.constant 1 : i32
      scf.for %scan3A_275 = %scan3A_270 to %scan3A_272 step %scan3A_273  : i32 {
        %mul3A_276 = arith.constant 16 : i32
        %mul3A_277 = arith.muli %scan3A_275, %mul3A_276 : i32
        %swap3A = arith.index_cast %scan3A_269 : i32 to index
        %swap3A_278 = arith.index_cast %mul3A_277 : i32 to index
        %swap3A_279 = tpu.vector_load %arg8[%swap3A, %swap3A_278] {strides = array<i32>} : memref<80x64xf32, #tpu.memory_space<vmem>>, vector<1x16xf32>,
        %swap3A_280 = vector.shape_cast %swap3A_279 : vector<1x16xf32> to vector<16xf32>
        %swap3A_281 = vector.shape_cast %broadcast_in_dim3A_1 : vector<16xf32> to vector<1x16xf32>
        tpu.vector_store %arg8[%swap3A, %swap3A_278], %swap3A_281 {strides = array<i32>} : memref<80x64xf32, #tpu.memory_space<vmem>>, vector<1x16xf32>,
      }
      %scan3A_274 = arith.constant 4 : i32
    }
    %scan3A_6 = arith.constant 80 : i32
    %mul3A_7 = arith.constant 640 : i32
    %mul3A_8 = arith.muli %arg1, %mul3A_7 : i32
    %add3A_9 = arith.constant 0 : i32
    %add3A_10 = arith.addi %mul3A_8, %add3A_9 : i32
    "tpu.region"() ({
      %run_scoped3A = tpu.sem_alloc : memref<!tpu.dma_semaphore, #tpu.memory_space<semaphore_mem>>
      %dma_start3A_269 = arith.constant 0 : i32
      %dma_start3A_270 = arith.constant 0 : i32
      %dma_start3A_271 = tpu.memref_slice %arg8[%dma_start3A_269, %dma_start3A_270] : memref<80x64xf32, #tpu.memory_space<vmem>> -> memref<80x64xf32, #tpu.memory_space<vmem>>
      %dma_start3A_272 = arith.constant 0 : i32
      %dma_start3A_273 = tpu.memref_slice %arg16[%add3A_10, %dma_start3A_272] : memref<10240x64xf32, #tpu.memory_space<vmem_shared>> -> memref<80x64xf32, #tpu.memory_space<vmem_shared>>
      %dma_start3A_274 = arith.constant 0 : i32
      %dma_start3A_275 = tpu.memref_slice %arg16[%add3A_10, %dma_start3A_274] : memref<10240x64xf32, #tpu.memory_space<vmem_shared>> -> memref<80x64xf32, #tpu.memory_space<vmem_shared>>
      %dma_start3A_276 = arith.constant 0 : i32
      %dma_start3A_277 = arith.constant 0 : i32
      %dma_start3A_278 = tpu.memref_slice %arg8[%dma_start3A_276, %dma_start3A_277] : memref<80x64xf32, #tpu.memory_space<vmem>> -> memref<80x64xf32, #tpu.memory_space<vmem>>
      tpu.enqueue_dma source(%dma_start3A_278 : memref<80x64xf32, #tpu.memory_space<vmem>>) target(%dma_start3A_275 : memref<80x64xf32, #tpu.memory_space<vmem_shared>>) target_semaphore(%run_scoped3A : memref<!tpu.dma_semaphore, #tpu.memory_space<semaphore_mem>>)
      %dma_wait3A_279 = arith.constant 0 : i32
      %dma_wait3A_280 = arith.constant 0 : i32
      %dma_wait3A_281 = tpu.memref_slice %arg8[%dma_wait3A_279, %dma_wait3A_280] : memref<80x64xf32, #tpu.memory_space<vmem>> -> memref<80x64xf32, #tpu.memory_space<vmem>>
      %dma_wait3A_282 = arith.constant 0 : i32
      %dma_wait3A_283 = tpu.memref_slice %arg16[%add3A_10, %dma_wait3A_282] : memref<10240x64xf32, #tpu.memory_space<vmem_shared>> -> memref<80x64xf32, #tpu.memory_space<vmem_shared>>
      %dma_wait3A_284 = arith.constant 0 : i32
      %dma_wait3A_285 = tpu.memref_slice %arg16[%add3A_10, %dma_wait3A_284] : memref<10240x64xf32, #tpu.memory_space<vmem_shared>> -> memref<80x64xf32, #tpu.memory_space<vmem_shared>>
      %dma_wait3A_286 = arith.constant 0 : i32
      %dma_wait3A_287 = arith.constant 0 : i32
      %dma_wait3A_288 = tpu.memref_slice %arg8[%dma_wait3A_286, %dma_wait3A_287] : memref<80x64xf32, #tpu.memory_space<vmem>> -> memref<80x64xf32, #tpu.memory_space<vmem>>
      tpu.wait_dma2 semaphore(%run_scoped3A : memref<!tpu.dma_semaphore, #tpu.memory_space<semaphore_mem>>) src(%dma_wait3A_288 : memref<80x64xf32, #tpu.memory_space<vmem>>) dst(%dma_wait3A_285 : memref<80x64xf32, #tpu.memory_space<vmem_shared>>)
      tpu.yield
    }) : () -> ()
    %add3A_11 = arith.constant 80 : i32
    %add3A_12 = arith.addi %mul3A_8, %add3A_11 : i32
    "tpu.region"() ({
      %run_scoped3A = tpu.sem_alloc : memref<!tpu.dma_semaphore, #tpu.memory_space<semaphore_mem>>
      %dma_start3A_269 = arith.constant 0 : i32
      %dma_start3A_270 = arith.constant 0 : i32
      %dma_start3A_271 = tpu.memref_slice %arg8[%dma_start3A_269, %dma_start3A_270] : memref<80x64xf32, #tpu.memory_space<vmem>> -> memref<80x64xf32, #tpu.memory_space<vmem>>
      %dma_start3A_272 = arith.constant 0 : i32
      %dma_start3A_273 = tpu.memref_slice %arg16[%add3A_12, %dma_start3A_272] : memref<10240x64xf32, #tpu.memory_space<vmem_shared>> -> memref<80x64xf32, #tpu.memory_space<vmem_shared>>
      %dma_start3A_274 = arith.constant 0 : i32
      %dma_start3A_275 = tpu.memref_slice %arg16[%add3A_12, %dma_start3A_274] : memref<10240x64xf32, #tpu.memory_space<vmem_shared>> -> memref<80x64xf32, #tpu.memory_space<vmem_shared>>
      %dma_start3A_276 = arith.constant 0 : i32
      %dma_start3A_277 = arith.constant 0 : i32
      %dma_start3A_278 = tpu.memref_slice %arg8[%dma_start3A_276, %dma_start3A_277] : memref<80x64xf32, #tpu.memory_space<vmem>> -> memref<80x64xf32, #tpu.memory_space<vmem>>
      tpu.enqueue_dma source(%dma_start3A_278 : memref<80x64xf32, #tpu.memory_space<vmem>>) target(%dma_start3A_275 : memref<80x64xf32, #tpu.memory_space<vmem_shared>>) target_semaphore(%run_scoped3A : memref<!tpu.dma_semaphore, #tpu.memory_space<semaphore_mem>>)
      %dma_wait3A_279 = arith.constant 0 : i32
      %dma_wait3A_280 = arith.constant 0 : i32
      %dma_wait3A_281 = tpu.memref_slice %arg8[%dma_wait3A_279, %dma_wait3A_280] : memref<80x64xf32, #tpu.memory_space<vmem>> -> memref<80x64xf32, #tpu.memory_space<vmem>>
      %dma_wait3A_282 = arith.constant 0 : i32
      %dma_wait3A_283 = tpu.memref_slice %arg16[%add3A_12, %dma_wait3A_282] : memref<10240x64xf32, #tpu.memory_space<vmem_shared>> -> memref<80x64xf32, #tpu.memory_space<vmem_shared>>
      %dma_wait3A_284 = arith.constant 0 : i32
      %dma_wait3A_285 = tpu.memref_slice %arg16[%add3A_12, %dma_wait3A_284] : memref<10240x64xf32, #tpu.memory_space<vmem_shared>> -> memref<80x64xf32, #tpu.memory_space<vmem_shared>>
      %dma_wait3A_286 = arith.constant 0 : i32
      %dma_wait3A_287 = arith.constant 0 : i32
      %dma_wait3A_288 = tpu.memref_slice %arg8[%dma_wait3A_286, %dma_wait3A_287] : memref<80x64xf32, #tpu.memory_space<vmem>> -> memref<80x64xf32, #tpu.memory_space<vmem>>
      tpu.wait_dma2 semaphore(%run_scoped3A : memref<!tpu.dma_semaphore, #tpu.memory_space<semaphore_mem>>) src(%dma_wait3A_288 : memref<80x64xf32, #tpu.memory_space<vmem>>) dst(%dma_wait3A_285 : memref<80x64xf32, #tpu.memory_space<vmem_shared>>)
      tpu.yield
    }) : () -> ()
    %add3A_13 = arith.constant 160 : i32
    %add3A_14 = arith.addi %mul3A_8, %add3A_13 : i32
    "tpu.region"() ({
      %run_scoped3A = tpu.sem_alloc : memref<!tpu.dma_semaphore, #tpu.memory_space<semaphore_mem>>
      %dma_start3A_269 = arith.constant 0 : i32
      %dma_start3A_270 = arith.constant 0 : i32
      %dma_start3A_271 = tpu.memref_slice %arg8[%dma_start3A_269, %dma_start3A_270] : memref<80x64xf32, #tpu.memory_space<vmem>> -> memref<80x64xf32, #tpu.memory_space<vmem>>
      %dma_start3A_272 = arith.constant 0 : i32
      %dma_start3A_273 = tpu.memref_slice %arg16[%add3A_14, %dma_start3A_272] : memref<10240x64xf32, #tpu.memory_space<vmem_shared>> -> memref<80x64xf32, #tpu.memory_space<vmem_shared>>
      %dma_start3A_274 = arith.constant 0 : i32
      %dma_start3A_275 = tpu.memref_slice %arg16[%add3A_14, %dma_start3A_274] : memref<10240x64xf32, #tpu.memory_space<vmem_shared>> -> memref<80x64xf32, #tpu.memory_space<vmem_shared>>
      %dma_start3A_276 = arith.constant 0 : i32
      %dma_start3A_277 = arith.constant 0 : i32
      %dma_start3A_278 = tpu.memref_slice %arg8[%dma_start3A_276, %dma_start3A_277] : memref<80x64xf32, #tpu.memory_space<vmem>> -> memref<80x64xf32, #tpu.memory_space<vmem>>
      tpu.enqueue_dma source(%dma_start3A_278 : memref<80x64xf32, #tpu.memory_space<vmem>>) target(%dma_start3A_275 : memref<80x64xf32, #tpu.memory_space<vmem_shared>>) target_semaphore(%run_scoped3A : memref<!tpu.dma_semaphore, #tpu.memory_space<semaphore_mem>>)
      %dma_wait3A_279 = arith.constant 0 : i32
      %dma_wait3A_280 = arith.constant 0 : i32
      %dma_wait3A_281 = tpu.memref_slice %arg8[%dma_wait3A_279, %dma_wait3A_280] : memref<80x64xf32, #tpu.memory_space<vmem>> -> memref<80x64xf32, #tpu.memory_space<vmem>>
      %dma_wait3A_282 = arith.constant 0 : i32
      %dma_wait3A_283 = tpu.memref_slice %arg16[%add3A_14, %dma_wait3A_282] : memref<10240x64xf32, #tpu.memory_space<vmem_shared>> -> memref<80x64xf32, #tpu.memory_space<vmem_shared>>
      %dma_wait3A_284 = arith.constant 0 : i32
      %dma_wait3A_285 = tpu.memref_slice %arg16[%add3A_14, %dma_wait3A_284] : memref<10240x64xf32, #tpu.memory_space<vmem_shared>> -> memref<80x64xf32, #tpu.memory_space<vmem_shared>>
      %dma_wait3A_286 = arith.constant 0 : i32
      %dma_wait3A_287 = arith.constant 0 : i32
      %dma_wait3A_288 = tpu.memref_slice %arg8[%dma_wait3A_286, %dma_wait3A_287] : memref<80x64xf32, #tpu.memory_space<vmem>> -> memref<80x64xf32, #tpu.memory_space<vmem>>
      tpu.wait_dma2 semaphore(%run_scoped3A : memref<!tpu.dma_semaphore, #tpu.memory_space<semaphore_mem>>) src(%dma_wait3A_288 : memref<80x64xf32, #tpu.memory_space<vmem>>) dst(%dma_wait3A_285 : memref<80x64xf32, #tpu.memory_space<vmem_shared>>)
      tpu.yield
    }) : () -> ()
    %add3A_15 = arith.constant 240 : i32
    %add3A_16 = arith.addi %mul3A_8, %add3A_15 : i32
    "tpu.region"() ({
      %run_scoped3A = tpu.sem_alloc : memref<!tpu.dma_semaphore, #tpu.memory_space<semaphore_mem>>
      %dma_start3A_269 = arith.constant 0 : i32
      %dma_start3A_270 = arith.constant 0 : i32
      %dma_start3A_271 = tpu.memref_slice %arg8[%dma_start3A_269, %dma_start3A_270] : memref<80x64xf32, #tpu.memory_space<vmem>> -> memref<80x64xf32, #tpu.memory_space<vmem>>
      %dma_start3A_272 = arith.constant 0 : i32
      %dma_start3A_273 = tpu.memref_slice %arg16[%add3A_16, %dma_start3A_272] : memref<10240x64xf32, #tpu.memory_space<vmem_shared>> -> memref<80x64xf32, #tpu.memory_space<vmem_shared>>
      %dma_start3A_274 = arith.constant 0 : i32
      %dma_start3A_275 = tpu.memref_slice %arg16[%add3A_16, %dma_start3A_274] : memref<10240x64xf32, #tpu.memory_space<vmem_shared>> -> memref<80x64xf32, #tpu.memory_space<vmem_shared>>
      %dma_start3A_276 = arith.constant 0 : i32
      %dma_start3A_277 = arith.constant 0 : i32
      %dma_start3A_278 = tpu.memref_slice %arg8[%dma_start3A_276, %dma_start3A_277] : memref<80x64xf32, #tpu.memory_space<vmem>> -> memref<80x64xf32, #tpu.memory_space<vmem>>
      tpu.enqueue_dma source(%dma_start3A_278 : memref<80x64xf32, #tpu.memory_space<vmem>>) target(%dma_start3A_275 : memref<80x64xf32, #tpu.memory_space<vmem_shared>>) target_semaphore(%run_scoped3A : memref<!tpu.dma_semaphore, #tpu.memory_space<semaphore_mem>>)
      %dma_wait3A_279 = arith.constant 0 : i32
      %dma_wait3A_280 = arith.constant 0 : i32
      %dma_wait3A_281 = tpu.memref_slice %arg8[%dma_wait3A_279, %dma_wait3A_280] : memref<80x64xf32, #tpu.memory_space<vmem>> -> memref<80x64xf32, #tpu.memory_space<vmem>>
      %dma_wait3A_282 = arith.constant 0 : i32
      %dma_wait3A_283 = tpu.memref_slice %arg16[%add3A_16, %dma_wait3A_282] : memref<10240x64xf32, #tpu.memory_space<vmem_shared>> -> memref<80x64xf32, #tpu.memory_space<vmem_shared>>
      %dma_wait3A_284 = arith.constant 0 : i32
      %dma_wait3A_285 = tpu.memref_slice %arg16[%add3A_16, %dma_wait3A_284] : memref<10240x64xf32, #tpu.memory_space<vmem_shared>> -> memref<80x64xf32, #tpu.memory_space<vmem_shared>>
      %dma_wait3A_286 = arith.constant 0 : i32
      %dma_wait3A_287 = arith.constant 0 : i32
      %dma_wait3A_288 = tpu.memref_slice %arg8[%dma_wait3A_286, %dma_wait3A_287] : memref<80x64xf32, #tpu.memory_space<vmem>> -> memref<80x64xf32, #tpu.memory_space<vmem>>
      tpu.wait_dma2 semaphore(%run_scoped3A : memref<!tpu.dma_semaphore, #tpu.memory_space<semaphore_mem>>) src(%dma_wait3A_288 : memref<80x64xf32, #tpu.memory_space<vmem>>) dst(%dma_wait3A_285 : memref<80x64xf32, #tpu.memory_space<vmem_shared>>)
      tpu.yield
    }) : () -> ()
    %add3A_17 = arith.constant 320 : i32
    %add3A_18 = arith.addi %mul3A_8, %add3A_17 : i32
    "tpu.region"() ({
      %run_scoped3A = tpu.sem_alloc : memref<!tpu.dma_semaphore, #tpu.memory_space<semaphore_mem>>
      %dma_start3A_269 = arith.constant 0 : i32
      %dma_start3A_270 = arith.constant 0 : i32
      %dma_start3A_271 = tpu.memref_slice %arg8[%dma_start3A_269, %dma_start3A_270] : memref<80x64xf32, #tpu.memory_space<vmem>> -> memref<80x64xf32, #tpu.memory_space<vmem>>
      %dma_start3A_272 = arith.constant 0 : i32
      %dma_start3A_273 = tpu.memref_slice %arg16[%add3A_18, %dma_start3A_272] : memref<10240x64xf32, #tpu.memory_space<vmem_shared>> -> memref<80x64xf32, #tpu.memory_space<vmem_shared>>
      %dma_start3A_274 = arith.constant 0 : i32
      %dma_start3A_275 = tpu.memref_slice %arg16[%add3A_18, %dma_start3A_274] : memref<10240x64xf32, #tpu.memory_space<vmem_shared>> -> memref<80x64xf32, #tpu.memory_space<vmem_shared>>
      %dma_start3A_276 = arith.constant 0 : i32
      %dma_start3A_277 = arith.constant 0 : i32
      %dma_start3A_278 = tpu.memref_slice %arg8[%dma_start3A_276, %dma_start3A_277] : memref<80x64xf32, #tpu.memory_space<vmem>> -> memref<80x64xf32, #tpu.memory_space<vmem>>
      tpu.enqueue_dma source(%dma_start3A_278 : memref<80x64xf32, #tpu.memory_space<vmem>>) target(%dma_start3A_275 : memref<80x64xf32, #tpu.memory_space<vmem_shared>>) target_semaphore(%run_scoped3A : memref<!tpu.dma_semaphore, #tpu.memory_space<semaphore_mem>>)
      %dma_wait3A_279 = arith.constant 0 : i32
      %dma_wait3A_280 = arith.constant 0 : i32
      %dma_wait3A_281 = tpu.memref_slice %arg8[%dma_wait3A_279, %dma_wait3A_280] : memref<80x64xf32, #tpu.memory_space<vmem>> -> memref<80x64xf32, #tpu.memory_space<vmem>>
      %dma_wait3A_282 = arith.constant 0 : i32
      %dma_wait3A_283 = tpu.memref_slice %arg16[%add3A_18, %dma_wait3A_282] : memref<10240x64xf32, #tpu.memory_space<vmem_shared>> -> memref<80x64xf32, #tpu.memory_space<vmem_shared>>
      %dma_wait3A_284 = arith.constant 0 : i32
      %dma_wait3A_285 = tpu.memref_slice %arg16[%add3A_18, %dma_wait3A_284] : memref<10240x64xf32, #tpu.memory_space<vmem_shared>> -> memref<80x64xf32, #tpu.memory_space<vmem_shared>>
      %dma_wait3A_286 = arith.constant 0 : i32
      %dma_wait3A_287 = arith.constant 0 : i32
      %dma_wait3A_288 = tpu.memref_slice %arg8[%dma_wait3A_286, %dma_wait3A_287] : memref<80x64xf32, #tpu.memory_space<vmem>> -> memref<80x64xf32, #tpu.memory_space<vmem>>
      tpu.wait_dma2 semaphore(%run_scoped3A : memref<!tpu.dma_semaphore, #tpu.memory_space<semaphore_mem>>) src(%dma_wait3A_288 : memref<80x64xf32, #tpu.memory_space<vmem>>) dst(%dma_wait3A_285 : memref<80x64xf32, #tpu.memory_space<vmem_shared>>)
      tpu.yield
    }) : () -> ()
    %lt3A = arith.constant 15 : i32
    %lt3A_19 = arith.cmpi slt, %arg1, %lt3A : i32
    %convert_element_type3A = arith.extui %lt3A_19 : i1 to i32
    %cond3A = arith.constant 0 : i32
    %cond3A_20 = arith.cmpi ne, %convert_element_type3A, %cond3A : i32
    scf.if %cond3A_20 {
      %add3A_269 = arith.constant 400 : i32
      %add3A_270 = arith.addi %mul3A_8, %add3A_269 : i32
      "tpu.region"() ({
        %run_scoped3A = tpu.sem_alloc : memref<!tpu.dma_semaphore, #tpu.memory_space<semaphore_mem>>
        %dma_start3A_271 = arith.constant 0 : i32
        %dma_start3A_272 = arith.constant 0 : i32
        %dma_start3A_273 = tpu.memref_slice %arg8[%dma_start3A_271, %dma_start3A_272] : memref<80x64xf32, #tpu.memory_space<vmem>> -> memref<80x64xf32, #tpu.memory_space<vmem>>
        %dma_start3A_274 = arith.constant 0 : i32
        %dma_start3A_275 = tpu.memref_slice %arg16[%add3A_270, %dma_start3A_274] : memref<10240x64xf32, #tpu.memory_space<vmem_shared>> -> memref<80x64xf32, #tpu.memory_space<vmem_shared>>
        %dma_start3A_276 = arith.constant 0 : i32
        %dma_start3A_277 = tpu.memref_slice %arg16[%add3A_270, %dma_start3A_276] : memref<10240x64xf32, #tpu.memory_space<vmem_shared>> -> memref<80x64xf32, #tpu.memory_space<vmem_shared>>
        %dma_start3A_278 = arith.constant 0 : i32
        %dma_start3A_279 = arith.constant 0 : i32
        %dma_start3A_280 = tpu.memref_slice %arg8[%dma_start3A_278, %dma_start3A_279] : memref<80x64xf32, #tpu.memory_space<vmem>> -> memref<80x64xf32, #tpu.memory_space<vmem>>
        tpu.enqueue_dma source(%dma_start3A_280 : memref<80x64xf32, #tpu.memory_space<vmem>>) target(%dma_start3A_277 : memref<80x64xf32, #tpu.memory_space<vmem_shared>>) target_semaphore(%run_scoped3A : memref<!tpu.dma_semaphore, #tpu.memory_space<semaphore_mem>>)
        %dma_wait3A_281 = arith.constant 0 : i32
        %dma_wait3A_282 = arith.constant 0 : i32
        %dma_wait3A_283 = tpu.memref_slice %arg8[%dma_wait3A_281, %dma_wait3A_282] : memref<80x64xf32, #tpu.memory_space<vmem>> -> memref<80x64xf32, #tpu.memory_space<vmem>>
        %dma_wait3A_284 = arith.constant 0 : i32
        %dma_wait3A_285 = tpu.memref_slice %arg16[%add3A_270, %dma_wait3A_284] : memref<10240x64xf32, #tpu.memory_space<vmem_shared>> -> memref<80x64xf32, #tpu.memory_space<vmem_shared>>
        %dma_wait3A_286 = arith.constant 0 : i32
        %dma_wait3A_287 = tpu.memref_slice %arg16[%add3A_270, %dma_wait3A_286] : memref<10240x64xf32, #tpu.memory_space<vmem_shared>> -> memref<80x64xf32, #tpu.memory_space<vmem_shared>>
        %dma_wait3A_288 = arith.constant 0 : i32
        %dma_wait3A_289 = arith.constant 0 : i32
        %dma_wait3A_290 = tpu.memref_slice %arg8[%dma_wait3A_288, %dma_wait3A_289] : memref<80x64xf32, #tpu.memory_space<vmem>> -> memref<80x64xf32, #tpu.memory_space<vmem>>
        tpu.wait_dma2 semaphore(%run_scoped3A : memref<!tpu.dma_semaphore, #tpu.memory_space<semaphore_mem>>) src(%dma_wait3A_290 : memref<80x64xf32, #tpu.memory_space<vmem>>) dst(%dma_wait3A_287 : memref<80x64xf32, #tpu.memory_space<vmem_shared>>)
        tpu.yield
      }) : () -> ()
    } else {
    }
    %lt3A_21 = arith.constant 15 : i32
    %lt3A_22 = arith.cmpi slt, %arg1, %lt3A_21 : i32
    %convert_element_type3A_23 = arith.extui %lt3A_22 : i1 to i32
    %cond3A_24 = arith.constant 0 : i32
    %cond3A_25 = arith.cmpi ne, %convert_element_type3A_23, %cond3A_24 : i32
    scf.if %cond3A_25 {
      %add3A_269 = arith.constant 480 : i32
      %add3A_270 = arith.addi %mul3A_8, %add3A_269 : i32
      "tpu.region"() ({
        %run_scoped3A = tpu.sem_alloc : memref<!tpu.dma_semaphore, #tpu.memory_space<semaphore_mem>>
        %dma_start3A_271 = arith.constant 0 : i32
        %dma_start3A_272 = arith.constant 0 : i32
        %dma_start3A_273 = tpu.memref_slice %arg8[%dma_start3A_271, %dma_start3A_272] : memref<80x64xf32, #tpu.memory_space<vmem>> -> memref<80x64xf32, #tpu.memory_space<vmem>>
        %dma_start3A_274 = arith.constant 0 : i32
        %dma_start3A_275 = tpu.memref_slice %arg16[%add3A_270, %dma_start3A_274] : memref<10240x64xf32, #tpu.memory_space<vmem_shared>> -> memref<80x64xf32, #tpu.memory_space<vmem_shared>>
        %dma_start3A_276 = arith.constant 0 : i32
        %dma_start3A_277 = tpu.memref_slice %arg16[%add3A_270, %dma_start3A_276] : memref<10240x64xf32, #tpu.memory_space<vmem_shared>> -> memref<80x64xf32, #tpu.memory_space<vmem_shared>>
        %dma_start3A_278 = arith.constant 0 : i32
        %dma_start3A_279 = arith.constant 0 : i32
        %dma_start3A_280 = tpu.memref_slice %arg8[%dma_start3A_278, %dma_start3A_279] : memref<80x64xf32, #tpu.memory_space<vmem>> -> memref<80x64xf32, #tpu.memory_space<vmem>>
        tpu.enqueue_dma source(%dma_start3A_280 : memref<80x64xf32, #tpu.memory_space<vmem>>) target(%dma_start3A_277 : memref<80x64xf32, #tpu.memory_space<vmem_shared>>) target_semaphore(%run_scoped3A : memref<!tpu.dma_semaphore, #tpu.memory_space<semaphore_mem>>)
        %dma_wait3A_281 = arith.constant 0 : i32
        %dma_wait3A_282 = arith.constant 0 : i32
        %dma_wait3A_283 = tpu.memref_slice %arg8[%dma_wait3A_281, %dma_wait3A_282] : memref<80x64xf32, #tpu.memory_space<vmem>> -> memref<80x64xf32, #tpu.memory_space<vmem>>
        %dma_wait3A_284 = arith.constant 0 : i32
        %dma_wait3A_285 = tpu.memref_slice %arg16[%add3A_270, %dma_wait3A_284] : memref<10240x64xf32, #tpu.memory_space<vmem_shared>> -> memref<80x64xf32, #tpu.memory_space<vmem_shared>>
        %dma_wait3A_286 = arith.constant 0 : i32
        %dma_wait3A_287 = tpu.memref_slice %arg16[%add3A_270, %dma_wait3A_286] : memref<10240x64xf32, #tpu.memory_space<vmem_shared>> -> memref<80x64xf32, #tpu.memory_space<vmem_shared>>
        %dma_wait3A_288 = arith.constant 0 : i32
        %dma_wait3A_289 = arith.constant 0 : i32
        %dma_wait3A_290 = tpu.memref_slice %arg8[%dma_wait3A_288, %dma_wait3A_289] : memref<80x64xf32, #tpu.memory_space<vmem>> -> memref<80x64xf32, #tpu.memory_space<vmem>>
        tpu.wait_dma2 semaphore(%run_scoped3A : memref<!tpu.dma_semaphore, #tpu.memory_space<semaphore_mem>>) src(%dma_wait3A_290 : memref<80x64xf32, #tpu.memory_space<vmem>>) dst(%dma_wait3A_287 : memref<80x64xf32, #tpu.memory_space<vmem_shared>>)
        tpu.yield
      }) : () -> ()
    } else {
    }
    %lt3A_26 = arith.constant 15 : i32
    %lt3A_27 = arith.cmpi slt, %arg1, %lt3A_26 : i32
    %convert_element_type3A_28 = arith.extui %lt3A_27 : i1 to i32
    %cond3A_29 = arith.constant 0 : i32
    %cond3A_30 = arith.cmpi ne, %convert_element_type3A_28, %cond3A_29 : i32
    scf.if %cond3A_30 {
      %add3A_269 = arith.constant 560 : i32
      %add3A_270 = arith.addi %mul3A_8, %add3A_269 : i32
      "tpu.region"() ({
        %run_scoped3A = tpu.sem_alloc : memref<!tpu.dma_semaphore, #tpu.memory_space<semaphore_mem>>
        %dma_start3A_271 = arith.constant 0 : i32
        %dma_start3A_272 = arith.constant 0 : i32
        %dma_start3A_273 = tpu.memref_slice %arg8[%dma_start3A_271, %dma_start3A_272] : memref<80x64xf32, #tpu.memory_space<vmem>> -> memref<80x64xf32, #tpu.memory_space<vmem>>
        %dma_start3A_274 = arith.constant 0 : i32
        %dma_start3A_275 = tpu.memref_slice %arg16[%add3A_270, %dma_start3A_274] : memref<10240x64xf32, #tpu.memory_space<vmem_shared>> -> memref<80x64xf32, #tpu.memory_space<vmem_shared>>
        %dma_start3A_276 = arith.constant 0 : i32
        %dma_start3A_277 = tpu.memref_slice %arg16[%add3A_270, %dma_start3A_276] : memref<10240x64xf32, #tpu.memory_space<vmem_shared>> -> memref<80x64xf32, #tpu.memory_space<vmem_shared>>
        %dma_start3A_278 = arith.constant 0 : i32
        %dma_start3A_279 = arith.constant 0 : i32
        %dma_start3A_280 = tpu.memref_slice %arg8[%dma_start3A_278, %dma_start3A_279] : memref<80x64xf32, #tpu.memory_space<vmem>> -> memref<80x64xf32, #tpu.memory_space<vmem>>
        tpu.enqueue_dma source(%dma_start3A_280 : memref<80x64xf32, #tpu.memory_space<vmem>>) target(%dma_start3A_277 : memref<80x64xf32, #tpu.memory_space<vmem_shared>>) target_semaphore(%run_scoped3A : memref<!tpu.dma_semaphore, #tpu.memory_space<semaphore_mem>>)
        %dma_wait3A_281 = arith.constant 0 : i32
        %dma_wait3A_282 = arith.constant 0 : i32
        %dma_wait3A_283 = tpu.memref_slice %arg8[%dma_wait3A_281, %dma_wait3A_282] : memref<80x64xf32, #tpu.memory_space<vmem>> -> memref<80x64xf32, #tpu.memory_space<vmem>>
        %dma_wait3A_284 = arith.constant 0 : i32
        %dma_wait3A_285 = tpu.memref_slice %arg16[%add3A_270, %dma_wait3A_284] : memref<10240x64xf32, #tpu.memory_space<vmem_shared>> -> memref<80x64xf32, #tpu.memory_space<vmem_shared>>
        %dma_wait3A_286 = arith.constant 0 : i32
        %dma_wait3A_287 = tpu.memref_slice %arg16[%add3A_270, %dma_wait3A_286] : memref<10240x64xf32, #tpu.memory_space<vmem_shared>> -> memref<80x64xf32, #tpu.memory_space<vmem_shared>>
        %dma_wait3A_288 = arith.constant 0 : i32
        %dma_wait3A_289 = arith.constant 0 : i32
        %dma_wait3A_290 = tpu.memref_slice %arg8[%dma_wait3A_288, %dma_wait3A_289] : memref<80x64xf32, #tpu.memory_space<vmem>> -> memref<80x64xf32, #tpu.memory_space<vmem>>
        tpu.wait_dma2 semaphore(%run_scoped3A : memref<!tpu.dma_semaphore, #tpu.memory_space<semaphore_mem>>) src(%dma_wait3A_290 : memref<80x64xf32, #tpu.memory_space<vmem>>) dst(%dma_wait3A_287 : memref<80x64xf32, #tpu.memory_space<vmem_shared>>)
        tpu.yield
      }) : () -> ()
    } else {
    }
    %barrier3A = arith.constant 0 : index
    tpu.barrier barrier_id(%barrier3A)
    %dma_start3A = arith.constant 0 : i32
    %dma_start3A_31 = arith.constant 0 : i32
    %dma_start3A_32 = tpu.memref_slice %arg6[%dma_start3A, %dma_start3A_31] : memref<128x80xi32, #tpu.memory_space<vmem>> -> memref<1x80xi32, #tpu.memory_space<vmem>>
    %dma_start3A_33 = tpu.memref_squeeze %dma_start3A_32 : memref<1x80xi32, #tpu.memory_space<vmem>> -> memref<80xi32, #tpu.memory_space<vmem>>
    %dma_start3A_34 = arith.constant 0 : i32
    %dma_start3A_35 = arith.constant 0 : i32
    %dma_start3A_36 = tpu.memref_slice %arg2[%dma_start3A_34, %dma_start3A_35] : memref<10000x64xf32, #tpu.memory_space<hbm>> -> memref<10000x64xf32, #tpu.memory_space<hbm>>
    tpu.enqueue_indirect_dma source(%dma_start3A_36 : memref<10000x64xf32, #tpu.memory_space<hbm>>) target(%arg8 : memref<80x64xf32, #tpu.memory_space<vmem>>) offsets(%dma_start3A_33 : memref<80xi32, #tpu.memory_space<vmem>>) semaphore(%arg17 : memref<!tpu.dma_semaphore, #tpu.memory_space<semaphore_mem>>)
    %dma_start3A_37 = arith.constant 1 : i32
    %dma_start3A_38 = arith.constant 0 : i32
    %dma_start3A_39 = tpu.memref_slice %arg6[%dma_start3A_37, %dma_start3A_38] : memref<128x80xi32, #tpu.memory_space<vmem>> -> memref<1x80xi32, #tpu.memory_space<vmem>>
    %dma_start3A_40 = tpu.memref_squeeze %dma_start3A_39 : memref<1x80xi32, #tpu.memory_space<vmem>> -> memref<80xi32, #tpu.memory_space<vmem>>
    %dma_start3A_41 = arith.constant 0 : i32
    %dma_start3A_42 = arith.constant 0 : i32
    %dma_start3A_43 = tpu.memref_slice %arg2[%dma_start3A_41, %dma_start3A_42] : memref<10000x64xf32, #tpu.memory_space<hbm>> -> memref<10000x64xf32, #tpu.memory_space<hbm>>
    tpu.enqueue_indirect_dma source(%dma_start3A_43 : memref<10000x64xf32, #tpu.memory_space<hbm>>) target(%arg9 : memref<80x64xf32, #tpu.memory_space<vmem>>) offsets(%dma_start3A_40 : memref<80xi32, #tpu.memory_space<vmem>>) semaphore(%arg18 : memref<!tpu.dma_semaphore, #tpu.memory_space<semaphore_mem>>)
    %dma_start3A_44 = arith.constant 2 : i32
    %dma_start3A_45 = arith.constant 0 : i32
    %dma_start3A_46 = tpu.memref_slice %arg6[%dma_start3A_44, %dma_start3A_45] : memref<128x80xi32, #tpu.memory_space<vmem>> -> memref<1x80xi32, #tpu.memory_space<vmem>>
    %dma_start3A_47 = tpu.memref_squeeze %dma_start3A_46 : memref<1x80xi32, #tpu.memory_space<vmem>> -> memref<80xi32, #tpu.memory_space<vmem>>
    %dma_start3A_48 = arith.constant 0 : i32
    %dma_start3A_49 = arith.constant 0 : i32
    %dma_start3A_50 = tpu.memref_slice %arg2[%dma_start3A_48, %dma_start3A_49] : memref<10000x64xf32, #tpu.memory_space<hbm>> -> memref<10000x64xf32, #tpu.memory_space<hbm>>
    tpu.enqueue_indirect_dma source(%dma_start3A_50 : memref<10000x64xf32, #tpu.memory_space<hbm>>) target(%arg10 : memref<80x64xf32, #tpu.memory_space<vmem>>) offsets(%dma_start3A_47 : memref<80xi32, #tpu.memory_space<vmem>>) semaphore(%arg19 : memref<!tpu.dma_semaphore, #tpu.memory_space<semaphore_mem>>)
    %dma_start3A_51 = arith.constant 3 : i32
    %dma_start3A_52 = arith.constant 0 : i32
    %dma_start3A_53 = tpu.memref_slice %arg6[%dma_start3A_51, %dma_start3A_52] : memref<128x80xi32, #tpu.memory_space<vmem>> -> memref<1x80xi32, #tpu.memory_space<vmem>>
    %dma_start3A_54 = tpu.memref_squeeze %dma_start3A_53 : memref<1x80xi32, #tpu.memory_space<vmem>> -> memref<80xi32, #tpu.memory_space<vmem>>
    %dma_start3A_55 = arith.constant 0 : i32
    %dma_start3A_56 = arith.constant 0 : i32
    %dma_start3A_57 = tpu.memref_slice %arg2[%dma_start3A_55, %dma_start3A_56] : memref<10000x64xf32, #tpu.memory_space<hbm>> -> memref<10000x64xf32, #tpu.memory_space<hbm>>
    tpu.enqueue_indirect_dma source(%dma_start3A_57 : memref<10000x64xf32, #tpu.memory_space<hbm>>) target(%arg11 : memref<80x64xf32, #tpu.memory_space<vmem>>) offsets(%dma_start3A_54 : memref<80xi32, #tpu.memory_space<vmem>>) semaphore(%arg20 : memref<!tpu.dma_semaphore, #tpu.memory_space<semaphore_mem>>)
    %dma_wait3A = arith.constant 0 : i32
    %dma_wait3A_58 = arith.constant 0 : i32
    %dma_wait3A_59 = tpu.memref_slice %arg6[%dma_wait3A, %dma_wait3A_58] : memref<128x80xi32, #tpu.memory_space<vmem>> -> memref<1x80xi32, #tpu.memory_space<vmem>>
    %dma_wait3A_60 = tpu.memref_squeeze %dma_wait3A_59 : memref<1x80xi32, #tpu.memory_space<vmem>> -> memref<80xi32, #tpu.memory_space<vmem>>
    %dma_wait3A_61 = arith.constant 0 : i32
    %dma_wait3A_62 = arith.constant 0 : i32
    %dma_wait3A_63 = tpu.memref_slice %arg2[%dma_wait3A_61, %dma_wait3A_62] : memref<10000x64xf32, #tpu.memory_space<hbm>> -> memref<10000x64xf32, #tpu.memory_space<hbm>>
    tpu.wait_indirect_dma semaphore(%arg17 : memref<!tpu.dma_semaphore, #tpu.memory_space<semaphore_mem>>) src(%dma_wait3A_63 : memref<10000x64xf32, #tpu.memory_space<hbm>>) dst(%arg8 : memref<80x64xf32, #tpu.memory_space<vmem>>)
    %dma_start3A_64 = arith.constant 0 : i32
    %dma_start3A_65 = arith.constant 0 : i32
    %dma_start3A_66 = tpu.memref_slice %arg7[%dma_start3A_64, %dma_start3A_65] : memref<128x80xi32, #tpu.memory_space<vmem>> -> memref<1x80xi32, #tpu.memory_space<vmem>>
    %dma_start3A_67 = tpu.memref_squeeze %dma_start3A_66 : memref<1x80xi32, #tpu.memory_space<vmem>> -> memref<80xi32, #tpu.memory_space<vmem>>
    %dma_start3A_68 = arith.constant 0 : i32
    %dma_start3A_69 = arith.constant 0 : i32
    %dma_start3A_70 = tpu.memref_slice %arg16[%dma_start3A_68, %dma_start3A_69] : memref<10240x64xf32, #tpu.memory_space<vmem_shared>> -> memref<10240x64xf32, #tpu.memory_space<vmem_shared>>
    tpu.enqueue_indirect_dma source(%arg8 : memref<80x64xf32, #tpu.memory_space<vmem>>) target(%dma_start3A_70 : memref<10240x64xf32, #tpu.memory_space<vmem_shared>>) offsets(%dma_start3A_67 : memref<80xi32, #tpu.memory_space<vmem>>) semaphore(%arg25 : memref<!tpu.dma_semaphore, #tpu.memory_space<semaphore_mem>>) {add = true}
    %dma_start3A_71 = arith.constant 4 : i32
    %dma_start3A_72 = arith.constant 0 : i32
    %dma_start3A_73 = tpu.memref_slice %arg6[%dma_start3A_71, %dma_start3A_72] : memref<128x80xi32, #tpu.memory_space<vmem>> -> memref<1x80xi32, #tpu.memory_space<vmem>>
    %dma_start3A_74 = tpu.memref_squeeze %dma_start3A_73 : memref<1x80xi32, #tpu.memory_space<vmem>> -> memref<80xi32, #tpu.memory_space<vmem>>
    %dma_start3A_75 = arith.constant 0 : i32
    %dma_start3A_76 = arith.constant 0 : i32
    %dma_start3A_77 = tpu.memref_slice %arg2[%dma_start3A_75, %dma_start3A_76] : memref<10000x64xf32, #tpu.memory_space<hbm>> -> memref<10000x64xf32, #tpu.memory_space<hbm>>
    tpu.enqueue_indirect_dma source(%dma_start3A_77 : memref<10000x64xf32, #tpu.memory_space<hbm>>) target(%arg12 : memref<80x64xf32, #tpu.memory_space<vmem>>) offsets(%dma_start3A_74 : memref<80xi32, #tpu.memory_space<vmem>>) semaphore(%arg21 : memref<!tpu.dma_semaphore, #tpu.memory_space<semaphore_mem>>)
    %dma_wait3A_78 = arith.constant 1 : i32
    %dma_wait3A_79 = arith.constant 0 : i32
    %dma_wait3A_80 = tpu.memref_slice %arg6[%dma_wait3A_78, %dma_wait3A_79] : memref<128x80xi32, #tpu.memory_space<vmem>> -> memref<1x80xi32, #tpu.memory_space<vmem>>
    %dma_wait3A_81 = tpu.memref_squeeze %dma_wait3A_80 : memref<1x80xi32, #tpu.memory_space<vmem>> -> memref<80xi32, #tpu.memory_space<vmem>>
    %dma_wait3A_82 = arith.constant 0 : i32
    %dma_wait3A_83 = arith.constant 0 : i32
    %dma_wait3A_84 = tpu.memref_slice %arg2[%dma_wait3A_82, %dma_wait3A_83] : memref<10000x64xf32, #tpu.memory_space<hbm>> -> memref<10000x64xf32, #tpu.memory_space<hbm>>
    tpu.wait_indirect_dma semaphore(%arg18 : memref<!tpu.dma_semaphore, #tpu.memory_space<semaphore_mem>>) src(%dma_wait3A_84 : memref<10000x64xf32, #tpu.memory_space<hbm>>) dst(%arg9 : memref<80x64xf32, #tpu.memory_space<vmem>>)
    %dma_start3A_85 = arith.constant 1 : i32
    %dma_start3A_86 = arith.constant 0 : i32
    %dma_start3A_87 = tpu.memref_slice %arg7[%dma_start3A_85, %dma_start3A_86] : memref<128x80xi32, #tpu.memory_space<vmem>> -> memref<1x80xi32, #tpu.memory_space<vmem>>
    %dma_start3A_88 = tpu.memref_squeeze %dma_start3A_87 : memref<1x80xi32, #tpu.memory_space<vmem>> -> memref<80xi32, #tpu.memory_space<vmem>>
    %dma_start3A_89 = arith.constant 0 : i32
    %dma_start3A_90 = arith.constant 0 : i32
    %dma_start3A_91 = tpu.memref_slice %arg16[%dma_start3A_89, %dma_start3A_90] : memref<10240x64xf32, #tpu.memory_space<vmem_shared>> -> memref<10240x64xf32, #tpu.memory_space<vmem_shared>>
    tpu.enqueue_indirect_dma source(%arg9 : memref<80x64xf32, #tpu.memory_space<vmem>>) target(%dma_start3A_91 : memref<10240x64xf32, #tpu.memory_space<vmem_shared>>) offsets(%dma_start3A_88 : memref<80xi32, #tpu.memory_space<vmem>>) semaphore(%arg26 : memref<!tpu.dma_semaphore, #tpu.memory_space<semaphore_mem>>) {add = true}
    %dma_start3A_92 = arith.constant 5 : i32
    %dma_start3A_93 = arith.constant 0 : i32
    %dma_start3A_94 = tpu.memref_slice %arg6[%dma_start3A_92, %dma_start3A_93] : memref<128x80xi32, #tpu.memory_space<vmem>> -> memref<1x80xi32, #tpu.memory_space<vmem>>
    %dma_start3A_95 = tpu.memref_squeeze %dma_start3A_94 : memref<1x80xi32, #tpu.memory_space<vmem>> -> memref<80xi32, #tpu.memory_space<vmem>>
    %dma_start3A_96 = arith.constant 0 : i32
    %dma_start3A_97 = arith.constant 0 : i32
    %dma_start3A_98 = tpu.memref_slice %arg2[%dma_start3A_96, %dma_start3A_97] : memref<10000x64xf32, #tpu.memory_space<hbm>> -> memref<10000x64xf32, #tpu.memory_space<hbm>>
    tpu.enqueue_indirect_dma source(%dma_start3A_98 : memref<10000x64xf32, #tpu.memory_space<hbm>>) target(%arg13 : memref<80x64xf32, #tpu.memory_space<vmem>>) offsets(%dma_start3A_95 : memref<80xi32, #tpu.memory_space<vmem>>) semaphore(%arg22 : memref<!tpu.dma_semaphore, #tpu.memory_space<semaphore_mem>>)
    %dma_wait3A_99 = arith.constant 2 : i32
    %dma_wait3A_100 = arith.constant 0 : i32
    %dma_wait3A_101 = tpu.memref_slice %arg6[%dma_wait3A_99, %dma_wait3A_100] : memref<128x80xi32, #tpu.memory_space<vmem>> -> memref<1x80xi32, #tpu.memory_space<vmem>>
    %dma_wait3A_102 = tpu.memref_squeeze %dma_wait3A_101 : memref<1x80xi32, #tpu.memory_space<vmem>> -> memref<80xi32, #tpu.memory_space<vmem>>
    %dma_wait3A_103 = arith.constant 0 : i32
    %dma_wait3A_104 = arith.constant 0 : i32
    %dma_wait3A_105 = tpu.memref_slice %arg2[%dma_wait3A_103, %dma_wait3A_104] : memref<10000x64xf32, #tpu.memory_space<hbm>> -> memref<10000x64xf32, #tpu.memory_space<hbm>>
    tpu.wait_indirect_dma semaphore(%arg19 : memref<!tpu.dma_semaphore, #tpu.memory_space<semaphore_mem>>) src(%dma_wait3A_105 : memref<10000x64xf32, #tpu.memory_space<hbm>>) dst(%arg10 : memref<80x64xf32, #tpu.memory_space<vmem>>)
    %dma_start3A_106 = arith.constant 2 : i32
    %dma_start3A_107 = arith.constant 0 : i32
    %dma_start3A_108 = tpu.memref_slice %arg7[%dma_start3A_106, %dma_start3A_107] : memref<128x80xi32, #tpu.memory_space<vmem>> -> memref<1x80xi32, #tpu.memory_space<vmem>>
    %dma_start3A_109 = tpu.memref_squeeze %dma_start3A_108 : memref<1x80xi32, #tpu.memory_space<vmem>> -> memref<80xi32, #tpu.memory_space<vmem>>
    %dma_start3A_110 = arith.constant 0 : i32
    %dma_start3A_111 = arith.constant 0 : i32
    %dma_start3A_112 = tpu.memref_slice %arg16[%dma_start3A_110, %dma_start3A_111] : memref<10240x64xf32, #tpu.memory_space<vmem_shared>> -> memref<10240x64xf32, #tpu.memory_space<vmem_shared>>
    tpu.enqueue_indirect_dma source(%arg10 : memref<80x64xf32, #tpu.memory_space<vmem>>) target(%dma_start3A_112 : memref<10240x64xf32, #tpu.memory_space<vmem_shared>>) offsets(%dma_start3A_109 : memref<80xi32, #tpu.memory_space<vmem>>) semaphore(%arg27 : memref<!tpu.dma_semaphore, #tpu.memory_space<semaphore_mem>>) {add = true}
    %dma_start3A_113 = arith.constant 6 : i32
    %dma_start3A_114 = arith.constant 0 : i32
    %dma_start3A_115 = tpu.memref_slice %arg6[%dma_start3A_113, %dma_start3A_114] : memref<128x80xi32, #tpu.memory_space<vmem>> -> memref<1x80xi32, #tpu.memory_space<vmem>>
    %dma_start3A_116 = tpu.memref_squeeze %dma_start3A_115 : memref<1x80xi32, #tpu.memory_space<vmem>> -> memref<80xi32, #tpu.memory_space<vmem>>
    %dma_start3A_117 = arith.constant 0 : i32
    %dma_start3A_118 = arith.constant 0 : i32
    %dma_start3A_119 = tpu.memref_slice %arg2[%dma_start3A_117, %dma_start3A_118] : memref<10000x64xf32, #tpu.memory_space<hbm>> -> memref<10000x64xf32, #tpu.memory_space<hbm>>
    tpu.enqueue_indirect_dma source(%dma_start3A_119 : memref<10000x64xf32, #tpu.memory_space<hbm>>) target(%arg14 : memref<80x64xf32, #tpu.memory_space<vmem>>) offsets(%dma_start3A_116 : memref<80xi32, #tpu.memory_space<vmem>>) semaphore(%arg23 : memref<!tpu.dma_semaphore, #tpu.memory_space<semaphore_mem>>)
    %dma_wait3A_120 = arith.constant 3 : i32
    %dma_wait3A_121 = arith.constant 0 : i32
    %dma_wait3A_122 = tpu.memref_slice %arg6[%dma_wait3A_120, %dma_wait3A_121] : memref<128x80xi32, #tpu.memory_space<vmem>> -> memref<1x80xi32, #tpu.memory_space<vmem>>
    %dma_wait3A_123 = tpu.memref_squeeze %dma_wait3A_122 : memref<1x80xi32, #tpu.memory_space<vmem>> -> memref<80xi32, #tpu.memory_space<vmem>>
    %dma_wait3A_124 = arith.constant 0 : i32
    %dma_wait3A_125 = arith.constant 0 : i32
    %dma_wait3A_126 = tpu.memref_slice %arg2[%dma_wait3A_124, %dma_wait3A_125] : memref<10000x64xf32, #tpu.memory_space<hbm>> -> memref<10000x64xf32, #tpu.memory_space<hbm>>
    tpu.wait_indirect_dma semaphore(%arg20 : memref<!tpu.dma_semaphore, #tpu.memory_space<semaphore_mem>>) src(%dma_wait3A_126 : memref<10000x64xf32, #tpu.memory_space<hbm>>) dst(%arg11 : memref<80x64xf32, #tpu.memory_space<vmem>>)
    %dma_start3A_127 = arith.constant 3 : i32
    %dma_start3A_128 = arith.constant 0 : i32
    %dma_start3A_129 = tpu.memref_slice %arg7[%dma_start3A_127, %dma_start3A_128] : memref<128x80xi32, #tpu.memory_space<vmem>> -> memref<1x80xi32, #tpu.memory_space<vmem>>
    %dma_start3A_130 = tpu.memref_squeeze %dma_start3A_129 : memref<1x80xi32, #tpu.memory_space<vmem>> -> memref<80xi32, #tpu.memory_space<vmem>>
    %dma_start3A_131 = arith.constant 0 : i32
    %dma_start3A_132 = arith.constant 0 : i32
    %dma_start3A_133 = tpu.memref_slice %arg16[%dma_start3A_131, %dma_start3A_132] : memref<10240x64xf32, #tpu.memory_space<vmem_shared>> -> memref<10240x64xf32, #tpu.memory_space<vmem_shared>>
    tpu.enqueue_indirect_dma source(%arg11 : memref<80x64xf32, #tpu.memory_space<vmem>>) target(%dma_start3A_133 : memref<10240x64xf32, #tpu.memory_space<vmem_shared>>) offsets(%dma_start3A_130 : memref<80xi32, #tpu.memory_space<vmem>>) semaphore(%arg28 : memref<!tpu.dma_semaphore, #tpu.memory_space<semaphore_mem>>) {add = true}
    %dma_start3A_134 = arith.constant 7 : i32
    %dma_start3A_135 = arith.constant 0 : i32
    %dma_start3A_136 = tpu.memref_slice %arg6[%dma_start3A_134, %dma_start3A_135] : memref<128x80xi32, #tpu.memory_space<vmem>> -> memref<1x80xi32, #tpu.memory_space<vmem>>
    %dma_start3A_137 = tpu.memref_squeeze %dma_start3A_136 : memref<1x80xi32, #tpu.memory_space<vmem>> -> memref<80xi32, #tpu.memory_space<vmem>>
    %dma_start3A_138 = arith.constant 0 : i32
    %dma_start3A_139 = arith.constant 0 : i32
    %dma_start3A_140 = tpu.memref_slice %arg2[%dma_start3A_138, %dma_start3A_139] : memref<10000x64xf32, #tpu.memory_space<hbm>> -> memref<10000x64xf32, #tpu.memory_space<hbm>>
    tpu.enqueue_indirect_dma source(%dma_start3A_140 : memref<10000x64xf32, #tpu.memory_space<hbm>>) target(%arg15 : memref<80x64xf32, #tpu.memory_space<vmem>>) offsets(%dma_start3A_137 : memref<80xi32, #tpu.memory_space<vmem>>) semaphore(%arg24 : memref<!tpu.dma_semaphore, #tpu.memory_space<semaphore_mem>>)
    %scan3A_141 = arith.constant 0 : i32
    %scan3A_142 = arith.constant 0 : i32
    %scan3A_143 = arith.constant 15 : i32
    %scan3A_144 = arith.addi %scan3A_142, %scan3A_143 : i32
    %scan3A_145 = arith.constant 1 : i32
    scf.for %scan3A_269 = %scan3A_142 to %scan3A_144 step %scan3A_145  : i32 {
      %mul3A_270 = arith.constant 8 : i32
      %mul3A_271 = arith.muli %mul3A_270, %scan3A_269 : i32
      %add3A_272 = arith.constant 4 : i32
      %add3A_273 = arith.addi %add3A_272, %mul3A_271 : i32
      %add3A_274 = arith.constant 0 : i32
      %add3A_275 = arith.addi %add3A_273, %add3A_274 : i32
      %dma_wait3A_276 = arith.constant 0 : i32
      %dma_wait3A_277 = tpu.memref_slice %arg6[%add3A_275, %dma_wait3A_276] : memref<128x80xi32, #tpu.memory_space<vmem>> -> memref<1x80xi32, #tpu.memory_space<vmem>>
      %dma_wait3A_278 = tpu.memref_squeeze %dma_wait3A_277 : memref<1x80xi32, #tpu.memory_space<vmem>> -> memref<80xi32, #tpu.memory_space<vmem>>
      %dma_wait3A_279 = arith.constant 0 : i32
      %dma_wait3A_280 = arith.constant 0 : i32
      %dma_wait3A_281 = tpu.memref_slice %arg2[%dma_wait3A_279, %dma_wait3A_280] : memref<10000x64xf32, #tpu.memory_space<hbm>> -> memref<10000x64xf32, #tpu.memory_space<hbm>>
      tpu.wait_indirect_dma semaphore(%arg21 : memref<!tpu.dma_semaphore, #tpu.memory_space<semaphore_mem>>) src(%dma_wait3A_281 : memref<10000x64xf32, #tpu.memory_space<hbm>>) dst(%arg12 : memref<80x64xf32, #tpu.memory_space<vmem>>)
      %add3A_282 = arith.constant 0 : i32
      %add3A_283 = arith.addi %add3A_273, %add3A_282 : i32
      %dma_start3A_284 = arith.constant 0 : i32
      %dma_start3A_285 = tpu.memref_slice %arg7[%add3A_283, %dma_start3A_284] : memref<128x80xi32, #tpu.memory_space<vmem>> -> memref<1x80xi32, #tpu.memory_space<vmem>>
      %dma_start3A_286 = tpu.memref_squeeze %dma_start3A_285 : memref<1x80xi32, #tpu.memory_space<vmem>> -> memref<80xi32, #tpu.memory_space<vmem>>
      %dma_start3A_287 = arith.constant 0 : i32
      %dma_start3A_288 = arith.constant 0 : i32
      %dma_start3A_289 = tpu.memref_slice %arg16[%dma_start3A_287, %dma_start3A_288] : memref<10240x64xf32, #tpu.memory_space<vmem_shared>> -> memref<10240x64xf32, #tpu.memory_space<vmem_shared>>
      tpu.enqueue_indirect_dma source(%arg12 : memref<80x64xf32, #tpu.memory_space<vmem>>) target(%dma_start3A_289 : memref<10240x64xf32, #tpu.memory_space<vmem_shared>>) offsets(%dma_start3A_286 : memref<80xi32, #tpu.memory_space<vmem>>) semaphore(%arg29 : memref<!tpu.dma_semaphore, #tpu.memory_space<semaphore_mem>>) {add = true}
      %add3A_290 = arith.constant 0 : i32
      %add3A_291 = arith.addi %add3A_273, %add3A_290 : i32
      %sub3A = arith.constant 4 : i32
      %sub3A_292 = arith.subi %add3A_291, %sub3A : i32
      %dma_wait3A_293 = arith.constant 0 : i32
      %dma_wait3A_294 = tpu.memref_slice %arg7[%sub3A_292, %dma_wait3A_293] : memref<128x80xi32, #tpu.memory_space<vmem>> -> memref<1x80xi32, #tpu.memory_space<vmem>>
      %dma_wait3A_295 = tpu.memref_squeeze %dma_wait3A_294 : memref<1x80xi32, #tpu.memory_space<vmem>> -> memref<80xi32, #tpu.memory_space<vmem>>
      %dma_wait3A_296 = arith.constant 0 : i32
      %dma_wait3A_297 = arith.constant 0 : i32
      %dma_wait3A_298 = tpu.memref_slice %arg16[%dma_wait3A_296, %dma_wait3A_297] : memref<10240x64xf32, #tpu.memory_space<vmem_shared>> -> memref<10240x64xf32, #tpu.memory_space<vmem_shared>>
      tpu.wait_indirect_dma semaphore(%arg25 : memref<!tpu.dma_semaphore, #tpu.memory_space<semaphore_mem>>) src(%arg8 : memref<80x64xf32, #tpu.memory_space<vmem>>) dst(%dma_wait3A_298 : memref<10240x64xf32, #tpu.memory_space<vmem_shared>>)
      %add3A_299 = arith.constant 0 : i32
      %add3A_300 = arith.addi %add3A_273, %add3A_299 : i32
      %add3A_301 = arith.constant 4 : i32
      %add3A_302 = arith.addi %add3A_300, %add3A_301 : i32
      %dma_start3A_303 = arith.constant 0 : i32
      %dma_start3A_304 = tpu.memref_slice %arg6[%add3A_302, %dma_start3A_303] : memref<128x80xi32, #tpu.memory_space<vmem>> -> memref<1x80xi32, #tpu.memory_space<vmem>>
      %dma_start3A_305 = tpu.memref_squeeze %dma_start3A_304 : memref<1x80xi32, #tpu.memory_space<vmem>> -> memref<80xi32, #tpu.memory_space<vmem>>
      %dma_start3A_306 = arith.constant 0 : i32
      %dma_start3A_307 = arith.constant 0 : i32
      %dma_start3A_308 = tpu.memref_slice %arg2[%dma_start3A_306, %dma_start3A_307] : memref<10000x64xf32, #tpu.memory_space<hbm>> -> memref<10000x64xf32, #tpu.memory_space<hbm>>
      tpu.enqueue_indirect_dma source(%dma_start3A_308 : memref<10000x64xf32, #tpu.memory_space<hbm>>) target(%arg8 : memref<80x64xf32, #tpu.memory_space<vmem>>) offsets(%dma_start3A_305 : memref<80xi32, #tpu.memory_space<vmem>>) semaphore(%arg17 : memref<!tpu.dma_semaphore, #tpu.memory_space<semaphore_mem>>)
      %add3A_309 = arith.constant 1 : i32
      %add3A_310 = arith.addi %add3A_273, %add3A_309 : i32
      %dma_wait3A_311 = arith.constant 0 : i32
      %dma_wait3A_312 = tpu.memref_slice %arg6[%add3A_310, %dma_wait3A_311] : memref<128x80xi32, #tpu.memory_space<vmem>> -> memref<1x80xi32, #tpu.memory_space<vmem>>
      %dma_wait3A_313 = tpu.memref_squeeze %dma_wait3A_312 : memref<1x80xi32, #tpu.memory_space<vmem>> -> memref<80xi32, #tpu.memory_space<vmem>>
      %dma_wait3A_314 = arith.constant 0 : i32
      %dma_wait3A_315 = arith.constant 0 : i32
      %dma_wait3A_316 = tpu.memref_slice %arg2[%dma_wait3A_314, %dma_wait3A_315] : memref<10000x64xf32, #tpu.memory_space<hbm>> -> memref<10000x64xf32, #tpu.memory_space<hbm>>
      tpu.wait_indirect_dma semaphore(%arg22 : memref<!tpu.dma_semaphore, #tpu.memory_space<semaphore_mem>>) src(%dma_wait3A_316 : memref<10000x64xf32, #tpu.memory_space<hbm>>) dst(%arg13 : memref<80x64xf32, #tpu.memory_space<vmem>>)
      %add3A_317 = arith.constant 1 : i32
      %add3A_318 = arith.addi %add3A_273, %add3A_317 : i32
      %dma_start3A_319 = arith.constant 0 : i32
      %dma_start3A_320 = tpu.memref_slice %arg7[%add3A_318, %dma_start3A_319] : memref<128x80xi32, #tpu.memory_space<vmem>> -> memref<1x80xi32, #tpu.memory_space<vmem>>
      %dma_start3A_321 = tpu.memref_squeeze %dma_start3A_320 : memref<1x80xi32, #tpu.memory_space<vmem>> -> memref<80xi32, #tpu.memory_space<vmem>>
      %dma_start3A_322 = arith.constant 0 : i32
      %dma_start3A_323 = arith.constant 0 : i32
      %dma_start3A_324 = tpu.memref_slice %arg16[%dma_start3A_322, %dma_start3A_323] : memref<10240x64xf32, #tpu.memory_space<vmem_shared>> -> memref<10240x64xf32, #tpu.memory_space<vmem_shared>>
      tpu.enqueue_indirect_dma source(%arg13 : memref<80x64xf32, #tpu.memory_space<vmem>>) target(%dma_start3A_324 : memref<10240x64xf32, #tpu.memory_space<vmem_shared>>) offsets(%dma_start3A_321 : memref<80xi32, #tpu.memory_space<vmem>>) semaphore(%arg30 : memref<!tpu.dma_semaphore, #tpu.memory_space<semaphore_mem>>) {add = true}
      %add3A_325 = arith.constant 1 : i32
      %add3A_326 = arith.addi %add3A_273, %add3A_325 : i32
      %sub3A_327 = arith.constant 4 : i32
      %sub3A_328 = arith.subi %add3A_326, %sub3A_327 : i32
      %dma_wait3A_329 = arith.constant 0 : i32
      %dma_wait3A_330 = tpu.memref_slice %arg7[%sub3A_328, %dma_wait3A_329] : memref<128x80xi32, #tpu.memory_space<vmem>> -> memref<1x80xi32, #tpu.memory_space<vmem>>
      %dma_wait3A_331 = tpu.memref_squeeze %dma_wait3A_330 : memref<1x80xi32, #tpu.memory_space<vmem>> -> memref<80xi32, #tpu.memory_space<vmem>>
      %dma_wait3A_332 = arith.constant 0 : i32
      %dma_wait3A_333 = arith.constant 0 : i32
      %dma_wait3A_334 = tpu.memref_slice %arg16[%dma_wait3A_332, %dma_wait3A_333] : memref<10240x64xf32, #tpu.memory_space<vmem_shared>> -> memref<10240x64xf32, #tpu.memory_space<vmem_shared>>
      tpu.wait_indirect_dma semaphore(%arg26 : memref<!tpu.dma_semaphore, #tpu.memory_space<semaphore_mem>>) src(%arg9 : memref<80x64xf32, #tpu.memory_space<vmem>>) dst(%dma_wait3A_334 : memref<10240x64xf32, #tpu.memory_space<vmem_shared>>)
      %add3A_335 = arith.constant 1 : i32
      %add3A_336 = arith.addi %add3A_273, %add3A_335 : i32
      %add3A_337 = arith.constant 4 : i32
      %add3A_338 = arith.addi %add3A_336, %add3A_337 : i32
      %dma_start3A_339 = arith.constant 0 : i32
      %dma_start3A_340 = tpu.memref_slice %arg6[%add3A_338, %dma_start3A_339] : memref<128x80xi32, #tpu.memory_space<vmem>> -> memref<1x80xi32, #tpu.memory_space<vmem>>
      %dma_start3A_341 = tpu.memref_squeeze %dma_start3A_340 : memref<1x80xi32, #tpu.memory_space<vmem>> -> memref<80xi32, #tpu.memory_space<vmem>>
      %dma_start3A_342 = arith.constant 0 : i32
      %dma_start3A_343 = arith.constant 0 : i32
      %dma_start3A_344 = tpu.memref_slice %arg2[%dma_start3A_342, %dma_start3A_343] : memref<10000x64xf32, #tpu.memory_space<hbm>> -> memref<10000x64xf32, #tpu.memory_space<hbm>>
      tpu.enqueue_indirect_dma source(%dma_start3A_344 : memref<10000x64xf32, #tpu.memory_space<hbm>>) target(%arg9 : memref<80x64xf32, #tpu.memory_space<vmem>>) offsets(%dma_start3A_341 : memref<80xi32, #tpu.memory_space<vmem>>) semaphore(%arg18 : memref<!tpu.dma_semaphore, #tpu.memory_space<semaphore_mem>>)
      %add3A_345 = arith.constant 2 : i32
      %add3A_346 = arith.addi %add3A_273, %add3A_345 : i32
      %dma_wait3A_347 = arith.constant 0 : i32
      %dma_wait3A_348 = tpu.memref_slice %arg6[%add3A_346, %dma_wait3A_347] : memref<128x80xi32, #tpu.memory_space<vmem>> -> memref<1x80xi32, #tpu.memory_space<vmem>>
      %dma_wait3A_349 = tpu.memref_squeeze %dma_wait3A_348 : memref<1x80xi32, #tpu.memory_space<vmem>> -> memref<80xi32, #tpu.memory_space<vmem>>
      %dma_wait3A_350 = arith.constant 0 : i32
      %dma_wait3A_351 = arith.constant 0 : i32
      %dma_wait3A_352 = tpu.memref_slice %arg2[%dma_wait3A_350, %dma_wait3A_351] : memref<10000x64xf32, #tpu.memory_space<hbm>> -> memref<10000x64xf32, #tpu.memory_space<hbm>>
      tpu.wait_indirect_dma semaphore(%arg23 : memref<!tpu.dma_semaphore, #tpu.memory_space<semaphore_mem>>) src(%dma_wait3A_352 : memref<10000x64xf32, #tpu.memory_space<hbm>>) dst(%arg14 : memref<80x64xf32, #tpu.memory_space<vmem>>)
      %add3A_353 = arith.constant 2 : i32
      %add3A_354 = arith.addi %add3A_273, %add3A_353 : i32
      %dma_start3A_355 = arith.constant 0 : i32
      %dma_start3A_356 = tpu.memref_slice %arg7[%add3A_354, %dma_start3A_355] : memref<128x80xi32, #tpu.memory_space<vmem>> -> memref<1x80xi32, #tpu.memory_space<vmem>>
      %dma_start3A_357 = tpu.memref_squeeze %dma_start3A_356 : memref<1x80xi32, #tpu.memory_space<vmem>> -> memref<80xi32, #tpu.memory_space<vmem>>
      %dma_start3A_358 = arith.constant 0 : i32
      %dma_start3A_359 = arith.constant 0 : i32
      %dma_start3A_360 = tpu.memref_slice %arg16[%dma_start3A_358, %dma_start3A_359] : memref<10240x64xf32, #tpu.memory_space<vmem_shared>> -> memref<10240x64xf32, #tpu.memory_space<vmem_shared>>
      tpu.enqueue_indirect_dma source(%arg14 : memref<80x64xf32, #tpu.memory_space<vmem>>) target(%dma_start3A_360 : memref<10240x64xf32, #tpu.memory_space<vmem_shared>>) offsets(%dma_start3A_357 : memref<80xi32, #tpu.memory_space<vmem>>) semaphore(%arg31 : memref<!tpu.dma_semaphore, #tpu.memory_space<semaphore_mem>>) {add = true}
      %add3A_361 = arith.constant 2 : i32
      %add3A_362 = arith.addi %add3A_273, %add3A_361 : i32
      %sub3A_363 = arith.constant 4 : i32
      %sub3A_364 = arith.subi %add3A_362, %sub3A_363 : i32
      %dma_wait3A_365 = arith.constant 0 : i32
      %dma_wait3A_366 = tpu.memref_slice %arg7[%sub3A_364, %dma_wait3A_365] : memref<128x80xi32, #tpu.memory_space<vmem>> -> memref<1x80xi32, #tpu.memory_space<vmem>>
      %dma_wait3A_367 = tpu.memref_squeeze %dma_wait3A_366 : memref<1x80xi32, #tpu.memory_space<vmem>> -> memref<80xi32, #tpu.memory_space<vmem>>
      %dma_wait3A_368 = arith.constant 0 : i32
      %dma_wait3A_369 = arith.constant 0 : i32
      %dma_wait3A_370 = tpu.memref_slice %arg16[%dma_wait3A_368, %dma_wait3A_369] : memref<10240x64xf32, #tpu.memory_space<vmem_shared>> -> memref<10240x64xf32, #tpu.memory_space<vmem_shared>>
      tpu.wait_indirect_dma semaphore(%arg27 : memref<!tpu.dma_semaphore, #tpu.memory_space<semaphore_mem>>) src(%arg10 : memref<80x64xf32, #tpu.memory_space<vmem>>) dst(%dma_wait3A_370 : memref<10240x64xf32, #tpu.memory_space<vmem_shared>>)
      %add3A_371 = arith.constant 2 : i32
      %add3A_372 = arith.addi %add3A_273, %add3A_371 : i32
      %add3A_373 = arith.constant 4 : i32
      %add3A_374 = arith.addi %add3A_372, %add3A_373 : i32
      %dma_start3A_375 = arith.constant 0 : i32
      %dma_start3A_376 = tpu.memref_slice %arg6[%add3A_374, %dma_start3A_375] : memref<128x80xi32, #tpu.memory_space<vmem>> -> memref<1x80xi32, #tpu.memory_space<vmem>>
      %dma_start3A_377 = tpu.memref_squeeze %dma_start3A_376 : memref<1x80xi32, #tpu.memory_space<vmem>> -> memref<80xi32, #tpu.memory_space<vmem>>
      %dma_start3A_378 = arith.constant 0 : i32
      %dma_start3A_379 = arith.constant 0 : i32
      %dma_start3A_380 = tpu.memref_slice %arg2[%dma_start3A_378, %dma_start3A_379] : memref<10000x64xf32, #tpu.memory_space<hbm>> -> memref<10000x64xf32, #tpu.memory_space<hbm>>
      tpu.enqueue_indirect_dma source(%dma_start3A_380 : memref<10000x64xf32, #tpu.memory_space<hbm>>) target(%arg10 : memref<80x64xf32, #tpu.memory_space<vmem>>) offsets(%dma_start3A_377 : memref<80xi32, #tpu.memory_space<vmem>>) semaphore(%arg19 : memref<!tpu.dma_semaphore, #tpu.memory_space<semaphore_mem>>)
      %add3A_381 = arith.constant 3 : i32
      %add3A_382 = arith.addi %add3A_273, %add3A_381 : i32
      %dma_wait3A_383 = arith.constant 0 : i32
      %dma_wait3A_384 = tpu.memref_slice %arg6[%add3A_382, %dma_wait3A_383] : memref<128x80xi32, #tpu.memory_space<vmem>> -> memref<1x80xi32, #tpu.memory_space<vmem>>
      %dma_wait3A_385 = tpu.memref_squeeze %dma_wait3A_384 : memref<1x80xi32, #tpu.memory_space<vmem>> -> memref<80xi32, #tpu.memory_space<vmem>>
      %dma_wait3A_386 = arith.constant 0 : i32
      %dma_wait3A_387 = arith.constant 0 : i32
      %dma_wait3A_388 = tpu.memref_slice %arg2[%dma_wait3A_386, %dma_wait3A_387] : memref<10000x64xf32, #tpu.memory_space<hbm>> -> memref<10000x64xf32, #tpu.memory_space<hbm>>
      tpu.wait_indirect_dma semaphore(%arg24 : memref<!tpu.dma_semaphore, #tpu.memory_space<semaphore_mem>>) src(%dma_wait3A_388 : memref<10000x64xf32, #tpu.memory_space<hbm>>) dst(%arg15 : memref<80x64xf32, #tpu.memory_space<vmem>>)
      %add3A_389 = arith.constant 3 : i32
      %add3A_390 = arith.addi %add3A_273, %add3A_389 : i32
      %dma_start3A_391 = arith.constant 0 : i32
      %dma_start3A_392 = tpu.memref_slice %arg7[%add3A_390, %dma_start3A_391] : memref<128x80xi32, #tpu.memory_space<vmem>> -> memref<1x80xi32, #tpu.memory_space<vmem>>
      %dma_start3A_393 = tpu.memref_squeeze %dma_start3A_392 : memref<1x80xi32, #tpu.memory_space<vmem>> -> memref<80xi32, #tpu.memory_space<vmem>>
      %dma_start3A_394 = arith.constant 0 : i32
      %dma_start3A_395 = arith.constant 0 : i32
      %dma_start3A_396 = tpu.memref_slice %arg16[%dma_start3A_394, %dma_start3A_395] : memref<10240x64xf32, #tpu.memory_space<vmem_shared>> -> memref<10240x64xf32, #tpu.memory_space<vmem_shared>>
      tpu.enqueue_indirect_dma source(%arg15 : memref<80x64xf32, #tpu.memory_space<vmem>>) target(%dma_start3A_396 : memref<10240x64xf32, #tpu.memory_space<vmem_shared>>) offsets(%dma_start3A_393 : memref<80xi32, #tpu.memory_space<vmem>>) semaphore(%arg32 : memref<!tpu.dma_semaphore, #tpu.memory_space<semaphore_mem>>) {add = true}
      %add3A_397 = arith.constant 3 : i32
      %add3A_398 = arith.addi %add3A_273, %add3A_397 : i32
      %sub3A_399 = arith.constant 4 : i32
      %sub3A_400 = arith.subi %add3A_398, %sub3A_399 : i32
      %dma_wait3A_401 = arith.constant 0 : i32
      %dma_wait3A_402 = tpu.memref_slice %arg7[%sub3A_400, %dma_wait3A_401] : memref<128x80xi32, #tpu.memory_space<vmem>> -> memref<1x80xi32, #tpu.memory_space<vmem>>
      %dma_wait3A_403 = tpu.memref_squeeze %dma_wait3A_402 : memref<1x80xi32, #tpu.memory_space<vmem>> -> memref<80xi32, #tpu.memory_space<vmem>>
      %dma_wait3A_404 = arith.constant 0 : i32
      %dma_wait3A_405 = arith.constant 0 : i32
      %dma_wait3A_406 = tpu.memref_slice %arg16[%dma_wait3A_404, %dma_wait3A_405] : memref<10240x64xf32, #tpu.memory_space<vmem_shared>> -> memref<10240x64xf32, #tpu.memory_space<vmem_shared>>
      tpu.wait_indirect_dma semaphore(%arg28 : memref<!tpu.dma_semaphore, #tpu.memory_space<semaphore_mem>>) src(%arg11 : memref<80x64xf32, #tpu.memory_space<vmem>>) dst(%dma_wait3A_406 : memref<10240x64xf32, #tpu.memory_space<vmem_shared>>)
      %add3A_407 = arith.constant 3 : i32
      %add3A_408 = arith.addi %add3A_273, %add3A_407 : i32
      %add3A_409 = arith.constant 4 : i32
      %add3A_410 = arith.addi %add3A_408, %add3A_409 : i32
      %dma_start3A_411 = arith.constant 0 : i32
      %dma_start3A_412 = tpu.memref_slice %arg6[%add3A_410, %dma_start3A_411] : memref<128x80xi32, #tpu.memory_space<vmem>> -> memref<1x80xi32, #tpu.memory_space<vmem>>
      %dma_start3A_413 = tpu.memref_squeeze %dma_start3A_412 : memref<1x80xi32, #tpu.memory_space<vmem>> -> memref<80xi32, #tpu.memory_space<vmem>>
      %dma_start3A_414 = arith.constant 0 : i32
      %dma_start3A_415 = arith.constant 0 : i32
      %dma_start3A_416 = tpu.memref_slice %arg2[%dma_start3A_414, %dma_start3A_415] : memref<10000x64xf32, #tpu.memory_space<hbm>> -> memref<10000x64xf32, #tpu.memory_space<hbm>>
      tpu.enqueue_indirect_dma source(%dma_start3A_416 : memref<10000x64xf32, #tpu.memory_space<hbm>>) target(%arg11 : memref<80x64xf32, #tpu.memory_space<vmem>>) offsets(%dma_start3A_413 : memref<80xi32, #tpu.memory_space<vmem>>) semaphore(%arg20 : memref<!tpu.dma_semaphore, #tpu.memory_space<semaphore_mem>>)
      %add3A_417 = arith.constant 4 : i32
      %add3A_418 = arith.addi %add3A_273, %add3A_417 : i32
      %dma_wait3A_419 = arith.constant 0 : i32
      %dma_wait3A_420 = tpu.memref_slice %arg6[%add3A_418, %dma_wait3A_419] : memref<128x80xi32, #tpu.memory_space<vmem>> -> memref<1x80xi32, #tpu.memory_space<vmem>>
      %dma_wait3A_421 = tpu.memref_squeeze %dma_wait3A_420 : memref<1x80xi32, #tpu.memory_space<vmem>> -> memref<80xi32, #tpu.memory_space<vmem>>
      %dma_wait3A_422 = arith.constant 0 : i32
      %dma_wait3A_423 = arith.constant 0 : i32
      %dma_wait3A_424 = tpu.memref_slice %arg2[%dma_wait3A_422, %dma_wait3A_423] : memref<10000x64xf32, #tpu.memory_space<hbm>> -> memref<10000x64xf32, #tpu.memory_space<hbm>>
      tpu.wait_indirect_dma semaphore(%arg17 : memref<!tpu.dma_semaphore, #tpu.memory_space<semaphore_mem>>) src(%dma_wait3A_424 : memref<10000x64xf32, #tpu.memory_space<hbm>>) dst(%arg8 : memref<80x64xf32, #tpu.memory_space<vmem>>)
      %add3A_425 = arith.constant 4 : i32
      %add3A_426 = arith.addi %add3A_273, %add3A_425 : i32
      %dma_start3A_427 = arith.constant 0 : i32
      %dma_start3A_428 = tpu.memref_slice %arg7[%add3A_426, %dma_start3A_427] : memref<128x80xi32, #tpu.memory_space<vmem>> -> memref<1x80xi32, #tpu.memory_space<vmem>>
      %dma_start3A_429 = tpu.memref_squeeze %dma_start3A_428 : memref<1x80xi32, #tpu.memory_space<vmem>> -> memref<80xi32, #tpu.memory_space<vmem>>
      %dma_start3A_430 = arith.constant 0 : i32
      %dma_start3A_431 = arith.constant 0 : i32
      %dma_start3A_432 = tpu.memref_slice %arg16[%dma_start3A_430, %dma_start3A_431] : memref<10240x64xf32, #tpu.memory_space<vmem_shared>> -> memref<10240x64xf32, #tpu.memory_space<vmem_shared>>
      tpu.enqueue_indirect_dma source(%arg8 : memref<80x64xf32, #tpu.memory_space<vmem>>) target(%dma_start3A_432 : memref<10240x64xf32, #tpu.memory_space<vmem_shared>>) offsets(%dma_start3A_429 : memref<80xi32, #tpu.memory_space<vmem>>) semaphore(%arg25 : memref<!tpu.dma_semaphore, #tpu.memory_space<semaphore_mem>>) {add = true}
      %add3A_433 = arith.constant 4 : i32
      %add3A_434 = arith.addi %add3A_273, %add3A_433 : i32
      %sub3A_435 = arith.constant 4 : i32
      %sub3A_436 = arith.subi %add3A_434, %sub3A_435 : i32
      %dma_wait3A_437 = arith.constant 0 : i32
      %dma_wait3A_438 = tpu.memref_slice %arg7[%sub3A_436, %dma_wait3A_437] : memref<128x80xi32, #tpu.memory_space<vmem>> -> memref<1x80xi32, #tpu.memory_space<vmem>>
      %dma_wait3A_439 = tpu.memref_squeeze %dma_wait3A_438 : memref<1x80xi32, #tpu.memory_space<vmem>> -> memref<80xi32, #tpu.memory_space<vmem>>
      %dma_wait3A_440 = arith.constant 0 : i32
      %dma_wait3A_441 = arith.constant 0 : i32
      %dma_wait3A_442 = tpu.memref_slice %arg16[%dma_wait3A_440, %dma_wait3A_441] : memref<10240x64xf32, #tpu.memory_space<vmem_shared>> -> memref<10240x64xf32, #tpu.memory_space<vmem_shared>>
      tpu.wait_indirect_dma semaphore(%arg29 : memref<!tpu.dma_semaphore, #tpu.memory_space<semaphore_mem>>) src(%arg12 : memref<80x64xf32, #tpu.memory_space<vmem>>) dst(%dma_wait3A_442 : memref<10240x64xf32, #tpu.memory_space<vmem_shared>>)
      %add3A_443 = arith.constant 4 : i32
      %add3A_444 = arith.addi %add3A_273, %add3A_443 : i32
      %add3A_445 = arith.constant 4 : i32
      %add3A_446 = arith.addi %add3A_444, %add3A_445 : i32
      %dma_start3A_447 = arith.constant 0 : i32
      %dma_start3A_448 = tpu.memref_slice %arg6[%add3A_446, %dma_start3A_447] : memref<128x80xi32, #tpu.memory_space<vmem>> -> memref<1x80xi32, #tpu.memory_space<vmem>>
      %dma_start3A_449 = tpu.memref_squeeze %dma_start3A_448 : memref<1x80xi32, #tpu.memory_space<vmem>> -> memref<80xi32, #tpu.memory_space<vmem>>
      %dma_start3A_450 = arith.constant 0 : i32
      %dma_start3A_451 = arith.constant 0 : i32
      %dma_start3A_452 = tpu.memref_slice %arg2[%dma_start3A_450, %dma_start3A_451] : memref<10000x64xf32, #tpu.memory_space<hbm>> -> memref<10000x64xf32, #tpu.memory_space<hbm>>
      tpu.enqueue_indirect_dma source(%dma_start3A_452 : memref<10000x64xf32, #tpu.memory_space<hbm>>) target(%arg12 : memref<80x64xf32, #tpu.memory_space<vmem>>) offsets(%dma_start3A_449 : memref<80xi32, #tpu.memory_space<vmem>>) semaphore(%arg21 : memref<!tpu.dma_semaphore, #tpu.memory_space<semaphore_mem>>)
      %add3A_453 = arith.constant 5 : i32
      %add3A_454 = arith.addi %add3A_273, %add3A_453 : i32
      %dma_wait3A_455 = arith.constant 0 : i32
      %dma_wait3A_456 = tpu.memref_slice %arg6[%add3A_454, %dma_wait3A_455] : memref<128x80xi32, #tpu.memory_space<vmem>> -> memref<1x80xi32, #tpu.memory_space<vmem>>
      %dma_wait3A_457 = tpu.memref_squeeze %dma_wait3A_456 : memref<1x80xi32, #tpu.memory_space<vmem>> -> memref<80xi32, #tpu.memory_space<vmem>>
      %dma_wait3A_458 = arith.constant 0 : i32
      %dma_wait3A_459 = arith.constant 0 : i32
      %dma_wait3A_460 = tpu.memref_slice %arg2[%dma_wait3A_458, %dma_wait3A_459] : memref<10000x64xf32, #tpu.memory_space<hbm>> -> memref<10000x64xf32, #tpu.memory_space<hbm>>
      tpu.wait_indirect_dma semaphore(%arg18 : memref<!tpu.dma_semaphore, #tpu.memory_space<semaphore_mem>>) src(%dma_wait3A_460 : memref<10000x64xf32, #tpu.memory_space<hbm>>) dst(%arg9 : memref<80x64xf32, #tpu.memory_space<vmem>>)
      %add3A_461 = arith.constant 5 : i32
      %add3A_462 = arith.addi %add3A_273, %add3A_461 : i32
      %dma_start3A_463 = arith.constant 0 : i32
      %dma_start3A_464 = tpu.memref_slice %arg7[%add3A_462, %dma_start3A_463] : memref<128x80xi32, #tpu.memory_space<vmem>> -> memref<1x80xi32, #tpu.memory_space<vmem>>
      %dma_start3A_465 = tpu.memref_squeeze %dma_start3A_464 : memref<1x80xi32, #tpu.memory_space<vmem>> -> memref<80xi32, #tpu.memory_space<vmem>>
      %dma_start3A_466 = arith.constant 0 : i32
      %dma_start3A_467 = arith.constant 0 : i32
      %dma_start3A_468 = tpu.memref_slice %arg16[%dma_start3A_466, %dma_start3A_467] : memref<10240x64xf32, #tpu.memory_space<vmem_shared>> -> memref<10240x64xf32, #tpu.memory_space<vmem_shared>>
      tpu.enqueue_indirect_dma source(%arg9 : memref<80x64xf32, #tpu.memory_space<vmem>>) target(%dma_start3A_468 : memref<10240x64xf32, #tpu.memory_space<vmem_shared>>) offsets(%dma_start3A_465 : memref<80xi32, #tpu.memory_space<vmem>>) semaphore(%arg26 : memref<!tpu.dma_semaphore, #tpu.memory_space<semaphore_mem>>) {add = true}
      %add3A_469 = arith.constant 5 : i32
      %add3A_470 = arith.addi %add3A_273, %add3A_469 : i32
      %sub3A_471 = arith.constant 4 : i32
      %sub3A_472 = arith.subi %add3A_470, %sub3A_471 : i32
      %dma_wait3A_473 = arith.constant 0 : i32
      %dma_wait3A_474 = tpu.memref_slice %arg7[%sub3A_472, %dma_wait3A_473] : memref<128x80xi32, #tpu.memory_space<vmem>> -> memref<1x80xi32, #tpu.memory_space<vmem>>
      %dma_wait3A_475 = tpu.memref_squeeze %dma_wait3A_474 : memref<1x80xi32, #tpu.memory_space<vmem>> -> memref<80xi32, #tpu.memory_space<vmem>>
      %dma_wait3A_476 = arith.constant 0 : i32
      %dma_wait3A_477 = arith.constant 0 : i32
      %dma_wait3A_478 = tpu.memref_slice %arg16[%dma_wait3A_476, %dma_wait3A_477] : memref<10240x64xf32, #tpu.memory_space<vmem_shared>> -> memref<10240x64xf32, #tpu.memory_space<vmem_shared>>
      tpu.wait_indirect_dma semaphore(%arg30 : memref<!tpu.dma_semaphore, #tpu.memory_space<semaphore_mem>>) src(%arg13 : memref<80x64xf32, #tpu.memory_space<vmem>>) dst(%dma_wait3A_478 : memref<10240x64xf32, #tpu.memory_space<vmem_shared>>)
      %add3A_479 = arith.constant 5 : i32
      %add3A_480 = arith.addi %add3A_273, %add3A_479 : i32
      %add3A_481 = arith.constant 4 : i32
      %add3A_482 = arith.addi %add3A_480, %add3A_481 : i32
      %dma_start3A_483 = arith.constant 0 : i32
      %dma_start3A_484 = tpu.memref_slice %arg6[%add3A_482, %dma_start3A_483] : memref<128x80xi32, #tpu.memory_space<vmem>> -> memref<1x80xi32, #tpu.memory_space<vmem>>
      %dma_start3A_485 = tpu.memref_squeeze %dma_start3A_484 : memref<1x80xi32, #tpu.memory_space<vmem>> -> memref<80xi32, #tpu.memory_space<vmem>>
      %dma_start3A_486 = arith.constant 0 : i32
      %dma_start3A_487 = arith.constant 0 : i32
      %dma_start3A_488 = tpu.memref_slice %arg2[%dma_start3A_486, %dma_start3A_487] : memref<10000x64xf32, #tpu.memory_space<hbm>> -> memref<10000x64xf32, #tpu.memory_space<hbm>>
      tpu.enqueue_indirect_dma source(%dma_start3A_488 : memref<10000x64xf32, #tpu.memory_space<hbm>>) target(%arg13 : memref<80x64xf32, #tpu.memory_space<vmem>>) offsets(%dma_start3A_485 : memref<80xi32, #tpu.memory_space<vmem>>) semaphore(%arg22 : memref<!tpu.dma_semaphore, #tpu.memory_space<semaphore_mem>>)
      %add3A_489 = arith.constant 6 : i32
      %add3A_490 = arith.addi %add3A_273, %add3A_489 : i32
      %dma_wait3A_491 = arith.constant 0 : i32
      %dma_wait3A_492 = tpu.memref_slice %arg6[%add3A_490, %dma_wait3A_491] : memref<128x80xi32, #tpu.memory_space<vmem>> -> memref<1x80xi32, #tpu.memory_space<vmem>>
      %dma_wait3A_493 = tpu.memref_squeeze %dma_wait3A_492 : memref<1x80xi32, #tpu.memory_space<vmem>> -> memref<80xi32, #tpu.memory_space<vmem>>
      %dma_wait3A_494 = arith.constant 0 : i32
      %dma_wait3A_495 = arith.constant 0 : i32
      %dma_wait3A_496 = tpu.memref_slice %arg2[%dma_wait3A_494, %dma_wait3A_495] : memref<10000x64xf32, #tpu.memory_space<hbm>> -> memref<10000x64xf32, #tpu.memory_space<hbm>>
      tpu.wait_indirect_dma semaphore(%arg19 : memref<!tpu.dma_semaphore, #tpu.memory_space<semaphore_mem>>) src(%dma_wait3A_496 : memref<10000x64xf32, #tpu.memory_space<hbm>>) dst(%arg10 : memref<80x64xf32, #tpu.memory_space<vmem>>)
      %add3A_497 = arith.constant 6 : i32
      %add3A_498 = arith.addi %add3A_273, %add3A_497 : i32
      %dma_start3A_499 = arith.constant 0 : i32
      %dma_start3A_500 = tpu.memref_slice %arg7[%add3A_498, %dma_start3A_499] : memref<128x80xi32, #tpu.memory_space<vmem>> -> memref<1x80xi32, #tpu.memory_space<vmem>>
      %dma_start3A_501 = tpu.memref_squeeze %dma_start3A_500 : memref<1x80xi32, #tpu.memory_space<vmem>> -> memref<80xi32, #tpu.memory_space<vmem>>
      %dma_start3A_502 = arith.constant 0 : i32
      %dma_start3A_503 = arith.constant 0 : i32
      %dma_start3A_504 = tpu.memref_slice %arg16[%dma_start3A_502, %dma_start3A_503] : memref<10240x64xf32, #tpu.memory_space<vmem_shared>> -> memref<10240x64xf32, #tpu.memory_space<vmem_shared>>
      tpu.enqueue_indirect_dma source(%arg10 : memref<80x64xf32, #tpu.memory_space<vmem>>) target(%dma_start3A_504 : memref<10240x64xf32, #tpu.memory_space<vmem_shared>>) offsets(%dma_start3A_501 : memref<80xi32, #tpu.memory_space<vmem>>) semaphore(%arg27 : memref<!tpu.dma_semaphore, #tpu.memory_space<semaphore_mem>>) {add = true}
      %add3A_505 = arith.constant 6 : i32
      %add3A_506 = arith.addi %add3A_273, %add3A_505 : i32
      %sub3A_507 = arith.constant 4 : i32
      %sub3A_508 = arith.subi %add3A_506, %sub3A_507 : i32
      %dma_wait3A_509 = arith.constant 0 : i32
      %dma_wait3A_510 = tpu.memref_slice %arg7[%sub3A_508, %dma_wait3A_509] : memref<128x80xi32, #tpu.memory_space<vmem>> -> memref<1x80xi32, #tpu.memory_space<vmem>>
      %dma_wait3A_511 = tpu.memref_squeeze %dma_wait3A_510 : memref<1x80xi32, #tpu.memory_space<vmem>> -> memref<80xi32, #tpu.memory_space<vmem>>
      %dma_wait3A_512 = arith.constant 0 : i32
      %dma_wait3A_513 = arith.constant 0 : i32
      %dma_wait3A_514 = tpu.memref_slice %arg16[%dma_wait3A_512, %dma_wait3A_513] : memref<10240x64xf32, #tpu.memory_space<vmem_shared>> -> memref<10240x64xf32, #tpu.memory_space<vmem_shared>>
      tpu.wait_indirect_dma semaphore(%arg31 : memref<!tpu.dma_semaphore, #tpu.memory_space<semaphore_mem>>) src(%arg14 : memref<80x64xf32, #tpu.memory_space<vmem>>) dst(%dma_wait3A_514 : memref<10240x64xf32, #tpu.memory_space<vmem_shared>>)
      %add3A_515 = arith.constant 6 : i32
      %add3A_516 = arith.addi %add3A_273, %add3A_515 : i32
      %add3A_517 = arith.constant 4 : i32
      %add3A_518 = arith.addi %add3A_516, %add3A_517 : i32
      %dma_start3A_519 = arith.constant 0 : i32
      %dma_start3A_520 = tpu.memref_slice %arg6[%add3A_518, %dma_start3A_519] : memref<128x80xi32, #tpu.memory_space<vmem>> -> memref<1x80xi32, #tpu.memory_space<vmem>>
      %dma_start3A_521 = tpu.memref_squeeze %dma_start3A_520 : memref<1x80xi32, #tpu.memory_space<vmem>> -> memref<80xi32, #tpu.memory_space<vmem>>
      %dma_start3A_522 = arith.constant 0 : i32
      %dma_start3A_523 = arith.constant 0 : i32
      %dma_start3A_524 = tpu.memref_slice %arg2[%dma_start3A_522, %dma_start3A_523] : memref<10000x64xf32, #tpu.memory_space<hbm>> -> memref<10000x64xf32, #tpu.memory_space<hbm>>
      tpu.enqueue_indirect_dma source(%dma_start3A_524 : memref<10000x64xf32, #tpu.memory_space<hbm>>) target(%arg14 : memref<80x64xf32, #tpu.memory_space<vmem>>) offsets(%dma_start3A_521 : memref<80xi32, #tpu.memory_space<vmem>>) semaphore(%arg23 : memref<!tpu.dma_semaphore, #tpu.memory_space<semaphore_mem>>)
      %add3A_525 = arith.constant 7 : i32
      %add3A_526 = arith.addi %add3A_273, %add3A_525 : i32
      %dma_wait3A_527 = arith.constant 0 : i32
      %dma_wait3A_528 = tpu.memref_slice %arg6[%add3A_526, %dma_wait3A_527] : memref<128x80xi32, #tpu.memory_space<vmem>> -> memref<1x80xi32, #tpu.memory_space<vmem>>
      %dma_wait3A_529 = tpu.memref_squeeze %dma_wait3A_528 : memref<1x80xi32, #tpu.memory_space<vmem>> -> memref<80xi32, #tpu.memory_space<vmem>>
      %dma_wait3A_530 = arith.constant 0 : i32
      %dma_wait3A_531 = arith.constant 0 : i32
      %dma_wait3A_532 = tpu.memref_slice %arg2[%dma_wait3A_530, %dma_wait3A_531] : memref<10000x64xf32, #tpu.memory_space<hbm>> -> memref<10000x64xf32, #tpu.memory_space<hbm>>
      tpu.wait_indirect_dma semaphore(%arg20 : memref<!tpu.dma_semaphore, #tpu.memory_space<semaphore_mem>>) src(%dma_wait3A_532 : memref<10000x64xf32, #tpu.memory_space<hbm>>) dst(%arg11 : memref<80x64xf32, #tpu.memory_space<vmem>>)
      %add3A_533 = arith.constant 7 : i32
      %add3A_534 = arith.addi %add3A_273, %add3A_533 : i32
      %dma_start3A_535 = arith.constant 0 : i32
      %dma_start3A_536 = tpu.memref_slice %arg7[%add3A_534, %dma_start3A_535] : memref<128x80xi32, #tpu.memory_space<vmem>> -> memref<1x80xi32, #tpu.memory_space<vmem>>
      %dma_start3A_537 = tpu.memref_squeeze %dma_start3A_536 : memref<1x80xi32, #tpu.memory_space<vmem>> -> memref<80xi32, #tpu.memory_space<vmem>>
      %dma_start3A_538 = arith.constant 0 : i32
      %dma_start3A_539 = arith.constant 0 : i32
      %dma_start3A_540 = tpu.memref_slice %arg16[%dma_start3A_538, %dma_start3A_539] : memref<10240x64xf32, #tpu.memory_space<vmem_shared>> -> memref<10240x64xf32, #tpu.memory_space<vmem_shared>>
      tpu.enqueue_indirect_dma source(%arg11 : memref<80x64xf32, #tpu.memory_space<vmem>>) target(%dma_start3A_540 : memref<10240x64xf32, #tpu.memory_space<vmem_shared>>) offsets(%dma_start3A_537 : memref<80xi32, #tpu.memory_space<vmem>>) semaphore(%arg28 : memref<!tpu.dma_semaphore, #tpu.memory_space<semaphore_mem>>) {add = true}
      %add3A_541 = arith.constant 7 : i32
      %add3A_542 = arith.addi %add3A_273, %add3A_541 : i32
      %sub3A_543 = arith.constant 4 : i32
      %sub3A_544 = arith.subi %add3A_542, %sub3A_543 : i32
      %dma_wait3A_545 = arith.constant 0 : i32
      %dma_wait3A_546 = tpu.memref_slice %arg7[%sub3A_544, %dma_wait3A_545] : memref<128x80xi32, #tpu.memory_space<vmem>> -> memref<1x80xi32, #tpu.memory_space<vmem>>
      %dma_wait3A_547 = tpu.memref_squeeze %dma_wait3A_546 : memref<1x80xi32, #tpu.memory_space<vmem>> -> memref<80xi32, #tpu.memory_space<vmem>>
      %dma_wait3A_548 = arith.constant 0 : i32
      %dma_wait3A_549 = arith.constant 0 : i32
      %dma_wait3A_550 = tpu.memref_slice %arg16[%dma_wait3A_548, %dma_wait3A_549] : memref<10240x64xf32, #tpu.memory_space<vmem_shared>> -> memref<10240x64xf32, #tpu.memory_space<vmem_shared>>
      tpu.wait_indirect_dma semaphore(%arg32 : memref<!tpu.dma_semaphore, #tpu.memory_space<semaphore_mem>>) src(%arg15 : memref<80x64xf32, #tpu.memory_space<vmem>>) dst(%dma_wait3A_550 : memref<10240x64xf32, #tpu.memory_space<vmem_shared>>)
      %add3A_551 = arith.constant 7 : i32
      %add3A_552 = arith.addi %add3A_273, %add3A_551 : i32
      %add3A_553 = arith.constant 4 : i32
      %add3A_554 = arith.addi %add3A_552, %add3A_553 : i32
      %dma_start3A_555 = arith.constant 0 : i32
      %dma_start3A_556 = tpu.memref_slice %arg6[%add3A_554, %dma_start3A_555] : memref<128x80xi32, #tpu.memory_space<vmem>> -> memref<1x80xi32, #tpu.memory_space<vmem>>
      %dma_start3A_557 = tpu.memref_squeeze %dma_start3A_556 : memref<1x80xi32, #tpu.memory_space<vmem>> -> memref<80xi32, #tpu.memory_space<vmem>>
      %dma_start3A_558 = arith.constant 0 : i32
      %dma_start3A_559 = arith.constant 0 : i32
      %dma_start3A_560 = tpu.memref_slice %arg2[%dma_start3A_558, %dma_start3A_559] : memref<10000x64xf32, #tpu.memory_space<hbm>> -> memref<10000x64xf32, #tpu.memory_space<hbm>>
      tpu.enqueue_indirect_dma source(%dma_start3A_560 : memref<10000x64xf32, #tpu.memory_space<hbm>>) target(%arg15 : memref<80x64xf32, #tpu.memory_space<vmem>>) offsets(%dma_start3A_557 : memref<80xi32, #tpu.memory_space<vmem>>) semaphore(%arg24 : memref<!tpu.dma_semaphore, #tpu.memory_space<semaphore_mem>>)
    }
    %scan3A_146 = arith.constant 15 : i32
    %dma_wait3A_147 = arith.constant 124 : i32
    %dma_wait3A_148 = arith.constant 0 : i32
    %dma_wait3A_149 = tpu.memref_slice %arg6[%dma_wait3A_147, %dma_wait3A_148] : memref<128x80xi32, #tpu.memory_space<vmem>> -> memref<1x80xi32, #tpu.memory_space<vmem>>
    %dma_wait3A_150 = tpu.memref_squeeze %dma_wait3A_149 : memref<1x80xi32, #tpu.memory_space<vmem>> -> memref<80xi32, #tpu.memory_space<vmem>>
    %dma_wait3A_151 = arith.constant 0 : i32
    %dma_wait3A_152 = arith.constant 0 : i32
    %dma_wait3A_153 = tpu.memref_slice %arg2[%dma_wait3A_151, %dma_wait3A_152] : memref<10000x64xf32, #tpu.memory_space<hbm>> -> memref<10000x64xf32, #tpu.memory_space<hbm>>
    tpu.wait_indirect_dma semaphore(%arg21 : memref<!tpu.dma_semaphore, #tpu.memory_space<semaphore_mem>>) src(%dma_wait3A_153 : memref<10000x64xf32, #tpu.memory_space<hbm>>) dst(%arg12 : memref<80x64xf32, #tpu.memory_space<vmem>>)
    %dma_start3A_154 = arith.constant 124 : i32
    %dma_start3A_155 = arith.constant 0 : i32
    %dma_start3A_156 = tpu.memref_slice %arg7[%dma_start3A_154, %dma_start3A_155] : memref<128x80xi32, #tpu.memory_space<vmem>> -> memref<1x80xi32, #tpu.memory_space<vmem>>
    %dma_start3A_157 = tpu.memref_squeeze %dma_start3A_156 : memref<1x80xi32, #tpu.memory_space<vmem>> -> memref<80xi32, #tpu.memory_space<vmem>>
    %dma_start3A_158 = arith.constant 0 : i32
    %dma_start3A_159 = arith.constant 0 : i32
    %dma_start3A_160 = tpu.memref_slice %arg16[%dma_start3A_158, %dma_start3A_159] : memref<10240x64xf32, #tpu.memory_space<vmem_shared>> -> memref<10240x64xf32, #tpu.memory_space<vmem_shared>>
    tpu.enqueue_indirect_dma source(%arg12 : memref<80x64xf32, #tpu.memory_space<vmem>>) target(%dma_start3A_160 : memref<10240x64xf32, #tpu.memory_space<vmem_shared>>) offsets(%dma_start3A_157 : memref<80xi32, #tpu.memory_space<vmem>>) semaphore(%arg29 : memref<!tpu.dma_semaphore, #tpu.memory_space<semaphore_mem>>) {add = true}
    %dma_wait3A_161 = arith.constant 120 : i32
    %dma_wait3A_162 = arith.constant 0 : i32
    %dma_wait3A_163 = tpu.memref_slice %arg7[%dma_wait3A_161, %dma_wait3A_162] : memref<128x80xi32, #tpu.memory_space<vmem>> -> memref<1x80xi32, #tpu.memory_space<vmem>>
    %dma_wait3A_164 = tpu.memref_squeeze %dma_wait3A_163 : memref<1x80xi32, #tpu.memory_space<vmem>> -> memref<80xi32, #tpu.memory_space<vmem>>
    %dma_wait3A_165 = arith.constant 0 : i32
    %dma_wait3A_166 = arith.constant 0 : i32
    %dma_wait3A_167 = tpu.memref_slice %arg16[%dma_wait3A_165, %dma_wait3A_166] : memref<10240x64xf32, #tpu.memory_space<vmem_shared>> -> memref<10240x64xf32, #tpu.memory_space<vmem_shared>>
    tpu.wait_indirect_dma semaphore(%arg25 : memref<!tpu.dma_semaphore, #tpu.memory_space<semaphore_mem>>) src(%arg8 : memref<80x64xf32, #tpu.memory_space<vmem>>) dst(%dma_wait3A_167 : memref<10240x64xf32, #tpu.memory_space<vmem_shared>>)
    %dma_wait3A_168 = arith.constant 125 : i32
    %dma_wait3A_169 = arith.constant 0 : i32
    %dma_wait3A_170 = tpu.memref_slice %arg6[%dma_wait3A_168, %dma_wait3A_169] : memref<128x80xi32, #tpu.memory_space<vmem>> -> memref<1x80xi32, #tpu.memory_space<vmem>>
    %dma_wait3A_171 = tpu.memref_squeeze %dma_wait3A_170 : memref<1x80xi32, #tpu.memory_space<vmem>> -> memref<80xi32, #tpu.memory_space<vmem>>
    %dma_wait3A_172 = arith.constant 0 : i32
    %dma_wait3A_173 = arith.constant 0 : i32
    %dma_wait3A_174 = tpu.memref_slice %arg2[%dma_wait3A_172, %dma_wait3A_173] : memref<10000x64xf32, #tpu.memory_space<hbm>> -> memref<10000x64xf32, #tpu.memory_space<hbm>>
    tpu.wait_indirect_dma semaphore(%arg22 : memref<!tpu.dma_semaphore, #tpu.memory_space<semaphore_mem>>) src(%dma_wait3A_174 : memref<10000x64xf32, #tpu.memory_space<hbm>>) dst(%arg13 : memref<80x64xf32, #tpu.memory_space<vmem>>)
    %dma_start3A_175 = arith.constant 125 : i32
    %dma_start3A_176 = arith.constant 0 : i32
    %dma_start3A_177 = tpu.memref_slice %arg7[%dma_start3A_175, %dma_start3A_176] : memref<128x80xi32, #tpu.memory_space<vmem>> -> memref<1x80xi32, #tpu.memory_space<vmem>>
    %dma_start3A_178 = tpu.memref_squeeze %dma_start3A_177 : memref<1x80xi32, #tpu.memory_space<vmem>> -> memref<80xi32, #tpu.memory_space<vmem>>
    %dma_start3A_179 = arith.constant 0 : i32
    %dma_start3A_180 = arith.constant 0 : i32
    %dma_start3A_181 = tpu.memref_slice %arg16[%dma_start3A_179, %dma_start3A_180] : memref<10240x64xf32, #tpu.memory_space<vmem_shared>> -> memref<10240x64xf32, #tpu.memory_space<vmem_shared>>
    tpu.enqueue_indirect_dma source(%arg13 : memref<80x64xf32, #tpu.memory_space<vmem>>) target(%dma_start3A_181 : memref<10240x64xf32, #tpu.memory_space<vmem_shared>>) offsets(%dma_start3A_178 : memref<80xi32, #tpu.memory_space<vmem>>) semaphore(%arg30 : memref<!tpu.dma_semaphore, #tpu.memory_space<semaphore_mem>>) {add = true}
    %dma_wait3A_182 = arith.constant 121 : i32
    %dma_wait3A_183 = arith.constant 0 : i32
    %dma_wait3A_184 = tpu.memref_slice %arg7[%dma_wait3A_182, %dma_wait3A_183] : memref<128x80xi32, #tpu.memory_space<vmem>> -> memref<1x80xi32, #tpu.memory_space<vmem>>
    %dma_wait3A_185 = tpu.memref_squeeze %dma_wait3A_184 : memref<1x80xi32, #tpu.memory_space<vmem>> -> memref<80xi32, #tpu.memory_space<vmem>>
    %dma_wait3A_186 = arith.constant 0 : i32
    %dma_wait3A_187 = arith.constant 0 : i32
    %dma_wait3A_188 = tpu.memref_slice %arg16[%dma_wait3A_186, %dma_wait3A_187] : memref<10240x64xf32, #tpu.memory_space<vmem_shared>> -> memref<10240x64xf32, #tpu.memory_space<vmem_shared>>
    tpu.wait_indirect_dma semaphore(%arg26 : memref<!tpu.dma_semaphore, #tpu.memory_space<semaphore_mem>>) src(%arg9 : memref<80x64xf32, #tpu.memory_space<vmem>>) dst(%dma_wait3A_188 : memref<10240x64xf32, #tpu.memory_space<vmem_shared>>)
    %dma_wait3A_189 = arith.constant 126 : i32
    %dma_wait3A_190 = arith.constant 0 : i32
    %dma_wait3A_191 = tpu.memref_slice %arg6[%dma_wait3A_189, %dma_wait3A_190] : memref<128x80xi32, #tpu.memory_space<vmem>> -> memref<1x80xi32, #tpu.memory_space<vmem>>
    %dma_wait3A_192 = tpu.memref_squeeze %dma_wait3A_191 : memref<1x80xi32, #tpu.memory_space<vmem>> -> memref<80xi32, #tpu.memory_space<vmem>>
    %dma_wait3A_193 = arith.constant 0 : i32
    %dma_wait3A_194 = arith.constant 0 : i32
    %dma_wait3A_195 = tpu.memref_slice %arg2[%dma_wait3A_193, %dma_wait3A_194] : memref<10000x64xf32, #tpu.memory_space<hbm>> -> memref<10000x64xf32, #tpu.memory_space<hbm>>
    tpu.wait_indirect_dma semaphore(%arg23 : memref<!tpu.dma_semaphore, #tpu.memory_space<semaphore_mem>>) src(%dma_wait3A_195 : memref<10000x64xf32, #tpu.memory_space<hbm>>) dst(%arg14 : memref<80x64xf32, #tpu.memory_space<vmem>>)
    %dma_start3A_196 = arith.constant 126 : i32
    %dma_start3A_197 = arith.constant 0 : i32
    %dma_start3A_198 = tpu.memref_slice %arg7[%dma_start3A_196, %dma_start3A_197] : memref<128x80xi32, #tpu.memory_space<vmem>> -> memref<1x80xi32, #tpu.memory_space<vmem>>
    %dma_start3A_199 = tpu.memref_squeeze %dma_start3A_198 : memref<1x80xi32, #tpu.memory_space<vmem>> -> memref<80xi32, #tpu.memory_space<vmem>>
    %dma_start3A_200 = arith.constant 0 : i32
    %dma_start3A_201 = arith.constant 0 : i32
    %dma_start3A_202 = tpu.memref_slice %arg16[%dma_start3A_200, %dma_start3A_201] : memref<10240x64xf32, #tpu.memory_space<vmem_shared>> -> memref<10240x64xf32, #tpu.memory_space<vmem_shared>>
    tpu.enqueue_indirect_dma source(%arg14 : memref<80x64xf32, #tpu.memory_space<vmem>>) target(%dma_start3A_202 : memref<10240x64xf32, #tpu.memory_space<vmem_shared>>) offsets(%dma_start3A_199 : memref<80xi32, #tpu.memory_space<vmem>>) semaphore(%arg31 : memref<!tpu.dma_semaphore, #tpu.memory_space<semaphore_mem>>) {add = true}
    %dma_wait3A_203 = arith.constant 122 : i32
    %dma_wait3A_204 = arith.constant 0 : i32
    %dma_wait3A_205 = tpu.memref_slice %arg7[%dma_wait3A_203, %dma_wait3A_204] : memref<128x80xi32, #tpu.memory_space<vmem>> -> memref<1x80xi32, #tpu.memory_space<vmem>>
    %dma_wait3A_206 = tpu.memref_squeeze %dma_wait3A_205 : memref<1x80xi32, #tpu.memory_space<vmem>> -> memref<80xi32, #tpu.memory_space<vmem>>
    %dma_wait3A_207 = arith.constant 0 : i32
    %dma_wait3A_208 = arith.constant 0 : i32
    %dma_wait3A_209 = tpu.memref_slice %arg16[%dma_wait3A_207, %dma_wait3A_208] : memref<10240x64xf32, #tpu.memory_space<vmem_shared>> -> memref<10240x64xf32, #tpu.memory_space<vmem_shared>>
    tpu.wait_indirect_dma semaphore(%arg27 : memref<!tpu.dma_semaphore, #tpu.memory_space<semaphore_mem>>) src(%arg10 : memref<80x64xf32, #tpu.memory_space<vmem>>) dst(%dma_wait3A_209 : memref<10240x64xf32, #tpu.memory_space<vmem_shared>>)
    %dma_wait3A_210 = arith.constant 127 : i32
    %dma_wait3A_211 = arith.constant 0 : i32
    %dma_wait3A_212 = tpu.memref_slice %arg6[%dma_wait3A_210, %dma_wait3A_211] : memref<128x80xi32, #tpu.memory_space<vmem>> -> memref<1x80xi32, #tpu.memory_space<vmem>>
    %dma_wait3A_213 = tpu.memref_squeeze %dma_wait3A_212 : memref<1x80xi32, #tpu.memory_space<vmem>> -> memref<80xi32, #tpu.memory_space<vmem>>
    %dma_wait3A_214 = arith.constant 0 : i32
    %dma_wait3A_215 = arith.constant 0 : i32
    %dma_wait3A_216 = tpu.memref_slice %arg2[%dma_wait3A_214, %dma_wait3A_215] : memref<10000x64xf32, #tpu.memory_space<hbm>> -> memref<10000x64xf32, #tpu.memory_space<hbm>>
    tpu.wait_indirect_dma semaphore(%arg24 : memref<!tpu.dma_semaphore, #tpu.memory_space<semaphore_mem>>) src(%dma_wait3A_216 : memref<10000x64xf32, #tpu.memory_space<hbm>>) dst(%arg15 : memref<80x64xf32, #tpu.memory_space<vmem>>)
    %dma_start3A_217 = arith.constant 127 : i32
    %dma_start3A_218 = arith.constant 0 : i32
    %dma_start3A_219 = tpu.memref_slice %arg7[%dma_start3A_217, %dma_start3A_218] : memref<128x80xi32, #tpu.memory_space<vmem>> -> memref<1x80xi32, #tpu.memory_space<vmem>>
    %dma_start3A_220 = tpu.memref_squeeze %dma_start3A_219 : memref<1x80xi32, #tpu.memory_space<vmem>> -> memref<80xi32, #tpu.memory_space<vmem>>
    %dma_start3A_221 = arith.constant 0 : i32
    %dma_start3A_222 = arith.constant 0 : i32
    %dma_start3A_223 = tpu.memref_slice %arg16[%dma_start3A_221, %dma_start3A_222] : memref<10240x64xf32, #tpu.memory_space<vmem_shared>> -> memref<10240x64xf32, #tpu.memory_space<vmem_shared>>
    tpu.enqueue_indirect_dma source(%arg15 : memref<80x64xf32, #tpu.memory_space<vmem>>) target(%dma_start3A_223 : memref<10240x64xf32, #tpu.memory_space<vmem_shared>>) offsets(%dma_start3A_220 : memref<80xi32, #tpu.memory_space<vmem>>) semaphore(%arg32 : memref<!tpu.dma_semaphore, #tpu.memory_space<semaphore_mem>>) {add = true}
    %dma_wait3A_224 = arith.constant 123 : i32
    %dma_wait3A_225 = arith.constant 0 : i32
    %dma_wait3A_226 = tpu.memref_slice %arg7[%dma_wait3A_224, %dma_wait3A_225] : memref<128x80xi32, #tpu.memory_space<vmem>> -> memref<1x80xi32, #tpu.memory_space<vmem>>
    %dma_wait3A_227 = tpu.memref_squeeze %dma_wait3A_226 : memref<1x80xi32, #tpu.memory_space<vmem>> -> memref<80xi32, #tpu.memory_space<vmem>>
    %dma_wait3A_228 = arith.constant 0 : i32
    %dma_wait3A_229 = arith.constant 0 : i32
    %dma_wait3A_230 = tpu.memref_slice %arg16[%dma_wait3A_228, %dma_wait3A_229] : memref<10240x64xf32, #tpu.memory_space<vmem_shared>> -> memref<10240x64xf32, #tpu.memory_space<vmem_shared>>
    tpu.wait_indirect_dma semaphore(%arg28 : memref<!tpu.dma_semaphore, #tpu.memory_space<semaphore_mem>>) src(%arg11 : memref<80x64xf32, #tpu.memory_space<vmem>>) dst(%dma_wait3A_230 : memref<10240x64xf32, #tpu.memory_space<vmem_shared>>)
    %dma_wait3A_231 = arith.constant 124 : i32
    %dma_wait3A_232 = arith.constant 0 : i32
    %dma_wait3A_233 = tpu.memref_slice %arg7[%dma_wait3A_231, %dma_wait3A_232] : memref<128x80xi32, #tpu.memory_space<vmem>> -> memref<1x80xi32, #tpu.memory_space<vmem>>
    %dma_wait3A_234 = tpu.memref_squeeze %dma_wait3A_233 : memref<1x80xi32, #tpu.memory_space<vmem>> -> memref<80xi32, #tpu.memory_space<vmem>>
    %dma_wait3A_235 = arith.constant 0 : i32
    %dma_wait3A_236 = arith.constant 0 : i32
    %dma_wait3A_237 = tpu.memref_slice %arg16[%dma_wait3A_235, %dma_wait3A_236] : memref<10240x64xf32, #tpu.memory_space<vmem_shared>> -> memref<10240x64xf32, #tpu.memory_space<vmem_shared>>
    tpu.wait_indirect_dma semaphore(%arg29 : memref<!tpu.dma_semaphore, #tpu.memory_space<semaphore_mem>>) src(%arg12 : memref<80x64xf32, #tpu.memory_space<vmem>>) dst(%dma_wait3A_237 : memref<10240x64xf32, #tpu.memory_space<vmem_shared>>)
    %dma_wait3A_238 = arith.constant 125 : i32
    %dma_wait3A_239 = arith.constant 0 : i32
    %dma_wait3A_240 = tpu.memref_slice %arg7[%dma_wait3A_238, %dma_wait3A_239] : memref<128x80xi32, #tpu.memory_space<vmem>> -> memref<1x80xi32, #tpu.memory_space<vmem>>
    %dma_wait3A_241 = tpu.memref_squeeze %dma_wait3A_240 : memref<1x80xi32, #tpu.memory_space<vmem>> -> memref<80xi32, #tpu.memory_space<vmem>>
    %dma_wait3A_242 = arith.constant 0 : i32
    %dma_wait3A_243 = arith.constant 0 : i32
    %dma_wait3A_244 = tpu.memref_slice %arg16[%dma_wait3A_242, %dma_wait3A_243] : memref<10240x64xf32, #tpu.memory_space<vmem_shared>> -> memref<10240x64xf32, #tpu.memory_space<vmem_shared>>
    tpu.wait_indirect_dma semaphore(%arg30 : memref<!tpu.dma_semaphore, #tpu.memory_space<semaphore_mem>>) src(%arg13 : memref<80x64xf32, #tpu.memory_space<vmem>>) dst(%dma_wait3A_244 : memref<10240x64xf32, #tpu.memory_space<vmem_shared>>)
    %dma_wait3A_245 = arith.constant 126 : i32
    %dma_wait3A_246 = arith.constant 0 : i32
    %dma_wait3A_247 = tpu.memref_slice %arg7[%dma_wait3A_245, %dma_wait3A_246] : memref<128x80xi32, #tpu.memory_space<vmem>> -> memref<1x80xi32, #tpu.memory_space<vmem>>
    %dma_wait3A_248 = tpu.memref_squeeze %dma_wait3A_247 : memref<1x80xi32, #tpu.memory_space<vmem>> -> memref<80xi32, #tpu.memory_space<vmem>>
    %dma_wait3A_249 = arith.constant 0 : i32
    %dma_wait3A_250 = arith.constant 0 : i32
    %dma_wait3A_251 = tpu.memref_slice %arg16[%dma_wait3A_249, %dma_wait3A_250] : memref<10240x64xf32, #tpu.memory_space<vmem_shared>> -> memref<10240x64xf32, #tpu.memory_space<vmem_shared>>
    tpu.wait_indirect_dma semaphore(%arg31 : memref<!tpu.dma_semaphore, #tpu.memory_space<semaphore_mem>>) src(%arg14 : memref<80x64xf32, #tpu.memory_space<vmem>>) dst(%dma_wait3A_251 : memref<10240x64xf32, #tpu.memory_space<vmem_shared>>)
    %dma_wait3A_252 = arith.constant 127 : i32
    %dma_wait3A_253 = arith.constant 0 : i32
    %dma_wait3A_254 = tpu.memref_slice %arg7[%dma_wait3A_252, %dma_wait3A_253] : memref<128x80xi32, #tpu.memory_space<vmem>> -> memref<1x80xi32, #tpu.memory_space<vmem>>
    %dma_wait3A_255 = tpu.memref_squeeze %dma_wait3A_254 : memref<1x80xi32, #tpu.memory_space<vmem>> -> memref<80xi32, #tpu.memory_space<vmem>>
    %dma_wait3A_256 = arith.constant 0 : i32
    %dma_wait3A_257 = arith.constant 0 : i32
    %dma_wait3A_258 = tpu.memref_slice %arg16[%dma_wait3A_256, %dma_wait3A_257] : memref<10240x64xf32, #tpu.memory_space<vmem_shared>> -> memref<10240x64xf32, #tpu.memory_space<vmem_shared>>
    tpu.wait_indirect_dma semaphore(%arg32 : memref<!tpu.dma_semaphore, #tpu.memory_space<semaphore_mem>>) src(%arg15 : memref<80x64xf32, #tpu.memory_space<vmem>>) dst(%dma_wait3A_258 : memref<10240x64xf32, #tpu.memory_space<vmem_shared>>)
    %barrier3A_259 = arith.constant 0 : index
    tpu.barrier barrier_id(%barrier3A_259)
    %lt3A_260 = arith.constant 15 : i32
    %lt3A_261 = arith.cmpi slt, %arg1, %lt3A_260 : i32
    %convert_element_type3A_262 = arith.extui %lt3A_261 : i1 to i32
    %cond3A_263 = arith.constant 0 : i32
    %cond3A_264 = arith.cmpi ne, %convert_element_type3A_262, %cond3A_263 : i32
    scf.if %cond3A_264 {
      "tpu.region"() ({
        %run_scoped3A = tpu.sem_alloc : memref<!tpu.dma_semaphore, #tpu.memory_space<semaphore_mem>>
        %dma_start3A_269 = arith.constant 0 : i32
        %dma_start3A_270 = tpu.memref_slice %arg5[%arg0, %mul3A_8, %dma_start3A_269] : memref<2x10000x64xf32, #tpu.memory_space<hbm>> -> memref<1x640x64xf32, #tpu.memory_space<hbm>>
        %dma_start3A_271 = tpu.memref_squeeze %dma_start3A_270 : memref<1x640x64xf32, #tpu.memory_space<hbm>> -> memref<640x64xf32, #tpu.memory_space<hbm>>
        %dma_start3A_272 = arith.constant 0 : i32
        %dma_start3A_273 = tpu.memref_slice %arg16[%mul3A_8, %dma_start3A_272] : memref<10240x64xf32, #tpu.memory_space<vmem_shared>> -> memref<640x64xf32, #tpu.memory_space<vmem_shared>>
        tpu.enqueue_dma source(%dma_start3A_273 : memref<640x64xf32, #tpu.memory_space<vmem_shared>>) target(%dma_start3A_271 : memref<640x64xf32, #tpu.memory_space<hbm>>) target_semaphore(%run_scoped3A : memref<!tpu.dma_semaphore, #tpu.memory_space<semaphore_mem>>)
        %dma_wait3A_274 = arith.constant 0 : i32
        %dma_wait3A_275 = tpu.memref_slice %arg5[%arg0, %mul3A_8, %dma_wait3A_274] : memref<2x10000x64xf32, #tpu.memory_space<hbm>> -> memref<1x640x64xf32, #tpu.memory_space<hbm>>
        %dma_wait3A_276 = tpu.memref_squeeze %dma_wait3A_275 : memref<1x640x64xf32, #tpu.memory_space<hbm>> -> memref<640x64xf32, #tpu.memory_space<hbm>>
        %dma_wait3A_277 = arith.constant 0 : i32
        %dma_wait3A_278 = tpu.memref_slice %arg16[%mul3A_8, %dma_wait3A_277] : memref<10240x64xf32, #tpu.memory_space<vmem_shared>> -> memref<640x64xf32, #tpu.memory_space<vmem_shared>>
        tpu.wait_dma2 semaphore(%run_scoped3A : memref<!tpu.dma_semaphore, #tpu.memory_space<semaphore_mem>>) src(%dma_wait3A_278 : memref<640x64xf32, #tpu.memory_space<vmem_shared>>) dst(%dma_wait3A_276 : memref<640x64xf32, #tpu.memory_space<hbm>>)
        tpu.yield
      }) : () -> ()
    } else {
    }
    %eq3A = arith.constant 15 : i32
    %eq3A_265 = arith.cmpi eq, %arg1, %eq3A : i32
    %convert_element_type3A_266 = arith.extui %eq3A_265 : i1 to i32
    %cond3A_267 = arith.constant 0 : i32
    %cond3A_268 = arith.cmpi ne, %convert_element_type3A_266, %cond3A_267 : i32
    scf.if %cond3A_268 {
      "tpu.region"() ({
        %run_scoped3A = tpu.sem_alloc : memref<!tpu.dma_semaphore, #tpu.memory_space<semaphore_mem>>
        %dma_start3A_269 = arith.constant 9600 : i32
        %dma_start3A_270 = arith.constant 0 : i32
        %dma_start3A_271 = tpu.memref_slice %arg5[%arg0, %dma_start3A_269, %dma_start3A_270] : memref<2x10000x64xf32, #tpu.memory_space<hbm>> -> memref<1x400x64xf32, #tpu.memory_space<hbm>>
        %dma_start3A_272 = tpu.memref_squeeze %dma_start3A_271 : memref<1x400x64xf32, #tpu.memory_space<hbm>> -> memref<400x64xf32, #tpu.memory_space<hbm>>
        %dma_start3A_273 = arith.constant 9600 : i32
        %dma_start3A_274 = arith.constant 0 : i32
        %dma_start3A_275 = tpu.memref_slice %arg16[%dma_start3A_273, %dma_start3A_274] : memref<10240x64xf32, #tpu.memory_space<vmem_shared>> -> memref<400x64xf32, #tpu.memory_space<vmem_shared>>
        tpu.enqueue_dma source(%dma_start3A_275 : memref<400x64xf32, #tpu.memory_space<vmem_shared>>) target(%dma_start3A_272 : memref<400x64xf32, #tpu.memory_space<hbm>>) target_semaphore(%run_scoped3A : memref<!tpu.dma_semaphore, #tpu.memory_space<semaphore_mem>>)
        %dma_wait3A_276 = arith.constant 9600 : i32
        %dma_wait3A_277 = arith.constant 0 : i32
        %dma_wait3A_278 = tpu.memref_slice %arg5[%arg0, %dma_wait3A_276, %dma_wait3A_277] : memref<2x10000x64xf32, #tpu.memory_space<hbm>> -> memref<1x400x64xf32, #tpu.memory_space<hbm>>
        %dma_wait3A_279 = tpu.memref_squeeze %dma_wait3A_278 : memref<1x400x64xf32, #tpu.memory_space<hbm>> -> memref<400x64xf32, #tpu.memory_space<hbm>>
        %dma_wait3A_280 = arith.constant 9600 : i32
        %dma_wait3A_281 = arith.constant 0 : i32
        %dma_wait3A_282 = tpu.memref_slice %arg16[%dma_wait3A_280, %dma_wait3A_281] : memref<10240x64xf32, #tpu.memory_space<vmem_shared>> -> memref<400x64xf32, #tpu.memory_space<vmem_shared>>
        tpu.wait_dma2 semaphore(%run_scoped3A : memref<!tpu.dma_semaphore, #tpu.memory_space<semaphore_mem>>) src(%dma_wait3A_282 : memref<400x64xf32, #tpu.memory_space<vmem_shared>>) dst(%dma_wait3A_279 : memref<400x64xf32, #tpu.memory_space<hbm>>)
        tpu.yield
      }) : () -> ()
    } else {
    }
    return
  }
}

#map = affine_map<(d0, d1) -> (0, 0)>
#map1 = affine_map<(d0, d1) -> (0, 0, 0)>
module attributes {stable_mosaic.version = 14 : i64} {
  func.func @_edge_kernel(%arg0: i32, %arg1: i32, %arg2: memref<10000x64xf32, #tpu.memory_space<hbm>>, %arg3: memref<32x128x80xi32, #tpu.memory_space<hbm>>, %arg4: memref<32x128x80xi32, #tpu.memory_space<hbm>>, %arg5: memref<2x10000x64xf32, #tpu.memory_space<hbm>>, %arg6: memref<128x80xi32, #tpu.memory_space<vmem>>, %arg7: memref<128x80xi32, #tpu.memory_space<vmem>>, %arg8: memref<80x64xf32, #tpu.memory_space<vmem>>, %arg9: memref<80x64xf32, #tpu.memory_space<vmem>>, %arg10: memref<80x64xf32, #tpu.memory_space<vmem>>, %arg11: memref<80x64xf32, #tpu.memory_space<vmem>>, %arg12: memref<80x64xf32, #tpu.memory_space<vmem>>, %arg13: memref<80x64xf32, #tpu.memory_space<vmem>>, %arg14: memref<80x64xf32, #tpu.memory_space<vmem>>, %arg15: memref<80x64xf32, #tpu.memory_space<vmem>>, %arg16: memref<10240x64xf32, #tpu.memory_space<vmem_shared>>, %arg17: memref<!tpu.dma_semaphore, #tpu.memory_space<semaphore_mem>>, %arg18: memref<!tpu.dma_semaphore, #tpu.memory_space<semaphore_mem>>, %arg19: memref<!tpu.dma_semaphore, #tpu.memory_space<semaphore_mem>>, %arg20: memref<!tpu.dma_semaphore, #tpu.memory_space<semaphore_mem>>, %arg21: memref<!tpu.dma_semaphore, #tpu.memory_space<semaphore_mem>>, %arg22: memref<!tpu.dma_semaphore, #tpu.memory_space<semaphore_mem>>, %arg23: memref<!tpu.dma_semaphore, #tpu.memory_space<semaphore_mem>>, %arg24: memref<!tpu.dma_semaphore, #tpu.memory_space<semaphore_mem>>, %arg25: memref<!tpu.dma_semaphore, #tpu.memory_space<semaphore_mem>>, %arg26: memref<!tpu.dma_semaphore, #tpu.memory_space<semaphore_mem>>, %arg27: memref<!tpu.dma_semaphore, #tpu.memory_space<semaphore_mem>>, %arg28: memref<!tpu.dma_semaphore, #tpu.memory_space<semaphore_mem>>, %arg29: memref<!tpu.dma_semaphore, #tpu.memory_space<semaphore_mem>>, %arg30: memref<!tpu.dma_semaphore, #tpu.memory_space<semaphore_mem>>, %arg31: memref<!tpu.dma_semaphore, #tpu.memory_space<semaphore_mem>>, %arg32: memref<!tpu.dma_semaphore, #tpu.memory_space<semaphore_mem>>) attributes {dimension_semantics = [#tpu.dimension_semantics<core_parallel>, #tpu.dimension_semantics<subcore_parallel>], iteration_bounds = array<i64: 2, 16>, scalar_prefetch = 0 : i64, scratch_operands = 27 : i64, tpu.core_type = #tpu.core_type<sc_vector_subcore>, window_params = [{transform_indices = #map}, {transform_indices = #map1}, {transform_indices = #map1}, {transform_indices = #map1}]} {
    %mul3A = arith.constant 2 : i32
    %mul3A_0 = arith.muli %arg1, %mul3A : i32
    %add3A = arith.addi %mul3A_0, %arg0 : i32
    "tpu.region"() ({
      %run_scoped3A = tpu.sem_alloc : memref<!tpu.dma_semaphore, #tpu.memory_space<semaphore_mem>>
      %dma_start3A_269 = arith.constant 0 : i32
      %dma_start3A_270 = arith.constant 0 : i32
      %dma_start3A_271 = tpu.memref_slice %arg3[%add3A, %dma_start3A_269, %dma_start3A_270] : memref<32x128x80xi32, #tpu.memory_space<hbm>> -> memref<1x128x80xi32, #tpu.memory_space<hbm>>
      %dma_start3A_272 = tpu.memref_squeeze %dma_start3A_271 : memref<1x128x80xi32, #tpu.memory_space<hbm>> -> memref<128x80xi32, #tpu.memory_space<hbm>>
      %dma_start3A_273 = arith.constant 0 : i32
      %dma_start3A_274 = arith.constant 0 : i32
      %dma_start3A_275 = tpu.memref_slice %arg3[%add3A, %dma_start3A_273, %dma_start3A_274] : memref<32x128x80xi32, #tpu.memory_space<hbm>> -> memref<1x128x80xi32, #tpu.memory_space<hbm>>
      %dma_start3A_276 = tpu.memref_squeeze %dma_start3A_275 : memref<1x128x80xi32, #tpu.memory_space<hbm>> -> memref<128x80xi32, #tpu.memory_space<hbm>>
      tpu.enqueue_dma source(%dma_start3A_276 : memref<128x80xi32, #tpu.memory_space<hbm>>) target(%arg6 : memref<128x80xi32, #tpu.memory_space<vmem>>) target_semaphore(%run_scoped3A : memref<!tpu.dma_semaphore, #tpu.memory_space<semaphore_mem>>)
      %dma_wait3A_277 = arith.constant 0 : i32
      %dma_wait3A_278 = arith.constant 0 : i32
      %dma_wait3A_279 = tpu.memref_slice %arg3[%add3A, %dma_wait3A_277, %dma_wait3A_278] : memref<32x128x80xi32, #tpu.memory_space<hbm>> -> memref<1x128x80xi32, #tpu.memory_space<hbm>>
      %dma_wait3A_280 = tpu.memref_squeeze %dma_wait3A_279 : memref<1x128x80xi32, #tpu.memory_space<hbm>> -> memref<128x80xi32, #tpu.memory_space<hbm>>
      %dma_wait3A_281 = arith.constant 0 : i32
      %dma_wait3A_282 = arith.constant 0 : i32
      %dma_wait3A_283 = tpu.memref_slice %arg3[%add3A, %dma_wait3A_281, %dma_wait3A_282] : memref<32x128x80xi32, #tpu.memory_space<hbm>> -> memref<1x128x80xi32, #tpu.memory_space<hbm>>
      %dma_wait3A_284 = tpu.memref_squeeze %dma_wait3A_283 : memref<1x128x80xi32, #tpu.memory_space<hbm>> -> memref<128x80xi32, #tpu.memory_space<hbm>>
      tpu.wait_dma2 semaphore(%run_scoped3A : memref<!tpu.dma_semaphore, #tpu.memory_space<semaphore_mem>>) src(%dma_wait3A_284 : memref<128x80xi32, #tpu.memory_space<hbm>>) dst(%arg6 : memref<128x80xi32, #tpu.memory_space<vmem>>)
      tpu.yield
    }) : () -> ()
    "tpu.region"() ({
      %run_scoped3A = tpu.sem_alloc : memref<!tpu.dma_semaphore, #tpu.memory_space<semaphore_mem>>
      %dma_start3A_269 = arith.constant 0 : i32
      %dma_start3A_270 = arith.constant 0 : i32
      %dma_start3A_271 = tpu.memref_slice %arg4[%add3A, %dma_start3A_269, %dma_start3A_270] : memref<32x128x80xi32, #tpu.memory_space<hbm>> -> memref<1x128x80xi32, #tpu.memory_space<hbm>>
      %dma_start3A_272 = tpu.memref_squeeze %dma_start3A_271 : memref<1x128x80xi32, #tpu.memory_space<hbm>> -> memref<128x80xi32, #tpu.memory_space<hbm>>
      %dma_start3A_273 = arith.constant 0 : i32
      %dma_start3A_274 = arith.constant 0 : i32
      %dma_start3A_275 = tpu.memref_slice %arg4[%add3A, %dma_start3A_273, %dma_start3A_274] : memref<32x128x80xi32, #tpu.memory_space<hbm>> -> memref<1x128x80xi32, #tpu.memory_space<hbm>>
      %dma_start3A_276 = tpu.memref_squeeze %dma_start3A_275 : memref<1x128x80xi32, #tpu.memory_space<hbm>> -> memref<128x80xi32, #tpu.memory_space<hbm>>
      tpu.enqueue_dma source(%dma_start3A_276 : memref<128x80xi32, #tpu.memory_space<hbm>>) target(%arg7 : memref<128x80xi32, #tpu.memory_space<vmem>>) target_semaphore(%run_scoped3A : memref<!tpu.dma_semaphore, #tpu.memory_space<semaphore_mem>>)
      %dma_wait3A_277 = arith.constant 0 : i32
      %dma_wait3A_278 = arith.constant 0 : i32
      %dma_wait3A_279 = tpu.memref_slice %arg4[%add3A, %dma_wait3A_277, %dma_wait3A_278] : memref<32x128x80xi32, #tpu.memory_space<hbm>> -> memref<1x128x80xi32, #tpu.memory_space<hbm>>
      %dma_wait3A_280 = tpu.memref_squeeze %dma_wait3A_279 : memref<1x128x80xi32, #tpu.memory_space<hbm>> -> memref<128x80xi32, #tpu.memory_space<hbm>>
      %dma_wait3A_281 = arith.constant 0 : i32
      %dma_wait3A_282 = arith.constant 0 : i32
      %dma_wait3A_283 = tpu.memref_slice %arg4[%add3A, %dma_wait3A_281, %dma_wait3A_282] : memref<32x128x80xi32, #tpu.memory_space<hbm>> -> memref<1x128x80xi32, #tpu.memory_space<hbm>>
      %dma_wait3A_284 = tpu.memref_squeeze %dma_wait3A_283 : memref<1x128x80xi32, #tpu.memory_space<hbm>> -> memref<128x80xi32, #tpu.memory_space<hbm>>
      tpu.wait_dma2 semaphore(%run_scoped3A : memref<!tpu.dma_semaphore, #tpu.memory_space<semaphore_mem>>) src(%dma_wait3A_284 : memref<128x80xi32, #tpu.memory_space<hbm>>) dst(%arg7 : memref<128x80xi32, #tpu.memory_space<vmem>>)
      tpu.yield
    }) : () -> ()
    %broadcast_in_dim3A = arith.constant 0.000000e+00 : f32
    %broadcast_in_dim3A_1 = vector.broadcast %broadcast_in_dim3A : f32 to vector<16xf32>
    %scan3A = arith.constant 0 : i32
    %scan3A_2 = arith.constant 0 : i32
    %scan3A_3 = arith.constant 80 : i32
    %scan3A_4 = arith.addi %scan3A_2, %scan3A_3 : i32
    %scan3A_5 = arith.constant 1 : i32
    scf.for %scan3A_269 = %scan3A_2 to %scan3A_4 step %scan3A_5  : i32 {
      %scan3A_270 = arith.constant 0 : i32
      %scan3A_271 = arith.constant 4 : i32
      %scan3A_272 = arith.addi %scan3A_270, %scan3A_271 : i32
      %scan3A_273 = arith.constant 1 : i32
      scf.for %scan3A_275 = %scan3A_270 to %scan3A_272 step %scan3A_273  : i32 {
        %mul3A_276 = arith.constant 16 : i32
        %mul3A_277 = arith.muli %scan3A_275, %mul3A_276 : i32
        %swap3A = arith.index_cast %scan3A_269 : i32 to index
        %swap3A_278 = arith.index_cast %mul3A_277 : i32 to index
        %swap3A_279 = tpu.vector_load %arg8[%swap3A, %swap3A_278] {strides = array<i32>} : memref<80x64xf32, #tpu.memory_space<vmem>>, vector<1x16xf32>,
        %swap3A_280 = vector.shape_cast %swap3A_279 : vector<1x16xf32> to vector<16xf32>
        %swap3A_281 = vector.shape_cast %broadcast_in_dim3A_1 : vector<16xf32> to vector<1x16xf32>
        tpu.vector_store %arg8[%swap3A, %swap3A_278], %swap3A_281 {strides = array<i32>} : memref<80x64xf32, #tpu.memory_space<vmem>>, vector<1x16xf32>,
      }
      %scan3A_274 = arith.constant 4 : i32
    }
    %scan3A_6 = arith.constant 80 : i32
    %mul3A_7 = arith.constant 640 : i32
    %mul3A_8 = arith.muli %arg1, %mul3A_7 : i32
    %add3A_9 = arith.constant 0 : i32
    %add3A_10 = arith.addi %mul3A_8, %add3A_9 : i32
    "tpu.region"() ({
      %run_scoped3A = tpu.sem_alloc : memref<!tpu.dma_semaphore, #tpu.memory_space<semaphore_mem>>
      %dma_start3A_269 = arith.constant 0 : i32
      %dma_start3A_270 = arith.constant 0 : i32
      %dma_start3A_271 = tpu.memref_slice %arg8[%dma_start3A_269, %dma_start3A_270] : memref<80x64xf32, #tpu.memory_space<vmem>> -> memref<80x64xf32, #tpu.memory_space<vmem>>
      %dma_start3A_272 = arith.constant 0 : i32
      %dma_start3A_273 = tpu.memref_slice %arg16[%add3A_10, %dma_start3A_272] : memref<10240x64xf32, #tpu.memory_space<vmem_shared>> -> memref<80x64xf32, #tpu.memory_space<vmem_shared>>
      %dma_start3A_274 = arith.constant 0 : i32
      %dma_start3A_275 = tpu.memref_slice %arg16[%add3A_10, %dma_start3A_274] : memref<10240x64xf32, #tpu.memory_space<vmem_shared>> -> memref<80x64xf32, #tpu.memory_space<vmem_shared>>
      %dma_start3A_276 = arith.constant 0 : i32
      %dma_start3A_277 = arith.constant 0 : i32
      %dma_start3A_278 = tpu.memref_slice %arg8[%dma_start3A_276, %dma_start3A_277] : memref<80x64xf32, #tpu.memory_space<vmem>> -> memref<80x64xf32, #tpu.memory_space<vmem>>
      tpu.enqueue_dma source(%dma_start3A_278 : memref<80x64xf32, #tpu.memory_space<vmem>>) target(%dma_start3A_275 : memref<80x64xf32, #tpu.memory_space<vmem_shared>>) target_semaphore(%run_scoped3A : memref<!tpu.dma_semaphore, #tpu.memory_space<semaphore_mem>>)
      %dma_wait3A_279 = arith.constant 0 : i32
      %dma_wait3A_280 = arith.constant 0 : i32
      %dma_wait3A_281 = tpu.memref_slice %arg8[%dma_wait3A_279, %dma_wait3A_280] : memref<80x64xf32, #tpu.memory_space<vmem>> -> memref<80x64xf32, #tpu.memory_space<vmem>>
      %dma_wait3A_282 = arith.constant 0 : i32
      %dma_wait3A_283 = tpu.memref_slice %arg16[%add3A_10, %dma_wait3A_282] : memref<10240x64xf32, #tpu.memory_space<vmem_shared>> -> memref<80x64xf32, #tpu.memory_space<vmem_shared>>
      %dma_wait3A_284 = arith.constant 0 : i32
      %dma_wait3A_285 = tpu.memref_slice %arg16[%add3A_10, %dma_wait3A_284] : memref<10240x64xf32, #tpu.memory_space<vmem_shared>> -> memref<80x64xf32, #tpu.memory_space<vmem_shared>>
      %dma_wait3A_286 = arith.constant 0 : i32
      %dma_wait3A_287 = arith.constant 0 : i32
      %dma_wait3A_288 = tpu.memref_slice %arg8[%dma_wait3A_286, %dma_wait3A_287] : memref<80x64xf32, #tpu.memory_space<vmem>> -> memref<80x64xf32, #tpu.memory_space<vmem>>
      tpu.wait_dma2 semaphore(%run_scoped3A : memref<!tpu.dma_semaphore, #tpu.memory_space<semaphore_mem>>) src(%dma_wait3A_288 : memref<80x64xf32, #tpu.memory_space<vmem>>) dst(%dma_wait3A_285 : memref<80x64xf32, #tpu.memory_space<vmem_shared>>)
      tpu.yield
    }) : () -> ()
    %add3A_11 = arith.constant 80 : i32
    %add3A_12 = arith.addi %mul3A_8, %add3A_11 : i32
    "tpu.region"() ({
      %run_scoped3A = tpu.sem_alloc : memref<!tpu.dma_semaphore, #tpu.memory_space<semaphore_mem>>
      %dma_start3A_269 = arith.constant 0 : i32
      %dma_start3A_270 = arith.constant 0 : i32
      %dma_start3A_271 = tpu.memref_slice %arg8[%dma_start3A_269, %dma_start3A_270] : memref<80x64xf32, #tpu.memory_space<vmem>> -> memref<80x64xf32, #tpu.memory_space<vmem>>
      %dma_start3A_272 = arith.constant 0 : i32
      %dma_start3A_273 = tpu.memref_slice %arg16[%add3A_12, %dma_start3A_272] : memref<10240x64xf32, #tpu.memory_space<vmem_shared>> -> memref<80x64xf32, #tpu.memory_space<vmem_shared>>
      %dma_start3A_274 = arith.constant 0 : i32
      %dma_start3A_275 = tpu.memref_slice %arg16[%add3A_12, %dma_start3A_274] : memref<10240x64xf32, #tpu.memory_space<vmem_shared>> -> memref<80x64xf32, #tpu.memory_space<vmem_shared>>
      %dma_start3A_276 = arith.constant 0 : i32
      %dma_start3A_277 = arith.constant 0 : i32
      %dma_start3A_278 = tpu.memref_slice %arg8[%dma_start3A_276, %dma_start3A_277] : memref<80x64xf32, #tpu.memory_space<vmem>> -> memref<80x64xf32, #tpu.memory_space<vmem>>
      tpu.enqueue_dma source(%dma_start3A_278 : memref<80x64xf32, #tpu.memory_space<vmem>>) target(%dma_start3A_275 : memref<80x64xf32, #tpu.memory_space<vmem_shared>>) target_semaphore(%run_scoped3A : memref<!tpu.dma_semaphore, #tpu.memory_space<semaphore_mem>>)
      %dma_wait3A_279 = arith.constant 0 : i32
      %dma_wait3A_280 = arith.constant 0 : i32
      %dma_wait3A_281 = tpu.memref_slice %arg8[%dma_wait3A_279, %dma_wait3A_280] : memref<80x64xf32, #tpu.memory_space<vmem>> -> memref<80x64xf32, #tpu.memory_space<vmem>>
      %dma_wait3A_282 = arith.constant 0 : i32
      %dma_wait3A_283 = tpu.memref_slice %arg16[%add3A_12, %dma_wait3A_282] : memref<10240x64xf32, #tpu.memory_space<vmem_shared>> -> memref<80x64xf32, #tpu.memory_space<vmem_shared>>
      %dma_wait3A_284 = arith.constant 0 : i32
      %dma_wait3A_285 = tpu.memref_slice %arg16[%add3A_12, %dma_wait3A_284] : memref<10240x64xf32, #tpu.memory_space<vmem_shared>> -> memref<80x64xf32, #tpu.memory_space<vmem_shared>>
      %dma_wait3A_286 = arith.constant 0 : i32
      %dma_wait3A_287 = arith.constant 0 : i32
      %dma_wait3A_288 = tpu.memref_slice %arg8[%dma_wait3A_286, %dma_wait3A_287] : memref<80x64xf32, #tpu.memory_space<vmem>> -> memref<80x64xf32, #tpu.memory_space<vmem>>
      tpu.wait_dma2 semaphore(%run_scoped3A : memref<!tpu.dma_semaphore, #tpu.memory_space<semaphore_mem>>) src(%dma_wait3A_288 : memref<80x64xf32, #tpu.memory_space<vmem>>) dst(%dma_wait3A_285 : memref<80x64xf32, #tpu.memory_space<vmem_shared>>)
      tpu.yield
    }) : () -> ()
    %add3A_13 = arith.constant 160 : i32
    %add3A_14 = arith.addi %mul3A_8, %add3A_13 : i32
    "tpu.region"() ({
      %run_scoped3A = tpu.sem_alloc : memref<!tpu.dma_semaphore, #tpu.memory_space<semaphore_mem>>
      %dma_start3A_269 = arith.constant 0 : i32
      %dma_start3A_270 = arith.constant 0 : i32
      %dma_start3A_271 = tpu.memref_slice %arg8[%dma_start3A_269, %dma_start3A_270] : memref<80x64xf32, #tpu.memory_space<vmem>> -> memref<80x64xf32, #tpu.memory_space<vmem>>
      %dma_start3A_272 = arith.constant 0 : i32
      %dma_start3A_273 = tpu.memref_slice %arg16[%add3A_14, %dma_start3A_272] : memref<10240x64xf32, #tpu.memory_space<vmem_shared>> -> memref<80x64xf32, #tpu.memory_space<vmem_shared>>
      %dma_start3A_274 = arith.constant 0 : i32
      %dma_start3A_275 = tpu.memref_slice %arg16[%add3A_14, %dma_start3A_274] : memref<10240x64xf32, #tpu.memory_space<vmem_shared>> -> memref<80x64xf32, #tpu.memory_space<vmem_shared>>
      %dma_start3A_276 = arith.constant 0 : i32
      %dma_start3A_277 = arith.constant 0 : i32
      %dma_start3A_278 = tpu.memref_slice %arg8[%dma_start3A_276, %dma_start3A_277] : memref<80x64xf32, #tpu.memory_space<vmem>> -> memref<80x64xf32, #tpu.memory_space<vmem>>
      tpu.enqueue_dma source(%dma_start3A_278 : memref<80x64xf32, #tpu.memory_space<vmem>>) target(%dma_start3A_275 : memref<80x64xf32, #tpu.memory_space<vmem_shared>>) target_semaphore(%run_scoped3A : memref<!tpu.dma_semaphore, #tpu.memory_space<semaphore_mem>>)
      %dma_wait3A_279 = arith.constant 0 : i32
      %dma_wait3A_280 = arith.constant 0 : i32
      %dma_wait3A_281 = tpu.memref_slice %arg8[%dma_wait3A_279, %dma_wait3A_280] : memref<80x64xf32, #tpu.memory_space<vmem>> -> memref<80x64xf32, #tpu.memory_space<vmem>>
      %dma_wait3A_282 = arith.constant 0 : i32
      %dma_wait3A_283 = tpu.memref_slice %arg16[%add3A_14, %dma_wait3A_282] : memref<10240x64xf32, #tpu.memory_space<vmem_shared>> -> memref<80x64xf32, #tpu.memory_space<vmem_shared>>
      %dma_wait3A_284 = arith.constant 0 : i32
      %dma_wait3A_285 = tpu.memref_slice %arg16[%add3A_14, %dma_wait3A_284] : memref<10240x64xf32, #tpu.memory_space<vmem_shared>> -> memref<80x64xf32, #tpu.memory_space<vmem_shared>>
      %dma_wait3A_286 = arith.constant 0 : i32
      %dma_wait3A_287 = arith.constant 0 : i32
      %dma_wait3A_288 = tpu.memref_slice %arg8[%dma_wait3A_286, %dma_wait3A_287] : memref<80x64xf32, #tpu.memory_space<vmem>> -> memref<80x64xf32, #tpu.memory_space<vmem>>
      tpu.wait_dma2 semaphore(%run_scoped3A : memref<!tpu.dma_semaphore, #tpu.memory_space<semaphore_mem>>) src(%dma_wait3A_288 : memref<80x64xf32, #tpu.memory_space<vmem>>) dst(%dma_wait3A_285 : memref<80x64xf32, #tpu.memory_space<vmem_shared>>)
      tpu.yield
    }) : () -> ()
    %add3A_15 = arith.constant 240 : i32
    %add3A_16 = arith.addi %mul3A_8, %add3A_15 : i32
    "tpu.region"() ({
      %run_scoped3A = tpu.sem_alloc : memref<!tpu.dma_semaphore, #tpu.memory_space<semaphore_mem>>
      %dma_start3A_269 = arith.constant 0 : i32
      %dma_start3A_270 = arith.constant 0 : i32
      %dma_start3A_271 = tpu.memref_slice %arg8[%dma_start3A_269, %dma_start3A_270] : memref<80x64xf32, #tpu.memory_space<vmem>> -> memref<80x64xf32, #tpu.memory_space<vmem>>
      %dma_start3A_272 = arith.constant 0 : i32
      %dma_start3A_273 = tpu.memref_slice %arg16[%add3A_16, %dma_start3A_272] : memref<10240x64xf32, #tpu.memory_space<vmem_shared>> -> memref<80x64xf32, #tpu.memory_space<vmem_shared>>
      %dma_start3A_274 = arith.constant 0 : i32
      %dma_start3A_275 = tpu.memref_slice %arg16[%add3A_16, %dma_start3A_274] : memref<10240x64xf32, #tpu.memory_space<vmem_shared>> -> memref<80x64xf32, #tpu.memory_space<vmem_shared>>
      %dma_start3A_276 = arith.constant 0 : i32
      %dma_start3A_277 = arith.constant 0 : i32
      %dma_start3A_278 = tpu.memref_slice %arg8[%dma_start3A_276, %dma_start3A_277] : memref<80x64xf32, #tpu.memory_space<vmem>> -> memref<80x64xf32, #tpu.memory_space<vmem>>
      tpu.enqueue_dma source(%dma_start3A_278 : memref<80x64xf32, #tpu.memory_space<vmem>>) target(%dma_start3A_275 : memref<80x64xf32, #tpu.memory_space<vmem_shared>>) target_semaphore(%run_scoped3A : memref<!tpu.dma_semaphore, #tpu.memory_space<semaphore_mem>>)
      %dma_wait3A_279 = arith.constant 0 : i32
      %dma_wait3A_280 = arith.constant 0 : i32
      %dma_wait3A_281 = tpu.memref_slice %arg8[%dma_wait3A_279, %dma_wait3A_280] : memref<80x64xf32, #tpu.memory_space<vmem>> -> memref<80x64xf32, #tpu.memory_space<vmem>>
      %dma_wait3A_282 = arith.constant 0 : i32
      %dma_wait3A_283 = tpu.memref_slice %arg16[%add3A_16, %dma_wait3A_282] : memref<10240x64xf32, #tpu.memory_space<vmem_shared>> -> memref<80x64xf32, #tpu.memory_space<vmem_shared>>
      %dma_wait3A_284 = arith.constant 0 : i32
      %dma_wait3A_285 = tpu.memref_slice %arg16[%add3A_16, %dma_wait3A_284] : memref<10240x64xf32, #tpu.memory_space<vmem_shared>> -> memref<80x64xf32, #tpu.memory_space<vmem_shared>>
      %dma_wait3A_286 = arith.constant 0 : i32
      %dma_wait3A_287 = arith.constant 0 : i32
      %dma_wait3A_288 = tpu.memref_slice %arg8[%dma_wait3A_286, %dma_wait3A_287] : memref<80x64xf32, #tpu.memory_space<vmem>> -> memref<80x64xf32, #tpu.memory_space<vmem>>
      tpu.wait_dma2 semaphore(%run_scoped3A : memref<!tpu.dma_semaphore, #tpu.memory_space<semaphore_mem>>) src(%dma_wait3A_288 : memref<80x64xf32, #tpu.memory_space<vmem>>) dst(%dma_wait3A_285 : memref<80x64xf32, #tpu.memory_space<vmem_shared>>)
      tpu.yield
    }) : () -> ()
    %add3A_17 = arith.constant 320 : i32
    %add3A_18 = arith.addi %mul3A_8, %add3A_17 : i32
    "tpu.region"() ({
      %run_scoped3A = tpu.sem_alloc : memref<!tpu.dma_semaphore, #tpu.memory_space<semaphore_mem>>
      %dma_start3A_269 = arith.constant 0 : i32
      %dma_start3A_270 = arith.constant 0 : i32
      %dma_start3A_271 = tpu.memref_slice %arg8[%dma_start3A_269, %dma_start3A_270] : memref<80x64xf32, #tpu.memory_space<vmem>> -> memref<80x64xf32, #tpu.memory_space<vmem>>
      %dma_start3A_272 = arith.constant 0 : i32
      %dma_start3A_273 = tpu.memref_slice %arg16[%add3A_18, %dma_start3A_272] : memref<10240x64xf32, #tpu.memory_space<vmem_shared>> -> memref<80x64xf32, #tpu.memory_space<vmem_shared>>
      %dma_start3A_274 = arith.constant 0 : i32
      %dma_start3A_275 = tpu.memref_slice %arg16[%add3A_18, %dma_start3A_274] : memref<10240x64xf32, #tpu.memory_space<vmem_shared>> -> memref<80x64xf32, #tpu.memory_space<vmem_shared>>
      %dma_start3A_276 = arith.constant 0 : i32
      %dma_start3A_277 = arith.constant 0 : i32
      %dma_start3A_278 = tpu.memref_slice %arg8[%dma_start3A_276, %dma_start3A_277] : memref<80x64xf32, #tpu.memory_space<vmem>> -> memref<80x64xf32, #tpu.memory_space<vmem>>
      tpu.enqueue_dma source(%dma_start3A_278 : memref<80x64xf32, #tpu.memory_space<vmem>>) target(%dma_start3A_275 : memref<80x64xf32, #tpu.memory_space<vmem_shared>>) target_semaphore(%run_scoped3A : memref<!tpu.dma_semaphore, #tpu.memory_space<semaphore_mem>>)
      %dma_wait3A_279 = arith.constant 0 : i32
      %dma_wait3A_280 = arith.constant 0 : i32
      %dma_wait3A_281 = tpu.memref_slice %arg8[%dma_wait3A_279, %dma_wait3A_280] : memref<80x64xf32, #tpu.memory_space<vmem>> -> memref<80x64xf32, #tpu.memory_space<vmem>>
      %dma_wait3A_282 = arith.constant 0 : i32
      %dma_wait3A_283 = tpu.memref_slice %arg16[%add3A_18, %dma_wait3A_282] : memref<10240x64xf32, #tpu.memory_space<vmem_shared>> -> memref<80x64xf32, #tpu.memory_space<vmem_shared>>
      %dma_wait3A_284 = arith.constant 0 : i32
      %dma_wait3A_285 = tpu.memref_slice %arg16[%add3A_18, %dma_wait3A_284] : memref<10240x64xf32, #tpu.memory_space<vmem_shared>> -> memref<80x64xf32, #tpu.memory_space<vmem_shared>>
      %dma_wait3A_286 = arith.constant 0 : i32
      %dma_wait3A_287 = arith.constant 0 : i32
      %dma_wait3A_288 = tpu.memref_slice %arg8[%dma_wait3A_286, %dma_wait3A_287] : memref<80x64xf32, #tpu.memory_space<vmem>> -> memref<80x64xf32, #tpu.memory_space<vmem>>
      tpu.wait_dma2 semaphore(%run_scoped3A : memref<!tpu.dma_semaphore, #tpu.memory_space<semaphore_mem>>) src(%dma_wait3A_288 : memref<80x64xf32, #tpu.memory_space<vmem>>) dst(%dma_wait3A_285 : memref<80x64xf32, #tpu.memory_space<vmem_shared>>)
      tpu.yield
    }) : () -> ()
    %lt3A = arith.constant 15 : i32
    %lt3A_19 = arith.cmpi slt, %arg1, %lt3A : i32
    %convert_element_type3A = arith.extui %lt3A_19 : i1 to i32
    %cond3A = arith.constant 0 : i32
    %cond3A_20 = arith.cmpi ne, %convert_element_type3A, %cond3A : i32
    scf.if %cond3A_20 {
      %add3A_269 = arith.constant 400 : i32
      %add3A_270 = arith.addi %mul3A_8, %add3A_269 : i32
      "tpu.region"() ({
        %run_scoped3A = tpu.sem_alloc : memref<!tpu.dma_semaphore, #tpu.memory_space<semaphore_mem>>
        %dma_start3A_271 = arith.constant 0 : i32
        %dma_start3A_272 = arith.constant 0 : i32
        %dma_start3A_273 = tpu.memref_slice %arg8[%dma_start3A_271, %dma_start3A_272] : memref<80x64xf32, #tpu.memory_space<vmem>> -> memref<80x64xf32, #tpu.memory_space<vmem>>
        %dma_start3A_274 = arith.constant 0 : i32
        %dma_start3A_275 = tpu.memref_slice %arg16[%add3A_270, %dma_start3A_274] : memref<10240x64xf32, #tpu.memory_space<vmem_shared>> -> memref<80x64xf32, #tpu.memory_space<vmem_shared>>
        %dma_start3A_276 = arith.constant 0 : i32
        %dma_start3A_277 = tpu.memref_slice %arg16[%add3A_270, %dma_start3A_276] : memref<10240x64xf32, #tpu.memory_space<vmem_shared>> -> memref<80x64xf32, #tpu.memory_space<vmem_shared>>
        %dma_start3A_278 = arith.constant 0 : i32
        %dma_start3A_279 = arith.constant 0 : i32
        %dma_start3A_280 = tpu.memref_slice %arg8[%dma_start3A_278, %dma_start3A_279] : memref<80x64xf32, #tpu.memory_space<vmem>> -> memref<80x64xf32, #tpu.memory_space<vmem>>
        tpu.enqueue_dma source(%dma_start3A_280 : memref<80x64xf32, #tpu.memory_space<vmem>>) target(%dma_start3A_277 : memref<80x64xf32, #tpu.memory_space<vmem_shared>>) target_semaphore(%run_scoped3A : memref<!tpu.dma_semaphore, #tpu.memory_space<semaphore_mem>>)
        %dma_wait3A_281 = arith.constant 0 : i32
        %dma_wait3A_282 = arith.constant 0 : i32
        %dma_wait3A_283 = tpu.memref_slice %arg8[%dma_wait3A_281, %dma_wait3A_282] : memref<80x64xf32, #tpu.memory_space<vmem>> -> memref<80x64xf32, #tpu.memory_space<vmem>>
        %dma_wait3A_284 = arith.constant 0 : i32
        %dma_wait3A_285 = tpu.memref_slice %arg16[%add3A_270, %dma_wait3A_284] : memref<10240x64xf32, #tpu.memory_space<vmem_shared>> -> memref<80x64xf32, #tpu.memory_space<vmem_shared>>
        %dma_wait3A_286 = arith.constant 0 : i32
        %dma_wait3A_287 = tpu.memref_slice %arg16[%add3A_270, %dma_wait3A_286] : memref<10240x64xf32, #tpu.memory_space<vmem_shared>> -> memref<80x64xf32, #tpu.memory_space<vmem_shared>>
        %dma_wait3A_288 = arith.constant 0 : i32
        %dma_wait3A_289 = arith.constant 0 : i32
        %dma_wait3A_290 = tpu.memref_slice %arg8[%dma_wait3A_288, %dma_wait3A_289] : memref<80x64xf32, #tpu.memory_space<vmem>> -> memref<80x64xf32, #tpu.memory_space<vmem>>
        tpu.wait_dma2 semaphore(%run_scoped3A : memref<!tpu.dma_semaphore, #tpu.memory_space<semaphore_mem>>) src(%dma_wait3A_290 : memref<80x64xf32, #tpu.memory_space<vmem>>) dst(%dma_wait3A_287 : memref<80x64xf32, #tpu.memory_space<vmem_shared>>)
        tpu.yield
      }) : () -> ()
    } else {
    }
    %lt3A_21 = arith.constant 15 : i32
    %lt3A_22 = arith.cmpi slt, %arg1, %lt3A_21 : i32
    %convert_element_type3A_23 = arith.extui %lt3A_22 : i1 to i32
    %cond3A_24 = arith.constant 0 : i32
    %cond3A_25 = arith.cmpi ne, %convert_element_type3A_23, %cond3A_24 : i32
    scf.if %cond3A_25 {
      %add3A_269 = arith.constant 480 : i32
      %add3A_270 = arith.addi %mul3A_8, %add3A_269 : i32
      "tpu.region"() ({
        %run_scoped3A = tpu.sem_alloc : memref<!tpu.dma_semaphore, #tpu.memory_space<semaphore_mem>>
        %dma_start3A_271 = arith.constant 0 : i32
        %dma_start3A_272 = arith.constant 0 : i32
        %dma_start3A_273 = tpu.memref_slice %arg8[%dma_start3A_271, %dma_start3A_272] : memref<80x64xf32, #tpu.memory_space<vmem>> -> memref<80x64xf32, #tpu.memory_space<vmem>>
        %dma_start3A_274 = arith.constant 0 : i32
        %dma_start3A_275 = tpu.memref_slice %arg16[%add3A_270, %dma_start3A_274] : memref<10240x64xf32, #tpu.memory_space<vmem_shared>> -> memref<80x64xf32, #tpu.memory_space<vmem_shared>>
        %dma_start3A_276 = arith.constant 0 : i32
        %dma_start3A_277 = tpu.memref_slice %arg16[%add3A_270, %dma_start3A_276] : memref<10240x64xf32, #tpu.memory_space<vmem_shared>> -> memref<80x64xf32, #tpu.memory_space<vmem_shared>>
        %dma_start3A_278 = arith.constant 0 : i32
        %dma_start3A_279 = arith.constant 0 : i32
        %dma_start3A_280 = tpu.memref_slice %arg8[%dma_start3A_278, %dma_start3A_279] : memref<80x64xf32, #tpu.memory_space<vmem>> -> memref<80x64xf32, #tpu.memory_space<vmem>>
        tpu.enqueue_dma source(%dma_start3A_280 : memref<80x64xf32, #tpu.memory_space<vmem>>) target(%dma_start3A_277 : memref<80x64xf32, #tpu.memory_space<vmem_shared>>) target_semaphore(%run_scoped3A : memref<!tpu.dma_semaphore, #tpu.memory_space<semaphore_mem>>)
        %dma_wait3A_281 = arith.constant 0 : i32
        %dma_wait3A_282 = arith.constant 0 : i32
        %dma_wait3A_283 = tpu.memref_slice %arg8[%dma_wait3A_281, %dma_wait3A_282] : memref<80x64xf32, #tpu.memory_space<vmem>> -> memref<80x64xf32, #tpu.memory_space<vmem>>
        %dma_wait3A_284 = arith.constant 0 : i32
        %dma_wait3A_285 = tpu.memref_slice %arg16[%add3A_270, %dma_wait3A_284] : memref<10240x64xf32, #tpu.memory_space<vmem_shared>> -> memref<80x64xf32, #tpu.memory_space<vmem_shared>>
        %dma_wait3A_286 = arith.constant 0 : i32
        %dma_wait3A_287 = tpu.memref_slice %arg16[%add3A_270, %dma_wait3A_286] : memref<10240x64xf32, #tpu.memory_space<vmem_shared>> -> memref<80x64xf32, #tpu.memory_space<vmem_shared>>
        %dma_wait3A_288 = arith.constant 0 : i32
        %dma_wait3A_289 = arith.constant 0 : i32
        %dma_wait3A_290 = tpu.memref_slice %arg8[%dma_wait3A_288, %dma_wait3A_289] : memref<80x64xf32, #tpu.memory_space<vmem>> -> memref<80x64xf32, #tpu.memory_space<vmem>>
        tpu.wait_dma2 semaphore(%run_scoped3A : memref<!tpu.dma_semaphore, #tpu.memory_space<semaphore_mem>>) src(%dma_wait3A_290 : memref<80x64xf32, #tpu.memory_space<vmem>>) dst(%dma_wait3A_287 : memref<80x64xf32, #tpu.memory_space<vmem_shared>>)
        tpu.yield
      }) : () -> ()
    } else {
    }
    %lt3A_26 = arith.constant 15 : i32
    %lt3A_27 = arith.cmpi slt, %arg1, %lt3A_26 : i32
    %convert_element_type3A_28 = arith.extui %lt3A_27 : i1 to i32
    %cond3A_29 = arith.constant 0 : i32
    %cond3A_30 = arith.cmpi ne, %convert_element_type3A_28, %cond3A_29 : i32
    scf.if %cond3A_30 {
      %add3A_269 = arith.constant 560 : i32
      %add3A_270 = arith.addi %mul3A_8, %add3A_269 : i32
      "tpu.region"() ({
        %run_scoped3A = tpu.sem_alloc : memref<!tpu.dma_semaphore, #tpu.memory_space<semaphore_mem>>
        %dma_start3A_271 = arith.constant 0 : i32
        %dma_start3A_272 = arith.constant 0 : i32
        %dma_start3A_273 = tpu.memref_slice %arg8[%dma_start3A_271, %dma_start3A_272] : memref<80x64xf32, #tpu.memory_space<vmem>> -> memref<80x64xf32, #tpu.memory_space<vmem>>
        %dma_start3A_274 = arith.constant 0 : i32
        %dma_start3A_275 = tpu.memref_slice %arg16[%add3A_270, %dma_start3A_274] : memref<10240x64xf32, #tpu.memory_space<vmem_shared>> -> memref<80x64xf32, #tpu.memory_space<vmem_shared>>
        %dma_start3A_276 = arith.constant 0 : i32
        %dma_start3A_277 = tpu.memref_slice %arg16[%add3A_270, %dma_start3A_276] : memref<10240x64xf32, #tpu.memory_space<vmem_shared>> -> memref<80x64xf32, #tpu.memory_space<vmem_shared>>
        %dma_start3A_278 = arith.constant 0 : i32
        %dma_start3A_279 = arith.constant 0 : i32
        %dma_start3A_280 = tpu.memref_slice %arg8[%dma_start3A_278, %dma_start3A_279] : memref<80x64xf32, #tpu.memory_space<vmem>> -> memref<80x64xf32, #tpu.memory_space<vmem>>
        tpu.enqueue_dma source(%dma_start3A_280 : memref<80x64xf32, #tpu.memory_space<vmem>>) target(%dma_start3A_277 : memref<80x64xf32, #tpu.memory_space<vmem_shared>>) target_semaphore(%run_scoped3A : memref<!tpu.dma_semaphore, #tpu.memory_space<semaphore_mem>>)
        %dma_wait3A_281 = arith.constant 0 : i32
        %dma_wait3A_282 = arith.constant 0 : i32
        %dma_wait3A_283 = tpu.memref_slice %arg8[%dma_wait3A_281, %dma_wait3A_282] : memref<80x64xf32, #tpu.memory_space<vmem>> -> memref<80x64xf32, #tpu.memory_space<vmem>>
        %dma_wait3A_284 = arith.constant 0 : i32
        %dma_wait3A_285 = tpu.memref_slice %arg16[%add3A_270, %dma_wait3A_284] : memref<10240x64xf32, #tpu.memory_space<vmem_shared>> -> memref<80x64xf32, #tpu.memory_space<vmem_shared>>
        %dma_wait3A_286 = arith.constant 0 : i32
        %dma_wait3A_287 = tpu.memref_slice %arg16[%add3A_270, %dma_wait3A_286] : memref<10240x64xf32, #tpu.memory_space<vmem_shared>> -> memref<80x64xf32, #tpu.memory_space<vmem_shared>>
        %dma_wait3A_288 = arith.constant 0 : i32
        %dma_wait3A_289 = arith.constant 0 : i32
        %dma_wait3A_290 = tpu.memref_slice %arg8[%dma_wait3A_288, %dma_wait3A_289] : memref<80x64xf32, #tpu.memory_space<vmem>> -> memref<80x64xf32, #tpu.memory_space<vmem>>
        tpu.wait_dma2 semaphore(%run_scoped3A : memref<!tpu.dma_semaphore, #tpu.memory_space<semaphore_mem>>) src(%dma_wait3A_290 : memref<80x64xf32, #tpu.memory_space<vmem>>) dst(%dma_wait3A_287 : memref<80x64xf32, #tpu.memory_space<vmem_shared>>)
        tpu.yield
      }) : () -> ()
    } else {
    }
    %barrier3A = arith.constant 0 : index
    tpu.barrier barrier_id(%barrier3A)
    %dma_start3A = arith.constant 0 : i32
    %dma_start3A_31 = arith.constant 0 : i32
    %dma_start3A_32 = tpu.memref_slice %arg6[%dma_start3A, %dma_start3A_31] : memref<128x80xi32, #tpu.memory_space<vmem>> -> memref<1x80xi32, #tpu.memory_space<vmem>>
    %dma_start3A_33 = tpu.memref_squeeze %dma_start3A_32 : memref<1x80xi32, #tpu.memory_space<vmem>> -> memref<80xi32, #tpu.memory_space<vmem>>
    %dma_start3A_34 = arith.constant 0 : i32
    %dma_start3A_35 = arith.constant 0 : i32
    %dma_start3A_36 = tpu.memref_slice %arg2[%dma_start3A_34, %dma_start3A_35] : memref<10000x64xf32, #tpu.memory_space<hbm>> -> memref<10000x64xf32, #tpu.memory_space<hbm>>
    tpu.enqueue_indirect_dma source(%dma_start3A_36 : memref<10000x64xf32, #tpu.memory_space<hbm>>) target(%arg8 : memref<80x64xf32, #tpu.memory_space<vmem>>) offsets(%dma_start3A_33 : memref<80xi32, #tpu.memory_space<vmem>>) semaphore(%arg17 : memref<!tpu.dma_semaphore, #tpu.memory_space<semaphore_mem>>)
    %dma_start3A_37 = arith.constant 1 : i32
    %dma_start3A_38 = arith.constant 0 : i32
    %dma_start3A_39 = tpu.memref_slice %arg6[%dma_start3A_37, %dma_start3A_38] : memref<128x80xi32, #tpu.memory_space<vmem>> -> memref<1x80xi32, #tpu.memory_space<vmem>>
    %dma_start3A_40 = tpu.memref_squeeze %dma_start3A_39 : memref<1x80xi32, #tpu.memory_space<vmem>> -> memref<80xi32, #tpu.memory_space<vmem>>
    %dma_start3A_41 = arith.constant 0 : i32
    %dma_start3A_42 = arith.constant 0 : i32
    %dma_start3A_43 = tpu.memref_slice %arg2[%dma_start3A_41, %dma_start3A_42] : memref<10000x64xf32, #tpu.memory_space<hbm>> -> memref<10000x64xf32, #tpu.memory_space<hbm>>
    tpu.enqueue_indirect_dma source(%dma_start3A_43 : memref<10000x64xf32, #tpu.memory_space<hbm>>) target(%arg9 : memref<80x64xf32, #tpu.memory_space<vmem>>) offsets(%dma_start3A_40 : memref<80xi32, #tpu.memory_space<vmem>>) semaphore(%arg18 : memref<!tpu.dma_semaphore, #tpu.memory_space<semaphore_mem>>)
    %dma_start3A_44 = arith.constant 2 : i32
    %dma_start3A_45 = arith.constant 0 : i32
    %dma_start3A_46 = tpu.memref_slice %arg6[%dma_start3A_44, %dma_start3A_45] : memref<128x80xi32, #tpu.memory_space<vmem>> -> memref<1x80xi32, #tpu.memory_space<vmem>>
    %dma_start3A_47 = tpu.memref_squeeze %dma_start3A_46 : memref<1x80xi32, #tpu.memory_space<vmem>> -> memref<80xi32, #tpu.memory_space<vmem>>
    %dma_start3A_48 = arith.constant 0 : i32
    %dma_start3A_49 = arith.constant 0 : i32
    %dma_start3A_50 = tpu.memref_slice %arg2[%dma_start3A_48, %dma_start3A_49] : memref<10000x64xf32, #tpu.memory_space<hbm>> -> memref<10000x64xf32, #tpu.memory_space<hbm>>
    tpu.enqueue_indirect_dma source(%dma_start3A_50 : memref<10000x64xf32, #tpu.memory_space<hbm>>) target(%arg10 : memref<80x64xf32, #tpu.memory_space<vmem>>) offsets(%dma_start3A_47 : memref<80xi32, #tpu.memory_space<vmem>>) semaphore(%arg19 : memref<!tpu.dma_semaphore, #tpu.memory_space<semaphore_mem>>)
    %dma_start3A_51 = arith.constant 3 : i32
    %dma_start3A_52 = arith.constant 0 : i32
    %dma_start3A_53 = tpu.memref_slice %arg6[%dma_start3A_51, %dma_start3A_52] : memref<128x80xi32, #tpu.memory_space<vmem>> -> memref<1x80xi32, #tpu.memory_space<vmem>>
    %dma_start3A_54 = tpu.memref_squeeze %dma_start3A_53 : memref<1x80xi32, #tpu.memory_space<vmem>> -> memref<80xi32, #tpu.memory_space<vmem>>
    %dma_start3A_55 = arith.constant 0 : i32
    %dma_start3A_56 = arith.constant 0 : i32
    %dma_start3A_57 = tpu.memref_slice %arg2[%dma_start3A_55, %dma_start3A_56] : memref<10000x64xf32, #tpu.memory_space<hbm>> -> memref<10000x64xf32, #tpu.memory_space<hbm>>
    tpu.enqueue_indirect_dma source(%dma_start3A_57 : memref<10000x64xf32, #tpu.memory_space<hbm>>) target(%arg11 : memref<80x64xf32, #tpu.memory_space<vmem>>) offsets(%dma_start3A_54 : memref<80xi32, #tpu.memory_space<vmem>>) semaphore(%arg20 : memref<!tpu.dma_semaphore, #tpu.memory_space<semaphore_mem>>)
    %dma_wait3A = arith.constant 0 : i32
    %dma_wait3A_58 = arith.constant 0 : i32
    %dma_wait3A_59 = tpu.memref_slice %arg6[%dma_wait3A, %dma_wait3A_58] : memref<128x80xi32, #tpu.memory_space<vmem>> -> memref<1x80xi32, #tpu.memory_space<vmem>>
    %dma_wait3A_60 = tpu.memref_squeeze %dma_wait3A_59 : memref<1x80xi32, #tpu.memory_space<vmem>> -> memref<80xi32, #tpu.memory_space<vmem>>
    %dma_wait3A_61 = arith.constant 0 : i32
    %dma_wait3A_62 = arith.constant 0 : i32
    %dma_wait3A_63 = tpu.memref_slice %arg2[%dma_wait3A_61, %dma_wait3A_62] : memref<10000x64xf32, #tpu.memory_space<hbm>> -> memref<10000x64xf32, #tpu.memory_space<hbm>>
    tpu.wait_indirect_dma semaphore(%arg17 : memref<!tpu.dma_semaphore, #tpu.memory_space<semaphore_mem>>) src(%dma_wait3A_63 : memref<10000x64xf32, #tpu.memory_space<hbm>>) dst(%arg8 : memref<80x64xf32, #tpu.memory_space<vmem>>)
    %dma_start3A_64 = arith.constant 0 : i32
    %dma_start3A_65 = arith.constant 0 : i32
    %dma_start3A_66 = tpu.memref_slice %arg7[%dma_start3A_64, %dma_start3A_65] : memref<128x80xi32, #tpu.memory_space<vmem>> -> memref<1x80xi32, #tpu.memory_space<vmem>>
    %dma_start3A_67 = tpu.memref_squeeze %dma_start3A_66 : memref<1x80xi32, #tpu.memory_space<vmem>> -> memref<80xi32, #tpu.memory_space<vmem>>
    %dma_start3A_68 = arith.constant 0 : i32
    %dma_start3A_69 = arith.constant 0 : i32
    %dma_start3A_70 = tpu.memref_slice %arg16[%dma_start3A_68, %dma_start3A_69] : memref<10240x64xf32, #tpu.memory_space<vmem_shared>> -> memref<10240x64xf32, #tpu.memory_space<vmem_shared>>
    tpu.enqueue_indirect_dma source(%arg8 : memref<80x64xf32, #tpu.memory_space<vmem>>) target(%dma_start3A_70 : memref<10240x64xf32, #tpu.memory_space<vmem_shared>>) offsets(%dma_start3A_67 : memref<80xi32, #tpu.memory_space<vmem>>) semaphore(%arg25 : memref<!tpu.dma_semaphore, #tpu.memory_space<semaphore_mem>>) {add = true}
    %dma_start3A_71 = arith.constant 4 : i32
    %dma_start3A_72 = arith.constant 0 : i32
    %dma_start3A_73 = tpu.memref_slice %arg6[%dma_start3A_71, %dma_start3A_72] : memref<128x80xi32, #tpu.memory_space<vmem>> -> memref<1x80xi32, #tpu.memory_space<vmem>>
    %dma_start3A_74 = tpu.memref_squeeze %dma_start3A_73 : memref<1x80xi32, #tpu.memory_space<vmem>> -> memref<80xi32, #tpu.memory_space<vmem>>
    %dma_start3A_75 = arith.constant 0 : i32
    %dma_start3A_76 = arith.constant 0 : i32
    %dma_start3A_77 = tpu.memref_slice %arg2[%dma_start3A_75, %dma_start3A_76] : memref<10000x64xf32, #tpu.memory_space<hbm>> -> memref<10000x64xf32, #tpu.memory_space<hbm>>
    tpu.enqueue_indirect_dma source(%dma_start3A_77 : memref<10000x64xf32, #tpu.memory_space<hbm>>) target(%arg12 : memref<80x64xf32, #tpu.memory_space<vmem>>) offsets(%dma_start3A_74 : memref<80xi32, #tpu.memory_space<vmem>>) semaphore(%arg21 : memref<!tpu.dma_semaphore, #tpu.memory_space<semaphore_mem>>)
    %dma_wait3A_78 = arith.constant 1 : i32
    %dma_wait3A_79 = arith.constant 0 : i32
    %dma_wait3A_80 = tpu.memref_slice %arg6[%dma_wait3A_78, %dma_wait3A_79] : memref<128x80xi32, #tpu.memory_space<vmem>> -> memref<1x80xi32, #tpu.memory_space<vmem>>
    %dma_wait3A_81 = tpu.memref_squeeze %dma_wait3A_80 : memref<1x80xi32, #tpu.memory_space<vmem>> -> memref<80xi32, #tpu.memory_space<vmem>>
    %dma_wait3A_82 = arith.constant 0 : i32
    %dma_wait3A_83 = arith.constant 0 : i32
    %dma_wait3A_84 = tpu.memref_slice %arg2[%dma_wait3A_82, %dma_wait3A_83] : memref<10000x64xf32, #tpu.memory_space<hbm>> -> memref<10000x64xf32, #tpu.memory_space<hbm>>
    tpu.wait_indirect_dma semaphore(%arg18 : memref<!tpu.dma_semaphore, #tpu.memory_space<semaphore_mem>>) src(%dma_wait3A_84 : memref<10000x64xf32, #tpu.memory_space<hbm>>) dst(%arg9 : memref<80x64xf32, #tpu.memory_space<vmem>>)
    %dma_start3A_85 = arith.constant 1 : i32
    %dma_start3A_86 = arith.constant 0 : i32
    %dma_start3A_87 = tpu.memref_slice %arg7[%dma_start3A_85, %dma_start3A_86] : memref<128x80xi32, #tpu.memory_space<vmem>> -> memref<1x80xi32, #tpu.memory_space<vmem>>
    %dma_start3A_88 = tpu.memref_squeeze %dma_start3A_87 : memref<1x80xi32, #tpu.memory_space<vmem>> -> memref<80xi32, #tpu.memory_space<vmem>>
    %dma_start3A_89 = arith.constant 0 : i32
    %dma_start3A_90 = arith.constant 0 : i32
    %dma_start3A_91 = tpu.memref_slice %arg16[%dma_start3A_89, %dma_start3A_90] : memref<10240x64xf32, #tpu.memory_space<vmem_shared>> -> memref<10240x64xf32, #tpu.memory_space<vmem_shared>>
    tpu.enqueue_indirect_dma source(%arg9 : memref<80x64xf32, #tpu.memory_space<vmem>>) target(%dma_start3A_91 : memref<10240x64xf32, #tpu.memory_space<vmem_shared>>) offsets(%dma_start3A_88 : memref<80xi32, #tpu.memory_space<vmem>>) semaphore(%arg26 : memref<!tpu.dma_semaphore, #tpu.memory_space<semaphore_mem>>) {add = true}
    %dma_start3A_92 = arith.constant 5 : i32
    %dma_start3A_93 = arith.constant 0 : i32
    %dma_start3A_94 = tpu.memref_slice %arg6[%dma_start3A_92, %dma_start3A_93] : memref<128x80xi32, #tpu.memory_space<vmem>> -> memref<1x80xi32, #tpu.memory_space<vmem>>
    %dma_start3A_95 = tpu.memref_squeeze %dma_start3A_94 : memref<1x80xi32, #tpu.memory_space<vmem>> -> memref<80xi32, #tpu.memory_space<vmem>>
    %dma_start3A_96 = arith.constant 0 : i32
    %dma_start3A_97 = arith.constant 0 : i32
    %dma_start3A_98 = tpu.memref_slice %arg2[%dma_start3A_96, %dma_start3A_97] : memref<10000x64xf32, #tpu.memory_space<hbm>> -> memref<10000x64xf32, #tpu.memory_space<hbm>>
    tpu.enqueue_indirect_dma source(%dma_start3A_98 : memref<10000x64xf32, #tpu.memory_space<hbm>>) target(%arg13 : memref<80x64xf32, #tpu.memory_space<vmem>>) offsets(%dma_start3A_95 : memref<80xi32, #tpu.memory_space<vmem>>) semaphore(%arg22 : memref<!tpu.dma_semaphore, #tpu.memory_space<semaphore_mem>>)
    %dma_wait3A_99 = arith.constant 2 : i32
    %dma_wait3A_100 = arith.constant 0 : i32
    %dma_wait3A_101 = tpu.memref_slice %arg6[%dma_wait3A_99, %dma_wait3A_100] : memref<128x80xi32, #tpu.memory_space<vmem>> -> memref<1x80xi32, #tpu.memory_space<vmem>>
    %dma_wait3A_102 = tpu.memref_squeeze %dma_wait3A_101 : memref<1x80xi32, #tpu.memory_space<vmem>> -> memref<80xi32, #tpu.memory_space<vmem>>
    %dma_wait3A_103 = arith.constant 0 : i32
    %dma_wait3A_104 = arith.constant 0 : i32
    %dma_wait3A_105 = tpu.memref_slice %arg2[%dma_wait3A_103, %dma_wait3A_104] : memref<10000x64xf32, #tpu.memory_space<hbm>> -> memref<10000x64xf32, #tpu.memory_space<hbm>>
    tpu.wait_indirect_dma semaphore(%arg19 : memref<!tpu.dma_semaphore, #tpu.memory_space<semaphore_mem>>) src(%dma_wait3A_105 : memref<10000x64xf32, #tpu.memory_space<hbm>>) dst(%arg10 : memref<80x64xf32, #tpu.memory_space<vmem>>)
    %dma_start3A_106 = arith.constant 2 : i32
    %dma_start3A_107 = arith.constant 0 : i32
    %dma_start3A_108 = tpu.memref_slice %arg7[%dma_start3A_106, %dma_start3A_107] : memref<128x80xi32, #tpu.memory_space<vmem>> -> memref<1x80xi32, #tpu.memory_space<vmem>>
    %dma_start3A_109 = tpu.memref_squeeze %dma_start3A_108 : memref<1x80xi32, #tpu.memory_space<vmem>> -> memref<80xi32, #tpu.memory_space<vmem>>
    %dma_start3A_110 = arith.constant 0 : i32
    %dma_start3A_111 = arith.constant 0 : i32
    %dma_start3A_112 = tpu.memref_slice %arg16[%dma_start3A_110, %dma_start3A_111] : memref<10240x64xf32, #tpu.memory_space<vmem_shared>> -> memref<10240x64xf32, #tpu.memory_space<vmem_shared>>
    tpu.enqueue_indirect_dma source(%arg10 : memref<80x64xf32, #tpu.memory_space<vmem>>) target(%dma_start3A_112 : memref<10240x64xf32, #tpu.memory_space<vmem_shared>>) offsets(%dma_start3A_109 : memref<80xi32, #tpu.memory_space<vmem>>) semaphore(%arg27 : memref<!tpu.dma_semaphore, #tpu.memory_space<semaphore_mem>>) {add = true}
    %dma_start3A_113 = arith.constant 6 : i32
    %dma_start3A_114 = arith.constant 0 : i32
    %dma_start3A_115 = tpu.memref_slice %arg6[%dma_start3A_113, %dma_start3A_114] : memref<128x80xi32, #tpu.memory_space<vmem>> -> memref<1x80xi32, #tpu.memory_space<vmem>>
    %dma_start3A_116 = tpu.memref_squeeze %dma_start3A_115 : memref<1x80xi32, #tpu.memory_space<vmem>> -> memref<80xi32, #tpu.memory_space<vmem>>
    %dma_start3A_117 = arith.constant 0 : i32
    %dma_start3A_118 = arith.constant 0 : i32
    %dma_start3A_119 = tpu.memref_slice %arg2[%dma_start3A_117, %dma_start3A_118] : memref<10000x64xf32, #tpu.memory_space<hbm>> -> memref<10000x64xf32, #tpu.memory_space<hbm>>
    tpu.enqueue_indirect_dma source(%dma_start3A_119 : memref<10000x64xf32, #tpu.memory_space<hbm>>) target(%arg14 : memref<80x64xf32, #tpu.memory_space<vmem>>) offsets(%dma_start3A_116 : memref<80xi32, #tpu.memory_space<vmem>>) semaphore(%arg23 : memref<!tpu.dma_semaphore, #tpu.memory_space<semaphore_mem>>)
    %dma_wait3A_120 = arith.constant 3 : i32
    %dma_wait3A_121 = arith.constant 0 : i32
    %dma_wait3A_122 = tpu.memref_slice %arg6[%dma_wait3A_120, %dma_wait3A_121] : memref<128x80xi32, #tpu.memory_space<vmem>> -> memref<1x80xi32, #tpu.memory_space<vmem>>
    %dma_wait3A_123 = tpu.memref_squeeze %dma_wait3A_122 : memref<1x80xi32, #tpu.memory_space<vmem>> -> memref<80xi32, #tpu.memory_space<vmem>>
    %dma_wait3A_124 = arith.constant 0 : i32
    %dma_wait3A_125 = arith.constant 0 : i32
    %dma_wait3A_126 = tpu.memref_slice %arg2[%dma_wait3A_124, %dma_wait3A_125] : memref<10000x64xf32, #tpu.memory_space<hbm>> -> memref<10000x64xf32, #tpu.memory_space<hbm>>
    tpu.wait_indirect_dma semaphore(%arg20 : memref<!tpu.dma_semaphore, #tpu.memory_space<semaphore_mem>>) src(%dma_wait3A_126 : memref<10000x64xf32, #tpu.memory_space<hbm>>) dst(%arg11 : memref<80x64xf32, #tpu.memory_space<vmem>>)
    %dma_start3A_127 = arith.constant 3 : i32
    %dma_start3A_128 = arith.constant 0 : i32
    %dma_start3A_129 = tpu.memref_slice %arg7[%dma_start3A_127, %dma_start3A_128] : memref<128x80xi32, #tpu.memory_space<vmem>> -> memref<1x80xi32, #tpu.memory_space<vmem>>
    %dma_start3A_130 = tpu.memref_squeeze %dma_start3A_129 : memref<1x80xi32, #tpu.memory_space<vmem>> -> memref<80xi32, #tpu.memory_space<vmem>>
    %dma_start3A_131 = arith.constant 0 : i32
    %dma_start3A_132 = arith.constant 0 : i32
    %dma_start3A_133 = tpu.memref_slice %arg16[%dma_start3A_131, %dma_start3A_132] : memref<10240x64xf32, #tpu.memory_space<vmem_shared>> -> memref<10240x64xf32, #tpu.memory_space<vmem_shared>>
    tpu.enqueue_indirect_dma source(%arg11 : memref<80x64xf32, #tpu.memory_space<vmem>>) target(%dma_start3A_133 : memref<10240x64xf32, #tpu.memory_space<vmem_shared>>) offsets(%dma_start3A_130 : memref<80xi32, #tpu.memory_space<vmem>>) semaphore(%arg28 : memref<!tpu.dma_semaphore, #tpu.memory_space<semaphore_mem>>) {add = true}
    %dma_start3A_134 = arith.constant 7 : i32
    %dma_start3A_135 = arith.constant 0 : i32
    %dma_start3A_136 = tpu.memref_slice %arg6[%dma_start3A_134, %dma_start3A_135] : memref<128x80xi32, #tpu.memory_space<vmem>> -> memref<1x80xi32, #tpu.memory_space<vmem>>
    %dma_start3A_137 = tpu.memref_squeeze %dma_start3A_136 : memref<1x80xi32, #tpu.memory_space<vmem>> -> memref<80xi32, #tpu.memory_space<vmem>>
    %dma_start3A_138 = arith.constant 0 : i32
    %dma_start3A_139 = arith.constant 0 : i32
    %dma_start3A_140 = tpu.memref_slice %arg2[%dma_start3A_138, %dma_start3A_139] : memref<10000x64xf32, #tpu.memory_space<hbm>> -> memref<10000x64xf32, #tpu.memory_space<hbm>>
    tpu.enqueue_indirect_dma source(%dma_start3A_140 : memref<10000x64xf32, #tpu.memory_space<hbm>>) target(%arg15 : memref<80x64xf32, #tpu.memory_space<vmem>>) offsets(%dma_start3A_137 : memref<80xi32, #tpu.memory_space<vmem>>) semaphore(%arg24 : memref<!tpu.dma_semaphore, #tpu.memory_space<semaphore_mem>>)
    %scan3A_141 = arith.constant 0 : i32
    %scan3A_142 = arith.constant 0 : i32
    %scan3A_143 = arith.constant 15 : i32
    %scan3A_144 = arith.addi %scan3A_142, %scan3A_143 : i32
    %scan3A_145 = arith.constant 1 : i32
    scf.for %scan3A_269 = %scan3A_142 to %scan3A_144 step %scan3A_145  : i32 {
      %mul3A_270 = arith.constant 8 : i32
      %mul3A_271 = arith.muli %mul3A_270, %scan3A_269 : i32
      %add3A_272 = arith.constant 4 : i32
      %add3A_273 = arith.addi %add3A_272, %mul3A_271 : i32
      %add3A_274 = arith.constant 0 : i32
      %add3A_275 = arith.addi %add3A_273, %add3A_274 : i32
      %dma_wait3A_276 = arith.constant 0 : i32
      %dma_wait3A_277 = tpu.memref_slice %arg6[%add3A_275, %dma_wait3A_276] : memref<128x80xi32, #tpu.memory_space<vmem>> -> memref<1x80xi32, #tpu.memory_space<vmem>>
      %dma_wait3A_278 = tpu.memref_squeeze %dma_wait3A_277 : memref<1x80xi32, #tpu.memory_space<vmem>> -> memref<80xi32, #tpu.memory_space<vmem>>
      %dma_wait3A_279 = arith.constant 0 : i32
      %dma_wait3A_280 = arith.constant 0 : i32
      %dma_wait3A_281 = tpu.memref_slice %arg2[%dma_wait3A_279, %dma_wait3A_280] : memref<10000x64xf32, #tpu.memory_space<hbm>> -> memref<10000x64xf32, #tpu.memory_space<hbm>>
      tpu.wait_indirect_dma semaphore(%arg21 : memref<!tpu.dma_semaphore, #tpu.memory_space<semaphore_mem>>) src(%dma_wait3A_281 : memref<10000x64xf32, #tpu.memory_space<hbm>>) dst(%arg12 : memref<80x64xf32, #tpu.memory_space<vmem>>)
      %add3A_282 = arith.constant 0 : i32
      %add3A_283 = arith.addi %add3A_273, %add3A_282 : i32
      %dma_start3A_284 = arith.constant 0 : i32
      %dma_start3A_285 = tpu.memref_slice %arg7[%add3A_283, %dma_start3A_284] : memref<128x80xi32, #tpu.memory_space<vmem>> -> memref<1x80xi32, #tpu.memory_space<vmem>>
      %dma_start3A_286 = tpu.memref_squeeze %dma_start3A_285 : memref<1x80xi32, #tpu.memory_space<vmem>> -> memref<80xi32, #tpu.memory_space<vmem>>
      %dma_start3A_287 = arith.constant 0 : i32
      %dma_start3A_288 = arith.constant 0 : i32
      %dma_start3A_289 = tpu.memref_slice %arg16[%dma_start3A_287, %dma_start3A_288] : memref<10240x64xf32, #tpu.memory_space<vmem_shared>> -> memref<10240x64xf32, #tpu.memory_space<vmem_shared>>
      tpu.enqueue_indirect_dma source(%arg12 : memref<80x64xf32, #tpu.memory_space<vmem>>) target(%dma_start3A_289 : memref<10240x64xf32, #tpu.memory_space<vmem_shared>>) offsets(%dma_start3A_286 : memref<80xi32, #tpu.memory_space<vmem>>) semaphore(%arg29 : memref<!tpu.dma_semaphore, #tpu.memory_space<semaphore_mem>>) {add = true}
      %add3A_290 = arith.constant 0 : i32
      %add3A_291 = arith.addi %add3A_273, %add3A_290 : i32
      %sub3A = arith.constant 4 : i32
      %sub3A_292 = arith.subi %add3A_291, %sub3A : i32
      %dma_wait3A_293 = arith.constant 0 : i32
      %dma_wait3A_294 = tpu.memref_slice %arg7[%sub3A_292, %dma_wait3A_293] : memref<128x80xi32, #tpu.memory_space<vmem>> -> memref<1x80xi32, #tpu.memory_space<vmem>>
      %dma_wait3A_295 = tpu.memref_squeeze %dma_wait3A_294 : memref<1x80xi32, #tpu.memory_space<vmem>> -> memref<80xi32, #tpu.memory_space<vmem>>
      %dma_wait3A_296 = arith.constant 0 : i32
      %dma_wait3A_297 = arith.constant 0 : i32
      %dma_wait3A_298 = tpu.memref_slice %arg16[%dma_wait3A_296, %dma_wait3A_297] : memref<10240x64xf32, #tpu.memory_space<vmem_shared>> -> memref<10240x64xf32, #tpu.memory_space<vmem_shared>>
      tpu.wait_indirect_dma semaphore(%arg25 : memref<!tpu.dma_semaphore, #tpu.memory_space<semaphore_mem>>) src(%arg8 : memref<80x64xf32, #tpu.memory_space<vmem>>) dst(%dma_wait3A_298 : memref<10240x64xf32, #tpu.memory_space<vmem_shared>>)
      %add3A_299 = arith.constant 0 : i32
      %add3A_300 = arith.addi %add3A_273, %add3A_299 : i32
      %add3A_301 = arith.constant 4 : i32
      %add3A_302 = arith.addi %add3A_300, %add3A_301 : i32
      %dma_start3A_303 = arith.constant 0 : i32
      %dma_start3A_304 = tpu.memref_slice %arg6[%add3A_302, %dma_start3A_303] : memref<128x80xi32, #tpu.memory_space<vmem>> -> memref<1x80xi32, #tpu.memory_space<vmem>>
      %dma_start3A_305 = tpu.memref_squeeze %dma_start3A_304 : memref<1x80xi32, #tpu.memory_space<vmem>> -> memref<80xi32, #tpu.memory_space<vmem>>
      %dma_start3A_306 = arith.constant 0 : i32
      %dma_start3A_307 = arith.constant 0 : i32
      %dma_start3A_308 = tpu.memref_slice %arg2[%dma_start3A_306, %dma_start3A_307] : memref<10000x64xf32, #tpu.memory_space<hbm>> -> memref<10000x64xf32, #tpu.memory_space<hbm>>
      tpu.enqueue_indirect_dma source(%dma_start3A_308 : memref<10000x64xf32, #tpu.memory_space<hbm>>) target(%arg8 : memref<80x64xf32, #tpu.memory_space<vmem>>) offsets(%dma_start3A_305 : memref<80xi32, #tpu.memory_space<vmem>>) semaphore(%arg17 : memref<!tpu.dma_semaphore, #tpu.memory_space<semaphore_mem>>)
      %add3A_309 = arith.constant 1 : i32
      %add3A_310 = arith.addi %add3A_273, %add3A_309 : i32
      %dma_wait3A_311 = arith.constant 0 : i32
      %dma_wait3A_312 = tpu.memref_slice %arg6[%add3A_310, %dma_wait3A_311] : memref<128x80xi32, #tpu.memory_space<vmem>> -> memref<1x80xi32, #tpu.memory_space<vmem>>
      %dma_wait3A_313 = tpu.memref_squeeze %dma_wait3A_312 : memref<1x80xi32, #tpu.memory_space<vmem>> -> memref<80xi32, #tpu.memory_space<vmem>>
      %dma_wait3A_314 = arith.constant 0 : i32
      %dma_wait3A_315 = arith.constant 0 : i32
      %dma_wait3A_316 = tpu.memref_slice %arg2[%dma_wait3A_314, %dma_wait3A_315] : memref<10000x64xf32, #tpu.memory_space<hbm>> -> memref<10000x64xf32, #tpu.memory_space<hbm>>
      tpu.wait_indirect_dma semaphore(%arg22 : memref<!tpu.dma_semaphore, #tpu.memory_space<semaphore_mem>>) src(%dma_wait3A_316 : memref<10000x64xf32, #tpu.memory_space<hbm>>) dst(%arg13 : memref<80x64xf32, #tpu.memory_space<vmem>>)
      %add3A_317 = arith.constant 1 : i32
      %add3A_318 = arith.addi %add3A_273, %add3A_317 : i32
      %dma_start3A_319 = arith.constant 0 : i32
      %dma_start3A_320 = tpu.memref_slice %arg7[%add3A_318, %dma_start3A_319] : memref<128x80xi32, #tpu.memory_space<vmem>> -> memref<1x80xi32, #tpu.memory_space<vmem>>
      %dma_start3A_321 = tpu.memref_squeeze %dma_start3A_320 : memref<1x80xi32, #tpu.memory_space<vmem>> -> memref<80xi32, #tpu.memory_space<vmem>>
      %dma_start3A_322 = arith.constant 0 : i32
      %dma_start3A_323 = arith.constant 0 : i32
      %dma_start3A_324 = tpu.memref_slice %arg16[%dma_start3A_322, %dma_start3A_323] : memref<10240x64xf32, #tpu.memory_space<vmem_shared>> -> memref<10240x64xf32, #tpu.memory_space<vmem_shared>>
      tpu.enqueue_indirect_dma source(%arg13 : memref<80x64xf32, #tpu.memory_space<vmem>>) target(%dma_start3A_324 : memref<10240x64xf32, #tpu.memory_space<vmem_shared>>) offsets(%dma_start3A_321 : memref<80xi32, #tpu.memory_space<vmem>>) semaphore(%arg30 : memref<!tpu.dma_semaphore, #tpu.memory_space<semaphore_mem>>) {add = true}
      %add3A_325 = arith.constant 1 : i32
      %add3A_326 = arith.addi %add3A_273, %add3A_325 : i32
      %sub3A_327 = arith.constant 4 : i32
      %sub3A_328 = arith.subi %add3A_326, %sub3A_327 : i32
      %dma_wait3A_329 = arith.constant 0 : i32
      %dma_wait3A_330 = tpu.memref_slice %arg7[%sub3A_328, %dma_wait3A_329] : memref<128x80xi32, #tpu.memory_space<vmem>> -> memref<1x80xi32, #tpu.memory_space<vmem>>
      %dma_wait3A_331 = tpu.memref_squeeze %dma_wait3A_330 : memref<1x80xi32, #tpu.memory_space<vmem>> -> memref<80xi32, #tpu.memory_space<vmem>>
      %dma_wait3A_332 = arith.constant 0 : i32
      %dma_wait3A_333 = arith.constant 0 : i32
      %dma_wait3A_334 = tpu.memref_slice %arg16[%dma_wait3A_332, %dma_wait3A_333] : memref<10240x64xf32, #tpu.memory_space<vmem_shared>> -> memref<10240x64xf32, #tpu.memory_space<vmem_shared>>
      tpu.wait_indirect_dma semaphore(%arg26 : memref<!tpu.dma_semaphore, #tpu.memory_space<semaphore_mem>>) src(%arg9 : memref<80x64xf32, #tpu.memory_space<vmem>>) dst(%dma_wait3A_334 : memref<10240x64xf32, #tpu.memory_space<vmem_shared>>)
      %add3A_335 = arith.constant 1 : i32
      %add3A_336 = arith.addi %add3A_273, %add3A_335 : i32
      %add3A_337 = arith.constant 4 : i32
      %add3A_338 = arith.addi %add3A_336, %add3A_337 : i32
      %dma_start3A_339 = arith.constant 0 : i32
      %dma_start3A_340 = tpu.memref_slice %arg6[%add3A_338, %dma_start3A_339] : memref<128x80xi32, #tpu.memory_space<vmem>> -> memref<1x80xi32, #tpu.memory_space<vmem>>
      %dma_start3A_341 = tpu.memref_squeeze %dma_start3A_340 : memref<1x80xi32, #tpu.memory_space<vmem>> -> memref<80xi32, #tpu.memory_space<vmem>>
      %dma_start3A_342 = arith.constant 0 : i32
      %dma_start3A_343 = arith.constant 0 : i32
      %dma_start3A_344 = tpu.memref_slice %arg2[%dma_start3A_342, %dma_start3A_343] : memref<10000x64xf32, #tpu.memory_space<hbm>> -> memref<10000x64xf32, #tpu.memory_space<hbm>>
      tpu.enqueue_indirect_dma source(%dma_start3A_344 : memref<10000x64xf32, #tpu.memory_space<hbm>>) target(%arg9 : memref<80x64xf32, #tpu.memory_space<vmem>>) offsets(%dma_start3A_341 : memref<80xi32, #tpu.memory_space<vmem>>) semaphore(%arg18 : memref<!tpu.dma_semaphore, #tpu.memory_space<semaphore_mem>>)
      %add3A_345 = arith.constant 2 : i32
      %add3A_346 = arith.addi %add3A_273, %add3A_345 : i32
      %dma_wait3A_347 = arith.constant 0 : i32
      %dma_wait3A_348 = tpu.memref_slice %arg6[%add3A_346, %dma_wait3A_347] : memref<128x80xi32, #tpu.memory_space<vmem>> -> memref<1x80xi32, #tpu.memory_space<vmem>>
      %dma_wait3A_349 = tpu.memref_squeeze %dma_wait3A_348 : memref<1x80xi32, #tpu.memory_space<vmem>> -> memref<80xi32, #tpu.memory_space<vmem>>
      %dma_wait3A_350 = arith.constant 0 : i32
      %dma_wait3A_351 = arith.constant 0 : i32
      %dma_wait3A_352 = tpu.memref_slice %arg2[%dma_wait3A_350, %dma_wait3A_351] : memref<10000x64xf32, #tpu.memory_space<hbm>> -> memref<10000x64xf32, #tpu.memory_space<hbm>>
      tpu.wait_indirect_dma semaphore(%arg23 : memref<!tpu.dma_semaphore, #tpu.memory_space<semaphore_mem>>) src(%dma_wait3A_352 : memref<10000x64xf32, #tpu.memory_space<hbm>>) dst(%arg14 : memref<80x64xf32, #tpu.memory_space<vmem>>)
      %add3A_353 = arith.constant 2 : i32
      %add3A_354 = arith.addi %add3A_273, %add3A_353 : i32
      %dma_start3A_355 = arith.constant 0 : i32
      %dma_start3A_356 = tpu.memref_slice %arg7[%add3A_354, %dma_start3A_355] : memref<128x80xi32, #tpu.memory_space<vmem>> -> memref<1x80xi32, #tpu.memory_space<vmem>>
      %dma_start3A_357 = tpu.memref_squeeze %dma_start3A_356 : memref<1x80xi32, #tpu.memory_space<vmem>> -> memref<80xi32, #tpu.memory_space<vmem>>
      %dma_start3A_358 = arith.constant 0 : i32
      %dma_start3A_359 = arith.constant 0 : i32
      %dma_start3A_360 = tpu.memref_slice %arg16[%dma_start3A_358, %dma_start3A_359] : memref<10240x64xf32, #tpu.memory_space<vmem_shared>> -> memref<10240x64xf32, #tpu.memory_space<vmem_shared>>
      tpu.enqueue_indirect_dma source(%arg14 : memref<80x64xf32, #tpu.memory_space<vmem>>) target(%dma_start3A_360 : memref<10240x64xf32, #tpu.memory_space<vmem_shared>>) offsets(%dma_start3A_357 : memref<80xi32, #tpu.memory_space<vmem>>) semaphore(%arg31 : memref<!tpu.dma_semaphore, #tpu.memory_space<semaphore_mem>>) {add = true}
      %add3A_361 = arith.constant 2 : i32
      %add3A_362 = arith.addi %add3A_273, %add3A_361 : i32
      %sub3A_363 = arith.constant 4 : i32
      %sub3A_364 = arith.subi %add3A_362, %sub3A_363 : i32
      %dma_wait3A_365 = arith.constant 0 : i32
      %dma_wait3A_366 = tpu.memref_slice %arg7[%sub3A_364, %dma_wait3A_365] : memref<128x80xi32, #tpu.memory_space<vmem>> -> memref<1x80xi32, #tpu.memory_space<vmem>>
      %dma_wait3A_367 = tpu.memref_squeeze %dma_wait3A_366 : memref<1x80xi32, #tpu.memory_space<vmem>> -> memref<80xi32, #tpu.memory_space<vmem>>
      %dma_wait3A_368 = arith.constant 0 : i32
      %dma_wait3A_369 = arith.constant 0 : i32
      %dma_wait3A_370 = tpu.memref_slice %arg16[%dma_wait3A_368, %dma_wait3A_369] : memref<10240x64xf32, #tpu.memory_space<vmem_shared>> -> memref<10240x64xf32, #tpu.memory_space<vmem_shared>>
      tpu.wait_indirect_dma semaphore(%arg27 : memref<!tpu.dma_semaphore, #tpu.memory_space<semaphore_mem>>) src(%arg10 : memref<80x64xf32, #tpu.memory_space<vmem>>) dst(%dma_wait3A_370 : memref<10240x64xf32, #tpu.memory_space<vmem_shared>>)
      %add3A_371 = arith.constant 2 : i32
      %add3A_372 = arith.addi %add3A_273, %add3A_371 : i32
      %add3A_373 = arith.constant 4 : i32
      %add3A_374 = arith.addi %add3A_372, %add3A_373 : i32
      %dma_start3A_375 = arith.constant 0 : i32
      %dma_start3A_376 = tpu.memref_slice %arg6[%add3A_374, %dma_start3A_375] : memref<128x80xi32, #tpu.memory_space<vmem>> -> memref<1x80xi32, #tpu.memory_space<vmem>>
      %dma_start3A_377 = tpu.memref_squeeze %dma_start3A_376 : memref<1x80xi32, #tpu.memory_space<vmem>> -> memref<80xi32, #tpu.memory_space<vmem>>
      %dma_start3A_378 = arith.constant 0 : i32
      %dma_start3A_379 = arith.constant 0 : i32
      %dma_start3A_380 = tpu.memref_slice %arg2[%dma_start3A_378, %dma_start3A_379] : memref<10000x64xf32, #tpu.memory_space<hbm>> -> memref<10000x64xf32, #tpu.memory_space<hbm>>
      tpu.enqueue_indirect_dma source(%dma_start3A_380 : memref<10000x64xf32, #tpu.memory_space<hbm>>) target(%arg10 : memref<80x64xf32, #tpu.memory_space<vmem>>) offsets(%dma_start3A_377 : memref<80xi32, #tpu.memory_space<vmem>>) semaphore(%arg19 : memref<!tpu.dma_semaphore, #tpu.memory_space<semaphore_mem>>)
      %add3A_381 = arith.constant 3 : i32
      %add3A_382 = arith.addi %add3A_273, %add3A_381 : i32
      %dma_wait3A_383 = arith.constant 0 : i32
      %dma_wait3A_384 = tpu.memref_slice %arg6[%add3A_382, %dma_wait3A_383] : memref<128x80xi32, #tpu.memory_space<vmem>> -> memref<1x80xi32, #tpu.memory_space<vmem>>
      %dma_wait3A_385 = tpu.memref_squeeze %dma_wait3A_384 : memref<1x80xi32, #tpu.memory_space<vmem>> -> memref<80xi32, #tpu.memory_space<vmem>>
      %dma_wait3A_386 = arith.constant 0 : i32
      %dma_wait3A_387 = arith.constant 0 : i32
      %dma_wait3A_388 = tpu.memref_slice %arg2[%dma_wait3A_386, %dma_wait3A_387] : memref<10000x64xf32, #tpu.memory_space<hbm>> -> memref<10000x64xf32, #tpu.memory_space<hbm>>
      tpu.wait_indirect_dma semaphore(%arg24 : memref<!tpu.dma_semaphore, #tpu.memory_space<semaphore_mem>>) src(%dma_wait3A_388 : memref<10000x64xf32, #tpu.memory_space<hbm>>) dst(%arg15 : memref<80x64xf32, #tpu.memory_space<vmem>>)
      %add3A_389 = arith.constant 3 : i32
      %add3A_390 = arith.addi %add3A_273, %add3A_389 : i32
      %dma_start3A_391 = arith.constant 0 : i32
      %dma_start3A_392 = tpu.memref_slice %arg7[%add3A_390, %dma_start3A_391] : memref<128x80xi32, #tpu.memory_space<vmem>> -> memref<1x80xi32, #tpu.memory_space<vmem>>
      %dma_start3A_393 = tpu.memref_squeeze %dma_start3A_392 : memref<1x80xi32, #tpu.memory_space<vmem>> -> memref<80xi32, #tpu.memory_space<vmem>>
      %dma_start3A_394 = arith.constant 0 : i32
      %dma_start3A_395 = arith.constant 0 : i32
      %dma_start3A_396 = tpu.memref_slice %arg16[%dma_start3A_394, %dma_start3A_395] : memref<10240x64xf32, #tpu.memory_space<vmem_shared>> -> memref<10240x64xf32, #tpu.memory_space<vmem_shared>>
      tpu.enqueue_indirect_dma source(%arg15 : memref<80x64xf32, #tpu.memory_space<vmem>>) target(%dma_start3A_396 : memref<10240x64xf32, #tpu.memory_space<vmem_shared>>) offsets(%dma_start3A_393 : memref<80xi32, #tpu.memory_space<vmem>>) semaphore(%arg32 : memref<!tpu.dma_semaphore, #tpu.memory_space<semaphore_mem>>) {add = true}
      %add3A_397 = arith.constant 3 : i32
      %add3A_398 = arith.addi %add3A_273, %add3A_397 : i32
      %sub3A_399 = arith.constant 4 : i32
      %sub3A_400 = arith.subi %add3A_398, %sub3A_399 : i32
      %dma_wait3A_401 = arith.constant 0 : i32
      %dma_wait3A_402 = tpu.memref_slice %arg7[%sub3A_400, %dma_wait3A_401] : memref<128x80xi32, #tpu.memory_space<vmem>> -> memref<1x80xi32, #tpu.memory_space<vmem>>
      %dma_wait3A_403 = tpu.memref_squeeze %dma_wait3A_402 : memref<1x80xi32, #tpu.memory_space<vmem>> -> memref<80xi32, #tpu.memory_space<vmem>>
      %dma_wait3A_404 = arith.constant 0 : i32
      %dma_wait3A_405 = arith.constant 0 : i32
      %dma_wait3A_406 = tpu.memref_slice %arg16[%dma_wait3A_404, %dma_wait3A_405] : memref<10240x64xf32, #tpu.memory_space<vmem_shared>> -> memref<10240x64xf32, #tpu.memory_space<vmem_shared>>
      tpu.wait_indirect_dma semaphore(%arg28 : memref<!tpu.dma_semaphore, #tpu.memory_space<semaphore_mem>>) src(%arg11 : memref<80x64xf32, #tpu.memory_space<vmem>>) dst(%dma_wait3A_406 : memref<10240x64xf32, #tpu.memory_space<vmem_shared>>)
      %add3A_407 = arith.constant 3 : i32
      %add3A_408 = arith.addi %add3A_273, %add3A_407 : i32
      %add3A_409 = arith.constant 4 : i32
      %add3A_410 = arith.addi %add3A_408, %add3A_409 : i32
      %dma_start3A_411 = arith.constant 0 : i32
      %dma_start3A_412 = tpu.memref_slice %arg6[%add3A_410, %dma_start3A_411] : memref<128x80xi32, #tpu.memory_space<vmem>> -> memref<1x80xi32, #tpu.memory_space<vmem>>
      %dma_start3A_413 = tpu.memref_squeeze %dma_start3A_412 : memref<1x80xi32, #tpu.memory_space<vmem>> -> memref<80xi32, #tpu.memory_space<vmem>>
      %dma_start3A_414 = arith.constant 0 : i32
      %dma_start3A_415 = arith.constant 0 : i32
      %dma_start3A_416 = tpu.memref_slice %arg2[%dma_start3A_414, %dma_start3A_415] : memref<10000x64xf32, #tpu.memory_space<hbm>> -> memref<10000x64xf32, #tpu.memory_space<hbm>>
      tpu.enqueue_indirect_dma source(%dma_start3A_416 : memref<10000x64xf32, #tpu.memory_space<hbm>>) target(%arg11 : memref<80x64xf32, #tpu.memory_space<vmem>>) offsets(%dma_start3A_413 : memref<80xi32, #tpu.memory_space<vmem>>) semaphore(%arg20 : memref<!tpu.dma_semaphore, #tpu.memory_space<semaphore_mem>>)
      %add3A_417 = arith.constant 4 : i32
      %add3A_418 = arith.addi %add3A_273, %add3A_417 : i32
      %dma_wait3A_419 = arith.constant 0 : i32
      %dma_wait3A_420 = tpu.memref_slice %arg6[%add3A_418, %dma_wait3A_419] : memref<128x80xi32, #tpu.memory_space<vmem>> -> memref<1x80xi32, #tpu.memory_space<vmem>>
      %dma_wait3A_421 = tpu.memref_squeeze %dma_wait3A_420 : memref<1x80xi32, #tpu.memory_space<vmem>> -> memref<80xi32, #tpu.memory_space<vmem>>
      %dma_wait3A_422 = arith.constant 0 : i32
      %dma_wait3A_423 = arith.constant 0 : i32
      %dma_wait3A_424 = tpu.memref_slice %arg2[%dma_wait3A_422, %dma_wait3A_423] : memref<10000x64xf32, #tpu.memory_space<hbm>> -> memref<10000x64xf32, #tpu.memory_space<hbm>>
      tpu.wait_indirect_dma semaphore(%arg17 : memref<!tpu.dma_semaphore, #tpu.memory_space<semaphore_mem>>) src(%dma_wait3A_424 : memref<10000x64xf32, #tpu.memory_space<hbm>>) dst(%arg8 : memref<80x64xf32, #tpu.memory_space<vmem>>)
      %add3A_425 = arith.constant 4 : i32
      %add3A_426 = arith.addi %add3A_273, %add3A_425 : i32
      %dma_start3A_427 = arith.constant 0 : i32
      %dma_start3A_428 = tpu.memref_slice %arg7[%add3A_426, %dma_start3A_427] : memref<128x80xi32, #tpu.memory_space<vmem>> -> memref<1x80xi32, #tpu.memory_space<vmem>>
      %dma_start3A_429 = tpu.memref_squeeze %dma_start3A_428 : memref<1x80xi32, #tpu.memory_space<vmem>> -> memref<80xi32, #tpu.memory_space<vmem>>
      %dma_start3A_430 = arith.constant 0 : i32
      %dma_start3A_431 = arith.constant 0 : i32
      %dma_start3A_432 = tpu.memref_slice %arg16[%dma_start3A_430, %dma_start3A_431] : memref<10240x64xf32, #tpu.memory_space<vmem_shared>> -> memref<10240x64xf32, #tpu.memory_space<vmem_shared>>
      tpu.enqueue_indirect_dma source(%arg8 : memref<80x64xf32, #tpu.memory_space<vmem>>) target(%dma_start3A_432 : memref<10240x64xf32, #tpu.memory_space<vmem_shared>>) offsets(%dma_start3A_429 : memref<80xi32, #tpu.memory_space<vmem>>) semaphore(%arg25 : memref<!tpu.dma_semaphore, #tpu.memory_space<semaphore_mem>>) {add = true}
      %add3A_433 = arith.constant 4 : i32
      %add3A_434 = arith.addi %add3A_273, %add3A_433 : i32
      %sub3A_435 = arith.constant 4 : i32
      %sub3A_436 = arith.subi %add3A_434, %sub3A_435 : i32
      %dma_wait3A_437 = arith.constant 0 : i32
      %dma_wait3A_438 = tpu.memref_slice %arg7[%sub3A_436, %dma_wait3A_437] : memref<128x80xi32, #tpu.memory_space<vmem>> -> memref<1x80xi32, #tpu.memory_space<vmem>>
      %dma_wait3A_439 = tpu.memref_squeeze %dma_wait3A_438 : memref<1x80xi32, #tpu.memory_space<vmem>> -> memref<80xi32, #tpu.memory_space<vmem>>
      %dma_wait3A_440 = arith.constant 0 : i32
      %dma_wait3A_441 = arith.constant 0 : i32
      %dma_wait3A_442 = tpu.memref_slice %arg16[%dma_wait3A_440, %dma_wait3A_441] : memref<10240x64xf32, #tpu.memory_space<vmem_shared>> -> memref<10240x64xf32, #tpu.memory_space<vmem_shared>>
      tpu.wait_indirect_dma semaphore(%arg29 : memref<!tpu.dma_semaphore, #tpu.memory_space<semaphore_mem>>) src(%arg12 : memref<80x64xf32, #tpu.memory_space<vmem>>) dst(%dma_wait3A_442 : memref<10240x64xf32, #tpu.memory_space<vmem_shared>>)
      %add3A_443 = arith.constant 4 : i32
      %add3A_444 = arith.addi %add3A_273, %add3A_443 : i32
      %add3A_445 = arith.constant 4 : i32
      %add3A_446 = arith.addi %add3A_444, %add3A_445 : i32
      %dma_start3A_447 = arith.constant 0 : i32
      %dma_start3A_448 = tpu.memref_slice %arg6[%add3A_446, %dma_start3A_447] : memref<128x80xi32, #tpu.memory_space<vmem>> -> memref<1x80xi32, #tpu.memory_space<vmem>>
      %dma_start3A_449 = tpu.memref_squeeze %dma_start3A_448 : memref<1x80xi32, #tpu.memory_space<vmem>> -> memref<80xi32, #tpu.memory_space<vmem>>
      %dma_start3A_450 = arith.constant 0 : i32
      %dma_start3A_451 = arith.constant 0 : i32
      %dma_start3A_452 = tpu.memref_slice %arg2[%dma_start3A_450, %dma_start3A_451] : memref<10000x64xf32, #tpu.memory_space<hbm>> -> memref<10000x64xf32, #tpu.memory_space<hbm>>
      tpu.enqueue_indirect_dma source(%dma_start3A_452 : memref<10000x64xf32, #tpu.memory_space<hbm>>) target(%arg12 : memref<80x64xf32, #tpu.memory_space<vmem>>) offsets(%dma_start3A_449 : memref<80xi32, #tpu.memory_space<vmem>>) semaphore(%arg21 : memref<!tpu.dma_semaphore, #tpu.memory_space<semaphore_mem>>)
      %add3A_453 = arith.constant 5 : i32
      %add3A_454 = arith.addi %add3A_273, %add3A_453 : i32
      %dma_wait3A_455 = arith.constant 0 : i32
      %dma_wait3A_456 = tpu.memref_slice %arg6[%add3A_454, %dma_wait3A_455] : memref<128x80xi32, #tpu.memory_space<vmem>> -> memref<1x80xi32, #tpu.memory_space<vmem>>
      %dma_wait3A_457 = tpu.memref_squeeze %dma_wait3A_456 : memref<1x80xi32, #tpu.memory_space<vmem>> -> memref<80xi32, #tpu.memory_space<vmem>>
      %dma_wait3A_458 = arith.constant 0 : i32
      %dma_wait3A_459 = arith.constant 0 : i32
      %dma_wait3A_460 = tpu.memref_slice %arg2[%dma_wait3A_458, %dma_wait3A_459] : memref<10000x64xf32, #tpu.memory_space<hbm>> -> memref<10000x64xf32, #tpu.memory_space<hbm>>
      tpu.wait_indirect_dma semaphore(%arg18 : memref<!tpu.dma_semaphore, #tpu.memory_space<semaphore_mem>>) src(%dma_wait3A_460 : memref<10000x64xf32, #tpu.memory_space<hbm>>) dst(%arg9 : memref<80x64xf32, #tpu.memory_space<vmem>>)
      %add3A_461 = arith.constant 5 : i32
      %add3A_462 = arith.addi %add3A_273, %add3A_461 : i32
      %dma_start3A_463 = arith.constant 0 : i32
      %dma_start3A_464 = tpu.memref_slice %arg7[%add3A_462, %dma_start3A_463] : memref<128x80xi32, #tpu.memory_space<vmem>> -> memref<1x80xi32, #tpu.memory_space<vmem>>
      %dma_start3A_465 = tpu.memref_squeeze %dma_start3A_464 : memref<1x80xi32, #tpu.memory_space<vmem>> -> memref<80xi32, #tpu.memory_space<vmem>>
      %dma_start3A_466 = arith.constant 0 : i32
      %dma_start3A_467 = arith.constant 0 : i32
      %dma_start3A_468 = tpu.memref_slice %arg16[%dma_start3A_466, %dma_start3A_467] : memref<10240x64xf32, #tpu.memory_space<vmem_shared>> -> memref<10240x64xf32, #tpu.memory_space<vmem_shared>>
      tpu.enqueue_indirect_dma source(%arg9 : memref<80x64xf32, #tpu.memory_space<vmem>>) target(%dma_start3A_468 : memref<10240x64xf32, #tpu.memory_space<vmem_shared>>) offsets(%dma_start3A_465 : memref<80xi32, #tpu.memory_space<vmem>>) semaphore(%arg26 : memref<!tpu.dma_semaphore, #tpu.memory_space<semaphore_mem>>) {add = true}
      %add3A_469 = arith.constant 5 : i32
      %add3A_470 = arith.addi %add3A_273, %add3A_469 : i32
      %sub3A_471 = arith.constant 4 : i32
      %sub3A_472 = arith.subi %add3A_470, %sub3A_471 : i32
      %dma_wait3A_473 = arith.constant 0 : i32
      %dma_wait3A_474 = tpu.memref_slice %arg7[%sub3A_472, %dma_wait3A_473] : memref<128x80xi32, #tpu.memory_space<vmem>> -> memref<1x80xi32, #tpu.memory_space<vmem>>
      %dma_wait3A_475 = tpu.memref_squeeze %dma_wait3A_474 : memref<1x80xi32, #tpu.memory_space<vmem>> -> memref<80xi32, #tpu.memory_space<vmem>>
      %dma_wait3A_476 = arith.constant 0 : i32
      %dma_wait3A_477 = arith.constant 0 : i32
      %dma_wait3A_478 = tpu.memref_slice %arg16[%dma_wait3A_476, %dma_wait3A_477] : memref<10240x64xf32, #tpu.memory_space<vmem_shared>> -> memref<10240x64xf32, #tpu.memory_space<vmem_shared>>
      tpu.wait_indirect_dma semaphore(%arg30 : memref<!tpu.dma_semaphore, #tpu.memory_space<semaphore_mem>>) src(%arg13 : memref<80x64xf32, #tpu.memory_space<vmem>>) dst(%dma_wait3A_478 : memref<10240x64xf32, #tpu.memory_space<vmem_shared>>)
      %add3A_479 = arith.constant 5 : i32
      %add3A_480 = arith.addi %add3A_273, %add3A_479 : i32
      %add3A_481 = arith.constant 4 : i32
      %add3A_482 = arith.addi %add3A_480, %add3A_481 : i32
      %dma_start3A_483 = arith.constant 0 : i32
      %dma_start3A_484 = tpu.memref_slice %arg6[%add3A_482, %dma_start3A_483] : memref<128x80xi32, #tpu.memory_space<vmem>> -> memref<1x80xi32, #tpu.memory_space<vmem>>
      %dma_start3A_485 = tpu.memref_squeeze %dma_start3A_484 : memref<1x80xi32, #tpu.memory_space<vmem>> -> memref<80xi32, #tpu.memory_space<vmem>>
      %dma_start3A_486 = arith.constant 0 : i32
      %dma_start3A_487 = arith.constant 0 : i32
      %dma_start3A_488 = tpu.memref_slice %arg2[%dma_start3A_486, %dma_start3A_487] : memref<10000x64xf32, #tpu.memory_space<hbm>> -> memref<10000x64xf32, #tpu.memory_space<hbm>>
      tpu.enqueue_indirect_dma source(%dma_start3A_488 : memref<10000x64xf32, #tpu.memory_space<hbm>>) target(%arg13 : memref<80x64xf32, #tpu.memory_space<vmem>>) offsets(%dma_start3A_485 : memref<80xi32, #tpu.memory_space<vmem>>) semaphore(%arg22 : memref<!tpu.dma_semaphore, #tpu.memory_space<semaphore_mem>>)
      %add3A_489 = arith.constant 6 : i32
      %add3A_490 = arith.addi %add3A_273, %add3A_489 : i32
      %dma_wait3A_491 = arith.constant 0 : i32
      %dma_wait3A_492 = tpu.memref_slice %arg6[%add3A_490, %dma_wait3A_491] : memref<128x80xi32, #tpu.memory_space<vmem>> -> memref<1x80xi32, #tpu.memory_space<vmem>>
      %dma_wait3A_493 = tpu.memref_squeeze %dma_wait3A_492 : memref<1x80xi32, #tpu.memory_space<vmem>> -> memref<80xi32, #tpu.memory_space<vmem>>
      %dma_wait3A_494 = arith.constant 0 : i32
      %dma_wait3A_495 = arith.constant 0 : i32
      %dma_wait3A_496 = tpu.memref_slice %arg2[%dma_wait3A_494, %dma_wait3A_495] : memref<10000x64xf32, #tpu.memory_space<hbm>> -> memref<10000x64xf32, #tpu.memory_space<hbm>>
      tpu.wait_indirect_dma semaphore(%arg19 : memref<!tpu.dma_semaphore, #tpu.memory_space<semaphore_mem>>) src(%dma_wait3A_496 : memref<10000x64xf32, #tpu.memory_space<hbm>>) dst(%arg10 : memref<80x64xf32, #tpu.memory_space<vmem>>)
      %add3A_497 = arith.constant 6 : i32
      %add3A_498 = arith.addi %add3A_273, %add3A_497 : i32
      %dma_start3A_499 = arith.constant 0 : i32
      %dma_start3A_500 = tpu.memref_slice %arg7[%add3A_498, %dma_start3A_499] : memref<128x80xi32, #tpu.memory_space<vmem>> -> memref<1x80xi32, #tpu.memory_space<vmem>>
      %dma_start3A_501 = tpu.memref_squeeze %dma_start3A_500 : memref<1x80xi32, #tpu.memory_space<vmem>> -> memref<80xi32, #tpu.memory_space<vmem>>
      %dma_start3A_502 = arith.constant 0 : i32
      %dma_start3A_503 = arith.constant 0 : i32
      %dma_start3A_504 = tpu.memref_slice %arg16[%dma_start3A_502, %dma_start3A_503] : memref<10240x64xf32, #tpu.memory_space<vmem_shared>> -> memref<10240x64xf32, #tpu.memory_space<vmem_shared>>
      tpu.enqueue_indirect_dma source(%arg10 : memref<80x64xf32, #tpu.memory_space<vmem>>) target(%dma_start3A_504 : memref<10240x64xf32, #tpu.memory_space<vmem_shared>>) offsets(%dma_start3A_501 : memref<80xi32, #tpu.memory_space<vmem>>) semaphore(%arg27 : memref<!tpu.dma_semaphore, #tpu.memory_space<semaphore_mem>>) {add = true}
      %add3A_505 = arith.constant 6 : i32
      %add3A_506 = arith.addi %add3A_273, %add3A_505 : i32
      %sub3A_507 = arith.constant 4 : i32
      %sub3A_508 = arith.subi %add3A_506, %sub3A_507 : i32
      %dma_wait3A_509 = arith.constant 0 : i32
      %dma_wait3A_510 = tpu.memref_slice %arg7[%sub3A_508, %dma_wait3A_509] : memref<128x80xi32, #tpu.memory_space<vmem>> -> memref<1x80xi32, #tpu.memory_space<vmem>>
      %dma_wait3A_511 = tpu.memref_squeeze %dma_wait3A_510 : memref<1x80xi32, #tpu.memory_space<vmem>> -> memref<80xi32, #tpu.memory_space<vmem>>
      %dma_wait3A_512 = arith.constant 0 : i32
      %dma_wait3A_513 = arith.constant 0 : i32
      %dma_wait3A_514 = tpu.memref_slice %arg16[%dma_wait3A_512, %dma_wait3A_513] : memref<10240x64xf32, #tpu.memory_space<vmem_shared>> -> memref<10240x64xf32, #tpu.memory_space<vmem_shared>>
      tpu.wait_indirect_dma semaphore(%arg31 : memref<!tpu.dma_semaphore, #tpu.memory_space<semaphore_mem>>) src(%arg14 : memref<80x64xf32, #tpu.memory_space<vmem>>) dst(%dma_wait3A_514 : memref<10240x64xf32, #tpu.memory_space<vmem_shared>>)
      %add3A_515 = arith.constant 6 : i32
      %add3A_516 = arith.addi %add3A_273, %add3A_515 : i32
      %add3A_517 = arith.constant 4 : i32
      %add3A_518 = arith.addi %add3A_516, %add3A_517 : i32
      %dma_start3A_519 = arith.constant 0 : i32
      %dma_start3A_520 = tpu.memref_slice %arg6[%add3A_518, %dma_start3A_519] : memref<128x80xi32, #tpu.memory_space<vmem>> -> memref<1x80xi32, #tpu.memory_space<vmem>>
      %dma_start3A_521 = tpu.memref_squeeze %dma_start3A_520 : memref<1x80xi32, #tpu.memory_space<vmem>> -> memref<80xi32, #tpu.memory_space<vmem>>
      %dma_start3A_522 = arith.constant 0 : i32
      %dma_start3A_523 = arith.constant 0 : i32
      %dma_start3A_524 = tpu.memref_slice %arg2[%dma_start3A_522, %dma_start3A_523] : memref<10000x64xf32, #tpu.memory_space<hbm>> -> memref<10000x64xf32, #tpu.memory_space<hbm>>
      tpu.enqueue_indirect_dma source(%dma_start3A_524 : memref<10000x64xf32, #tpu.memory_space<hbm>>) target(%arg14 : memref<80x64xf32, #tpu.memory_space<vmem>>) offsets(%dma_start3A_521 : memref<80xi32, #tpu.memory_space<vmem>>) semaphore(%arg23 : memref<!tpu.dma_semaphore, #tpu.memory_space<semaphore_mem>>)
      %add3A_525 = arith.constant 7 : i32
      %add3A_526 = arith.addi %add3A_273, %add3A_525 : i32
      %dma_wait3A_527 = arith.constant 0 : i32
      %dma_wait3A_528 = tpu.memref_slice %arg6[%add3A_526, %dma_wait3A_527] : memref<128x80xi32, #tpu.memory_space<vmem>> -> memref<1x80xi32, #tpu.memory_space<vmem>>
      %dma_wait3A_529 = tpu.memref_squeeze %dma_wait3A_528 : memref<1x80xi32, #tpu.memory_space<vmem>> -> memref<80xi32, #tpu.memory_space<vmem>>
      %dma_wait3A_530 = arith.constant 0 : i32
      %dma_wait3A_531 = arith.constant 0 : i32
      %dma_wait3A_532 = tpu.memref_slice %arg2[%dma_wait3A_530, %dma_wait3A_531] : memref<10000x64xf32, #tpu.memory_space<hbm>> -> memref<10000x64xf32, #tpu.memory_space<hbm>>
      tpu.wait_indirect_dma semaphore(%arg20 : memref<!tpu.dma_semaphore, #tpu.memory_space<semaphore_mem>>) src(%dma_wait3A_532 : memref<10000x64xf32, #tpu.memory_space<hbm>>) dst(%arg11 : memref<80x64xf32, #tpu.memory_space<vmem>>)
      %add3A_533 = arith.constant 7 : i32
      %add3A_534 = arith.addi %add3A_273, %add3A_533 : i32
      %dma_start3A_535 = arith.constant 0 : i32
      %dma_start3A_536 = tpu.memref_slice %arg7[%add3A_534, %dma_start3A_535] : memref<128x80xi32, #tpu.memory_space<vmem>> -> memref<1x80xi32, #tpu.memory_space<vmem>>
      %dma_start3A_537 = tpu.memref_squeeze %dma_start3A_536 : memref<1x80xi32, #tpu.memory_space<vmem>> -> memref<80xi32, #tpu.memory_space<vmem>>
      %dma_start3A_538 = arith.constant 0 : i32
      %dma_start3A_539 = arith.constant 0 : i32
      %dma_start3A_540 = tpu.memref_slice %arg16[%dma_start3A_538, %dma_start3A_539] : memref<10240x64xf32, #tpu.memory_space<vmem_shared>> -> memref<10240x64xf32, #tpu.memory_space<vmem_shared>>
      tpu.enqueue_indirect_dma source(%arg11 : memref<80x64xf32, #tpu.memory_space<vmem>>) target(%dma_start3A_540 : memref<10240x64xf32, #tpu.memory_space<vmem_shared>>) offsets(%dma_start3A_537 : memref<80xi32, #tpu.memory_space<vmem>>) semaphore(%arg28 : memref<!tpu.dma_semaphore, #tpu.memory_space<semaphore_mem>>) {add = true}
      %add3A_541 = arith.constant 7 : i32
      %add3A_542 = arith.addi %add3A_273, %add3A_541 : i32
      %sub3A_543 = arith.constant 4 : i32
      %sub3A_544 = arith.subi %add3A_542, %sub3A_543 : i32
      %dma_wait3A_545 = arith.constant 0 : i32
      %dma_wait3A_546 = tpu.memref_slice %arg7[%sub3A_544, %dma_wait3A_545] : memref<128x80xi32, #tpu.memory_space<vmem>> -> memref<1x80xi32, #tpu.memory_space<vmem>>
      %dma_wait3A_547 = tpu.memref_squeeze %dma_wait3A_546 : memref<1x80xi32, #tpu.memory_space<vmem>> -> memref<80xi32, #tpu.memory_space<vmem>>
      %dma_wait3A_548 = arith.constant 0 : i32
      %dma_wait3A_549 = arith.constant 0 : i32
      %dma_wait3A_550 = tpu.memref_slice %arg16[%dma_wait3A_548, %dma_wait3A_549] : memref<10240x64xf32, #tpu.memory_space<vmem_shared>> -> memref<10240x64xf32, #tpu.memory_space<vmem_shared>>
      tpu.wait_indirect_dma semaphore(%arg32 : memref<!tpu.dma_semaphore, #tpu.memory_space<semaphore_mem>>) src(%arg15 : memref<80x64xf32, #tpu.memory_space<vmem>>) dst(%dma_wait3A_550 : memref<10240x64xf32, #tpu.memory_space<vmem_shared>>)
      %add3A_551 = arith.constant 7 : i32
      %add3A_552 = arith.addi %add3A_273, %add3A_551 : i32
      %add3A_553 = arith.constant 4 : i32
      %add3A_554 = arith.addi %add3A_552, %add3A_553 : i32
      %dma_start3A_555 = arith.constant 0 : i32
      %dma_start3A_556 = tpu.memref_slice %arg6[%add3A_554, %dma_start3A_555] : memref<128x80xi32, #tpu.memory_space<vmem>> -> memref<1x80xi32, #tpu.memory_space<vmem>>
      %dma_start3A_557 = tpu.memref_squeeze %dma_start3A_556 : memref<1x80xi32, #tpu.memory_space<vmem>> -> memref<80xi32, #tpu.memory_space<vmem>>
      %dma_start3A_558 = arith.constant 0 : i32
      %dma_start3A_559 = arith.constant 0 : i32
      %dma_start3A_560 = tpu.memref_slice %arg2[%dma_start3A_558, %dma_start3A_559] : memref<10000x64xf32, #tpu.memory_space<hbm>> -> memref<10000x64xf32, #tpu.memory_space<hbm>>
      tpu.enqueue_indirect_dma source(%dma_start3A_560 : memref<10000x64xf32, #tpu.memory_space<hbm>>) target(%arg15 : memref<80x64xf32, #tpu.memory_space<vmem>>) offsets(%dma_start3A_557 : memref<80xi32, #tpu.memory_space<vmem>>) semaphore(%arg24 : memref<!tpu.dma_semaphore, #tpu.memory_space<semaphore_mem>>)
    }
    %scan3A_146 = arith.constant 15 : i32
    %dma_wait3A_147 = arith.constant 124 : i32
    %dma_wait3A_148 = arith.constant 0 : i32
    %dma_wait3A_149 = tpu.memref_slice %arg6[%dma_wait3A_147, %dma_wait3A_148] : memref<128x80xi32, #tpu.memory_space<vmem>> -> memref<1x80xi32, #tpu.memory_space<vmem>>
    %dma_wait3A_150 = tpu.memref_squeeze %dma_wait3A_149 : memref<1x80xi32, #tpu.memory_space<vmem>> -> memref<80xi32, #tpu.memory_space<vmem>>
    %dma_wait3A_151 = arith.constant 0 : i32
    %dma_wait3A_152 = arith.constant 0 : i32
    %dma_wait3A_153 = tpu.memref_slice %arg2[%dma_wait3A_151, %dma_wait3A_152] : memref<10000x64xf32, #tpu.memory_space<hbm>> -> memref<10000x64xf32, #tpu.memory_space<hbm>>
    tpu.wait_indirect_dma semaphore(%arg21 : memref<!tpu.dma_semaphore, #tpu.memory_space<semaphore_mem>>) src(%dma_wait3A_153 : memref<10000x64xf32, #tpu.memory_space<hbm>>) dst(%arg12 : memref<80x64xf32, #tpu.memory_space<vmem>>)
    %dma_start3A_154 = arith.constant 124 : i32
    %dma_start3A_155 = arith.constant 0 : i32
    %dma_start3A_156 = tpu.memref_slice %arg7[%dma_start3A_154, %dma_start3A_155] : memref<128x80xi32, #tpu.memory_space<vmem>> -> memref<1x80xi32, #tpu.memory_space<vmem>>
    %dma_start3A_157 = tpu.memref_squeeze %dma_start3A_156 : memref<1x80xi32, #tpu.memory_space<vmem>> -> memref<80xi32, #tpu.memory_space<vmem>>
    %dma_start3A_158 = arith.constant 0 : i32
    %dma_start3A_159 = arith.constant 0 : i32
    %dma_start3A_160 = tpu.memref_slice %arg16[%dma_start3A_158, %dma_start3A_159] : memref<10240x64xf32, #tpu.memory_space<vmem_shared>> -> memref<10240x64xf32, #tpu.memory_space<vmem_shared>>
    tpu.enqueue_indirect_dma source(%arg12 : memref<80x64xf32, #tpu.memory_space<vmem>>) target(%dma_start3A_160 : memref<10240x64xf32, #tpu.memory_space<vmem_shared>>) offsets(%dma_start3A_157 : memref<80xi32, #tpu.memory_space<vmem>>) semaphore(%arg29 : memref<!tpu.dma_semaphore, #tpu.memory_space<semaphore_mem>>) {add = true}
    %dma_wait3A_161 = arith.constant 120 : i32
    %dma_wait3A_162 = arith.constant 0 : i32
    %dma_wait3A_163 = tpu.memref_slice %arg7[%dma_wait3A_161, %dma_wait3A_162] : memref<128x80xi32, #tpu.memory_space<vmem>> -> memref<1x80xi32, #tpu.memory_space<vmem>>
    %dma_wait3A_164 = tpu.memref_squeeze %dma_wait3A_163 : memref<1x80xi32, #tpu.memory_space<vmem>> -> memref<80xi32, #tpu.memory_space<vmem>>
    %dma_wait3A_165 = arith.constant 0 : i32
    %dma_wait3A_166 = arith.constant 0 : i32
    %dma_wait3A_167 = tpu.memref_slice %arg16[%dma_wait3A_165, %dma_wait3A_166] : memref<10240x64xf32, #tpu.memory_space<vmem_shared>> -> memref<10240x64xf32, #tpu.memory_space<vmem_shared>>
    tpu.wait_indirect_dma semaphore(%arg25 : memref<!tpu.dma_semaphore, #tpu.memory_space<semaphore_mem>>) src(%arg8 : memref<80x64xf32, #tpu.memory_space<vmem>>) dst(%dma_wait3A_167 : memref<10240x64xf32, #tpu.memory_space<vmem_shared>>)
    %dma_wait3A_168 = arith.constant 125 : i32
    %dma_wait3A_169 = arith.constant 0 : i32
    %dma_wait3A_170 = tpu.memref_slice %arg6[%dma_wait3A_168, %dma_wait3A_169] : memref<128x80xi32, #tpu.memory_space<vmem>> -> memref<1x80xi32, #tpu.memory_space<vmem>>
    %dma_wait3A_171 = tpu.memref_squeeze %dma_wait3A_170 : memref<1x80xi32, #tpu.memory_space<vmem>> -> memref<80xi32, #tpu.memory_space<vmem>>
    %dma_wait3A_172 = arith.constant 0 : i32
    %dma_wait3A_173 = arith.constant 0 : i32
    %dma_wait3A_174 = tpu.memref_slice %arg2[%dma_wait3A_172, %dma_wait3A_173] : memref<10000x64xf32, #tpu.memory_space<hbm>> -> memref<10000x64xf32, #tpu.memory_space<hbm>>
    tpu.wait_indirect_dma semaphore(%arg22 : memref<!tpu.dma_semaphore, #tpu.memory_space<semaphore_mem>>) src(%dma_wait3A_174 : memref<10000x64xf32, #tpu.memory_space<hbm>>) dst(%arg13 : memref<80x64xf32, #tpu.memory_space<vmem>>)
    %dma_start3A_175 = arith.constant 125 : i32
    %dma_start3A_176 = arith.constant 0 : i32
    %dma_start3A_177 = tpu.memref_slice %arg7[%dma_start3A_175, %dma_start3A_176] : memref<128x80xi32, #tpu.memory_space<vmem>> -> memref<1x80xi32, #tpu.memory_space<vmem>>
    %dma_start3A_178 = tpu.memref_squeeze %dma_start3A_177 : memref<1x80xi32, #tpu.memory_space<vmem>> -> memref<80xi32, #tpu.memory_space<vmem>>
    %dma_start3A_179 = arith.constant 0 : i32
    %dma_start3A_180 = arith.constant 0 : i32
    %dma_start3A_181 = tpu.memref_slice %arg16[%dma_start3A_179, %dma_start3A_180] : memref<10240x64xf32, #tpu.memory_space<vmem_shared>> -> memref<10240x64xf32, #tpu.memory_space<vmem_shared>>
    tpu.enqueue_indirect_dma source(%arg13 : memref<80x64xf32, #tpu.memory_space<vmem>>) target(%dma_start3A_181 : memref<10240x64xf32, #tpu.memory_space<vmem_shared>>) offsets(%dma_start3A_178 : memref<80xi32, #tpu.memory_space<vmem>>) semaphore(%arg30 : memref<!tpu.dma_semaphore, #tpu.memory_space<semaphore_mem>>) {add = true}
    %dma_wait3A_182 = arith.constant 121 : i32
    %dma_wait3A_183 = arith.constant 0 : i32
    %dma_wait3A_184 = tpu.memref_slice %arg7[%dma_wait3A_182, %dma_wait3A_183] : memref<128x80xi32, #tpu.memory_space<vmem>> -> memref<1x80xi32, #tpu.memory_space<vmem>>
    %dma_wait3A_185 = tpu.memref_squeeze %dma_wait3A_184 : memref<1x80xi32, #tpu.memory_space<vmem>> -> memref<80xi32, #tpu.memory_space<vmem>>
    %dma_wait3A_186 = arith.constant 0 : i32
    %dma_wait3A_187 = arith.constant 0 : i32
    %dma_wait3A_188 = tpu.memref_slice %arg16[%dma_wait3A_186, %dma_wait3A_187] : memref<10240x64xf32, #tpu.memory_space<vmem_shared>> -> memref<10240x64xf32, #tpu.memory_space<vmem_shared>>
    tpu.wait_indirect_dma semaphore(%arg26 : memref<!tpu.dma_semaphore, #tpu.memory_space<semaphore_mem>>) src(%arg9 : memref<80x64xf32, #tpu.memory_space<vmem>>) dst(%dma_wait3A_188 : memref<10240x64xf32, #tpu.memory_space<vmem_shared>>)
    %dma_wait3A_189 = arith.constant 126 : i32
    %dma_wait3A_190 = arith.constant 0 : i32
    %dma_wait3A_191 = tpu.memref_slice %arg6[%dma_wait3A_189, %dma_wait3A_190] : memref<128x80xi32, #tpu.memory_space<vmem>> -> memref<1x80xi32, #tpu.memory_space<vmem>>
    %dma_wait3A_192 = tpu.memref_squeeze %dma_wait3A_191 : memref<1x80xi32, #tpu.memory_space<vmem>> -> memref<80xi32, #tpu.memory_space<vmem>>
    %dma_wait3A_193 = arith.constant 0 : i32
    %dma_wait3A_194 = arith.constant 0 : i32
    %dma_wait3A_195 = tpu.memref_slice %arg2[%dma_wait3A_193, %dma_wait3A_194] : memref<10000x64xf32, #tpu.memory_space<hbm>> -> memref<10000x64xf32, #tpu.memory_space<hbm>>
    tpu.wait_indirect_dma semaphore(%arg23 : memref<!tpu.dma_semaphore, #tpu.memory_space<semaphore_mem>>) src(%dma_wait3A_195 : memref<10000x64xf32, #tpu.memory_space<hbm>>) dst(%arg14 : memref<80x64xf32, #tpu.memory_space<vmem>>)
    %dma_start3A_196 = arith.constant 126 : i32
    %dma_start3A_197 = arith.constant 0 : i32
    %dma_start3A_198 = tpu.memref_slice %arg7[%dma_start3A_196, %dma_start3A_197] : memref<128x80xi32, #tpu.memory_space<vmem>> -> memref<1x80xi32, #tpu.memory_space<vmem>>
    %dma_start3A_199 = tpu.memref_squeeze %dma_start3A_198 : memref<1x80xi32, #tpu.memory_space<vmem>> -> memref<80xi32, #tpu.memory_space<vmem>>
    %dma_start3A_200 = arith.constant 0 : i32
    %dma_start3A_201 = arith.constant 0 : i32
    %dma_start3A_202 = tpu.memref_slice %arg16[%dma_start3A_200, %dma_start3A_201] : memref<10240x64xf32, #tpu.memory_space<vmem_shared>> -> memref<10240x64xf32, #tpu.memory_space<vmem_shared>>
    tpu.enqueue_indirect_dma source(%arg14 : memref<80x64xf32, #tpu.memory_space<vmem>>) target(%dma_start3A_202 : memref<10240x64xf32, #tpu.memory_space<vmem_shared>>) offsets(%dma_start3A_199 : memref<80xi32, #tpu.memory_space<vmem>>) semaphore(%arg31 : memref<!tpu.dma_semaphore, #tpu.memory_space<semaphore_mem>>) {add = true}
    %dma_wait3A_203 = arith.constant 122 : i32
    %dma_wait3A_204 = arith.constant 0 : i32
    %dma_wait3A_205 = tpu.memref_slice %arg7[%dma_wait3A_203, %dma_wait3A_204] : memref<128x80xi32, #tpu.memory_space<vmem>> -> memref<1x80xi32, #tpu.memory_space<vmem>>
    %dma_wait3A_206 = tpu.memref_squeeze %dma_wait3A_205 : memref<1x80xi32, #tpu.memory_space<vmem>> -> memref<80xi32, #tpu.memory_space<vmem>>
    %dma_wait3A_207 = arith.constant 0 : i32
    %dma_wait3A_208 = arith.constant 0 : i32
    %dma_wait3A_209 = tpu.memref_slice %arg16[%dma_wait3A_207, %dma_wait3A_208] : memref<10240x64xf32, #tpu.memory_space<vmem_shared>> -> memref<10240x64xf32, #tpu.memory_space<vmem_shared>>
    tpu.wait_indirect_dma semaphore(%arg27 : memref<!tpu.dma_semaphore, #tpu.memory_space<semaphore_mem>>) src(%arg10 : memref<80x64xf32, #tpu.memory_space<vmem>>) dst(%dma_wait3A_209 : memref<10240x64xf32, #tpu.memory_space<vmem_shared>>)
    %dma_wait3A_210 = arith.constant 127 : i32
    %dma_wait3A_211 = arith.constant 0 : i32
    %dma_wait3A_212 = tpu.memref_slice %arg6[%dma_wait3A_210, %dma_wait3A_211] : memref<128x80xi32, #tpu.memory_space<vmem>> -> memref<1x80xi32, #tpu.memory_space<vmem>>
    %dma_wait3A_213 = tpu.memref_squeeze %dma_wait3A_212 : memref<1x80xi32, #tpu.memory_space<vmem>> -> memref<80xi32, #tpu.memory_space<vmem>>
    %dma_wait3A_214 = arith.constant 0 : i32
    %dma_wait3A_215 = arith.constant 0 : i32
    %dma_wait3A_216 = tpu.memref_slice %arg2[%dma_wait3A_214, %dma_wait3A_215] : memref<10000x64xf32, #tpu.memory_space<hbm>> -> memref<10000x64xf32, #tpu.memory_space<hbm>>
    tpu.wait_indirect_dma semaphore(%arg24 : memref<!tpu.dma_semaphore, #tpu.memory_space<semaphore_mem>>) src(%dma_wait3A_216 : memref<10000x64xf32, #tpu.memory_space<hbm>>) dst(%arg15 : memref<80x64xf32, #tpu.memory_space<vmem>>)
    %dma_start3A_217 = arith.constant 127 : i32
    %dma_start3A_218 = arith.constant 0 : i32
    %dma_start3A_219 = tpu.memref_slice %arg7[%dma_start3A_217, %dma_start3A_218] : memref<128x80xi32, #tpu.memory_space<vmem>> -> memref<1x80xi32, #tpu.memory_space<vmem>>
    %dma_start3A_220 = tpu.memref_squeeze %dma_start3A_219 : memref<1x80xi32, #tpu.memory_space<vmem>> -> memref<80xi32, #tpu.memory_space<vmem>>
    %dma_start3A_221 = arith.constant 0 : i32
    %dma_start3A_222 = arith.constant 0 : i32
    %dma_start3A_223 = tpu.memref_slice %arg16[%dma_start3A_221, %dma_start3A_222] : memref<10240x64xf32, #tpu.memory_space<vmem_shared>> -> memref<10240x64xf32, #tpu.memory_space<vmem_shared>>
    tpu.enqueue_indirect_dma source(%arg15 : memref<80x64xf32, #tpu.memory_space<vmem>>) target(%dma_start3A_223 : memref<10240x64xf32, #tpu.memory_space<vmem_shared>>) offsets(%dma_start3A_220 : memref<80xi32, #tpu.memory_space<vmem>>) semaphore(%arg32 : memref<!tpu.dma_semaphore, #tpu.memory_space<semaphore_mem>>) {add = true}
    %dma_wait3A_224 = arith.constant 123 : i32
    %dma_wait3A_225 = arith.constant 0 : i32
    %dma_wait3A_226 = tpu.memref_slice %arg7[%dma_wait3A_224, %dma_wait3A_225] : memref<128x80xi32, #tpu.memory_space<vmem>> -> memref<1x80xi32, #tpu.memory_space<vmem>>
    %dma_wait3A_227 = tpu.memref_squeeze %dma_wait3A_226 : memref<1x80xi32, #tpu.memory_space<vmem>> -> memref<80xi32, #tpu.memory_space<vmem>>
    %dma_wait3A_228 = arith.constant 0 : i32
    %dma_wait3A_229 = arith.constant 0 : i32
    %dma_wait3A_230 = tpu.memref_slice %arg16[%dma_wait3A_228, %dma_wait3A_229] : memref<10240x64xf32, #tpu.memory_space<vmem_shared>> -> memref<10240x64xf32, #tpu.memory_space<vmem_shared>>
    tpu.wait_indirect_dma semaphore(%arg28 : memref<!tpu.dma_semaphore, #tpu.memory_space<semaphore_mem>>) src(%arg11 : memref<80x64xf32, #tpu.memory_space<vmem>>) dst(%dma_wait3A_230 : memref<10240x64xf32, #tpu.memory_space<vmem_shared>>)
    %dma_wait3A_231 = arith.constant 124 : i32
    %dma_wait3A_232 = arith.constant 0 : i32
    %dma_wait3A_233 = tpu.memref_slice %arg7[%dma_wait3A_231, %dma_wait3A_232] : memref<128x80xi32, #tpu.memory_space<vmem>> -> memref<1x80xi32, #tpu.memory_space<vmem>>
    %dma_wait3A_234 = tpu.memref_squeeze %dma_wait3A_233 : memref<1x80xi32, #tpu.memory_space<vmem>> -> memref<80xi32, #tpu.memory_space<vmem>>
    %dma_wait3A_235 = arith.constant 0 : i32
    %dma_wait3A_236 = arith.constant 0 : i32
    %dma_wait3A_237 = tpu.memref_slice %arg16[%dma_wait3A_235, %dma_wait3A_236] : memref<10240x64xf32, #tpu.memory_space<vmem_shared>> -> memref<10240x64xf32, #tpu.memory_space<vmem_shared>>
    tpu.wait_indirect_dma semaphore(%arg29 : memref<!tpu.dma_semaphore, #tpu.memory_space<semaphore_mem>>) src(%arg12 : memref<80x64xf32, #tpu.memory_space<vmem>>) dst(%dma_wait3A_237 : memref<10240x64xf32, #tpu.memory_space<vmem_shared>>)
    %dma_wait3A_238 = arith.constant 125 : i32
    %dma_wait3A_239 = arith.constant 0 : i32
    %dma_wait3A_240 = tpu.memref_slice %arg7[%dma_wait3A_238, %dma_wait3A_239] : memref<128x80xi32, #tpu.memory_space<vmem>> -> memref<1x80xi32, #tpu.memory_space<vmem>>
    %dma_wait3A_241 = tpu.memref_squeeze %dma_wait3A_240 : memref<1x80xi32, #tpu.memory_space<vmem>> -> memref<80xi32, #tpu.memory_space<vmem>>
    %dma_wait3A_242 = arith.constant 0 : i32
    %dma_wait3A_243 = arith.constant 0 : i32
    %dma_wait3A_244 = tpu.memref_slice %arg16[%dma_wait3A_242, %dma_wait3A_243] : memref<10240x64xf32, #tpu.memory_space<vmem_shared>> -> memref<10240x64xf32, #tpu.memory_space<vmem_shared>>
    tpu.wait_indirect_dma semaphore(%arg30 : memref<!tpu.dma_semaphore, #tpu.memory_space<semaphore_mem>>) src(%arg13 : memref<80x64xf32, #tpu.memory_space<vmem>>) dst(%dma_wait3A_244 : memref<10240x64xf32, #tpu.memory_space<vmem_shared>>)
    %dma_wait3A_245 = arith.constant 126 : i32
    %dma_wait3A_246 = arith.constant 0 : i32
    %dma_wait3A_247 = tpu.memref_slice %arg7[%dma_wait3A_245, %dma_wait3A_246] : memref<128x80xi32, #tpu.memory_space<vmem>> -> memref<1x80xi32, #tpu.memory_space<vmem>>
    %dma_wait3A_248 = tpu.memref_squeeze %dma_wait3A_247 : memref<1x80xi32, #tpu.memory_space<vmem>> -> memref<80xi32, #tpu.memory_space<vmem>>
    %dma_wait3A_249 = arith.constant 0 : i32
    %dma_wait3A_250 = arith.constant 0 : i32
    %dma_wait3A_251 = tpu.memref_slice %arg16[%dma_wait3A_249, %dma_wait3A_250] : memref<10240x64xf32, #tpu.memory_space<vmem_shared>> -> memref<10240x64xf32, #tpu.memory_space<vmem_shared>>
    tpu.wait_indirect_dma semaphore(%arg31 : memref<!tpu.dma_semaphore, #tpu.memory_space<semaphore_mem>>) src(%arg14 : memref<80x64xf32, #tpu.memory_space<vmem>>) dst(%dma_wait3A_251 : memref<10240x64xf32, #tpu.memory_space<vmem_shared>>)
    %dma_wait3A_252 = arith.constant 127 : i32
    %dma_wait3A_253 = arith.constant 0 : i32
    %dma_wait3A_254 = tpu.memref_slice %arg7[%dma_wait3A_252, %dma_wait3A_253] : memref<128x80xi32, #tpu.memory_space<vmem>> -> memref<1x80xi32, #tpu.memory_space<vmem>>
    %dma_wait3A_255 = tpu.memref_squeeze %dma_wait3A_254 : memref<1x80xi32, #tpu.memory_space<vmem>> -> memref<80xi32, #tpu.memory_space<vmem>>
    %dma_wait3A_256 = arith.constant 0 : i32
    %dma_wait3A_257 = arith.constant 0 : i32
    %dma_wait3A_258 = tpu.memref_slice %arg16[%dma_wait3A_256, %dma_wait3A_257] : memref<10240x64xf32, #tpu.memory_space<vmem_shared>> -> memref<10240x64xf32, #tpu.memory_space<vmem_shared>>
    tpu.wait_indirect_dma semaphore(%arg32 : memref<!tpu.dma_semaphore, #tpu.memory_space<semaphore_mem>>) src(%arg15 : memref<80x64xf32, #tpu.memory_space<vmem>>) dst(%dma_wait3A_258 : memref<10240x64xf32, #tpu.memory_space<vmem_shared>>)
    %barrier3A_259 = arith.constant 0 : index
    tpu.barrier barrier_id(%barrier3A_259)
    %lt3A_260 = arith.constant 15 : i32
    %lt3A_261 = arith.cmpi slt, %arg1, %lt3A_260 : i32
    %convert_element_type3A_262 = arith.extui %lt3A_261 : i1 to i32
    %cond3A_263 = arith.constant 0 : i32
    %cond3A_264 = arith.cmpi ne, %convert_element_type3A_262, %cond3A_263 : i32
    scf.if %cond3A_264 {
      "tpu.region"() ({
        %run_scoped3A = tpu.sem_alloc : memref<!tpu.dma_semaphore, #tpu.memory_space<semaphore_mem>>
        %dma_start3A_269 = arith.constant 0 : i32
        %dma_start3A_270 = tpu.memref_slice %arg5[%arg0, %mul3A_8, %dma_start3A_269] : memref<2x10000x64xf32, #tpu.memory_space<hbm>> -> memref<1x640x64xf32, #tpu.memory_space<hbm>>
        %dma_start3A_271 = tpu.memref_squeeze %dma_start3A_270 : memref<1x640x64xf32, #tpu.memory_space<hbm>> -> memref<640x64xf32, #tpu.memory_space<hbm>>
        %dma_start3A_272 = arith.constant 0 : i32
        %dma_start3A_273 = tpu.memref_slice %arg16[%mul3A_8, %dma_start3A_272] : memref<10240x64xf32, #tpu.memory_space<vmem_shared>> -> memref<640x64xf32, #tpu.memory_space<vmem_shared>>
        tpu.enqueue_dma source(%dma_start3A_273 : memref<640x64xf32, #tpu.memory_space<vmem_shared>>) target(%dma_start3A_271 : memref<640x64xf32, #tpu.memory_space<hbm>>) target_semaphore(%run_scoped3A : memref<!tpu.dma_semaphore, #tpu.memory_space<semaphore_mem>>)
        %dma_wait3A_274 = arith.constant 0 : i32
        %dma_wait3A_275 = tpu.memref_slice %arg5[%arg0, %mul3A_8, %dma_wait3A_274] : memref<2x10000x64xf32, #tpu.memory_space<hbm>> -> memref<1x640x64xf32, #tpu.memory_space<hbm>>
        %dma_wait3A_276 = tpu.memref_squeeze %dma_wait3A_275 : memref<1x640x64xf32, #tpu.memory_space<hbm>> -> memref<640x64xf32, #tpu.memory_space<hbm>>
        %dma_wait3A_277 = arith.constant 0 : i32
        %dma_wait3A_278 = tpu.memref_slice %arg16[%mul3A_8, %dma_wait3A_277] : memref<10240x64xf32, #tpu.memory_space<vmem_shared>> -> memref<640x64xf32, #tpu.memory_space<vmem_shared>>
        tpu.wait_dma2 semaphore(%run_scoped3A : memref<!tpu.dma_semaphore, #tpu.memory_space<semaphore_mem>>) src(%dma_wait3A_278 : memref<640x64xf32, #tpu.memory_space<vmem_shared>>) dst(%dma_wait3A_276 : memref<640x64xf32, #tpu.memory_space<hbm>>)
        tpu.yield
      }) : () -> ()
    } else {
    }
    %eq3A = arith.constant 15 : i32
    %eq3A_265 = arith.cmpi eq, %arg1, %eq3A : i32
    %convert_element_type3A_266 = arith.extui %eq3A_265 : i1 to i32
    %cond3A_267 = arith.constant 0 : i32
    %cond3A_268 = arith.cmpi ne, %convert_element_type3A_266, %cond3A_267 : i32
    scf.if %cond3A_268 {
      "tpu.region"() ({
        %run_scoped3A = tpu.sem_alloc : memref<!tpu.dma_semaphore, #tpu.memory_space<semaphore_mem>>
        %dma_start3A_269 = arith.constant 9600 : i32
        %dma_start3A_270 = arith.constant 0 : i32
        %dma_start3A_271 = tpu.memref_slice %arg5[%arg0, %dma_start3A_269, %dma_start3A_270] : memref<2x10000x64xf32, #tpu.memory_space<hbm>> -> memref<1x400x64xf32, #tpu.memory_space<hbm>>
        %dma_start3A_272 = tpu.memref_squeeze %dma_start3A_271 : memref<1x400x64xf32, #tpu.memory_space<hbm>> -> memref<400x64xf32, #tpu.memory_space<hbm>>
        %dma_start3A_273 = arith.constant 9600 : i32
        %dma_start3A_274 = arith.constant 0 : i32
        %dma_start3A_275 = tpu.memref_slice %arg16[%dma_start3A_273, %dma_start3A_274] : memref<10240x64xf32, #tpu.memory_space<vmem_shared>> -> memref<400x64xf32, #tpu.memory_space<vmem_shared>>
        tpu.enqueue_dma source(%dma_start3A_275 : memref<400x64xf32, #tpu.memory_space<vmem_shared>>) target(%dma_start3A_272 : memref<400x64xf32, #tpu.memory_space<hbm>>) target_semaphore(%run_scoped3A : memref<!tpu.dma_semaphore, #tpu.memory_space<semaphore_mem>>)
        %dma_wait3A_276 = arith.constant 9600 : i32
        %dma_wait3A_277 = arith.constant 0 : i32
        %dma_wait3A_278 = tpu.memref_slice %arg5[%arg0, %dma_wait3A_276, %dma_wait3A_277] : memref<2x10000x64xf32, #tpu.memory_space<hbm>> -> memref<1x400x64xf32, #tpu.memory_space<hbm>>
        %dma_wait3A_279 = tpu.memref_squeeze %dma_wait3A_278 : memref<1x400x64xf32, #tpu.memory_space<hbm>> -> memref<400x64xf32, #tpu.memory_space<hbm>>
        %dma_wait3A_280 = arith.constant 9600 : i32
        %dma_wait3A_281 = arith.constant 0 : i32
        %dma_wait3A_282 = tpu.memref_slice %arg16[%dma_wait3A_280, %dma_wait3A_281] : memref<10240x64xf32, #tpu.memory_space<vmem_shared>> -> memref<400x64xf32, #tpu.memory_space<vmem_shared>>
        tpu.wait_dma2 semaphore(%run_scoped3A : memref<!tpu.dma_semaphore, #tpu.memory_space<semaphore_mem>>) src(%dma_wait3A_282 : memref<400x64xf32, #tpu.memory_space<vmem_shared>>) dst(%dma_wait3A_279 : memref<400x64xf32, #tpu.memory_space<hbm>>)
        tpu.yield
      }) : () -> ()
    } else {
    }
    return
  }
}

#map = affine_map<(d0, d1) -> (0, 0)>
#map1 = affine_map<(d0, d1) -> (0, 0, 0)>
module attributes {stable_mosaic.version = 14 : i64} {
  func.func @_edge_kernel(%arg0: i32, %arg1: i32, %arg2: memref<10000x64xf32, #tpu.memory_space<hbm>>, %arg3: memref<32x128x80xi32, #tpu.memory_space<hbm>>, %arg4: memref<32x128x80xi32, #tpu.memory_space<hbm>>, %arg5: memref<2x10000x64xf32, #tpu.memory_space<hbm>>, %arg6: memref<128x80xi32, #tpu.memory_space<vmem>>, %arg7: memref<128x80xi32, #tpu.memory_space<vmem>>, %arg8: memref<80x64xf32, #tpu.memory_space<vmem>>, %arg9: memref<80x64xf32, #tpu.memory_space<vmem>>, %arg10: memref<80x64xf32, #tpu.memory_space<vmem>>, %arg11: memref<80x64xf32, #tpu.memory_space<vmem>>, %arg12: memref<80x64xf32, #tpu.memory_space<vmem>>, %arg13: memref<80x64xf32, #tpu.memory_space<vmem>>, %arg14: memref<80x64xf32, #tpu.memory_space<vmem>>, %arg15: memref<80x64xf32, #tpu.memory_space<vmem>>, %arg16: memref<10240x64xf32, #tpu.memory_space<vmem_shared>>, %arg17: memref<!tpu.dma_semaphore, #tpu.memory_space<semaphore_mem>>, %arg18: memref<!tpu.dma_semaphore, #tpu.memory_space<semaphore_mem>>, %arg19: memref<!tpu.dma_semaphore, #tpu.memory_space<semaphore_mem>>, %arg20: memref<!tpu.dma_semaphore, #tpu.memory_space<semaphore_mem>>, %arg21: memref<!tpu.dma_semaphore, #tpu.memory_space<semaphore_mem>>, %arg22: memref<!tpu.dma_semaphore, #tpu.memory_space<semaphore_mem>>, %arg23: memref<!tpu.dma_semaphore, #tpu.memory_space<semaphore_mem>>, %arg24: memref<!tpu.dma_semaphore, #tpu.memory_space<semaphore_mem>>, %arg25: memref<!tpu.dma_semaphore, #tpu.memory_space<semaphore_mem>>, %arg26: memref<!tpu.dma_semaphore, #tpu.memory_space<semaphore_mem>>, %arg27: memref<!tpu.dma_semaphore, #tpu.memory_space<semaphore_mem>>, %arg28: memref<!tpu.dma_semaphore, #tpu.memory_space<semaphore_mem>>, %arg29: memref<!tpu.dma_semaphore, #tpu.memory_space<semaphore_mem>>, %arg30: memref<!tpu.dma_semaphore, #tpu.memory_space<semaphore_mem>>, %arg31: memref<!tpu.dma_semaphore, #tpu.memory_space<semaphore_mem>>, %arg32: memref<!tpu.dma_semaphore, #tpu.memory_space<semaphore_mem>>) attributes {dimension_semantics = [#tpu.dimension_semantics<core_parallel>, #tpu.dimension_semantics<subcore_parallel>], iteration_bounds = array<i64: 2, 16>, scalar_prefetch = 0 : i64, scratch_operands = 27 : i64, tpu.core_type = #tpu.core_type<sc_vector_subcore>, window_params = [{transform_indices = #map}, {transform_indices = #map1}, {transform_indices = #map1}, {transform_indices = #map1}]} {
    %mul3A = arith.constant 2 : i32
    %mul3A_0 = arith.muli %arg1, %mul3A : i32
    %add3A = arith.addi %mul3A_0, %arg0 : i32
    "tpu.region"() ({
      %run_scoped3A = tpu.sem_alloc : memref<!tpu.dma_semaphore, #tpu.memory_space<semaphore_mem>>
      %dma_start3A_269 = arith.constant 0 : i32
      %dma_start3A_270 = arith.constant 0 : i32
      %dma_start3A_271 = tpu.memref_slice %arg3[%add3A, %dma_start3A_269, %dma_start3A_270] : memref<32x128x80xi32, #tpu.memory_space<hbm>> -> memref<1x128x80xi32, #tpu.memory_space<hbm>>
      %dma_start3A_272 = tpu.memref_squeeze %dma_start3A_271 : memref<1x128x80xi32, #tpu.memory_space<hbm>> -> memref<128x80xi32, #tpu.memory_space<hbm>>
      %dma_start3A_273 = arith.constant 0 : i32
      %dma_start3A_274 = arith.constant 0 : i32
      %dma_start3A_275 = tpu.memref_slice %arg3[%add3A, %dma_start3A_273, %dma_start3A_274] : memref<32x128x80xi32, #tpu.memory_space<hbm>> -> memref<1x128x80xi32, #tpu.memory_space<hbm>>
      %dma_start3A_276 = tpu.memref_squeeze %dma_start3A_275 : memref<1x128x80xi32, #tpu.memory_space<hbm>> -> memref<128x80xi32, #tpu.memory_space<hbm>>
      tpu.enqueue_dma source(%dma_start3A_276 : memref<128x80xi32, #tpu.memory_space<hbm>>) target(%arg6 : memref<128x80xi32, #tpu.memory_space<vmem>>) target_semaphore(%run_scoped3A : memref<!tpu.dma_semaphore, #tpu.memory_space<semaphore_mem>>)
      %dma_wait3A_277 = arith.constant 0 : i32
      %dma_wait3A_278 = arith.constant 0 : i32
      %dma_wait3A_279 = tpu.memref_slice %arg3[%add3A, %dma_wait3A_277, %dma_wait3A_278] : memref<32x128x80xi32, #tpu.memory_space<hbm>> -> memref<1x128x80xi32, #tpu.memory_space<hbm>>
      %dma_wait3A_280 = tpu.memref_squeeze %dma_wait3A_279 : memref<1x128x80xi32, #tpu.memory_space<hbm>> -> memref<128x80xi32, #tpu.memory_space<hbm>>
      %dma_wait3A_281 = arith.constant 0 : i32
      %dma_wait3A_282 = arith.constant 0 : i32
      %dma_wait3A_283 = tpu.memref_slice %arg3[%add3A, %dma_wait3A_281, %dma_wait3A_282] : memref<32x128x80xi32, #tpu.memory_space<hbm>> -> memref<1x128x80xi32, #tpu.memory_space<hbm>>
      %dma_wait3A_284 = tpu.memref_squeeze %dma_wait3A_283 : memref<1x128x80xi32, #tpu.memory_space<hbm>> -> memref<128x80xi32, #tpu.memory_space<hbm>>
      tpu.wait_dma2 semaphore(%run_scoped3A : memref<!tpu.dma_semaphore, #tpu.memory_space<semaphore_mem>>) src(%dma_wait3A_284 : memref<128x80xi32, #tpu.memory_space<hbm>>) dst(%arg6 : memref<128x80xi32, #tpu.memory_space<vmem>>)
      tpu.yield
    }) : () -> ()
    "tpu.region"() ({
      %run_scoped3A = tpu.sem_alloc : memref<!tpu.dma_semaphore, #tpu.memory_space<semaphore_mem>>
      %dma_start3A_269 = arith.constant 0 : i32
      %dma_start3A_270 = arith.constant 0 : i32
      %dma_start3A_271 = tpu.memref_slice %arg4[%add3A, %dma_start3A_269, %dma_start3A_270] : memref<32x128x80xi32, #tpu.memory_space<hbm>> -> memref<1x128x80xi32, #tpu.memory_space<hbm>>
      %dma_start3A_272 = tpu.memref_squeeze %dma_start3A_271 : memref<1x128x80xi32, #tpu.memory_space<hbm>> -> memref<128x80xi32, #tpu.memory_space<hbm>>
      %dma_start3A_273 = arith.constant 0 : i32
      %dma_start3A_274 = arith.constant 0 : i32
      %dma_start3A_275 = tpu.memref_slice %arg4[%add3A, %dma_start3A_273, %dma_start3A_274] : memref<32x128x80xi32, #tpu.memory_space<hbm>> -> memref<1x128x80xi32, #tpu.memory_space<hbm>>
      %dma_start3A_276 = tpu.memref_squeeze %dma_start3A_275 : memref<1x128x80xi32, #tpu.memory_space<hbm>> -> memref<128x80xi32, #tpu.memory_space<hbm>>
      tpu.enqueue_dma source(%dma_start3A_276 : memref<128x80xi32, #tpu.memory_space<hbm>>) target(%arg7 : memref<128x80xi32, #tpu.memory_space<vmem>>) target_semaphore(%run_scoped3A : memref<!tpu.dma_semaphore, #tpu.memory_space<semaphore_mem>>)
      %dma_wait3A_277 = arith.constant 0 : i32
      %dma_wait3A_278 = arith.constant 0 : i32
      %dma_wait3A_279 = tpu.memref_slice %arg4[%add3A, %dma_wait3A_277, %dma_wait3A_278] : memref<32x128x80xi32, #tpu.memory_space<hbm>> -> memref<1x128x80xi32, #tpu.memory_space<hbm>>
      %dma_wait3A_280 = tpu.memref_squeeze %dma_wait3A_279 : memref<1x128x80xi32, #tpu.memory_space<hbm>> -> memref<128x80xi32, #tpu.memory_space<hbm>>
      %dma_wait3A_281 = arith.constant 0 : i32
      %dma_wait3A_282 = arith.constant 0 : i32
      %dma_wait3A_283 = tpu.memref_slice %arg4[%add3A, %dma_wait3A_281, %dma_wait3A_282] : memref<32x128x80xi32, #tpu.memory_space<hbm>> -> memref<1x128x80xi32, #tpu.memory_space<hbm>>
      %dma_wait3A_284 = tpu.memref_squeeze %dma_wait3A_283 : memref<1x128x80xi32, #tpu.memory_space<hbm>> -> memref<128x80xi32, #tpu.memory_space<hbm>>
      tpu.wait_dma2 semaphore(%run_scoped3A : memref<!tpu.dma_semaphore, #tpu.memory_space<semaphore_mem>>) src(%dma_wait3A_284 : memref<128x80xi32, #tpu.memory_space<hbm>>) dst(%arg7 : memref<128x80xi32, #tpu.memory_space<vmem>>)
      tpu.yield
    }) : () -> ()
    %broadcast_in_dim3A = arith.constant 0.000000e+00 : f32
    %broadcast_in_dim3A_1 = vector.broadcast %broadcast_in_dim3A : f32 to vector<16xf32>
    %scan3A = arith.constant 0 : i32
    %scan3A_2 = arith.constant 0 : i32
    %scan3A_3 = arith.constant 80 : i32
    %scan3A_4 = arith.addi %scan3A_2, %scan3A_3 : i32
    %scan3A_5 = arith.constant 1 : i32
    scf.for %scan3A_269 = %scan3A_2 to %scan3A_4 step %scan3A_5  : i32 {
      %scan3A_270 = arith.constant 0 : i32
      %scan3A_271 = arith.constant 4 : i32
      %scan3A_272 = arith.addi %scan3A_270, %scan3A_271 : i32
      %scan3A_273 = arith.constant 1 : i32
      scf.for %scan3A_275 = %scan3A_270 to %scan3A_272 step %scan3A_273  : i32 {
        %mul3A_276 = arith.constant 16 : i32
        %mul3A_277 = arith.muli %scan3A_275, %mul3A_276 : i32
        %swap3A = arith.index_cast %scan3A_269 : i32 to index
        %swap3A_278 = arith.index_cast %mul3A_277 : i32 to index
        %swap3A_279 = tpu.vector_load %arg8[%swap3A, %swap3A_278] {strides = array<i32>} : memref<80x64xf32, #tpu.memory_space<vmem>>, vector<1x16xf32>,
        %swap3A_280 = vector.shape_cast %swap3A_279 : vector<1x16xf32> to vector<16xf32>
        %swap3A_281 = vector.shape_cast %broadcast_in_dim3A_1 : vector<16xf32> to vector<1x16xf32>
        tpu.vector_store %arg8[%swap3A, %swap3A_278], %swap3A_281 {strides = array<i32>} : memref<80x64xf32, #tpu.memory_space<vmem>>, vector<1x16xf32>,
      }
      %scan3A_274 = arith.constant 4 : i32
    }
    %scan3A_6 = arith.constant 80 : i32
    %mul3A_7 = arith.constant 640 : i32
    %mul3A_8 = arith.muli %arg1, %mul3A_7 : i32
    %add3A_9 = arith.constant 0 : i32
    %add3A_10 = arith.addi %mul3A_8, %add3A_9 : i32
    "tpu.region"() ({
      %run_scoped3A = tpu.sem_alloc : memref<!tpu.dma_semaphore, #tpu.memory_space<semaphore_mem>>
      %dma_start3A_269 = arith.constant 0 : i32
      %dma_start3A_270 = arith.constant 0 : i32
      %dma_start3A_271 = tpu.memref_slice %arg8[%dma_start3A_269, %dma_start3A_270] : memref<80x64xf32, #tpu.memory_space<vmem>> -> memref<80x64xf32, #tpu.memory_space<vmem>>
      %dma_start3A_272 = arith.constant 0 : i32
      %dma_start3A_273 = tpu.memref_slice %arg16[%add3A_10, %dma_start3A_272] : memref<10240x64xf32, #tpu.memory_space<vmem_shared>> -> memref<80x64xf32, #tpu.memory_space<vmem_shared>>
      %dma_start3A_274 = arith.constant 0 : i32
      %dma_start3A_275 = tpu.memref_slice %arg16[%add3A_10, %dma_start3A_274] : memref<10240x64xf32, #tpu.memory_space<vmem_shared>> -> memref<80x64xf32, #tpu.memory_space<vmem_shared>>
      %dma_start3A_276 = arith.constant 0 : i32
      %dma_start3A_277 = arith.constant 0 : i32
      %dma_start3A_278 = tpu.memref_slice %arg8[%dma_start3A_276, %dma_start3A_277] : memref<80x64xf32, #tpu.memory_space<vmem>> -> memref<80x64xf32, #tpu.memory_space<vmem>>
      tpu.enqueue_dma source(%dma_start3A_278 : memref<80x64xf32, #tpu.memory_space<vmem>>) target(%dma_start3A_275 : memref<80x64xf32, #tpu.memory_space<vmem_shared>>) target_semaphore(%run_scoped3A : memref<!tpu.dma_semaphore, #tpu.memory_space<semaphore_mem>>)
      %dma_wait3A_279 = arith.constant 0 : i32
      %dma_wait3A_280 = arith.constant 0 : i32
      %dma_wait3A_281 = tpu.memref_slice %arg8[%dma_wait3A_279, %dma_wait3A_280] : memref<80x64xf32, #tpu.memory_space<vmem>> -> memref<80x64xf32, #tpu.memory_space<vmem>>
      %dma_wait3A_282 = arith.constant 0 : i32
      %dma_wait3A_283 = tpu.memref_slice %arg16[%add3A_10, %dma_wait3A_282] : memref<10240x64xf32, #tpu.memory_space<vmem_shared>> -> memref<80x64xf32, #tpu.memory_space<vmem_shared>>
      %dma_wait3A_284 = arith.constant 0 : i32
      %dma_wait3A_285 = tpu.memref_slice %arg16[%add3A_10, %dma_wait3A_284] : memref<10240x64xf32, #tpu.memory_space<vmem_shared>> -> memref<80x64xf32, #tpu.memory_space<vmem_shared>>
      %dma_wait3A_286 = arith.constant 0 : i32
      %dma_wait3A_287 = arith.constant 0 : i32
      %dma_wait3A_288 = tpu.memref_slice %arg8[%dma_wait3A_286, %dma_wait3A_287] : memref<80x64xf32, #tpu.memory_space<vmem>> -> memref<80x64xf32, #tpu.memory_space<vmem>>
      tpu.wait_dma2 semaphore(%run_scoped3A : memref<!tpu.dma_semaphore, #tpu.memory_space<semaphore_mem>>) src(%dma_wait3A_288 : memref<80x64xf32, #tpu.memory_space<vmem>>) dst(%dma_wait3A_285 : memref<80x64xf32, #tpu.memory_space<vmem_shared>>)
      tpu.yield
    }) : () -> ()
    %add3A_11 = arith.constant 80 : i32
    %add3A_12 = arith.addi %mul3A_8, %add3A_11 : i32
    "tpu.region"() ({
      %run_scoped3A = tpu.sem_alloc : memref<!tpu.dma_semaphore, #tpu.memory_space<semaphore_mem>>
      %dma_start3A_269 = arith.constant 0 : i32
      %dma_start3A_270 = arith.constant 0 : i32
      %dma_start3A_271 = tpu.memref_slice %arg8[%dma_start3A_269, %dma_start3A_270] : memref<80x64xf32, #tpu.memory_space<vmem>> -> memref<80x64xf32, #tpu.memory_space<vmem>>
      %dma_start3A_272 = arith.constant 0 : i32
      %dma_start3A_273 = tpu.memref_slice %arg16[%add3A_12, %dma_start3A_272] : memref<10240x64xf32, #tpu.memory_space<vmem_shared>> -> memref<80x64xf32, #tpu.memory_space<vmem_shared>>
      %dma_start3A_274 = arith.constant 0 : i32
      %dma_start3A_275 = tpu.memref_slice %arg16[%add3A_12, %dma_start3A_274] : memref<10240x64xf32, #tpu.memory_space<vmem_shared>> -> memref<80x64xf32, #tpu.memory_space<vmem_shared>>
      %dma_start3A_276 = arith.constant 0 : i32
      %dma_start3A_277 = arith.constant 0 : i32
      %dma_start3A_278 = tpu.memref_slice %arg8[%dma_start3A_276, %dma_start3A_277] : memref<80x64xf32, #tpu.memory_space<vmem>> -> memref<80x64xf32, #tpu.memory_space<vmem>>
      tpu.enqueue_dma source(%dma_start3A_278 : memref<80x64xf32, #tpu.memory_space<vmem>>) target(%dma_start3A_275 : memref<80x64xf32, #tpu.memory_space<vmem_shared>>) target_semaphore(%run_scoped3A : memref<!tpu.dma_semaphore, #tpu.memory_space<semaphore_mem>>)
      %dma_wait3A_279 = arith.constant 0 : i32
      %dma_wait3A_280 = arith.constant 0 : i32
      %dma_wait3A_281 = tpu.memref_slice %arg8[%dma_wait3A_279, %dma_wait3A_280] : memref<80x64xf32, #tpu.memory_space<vmem>> -> memref<80x64xf32, #tpu.memory_space<vmem>>
      %dma_wait3A_282 = arith.constant 0 : i32
      %dma_wait3A_283 = tpu.memref_slice %arg16[%add3A_12, %dma_wait3A_282] : memref<10240x64xf32, #tpu.memory_space<vmem_shared>> -> memref<80x64xf32, #tpu.memory_space<vmem_shared>>
      %dma_wait3A_284 = arith.constant 0 : i32
      %dma_wait3A_285 = tpu.memref_slice %arg16[%add3A_12, %dma_wait3A_284] : memref<10240x64xf32, #tpu.memory_space<vmem_shared>> -> memref<80x64xf32, #tpu.memory_space<vmem_shared>>
      %dma_wait3A_286 = arith.constant 0 : i32
      %dma_wait3A_287 = arith.constant 0 : i32
      %dma_wait3A_288 = tpu.memref_slice %arg8[%dma_wait3A_286, %dma_wait3A_287] : memref<80x64xf32, #tpu.memory_space<vmem>> -> memref<80x64xf32, #tpu.memory_space<vmem>>
      tpu.wait_dma2 semaphore(%run_scoped3A : memref<!tpu.dma_semaphore, #tpu.memory_space<semaphore_mem>>) src(%dma_wait3A_288 : memref<80x64xf32, #tpu.memory_space<vmem>>) dst(%dma_wait3A_285 : memref<80x64xf32, #tpu.memory_space<vmem_shared>>)
      tpu.yield
    }) : () -> ()
    %add3A_13 = arith.constant 160 : i32
    %add3A_14 = arith.addi %mul3A_8, %add3A_13 : i32
    "tpu.region"() ({
      %run_scoped3A = tpu.sem_alloc : memref<!tpu.dma_semaphore, #tpu.memory_space<semaphore_mem>>
      %dma_start3A_269 = arith.constant 0 : i32
      %dma_start3A_270 = arith.constant 0 : i32
      %dma_start3A_271 = tpu.memref_slice %arg8[%dma_start3A_269, %dma_start3A_270] : memref<80x64xf32, #tpu.memory_space<vmem>> -> memref<80x64xf32, #tpu.memory_space<vmem>>
      %dma_start3A_272 = arith.constant 0 : i32
      %dma_start3A_273 = tpu.memref_slice %arg16[%add3A_14, %dma_start3A_272] : memref<10240x64xf32, #tpu.memory_space<vmem_shared>> -> memref<80x64xf32, #tpu.memory_space<vmem_shared>>
      %dma_start3A_274 = arith.constant 0 : i32
      %dma_start3A_275 = tpu.memref_slice %arg16[%add3A_14, %dma_start3A_274] : memref<10240x64xf32, #tpu.memory_space<vmem_shared>> -> memref<80x64xf32, #tpu.memory_space<vmem_shared>>
      %dma_start3A_276 = arith.constant 0 : i32
      %dma_start3A_277 = arith.constant 0 : i32
      %dma_start3A_278 = tpu.memref_slice %arg8[%dma_start3A_276, %dma_start3A_277] : memref<80x64xf32, #tpu.memory_space<vmem>> -> memref<80x64xf32, #tpu.memory_space<vmem>>
      tpu.enqueue_dma source(%dma_start3A_278 : memref<80x64xf32, #tpu.memory_space<vmem>>) target(%dma_start3A_275 : memref<80x64xf32, #tpu.memory_space<vmem_shared>>) target_semaphore(%run_scoped3A : memref<!tpu.dma_semaphore, #tpu.memory_space<semaphore_mem>>)
      %dma_wait3A_279 = arith.constant 0 : i32
      %dma_wait3A_280 = arith.constant 0 : i32
      %dma_wait3A_281 = tpu.memref_slice %arg8[%dma_wait3A_279, %dma_wait3A_280] : memref<80x64xf32, #tpu.memory_space<vmem>> -> memref<80x64xf32, #tpu.memory_space<vmem>>
      %dma_wait3A_282 = arith.constant 0 : i32
      %dma_wait3A_283 = tpu.memref_slice %arg16[%add3A_14, %dma_wait3A_282] : memref<10240x64xf32, #tpu.memory_space<vmem_shared>> -> memref<80x64xf32, #tpu.memory_space<vmem_shared>>
      %dma_wait3A_284 = arith.constant 0 : i32
      %dma_wait3A_285 = tpu.memref_slice %arg16[%add3A_14, %dma_wait3A_284] : memref<10240x64xf32, #tpu.memory_space<vmem_shared>> -> memref<80x64xf32, #tpu.memory_space<vmem_shared>>
      %dma_wait3A_286 = arith.constant 0 : i32
      %dma_wait3A_287 = arith.constant 0 : i32
      %dma_wait3A_288 = tpu.memref_slice %arg8[%dma_wait3A_286, %dma_wait3A_287] : memref<80x64xf32, #tpu.memory_space<vmem>> -> memref<80x64xf32, #tpu.memory_space<vmem>>
      tpu.wait_dma2 semaphore(%run_scoped3A : memref<!tpu.dma_semaphore, #tpu.memory_space<semaphore_mem>>) src(%dma_wait3A_288 : memref<80x64xf32, #tpu.memory_space<vmem>>) dst(%dma_wait3A_285 : memref<80x64xf32, #tpu.memory_space<vmem_shared>>)
      tpu.yield
    }) : () -> ()
    %add3A_15 = arith.constant 240 : i32
    %add3A_16 = arith.addi %mul3A_8, %add3A_15 : i32
    "tpu.region"() ({
      %run_scoped3A = tpu.sem_alloc : memref<!tpu.dma_semaphore, #tpu.memory_space<semaphore_mem>>
      %dma_start3A_269 = arith.constant 0 : i32
      %dma_start3A_270 = arith.constant 0 : i32
      %dma_start3A_271 = tpu.memref_slice %arg8[%dma_start3A_269, %dma_start3A_270] : memref<80x64xf32, #tpu.memory_space<vmem>> -> memref<80x64xf32, #tpu.memory_space<vmem>>
      %dma_start3A_272 = arith.constant 0 : i32
      %dma_start3A_273 = tpu.memref_slice %arg16[%add3A_16, %dma_start3A_272] : memref<10240x64xf32, #tpu.memory_space<vmem_shared>> -> memref<80x64xf32, #tpu.memory_space<vmem_shared>>
      %dma_start3A_274 = arith.constant 0 : i32
      %dma_start3A_275 = tpu.memref_slice %arg16[%add3A_16, %dma_start3A_274] : memref<10240x64xf32, #tpu.memory_space<vmem_shared>> -> memref<80x64xf32, #tpu.memory_space<vmem_shared>>
      %dma_start3A_276 = arith.constant 0 : i32
      %dma_start3A_277 = arith.constant 0 : i32
      %dma_start3A_278 = tpu.memref_slice %arg8[%dma_start3A_276, %dma_start3A_277] : memref<80x64xf32, #tpu.memory_space<vmem>> -> memref<80x64xf32, #tpu.memory_space<vmem>>
      tpu.enqueue_dma source(%dma_start3A_278 : memref<80x64xf32, #tpu.memory_space<vmem>>) target(%dma_start3A_275 : memref<80x64xf32, #tpu.memory_space<vmem_shared>>) target_semaphore(%run_scoped3A : memref<!tpu.dma_semaphore, #tpu.memory_space<semaphore_mem>>)
      %dma_wait3A_279 = arith.constant 0 : i32
      %dma_wait3A_280 = arith.constant 0 : i32
      %dma_wait3A_281 = tpu.memref_slice %arg8[%dma_wait3A_279, %dma_wait3A_280] : memref<80x64xf32, #tpu.memory_space<vmem>> -> memref<80x64xf32, #tpu.memory_space<vmem>>
      %dma_wait3A_282 = arith.constant 0 : i32
      %dma_wait3A_283 = tpu.memref_slice %arg16[%add3A_16, %dma_wait3A_282] : memref<10240x64xf32, #tpu.memory_space<vmem_shared>> -> memref<80x64xf32, #tpu.memory_space<vmem_shared>>
      %dma_wait3A_284 = arith.constant 0 : i32
      %dma_wait3A_285 = tpu.memref_slice %arg16[%add3A_16, %dma_wait3A_284] : memref<10240x64xf32, #tpu.memory_space<vmem_shared>> -> memref<80x64xf32, #tpu.memory_space<vmem_shared>>
      %dma_wait3A_286 = arith.constant 0 : i32
      %dma_wait3A_287 = arith.constant 0 : i32
      %dma_wait3A_288 = tpu.memref_slice %arg8[%dma_wait3A_286, %dma_wait3A_287] : memref<80x64xf32, #tpu.memory_space<vmem>> -> memref<80x64xf32, #tpu.memory_space<vmem>>
      tpu.wait_dma2 semaphore(%run_scoped3A : memref<!tpu.dma_semaphore, #tpu.memory_space<semaphore_mem>>) src(%dma_wait3A_288 : memref<80x64xf32, #tpu.memory_space<vmem>>) dst(%dma_wait3A_285 : memref<80x64xf32, #tpu.memory_space<vmem_shared>>)
      tpu.yield
    }) : () -> ()
    %add3A_17 = arith.constant 320 : i32
    %add3A_18 = arith.addi %mul3A_8, %add3A_17 : i32
    "tpu.region"() ({
      %run_scoped3A = tpu.sem_alloc : memref<!tpu.dma_semaphore, #tpu.memory_space<semaphore_mem>>
      %dma_start3A_269 = arith.constant 0 : i32
      %dma_start3A_270 = arith.constant 0 : i32
      %dma_start3A_271 = tpu.memref_slice %arg8[%dma_start3A_269, %dma_start3A_270] : memref<80x64xf32, #tpu.memory_space<vmem>> -> memref<80x64xf32, #tpu.memory_space<vmem>>
      %dma_start3A_272 = arith.constant 0 : i32
      %dma_start3A_273 = tpu.memref_slice %arg16[%add3A_18, %dma_start3A_272] : memref<10240x64xf32, #tpu.memory_space<vmem_shared>> -> memref<80x64xf32, #tpu.memory_space<vmem_shared>>
      %dma_start3A_274 = arith.constant 0 : i32
      %dma_start3A_275 = tpu.memref_slice %arg16[%add3A_18, %dma_start3A_274] : memref<10240x64xf32, #tpu.memory_space<vmem_shared>> -> memref<80x64xf32, #tpu.memory_space<vmem_shared>>
      %dma_start3A_276 = arith.constant 0 : i32
      %dma_start3A_277 = arith.constant 0 : i32
      %dma_start3A_278 = tpu.memref_slice %arg8[%dma_start3A_276, %dma_start3A_277] : memref<80x64xf32, #tpu.memory_space<vmem>> -> memref<80x64xf32, #tpu.memory_space<vmem>>
      tpu.enqueue_dma source(%dma_start3A_278 : memref<80x64xf32, #tpu.memory_space<vmem>>) target(%dma_start3A_275 : memref<80x64xf32, #tpu.memory_space<vmem_shared>>) target_semaphore(%run_scoped3A : memref<!tpu.dma_semaphore, #tpu.memory_space<semaphore_mem>>)
      %dma_wait3A_279 = arith.constant 0 : i32
      %dma_wait3A_280 = arith.constant 0 : i32
      %dma_wait3A_281 = tpu.memref_slice %arg8[%dma_wait3A_279, %dma_wait3A_280] : memref<80x64xf32, #tpu.memory_space<vmem>> -> memref<80x64xf32, #tpu.memory_space<vmem>>
      %dma_wait3A_282 = arith.constant 0 : i32
      %dma_wait3A_283 = tpu.memref_slice %arg16[%add3A_18, %dma_wait3A_282] : memref<10240x64xf32, #tpu.memory_space<vmem_shared>> -> memref<80x64xf32, #tpu.memory_space<vmem_shared>>
      %dma_wait3A_284 = arith.constant 0 : i32
      %dma_wait3A_285 = tpu.memref_slice %arg16[%add3A_18, %dma_wait3A_284] : memref<10240x64xf32, #tpu.memory_space<vmem_shared>> -> memref<80x64xf32, #tpu.memory_space<vmem_shared>>
      %dma_wait3A_286 = arith.constant 0 : i32
      %dma_wait3A_287 = arith.constant 0 : i32
      %dma_wait3A_288 = tpu.memref_slice %arg8[%dma_wait3A_286, %dma_wait3A_287] : memref<80x64xf32, #tpu.memory_space<vmem>> -> memref<80x64xf32, #tpu.memory_space<vmem>>
      tpu.wait_dma2 semaphore(%run_scoped3A : memref<!tpu.dma_semaphore, #tpu.memory_space<semaphore_mem>>) src(%dma_wait3A_288 : memref<80x64xf32, #tpu.memory_space<vmem>>) dst(%dma_wait3A_285 : memref<80x64xf32, #tpu.memory_space<vmem_shared>>)
      tpu.yield
    }) : () -> ()
    %lt3A = arith.constant 15 : i32
    %lt3A_19 = arith.cmpi slt, %arg1, %lt3A : i32
    %convert_element_type3A = arith.extui %lt3A_19 : i1 to i32
    %cond3A = arith.constant 0 : i32
    %cond3A_20 = arith.cmpi ne, %convert_element_type3A, %cond3A : i32
    scf.if %cond3A_20 {
      %add3A_269 = arith.constant 400 : i32
      %add3A_270 = arith.addi %mul3A_8, %add3A_269 : i32
      "tpu.region"() ({
        %run_scoped3A = tpu.sem_alloc : memref<!tpu.dma_semaphore, #tpu.memory_space<semaphore_mem>>
        %dma_start3A_271 = arith.constant 0 : i32
        %dma_start3A_272 = arith.constant 0 : i32
        %dma_start3A_273 = tpu.memref_slice %arg8[%dma_start3A_271, %dma_start3A_272] : memref<80x64xf32, #tpu.memory_space<vmem>> -> memref<80x64xf32, #tpu.memory_space<vmem>>
        %dma_start3A_274 = arith.constant 0 : i32
        %dma_start3A_275 = tpu.memref_slice %arg16[%add3A_270, %dma_start3A_274] : memref<10240x64xf32, #tpu.memory_space<vmem_shared>> -> memref<80x64xf32, #tpu.memory_space<vmem_shared>>
        %dma_start3A_276 = arith.constant 0 : i32
        %dma_start3A_277 = tpu.memref_slice %arg16[%add3A_270, %dma_start3A_276] : memref<10240x64xf32, #tpu.memory_space<vmem_shared>> -> memref<80x64xf32, #tpu.memory_space<vmem_shared>>
        %dma_start3A_278 = arith.constant 0 : i32
        %dma_start3A_279 = arith.constant 0 : i32
        %dma_start3A_280 = tpu.memref_slice %arg8[%dma_start3A_278, %dma_start3A_279] : memref<80x64xf32, #tpu.memory_space<vmem>> -> memref<80x64xf32, #tpu.memory_space<vmem>>
        tpu.enqueue_dma source(%dma_start3A_280 : memref<80x64xf32, #tpu.memory_space<vmem>>) target(%dma_start3A_277 : memref<80x64xf32, #tpu.memory_space<vmem_shared>>) target_semaphore(%run_scoped3A : memref<!tpu.dma_semaphore, #tpu.memory_space<semaphore_mem>>)
        %dma_wait3A_281 = arith.constant 0 : i32
        %dma_wait3A_282 = arith.constant 0 : i32
        %dma_wait3A_283 = tpu.memref_slice %arg8[%dma_wait3A_281, %dma_wait3A_282] : memref<80x64xf32, #tpu.memory_space<vmem>> -> memref<80x64xf32, #tpu.memory_space<vmem>>
        %dma_wait3A_284 = arith.constant 0 : i32
        %dma_wait3A_285 = tpu.memref_slice %arg16[%add3A_270, %dma_wait3A_284] : memref<10240x64xf32, #tpu.memory_space<vmem_shared>> -> memref<80x64xf32, #tpu.memory_space<vmem_shared>>
        %dma_wait3A_286 = arith.constant 0 : i32
        %dma_wait3A_287 = tpu.memref_slice %arg16[%add3A_270, %dma_wait3A_286] : memref<10240x64xf32, #tpu.memory_space<vmem_shared>> -> memref<80x64xf32, #tpu.memory_space<vmem_shared>>
        %dma_wait3A_288 = arith.constant 0 : i32
        %dma_wait3A_289 = arith.constant 0 : i32
        %dma_wait3A_290 = tpu.memref_slice %arg8[%dma_wait3A_288, %dma_wait3A_289] : memref<80x64xf32, #tpu.memory_space<vmem>> -> memref<80x64xf32, #tpu.memory_space<vmem>>
        tpu.wait_dma2 semaphore(%run_scoped3A : memref<!tpu.dma_semaphore, #tpu.memory_space<semaphore_mem>>) src(%dma_wait3A_290 : memref<80x64xf32, #tpu.memory_space<vmem>>) dst(%dma_wait3A_287 : memref<80x64xf32, #tpu.memory_space<vmem_shared>>)
        tpu.yield
      }) : () -> ()
    } else {
    }
    %lt3A_21 = arith.constant 15 : i32
    %lt3A_22 = arith.cmpi slt, %arg1, %lt3A_21 : i32
    %convert_element_type3A_23 = arith.extui %lt3A_22 : i1 to i32
    %cond3A_24 = arith.constant 0 : i32
    %cond3A_25 = arith.cmpi ne, %convert_element_type3A_23, %cond3A_24 : i32
    scf.if %cond3A_25 {
      %add3A_269 = arith.constant 480 : i32
      %add3A_270 = arith.addi %mul3A_8, %add3A_269 : i32
      "tpu.region"() ({
        %run_scoped3A = tpu.sem_alloc : memref<!tpu.dma_semaphore, #tpu.memory_space<semaphore_mem>>
        %dma_start3A_271 = arith.constant 0 : i32
        %dma_start3A_272 = arith.constant 0 : i32
        %dma_start3A_273 = tpu.memref_slice %arg8[%dma_start3A_271, %dma_start3A_272] : memref<80x64xf32, #tpu.memory_space<vmem>> -> memref<80x64xf32, #tpu.memory_space<vmem>>
        %dma_start3A_274 = arith.constant 0 : i32
        %dma_start3A_275 = tpu.memref_slice %arg16[%add3A_270, %dma_start3A_274] : memref<10240x64xf32, #tpu.memory_space<vmem_shared>> -> memref<80x64xf32, #tpu.memory_space<vmem_shared>>
        %dma_start3A_276 = arith.constant 0 : i32
        %dma_start3A_277 = tpu.memref_slice %arg16[%add3A_270, %dma_start3A_276] : memref<10240x64xf32, #tpu.memory_space<vmem_shared>> -> memref<80x64xf32, #tpu.memory_space<vmem_shared>>
        %dma_start3A_278 = arith.constant 0 : i32
        %dma_start3A_279 = arith.constant 0 : i32
        %dma_start3A_280 = tpu.memref_slice %arg8[%dma_start3A_278, %dma_start3A_279] : memref<80x64xf32, #tpu.memory_space<vmem>> -> memref<80x64xf32, #tpu.memory_space<vmem>>
        tpu.enqueue_dma source(%dma_start3A_280 : memref<80x64xf32, #tpu.memory_space<vmem>>) target(%dma_start3A_277 : memref<80x64xf32, #tpu.memory_space<vmem_shared>>) target_semaphore(%run_scoped3A : memref<!tpu.dma_semaphore, #tpu.memory_space<semaphore_mem>>)
        %dma_wait3A_281 = arith.constant 0 : i32
        %dma_wait3A_282 = arith.constant 0 : i32
        %dma_wait3A_283 = tpu.memref_slice %arg8[%dma_wait3A_281, %dma_wait3A_282] : memref<80x64xf32, #tpu.memory_space<vmem>> -> memref<80x64xf32, #tpu.memory_space<vmem>>
        %dma_wait3A_284 = arith.constant 0 : i32
        %dma_wait3A_285 = tpu.memref_slice %arg16[%add3A_270, %dma_wait3A_284] : memref<10240x64xf32, #tpu.memory_space<vmem_shared>> -> memref<80x64xf32, #tpu.memory_space<vmem_shared>>
        %dma_wait3A_286 = arith.constant 0 : i32
        %dma_wait3A_287 = tpu.memref_slice %arg16[%add3A_270, %dma_wait3A_286] : memref<10240x64xf32, #tpu.memory_space<vmem_shared>> -> memref<80x64xf32, #tpu.memory_space<vmem_shared>>
        %dma_wait3A_288 = arith.constant 0 : i32
        %dma_wait3A_289 = arith.constant 0 : i32
        %dma_wait3A_290 = tpu.memref_slice %arg8[%dma_wait3A_288, %dma_wait3A_289] : memref<80x64xf32, #tpu.memory_space<vmem>> -> memref<80x64xf32, #tpu.memory_space<vmem>>
        tpu.wait_dma2 semaphore(%run_scoped3A : memref<!tpu.dma_semaphore, #tpu.memory_space<semaphore_mem>>) src(%dma_wait3A_290 : memref<80x64xf32, #tpu.memory_space<vmem>>) dst(%dma_wait3A_287 : memref<80x64xf32, #tpu.memory_space<vmem_shared>>)
        tpu.yield
      }) : () -> ()
    } else {
    }
    %lt3A_26 = arith.constant 15 : i32
    %lt3A_27 = arith.cmpi slt, %arg1, %lt3A_26 : i32
    %convert_element_type3A_28 = arith.extui %lt3A_27 : i1 to i32
    %cond3A_29 = arith.constant 0 : i32
    %cond3A_30 = arith.cmpi ne, %convert_element_type3A_28, %cond3A_29 : i32
    scf.if %cond3A_30 {
      %add3A_269 = arith.constant 560 : i32
      %add3A_270 = arith.addi %mul3A_8, %add3A_269 : i32
      "tpu.region"() ({
        %run_scoped3A = tpu.sem_alloc : memref<!tpu.dma_semaphore, #tpu.memory_space<semaphore_mem>>
        %dma_start3A_271 = arith.constant 0 : i32
        %dma_start3A_272 = arith.constant 0 : i32
        %dma_start3A_273 = tpu.memref_slice %arg8[%dma_start3A_271, %dma_start3A_272] : memref<80x64xf32, #tpu.memory_space<vmem>> -> memref<80x64xf32, #tpu.memory_space<vmem>>
        %dma_start3A_274 = arith.constant 0 : i32
        %dma_start3A_275 = tpu.memref_slice %arg16[%add3A_270, %dma_start3A_274] : memref<10240x64xf32, #tpu.memory_space<vmem_shared>> -> memref<80x64xf32, #tpu.memory_space<vmem_shared>>
        %dma_start3A_276 = arith.constant 0 : i32
        %dma_start3A_277 = tpu.memref_slice %arg16[%add3A_270, %dma_start3A_276] : memref<10240x64xf32, #tpu.memory_space<vmem_shared>> -> memref<80x64xf32, #tpu.memory_space<vmem_shared>>
        %dma_start3A_278 = arith.constant 0 : i32
        %dma_start3A_279 = arith.constant 0 : i32
        %dma_start3A_280 = tpu.memref_slice %arg8[%dma_start3A_278, %dma_start3A_279] : memref<80x64xf32, #tpu.memory_space<vmem>> -> memref<80x64xf32, #tpu.memory_space<vmem>>
        tpu.enqueue_dma source(%dma_start3A_280 : memref<80x64xf32, #tpu.memory_space<vmem>>) target(%dma_start3A_277 : memref<80x64xf32, #tpu.memory_space<vmem_shared>>) target_semaphore(%run_scoped3A : memref<!tpu.dma_semaphore, #tpu.memory_space<semaphore_mem>>)
        %dma_wait3A_281 = arith.constant 0 : i32
        %dma_wait3A_282 = arith.constant 0 : i32
        %dma_wait3A_283 = tpu.memref_slice %arg8[%dma_wait3A_281, %dma_wait3A_282] : memref<80x64xf32, #tpu.memory_space<vmem>> -> memref<80x64xf32, #tpu.memory_space<vmem>>
        %dma_wait3A_284 = arith.constant 0 : i32
        %dma_wait3A_285 = tpu.memref_slice %arg16[%add3A_270, %dma_wait3A_284] : memref<10240x64xf32, #tpu.memory_space<vmem_shared>> -> memref<80x64xf32, #tpu.memory_space<vmem_shared>>
        %dma_wait3A_286 = arith.constant 0 : i32
        %dma_wait3A_287 = tpu.memref_slice %arg16[%add3A_270, %dma_wait3A_286] : memref<10240x64xf32, #tpu.memory_space<vmem_shared>> -> memref<80x64xf32, #tpu.memory_space<vmem_shared>>
        %dma_wait3A_288 = arith.constant 0 : i32
        %dma_wait3A_289 = arith.constant 0 : i32
        %dma_wait3A_290 = tpu.memref_slice %arg8[%dma_wait3A_288, %dma_wait3A_289] : memref<80x64xf32, #tpu.memory_space<vmem>> -> memref<80x64xf32, #tpu.memory_space<vmem>>
        tpu.wait_dma2 semaphore(%run_scoped3A : memref<!tpu.dma_semaphore, #tpu.memory_space<semaphore_mem>>) src(%dma_wait3A_290 : memref<80x64xf32, #tpu.memory_space<vmem>>) dst(%dma_wait3A_287 : memref<80x64xf32, #tpu.memory_space<vmem_shared>>)
        tpu.yield
      }) : () -> ()
    } else {
    }
    %barrier3A = arith.constant 0 : index
    tpu.barrier barrier_id(%barrier3A)
    %dma_start3A = arith.constant 0 : i32
    %dma_start3A_31 = arith.constant 0 : i32
    %dma_start3A_32 = tpu.memref_slice %arg6[%dma_start3A, %dma_start3A_31] : memref<128x80xi32, #tpu.memory_space<vmem>> -> memref<1x80xi32, #tpu.memory_space<vmem>>
    %dma_start3A_33 = tpu.memref_squeeze %dma_start3A_32 : memref<1x80xi32, #tpu.memory_space<vmem>> -> memref<80xi32, #tpu.memory_space<vmem>>
    %dma_start3A_34 = arith.constant 0 : i32
    %dma_start3A_35 = arith.constant 0 : i32
    %dma_start3A_36 = tpu.memref_slice %arg2[%dma_start3A_34, %dma_start3A_35] : memref<10000x64xf32, #tpu.memory_space<hbm>> -> memref<10000x64xf32, #tpu.memory_space<hbm>>
    tpu.enqueue_indirect_dma source(%dma_start3A_36 : memref<10000x64xf32, #tpu.memory_space<hbm>>) target(%arg8 : memref<80x64xf32, #tpu.memory_space<vmem>>) offsets(%dma_start3A_33 : memref<80xi32, #tpu.memory_space<vmem>>) semaphore(%arg17 : memref<!tpu.dma_semaphore, #tpu.memory_space<semaphore_mem>>)
    %dma_start3A_37 = arith.constant 1 : i32
    %dma_start3A_38 = arith.constant 0 : i32
    %dma_start3A_39 = tpu.memref_slice %arg6[%dma_start3A_37, %dma_start3A_38] : memref<128x80xi32, #tpu.memory_space<vmem>> -> memref<1x80xi32, #tpu.memory_space<vmem>>
    %dma_start3A_40 = tpu.memref_squeeze %dma_start3A_39 : memref<1x80xi32, #tpu.memory_space<vmem>> -> memref<80xi32, #tpu.memory_space<vmem>>
    %dma_start3A_41 = arith.constant 0 : i32
    %dma_start3A_42 = arith.constant 0 : i32
    %dma_start3A_43 = tpu.memref_slice %arg2[%dma_start3A_41, %dma_start3A_42] : memref<10000x64xf32, #tpu.memory_space<hbm>> -> memref<10000x64xf32, #tpu.memory_space<hbm>>
    tpu.enqueue_indirect_dma source(%dma_start3A_43 : memref<10000x64xf32, #tpu.memory_space<hbm>>) target(%arg9 : memref<80x64xf32, #tpu.memory_space<vmem>>) offsets(%dma_start3A_40 : memref<80xi32, #tpu.memory_space<vmem>>) semaphore(%arg18 : memref<!tpu.dma_semaphore, #tpu.memory_space<semaphore_mem>>)
    %dma_start3A_44 = arith.constant 2 : i32
    %dma_start3A_45 = arith.constant 0 : i32
    %dma_start3A_46 = tpu.memref_slice %arg6[%dma_start3A_44, %dma_start3A_45] : memref<128x80xi32, #tpu.memory_space<vmem>> -> memref<1x80xi32, #tpu.memory_space<vmem>>
    %dma_start3A_47 = tpu.memref_squeeze %dma_start3A_46 : memref<1x80xi32, #tpu.memory_space<vmem>> -> memref<80xi32, #tpu.memory_space<vmem>>
    %dma_start3A_48 = arith.constant 0 : i32
    %dma_start3A_49 = arith.constant 0 : i32
    %dma_start3A_50 = tpu.memref_slice %arg2[%dma_start3A_48, %dma_start3A_49] : memref<10000x64xf32, #tpu.memory_space<hbm>> -> memref<10000x64xf32, #tpu.memory_space<hbm>>
    tpu.enqueue_indirect_dma source(%dma_start3A_50 : memref<10000x64xf32, #tpu.memory_space<hbm>>) target(%arg10 : memref<80x64xf32, #tpu.memory_space<vmem>>) offsets(%dma_start3A_47 : memref<80xi32, #tpu.memory_space<vmem>>) semaphore(%arg19 : memref<!tpu.dma_semaphore, #tpu.memory_space<semaphore_mem>>)
    %dma_start3A_51 = arith.constant 3 : i32
    %dma_start3A_52 = arith.constant 0 : i32
    %dma_start3A_53 = tpu.memref_slice %arg6[%dma_start3A_51, %dma_start3A_52] : memref<128x80xi32, #tpu.memory_space<vmem>> -> memref<1x80xi32, #tpu.memory_space<vmem>>
    %dma_start3A_54 = tpu.memref_squeeze %dma_start3A_53 : memref<1x80xi32, #tpu.memory_space<vmem>> -> memref<80xi32, #tpu.memory_space<vmem>>
    %dma_start3A_55 = arith.constant 0 : i32
    %dma_start3A_56 = arith.constant 0 : i32
    %dma_start3A_57 = tpu.memref_slice %arg2[%dma_start3A_55, %dma_start3A_56] : memref<10000x64xf32, #tpu.memory_space<hbm>> -> memref<10000x64xf32, #tpu.memory_space<hbm>>
    tpu.enqueue_indirect_dma source(%dma_start3A_57 : memref<10000x64xf32, #tpu.memory_space<hbm>>) target(%arg11 : memref<80x64xf32, #tpu.memory_space<vmem>>) offsets(%dma_start3A_54 : memref<80xi32, #tpu.memory_space<vmem>>) semaphore(%arg20 : memref<!tpu.dma_semaphore, #tpu.memory_space<semaphore_mem>>)
    %dma_wait3A = arith.constant 0 : i32
    %dma_wait3A_58 = arith.constant 0 : i32
    %dma_wait3A_59 = tpu.memref_slice %arg6[%dma_wait3A, %dma_wait3A_58] : memref<128x80xi32, #tpu.memory_space<vmem>> -> memref<1x80xi32, #tpu.memory_space<vmem>>
    %dma_wait3A_60 = tpu.memref_squeeze %dma_wait3A_59 : memref<1x80xi32, #tpu.memory_space<vmem>> -> memref<80xi32, #tpu.memory_space<vmem>>
    %dma_wait3A_61 = arith.constant 0 : i32
    %dma_wait3A_62 = arith.constant 0 : i32
    %dma_wait3A_63 = tpu.memref_slice %arg2[%dma_wait3A_61, %dma_wait3A_62] : memref<10000x64xf32, #tpu.memory_space<hbm>> -> memref<10000x64xf32, #tpu.memory_space<hbm>>
    tpu.wait_indirect_dma semaphore(%arg17 : memref<!tpu.dma_semaphore, #tpu.memory_space<semaphore_mem>>) src(%dma_wait3A_63 : memref<10000x64xf32, #tpu.memory_space<hbm>>) dst(%arg8 : memref<80x64xf32, #tpu.memory_space<vmem>>)
    %dma_start3A_64 = arith.constant 0 : i32
    %dma_start3A_65 = arith.constant 0 : i32
    %dma_start3A_66 = tpu.memref_slice %arg7[%dma_start3A_64, %dma_start3A_65] : memref<128x80xi32, #tpu.memory_space<vmem>> -> memref<1x80xi32, #tpu.memory_space<vmem>>
    %dma_start3A_67 = tpu.memref_squeeze %dma_start3A_66 : memref<1x80xi32, #tpu.memory_space<vmem>> -> memref<80xi32, #tpu.memory_space<vmem>>
    %dma_start3A_68 = arith.constant 0 : i32
    %dma_start3A_69 = arith.constant 0 : i32
    %dma_start3A_70 = tpu.memref_slice %arg16[%dma_start3A_68, %dma_start3A_69] : memref<10240x64xf32, #tpu.memory_space<vmem_shared>> -> memref<10240x64xf32, #tpu.memory_space<vmem_shared>>
    tpu.enqueue_indirect_dma source(%arg8 : memref<80x64xf32, #tpu.memory_space<vmem>>) target(%dma_start3A_70 : memref<10240x64xf32, #tpu.memory_space<vmem_shared>>) offsets(%dma_start3A_67 : memref<80xi32, #tpu.memory_space<vmem>>) semaphore(%arg25 : memref<!tpu.dma_semaphore, #tpu.memory_space<semaphore_mem>>) {add = true}
    %dma_start3A_71 = arith.constant 4 : i32
    %dma_start3A_72 = arith.constant 0 : i32
    %dma_start3A_73 = tpu.memref_slice %arg6[%dma_start3A_71, %dma_start3A_72] : memref<128x80xi32, #tpu.memory_space<vmem>> -> memref<1x80xi32, #tpu.memory_space<vmem>>
    %dma_start3A_74 = tpu.memref_squeeze %dma_start3A_73 : memref<1x80xi32, #tpu.memory_space<vmem>> -> memref<80xi32, #tpu.memory_space<vmem>>
    %dma_start3A_75 = arith.constant 0 : i32
    %dma_start3A_76 = arith.constant 0 : i32
    %dma_start3A_77 = tpu.memref_slice %arg2[%dma_start3A_75, %dma_start3A_76] : memref<10000x64xf32, #tpu.memory_space<hbm>> -> memref<10000x64xf32, #tpu.memory_space<hbm>>
    tpu.enqueue_indirect_dma source(%dma_start3A_77 : memref<10000x64xf32, #tpu.memory_space<hbm>>) target(%arg12 : memref<80x64xf32, #tpu.memory_space<vmem>>) offsets(%dma_start3A_74 : memref<80xi32, #tpu.memory_space<vmem>>) semaphore(%arg21 : memref<!tpu.dma_semaphore, #tpu.memory_space<semaphore_mem>>)
    %dma_wait3A_78 = arith.constant 1 : i32
    %dma_wait3A_79 = arith.constant 0 : i32
    %dma_wait3A_80 = tpu.memref_slice %arg6[%dma_wait3A_78, %dma_wait3A_79] : memref<128x80xi32, #tpu.memory_space<vmem>> -> memref<1x80xi32, #tpu.memory_space<vmem>>
    %dma_wait3A_81 = tpu.memref_squeeze %dma_wait3A_80 : memref<1x80xi32, #tpu.memory_space<vmem>> -> memref<80xi32, #tpu.memory_space<vmem>>
    %dma_wait3A_82 = arith.constant 0 : i32
    %dma_wait3A_83 = arith.constant 0 : i32
    %dma_wait3A_84 = tpu.memref_slice %arg2[%dma_wait3A_82, %dma_wait3A_83] : memref<10000x64xf32, #tpu.memory_space<hbm>> -> memref<10000x64xf32, #tpu.memory_space<hbm>>
    tpu.wait_indirect_dma semaphore(%arg18 : memref<!tpu.dma_semaphore, #tpu.memory_space<semaphore_mem>>) src(%dma_wait3A_84 : memref<10000x64xf32, #tpu.memory_space<hbm>>) dst(%arg9 : memref<80x64xf32, #tpu.memory_space<vmem>>)
    %dma_start3A_85 = arith.constant 1 : i32
    %dma_start3A_86 = arith.constant 0 : i32
    %dma_start3A_87 = tpu.memref_slice %arg7[%dma_start3A_85, %dma_start3A_86] : memref<128x80xi32, #tpu.memory_space<vmem>> -> memref<1x80xi32, #tpu.memory_space<vmem>>
    %dma_start3A_88 = tpu.memref_squeeze %dma_start3A_87 : memref<1x80xi32, #tpu.memory_space<vmem>> -> memref<80xi32, #tpu.memory_space<vmem>>
    %dma_start3A_89 = arith.constant 0 : i32
    %dma_start3A_90 = arith.constant 0 : i32
    %dma_start3A_91 = tpu.memref_slice %arg16[%dma_start3A_89, %dma_start3A_90] : memref<10240x64xf32, #tpu.memory_space<vmem_shared>> -> memref<10240x64xf32, #tpu.memory_space<vmem_shared>>
    tpu.enqueue_indirect_dma source(%arg9 : memref<80x64xf32, #tpu.memory_space<vmem>>) target(%dma_start3A_91 : memref<10240x64xf32, #tpu.memory_space<vmem_shared>>) offsets(%dma_start3A_88 : memref<80xi32, #tpu.memory_space<vmem>>) semaphore(%arg26 : memref<!tpu.dma_semaphore, #tpu.memory_space<semaphore_mem>>) {add = true}
    %dma_start3A_92 = arith.constant 5 : i32
    %dma_start3A_93 = arith.constant 0 : i32
    %dma_start3A_94 = tpu.memref_slice %arg6[%dma_start3A_92, %dma_start3A_93] : memref<128x80xi32, #tpu.memory_space<vmem>> -> memref<1x80xi32, #tpu.memory_space<vmem>>
    %dma_start3A_95 = tpu.memref_squeeze %dma_start3A_94 : memref<1x80xi32, #tpu.memory_space<vmem>> -> memref<80xi32, #tpu.memory_space<vmem>>
    %dma_start3A_96 = arith.constant 0 : i32
    %dma_start3A_97 = arith.constant 0 : i32
    %dma_start3A_98 = tpu.memref_slice %arg2[%dma_start3A_96, %dma_start3A_97] : memref<10000x64xf32, #tpu.memory_space<hbm>> -> memref<10000x64xf32, #tpu.memory_space<hbm>>
    tpu.enqueue_indirect_dma source(%dma_start3A_98 : memref<10000x64xf32, #tpu.memory_space<hbm>>) target(%arg13 : memref<80x64xf32, #tpu.memory_space<vmem>>) offsets(%dma_start3A_95 : memref<80xi32, #tpu.memory_space<vmem>>) semaphore(%arg22 : memref<!tpu.dma_semaphore, #tpu.memory_space<semaphore_mem>>)
    %dma_wait3A_99 = arith.constant 2 : i32
    %dma_wait3A_100 = arith.constant 0 : i32
    %dma_wait3A_101 = tpu.memref_slice %arg6[%dma_wait3A_99, %dma_wait3A_100] : memref<128x80xi32, #tpu.memory_space<vmem>> -> memref<1x80xi32, #tpu.memory_space<vmem>>
    %dma_wait3A_102 = tpu.memref_squeeze %dma_wait3A_101 : memref<1x80xi32, #tpu.memory_space<vmem>> -> memref<80xi32, #tpu.memory_space<vmem>>
    %dma_wait3A_103 = arith.constant 0 : i32
    %dma_wait3A_104 = arith.constant 0 : i32
    %dma_wait3A_105 = tpu.memref_slice %arg2[%dma_wait3A_103, %dma_wait3A_104] : memref<10000x64xf32, #tpu.memory_space<hbm>> -> memref<10000x64xf32, #tpu.memory_space<hbm>>
    tpu.wait_indirect_dma semaphore(%arg19 : memref<!tpu.dma_semaphore, #tpu.memory_space<semaphore_mem>>) src(%dma_wait3A_105 : memref<10000x64xf32, #tpu.memory_space<hbm>>) dst(%arg10 : memref<80x64xf32, #tpu.memory_space<vmem>>)
    %dma_start3A_106 = arith.constant 2 : i32
    %dma_start3A_107 = arith.constant 0 : i32
    %dma_start3A_108 = tpu.memref_slice %arg7[%dma_start3A_106, %dma_start3A_107] : memref<128x80xi32, #tpu.memory_space<vmem>> -> memref<1x80xi32, #tpu.memory_space<vmem>>
    %dma_start3A_109 = tpu.memref_squeeze %dma_start3A_108 : memref<1x80xi32, #tpu.memory_space<vmem>> -> memref<80xi32, #tpu.memory_space<vmem>>
    %dma_start3A_110 = arith.constant 0 : i32
    %dma_start3A_111 = arith.constant 0 : i32
    %dma_start3A_112 = tpu.memref_slice %arg16[%dma_start3A_110, %dma_start3A_111] : memref<10240x64xf32, #tpu.memory_space<vmem_shared>> -> memref<10240x64xf32, #tpu.memory_space<vmem_shared>>
    tpu.enqueue_indirect_dma source(%arg10 : memref<80x64xf32, #tpu.memory_space<vmem>>) target(%dma_start3A_112 : memref<10240x64xf32, #tpu.memory_space<vmem_shared>>) offsets(%dma_start3A_109 : memref<80xi32, #tpu.memory_space<vmem>>) semaphore(%arg27 : memref<!tpu.dma_semaphore, #tpu.memory_space<semaphore_mem>>) {add = true}
    %dma_start3A_113 = arith.constant 6 : i32
    %dma_start3A_114 = arith.constant 0 : i32
    %dma_start3A_115 = tpu.memref_slice %arg6[%dma_start3A_113, %dma_start3A_114] : memref<128x80xi32, #tpu.memory_space<vmem>> -> memref<1x80xi32, #tpu.memory_space<vmem>>
    %dma_start3A_116 = tpu.memref_squeeze %dma_start3A_115 : memref<1x80xi32, #tpu.memory_space<vmem>> -> memref<80xi32, #tpu.memory_space<vmem>>
    %dma_start3A_117 = arith.constant 0 : i32
    %dma_start3A_118 = arith.constant 0 : i32
    %dma_start3A_119 = tpu.memref_slice %arg2[%dma_start3A_117, %dma_start3A_118] : memref<10000x64xf32, #tpu.memory_space<hbm>> -> memref<10000x64xf32, #tpu.memory_space<hbm>>
    tpu.enqueue_indirect_dma source(%dma_start3A_119 : memref<10000x64xf32, #tpu.memory_space<hbm>>) target(%arg14 : memref<80x64xf32, #tpu.memory_space<vmem>>) offsets(%dma_start3A_116 : memref<80xi32, #tpu.memory_space<vmem>>) semaphore(%arg23 : memref<!tpu.dma_semaphore, #tpu.memory_space<semaphore_mem>>)
    %dma_wait3A_120 = arith.constant 3 : i32
    %dma_wait3A_121 = arith.constant 0 : i32
    %dma_wait3A_122 = tpu.memref_slice %arg6[%dma_wait3A_120, %dma_wait3A_121] : memref<128x80xi32, #tpu.memory_space<vmem>> -> memref<1x80xi32, #tpu.memory_space<vmem>>
    %dma_wait3A_123 = tpu.memref_squeeze %dma_wait3A_122 : memref<1x80xi32, #tpu.memory_space<vmem>> -> memref<80xi32, #tpu.memory_space<vmem>>
    %dma_wait3A_124 = arith.constant 0 : i32
    %dma_wait3A_125 = arith.constant 0 : i32
    %dma_wait3A_126 = tpu.memref_slice %arg2[%dma_wait3A_124, %dma_wait3A_125] : memref<10000x64xf32, #tpu.memory_space<hbm>> -> memref<10000x64xf32, #tpu.memory_space<hbm>>
    tpu.wait_indirect_dma semaphore(%arg20 : memref<!tpu.dma_semaphore, #tpu.memory_space<semaphore_mem>>) src(%dma_wait3A_126 : memref<10000x64xf32, #tpu.memory_space<hbm>>) dst(%arg11 : memref<80x64xf32, #tpu.memory_space<vmem>>)
    %dma_start3A_127 = arith.constant 3 : i32
    %dma_start3A_128 = arith.constant 0 : i32
    %dma_start3A_129 = tpu.memref_slice %arg7[%dma_start3A_127, %dma_start3A_128] : memref<128x80xi32, #tpu.memory_space<vmem>> -> memref<1x80xi32, #tpu.memory_space<vmem>>
    %dma_start3A_130 = tpu.memref_squeeze %dma_start3A_129 : memref<1x80xi32, #tpu.memory_space<vmem>> -> memref<80xi32, #tpu.memory_space<vmem>>
    %dma_start3A_131 = arith.constant 0 : i32
    %dma_start3A_132 = arith.constant 0 : i32
    %dma_start3A_133 = tpu.memref_slice %arg16[%dma_start3A_131, %dma_start3A_132] : memref<10240x64xf32, #tpu.memory_space<vmem_shared>> -> memref<10240x64xf32, #tpu.memory_space<vmem_shared>>
    tpu.enqueue_indirect_dma source(%arg11 : memref<80x64xf32, #tpu.memory_space<vmem>>) target(%dma_start3A_133 : memref<10240x64xf32, #tpu.memory_space<vmem_shared>>) offsets(%dma_start3A_130 : memref<80xi32, #tpu.memory_space<vmem>>) semaphore(%arg28 : memref<!tpu.dma_semaphore, #tpu.memory_space<semaphore_mem>>) {add = true}
    %dma_start3A_134 = arith.constant 7 : i32
    %dma_start3A_135 = arith.constant 0 : i32
    %dma_start3A_136 = tpu.memref_slice %arg6[%dma_start3A_134, %dma_start3A_135] : memref<128x80xi32, #tpu.memory_space<vmem>> -> memref<1x80xi32, #tpu.memory_space<vmem>>
    %dma_start3A_137 = tpu.memref_squeeze %dma_start3A_136 : memref<1x80xi32, #tpu.memory_space<vmem>> -> memref<80xi32, #tpu.memory_space<vmem>>
    %dma_start3A_138 = arith.constant 0 : i32
    %dma_start3A_139 = arith.constant 0 : i32
    %dma_start3A_140 = tpu.memref_slice %arg2[%dma_start3A_138, %dma_start3A_139] : memref<10000x64xf32, #tpu.memory_space<hbm>> -> memref<10000x64xf32, #tpu.memory_space<hbm>>
    tpu.enqueue_indirect_dma source(%dma_start3A_140 : memref<10000x64xf32, #tpu.memory_space<hbm>>) target(%arg15 : memref<80x64xf32, #tpu.memory_space<vmem>>) offsets(%dma_start3A_137 : memref<80xi32, #tpu.memory_space<vmem>>) semaphore(%arg24 : memref<!tpu.dma_semaphore, #tpu.memory_space<semaphore_mem>>)
    %scan3A_141 = arith.constant 0 : i32
    %scan3A_142 = arith.constant 0 : i32
    %scan3A_143 = arith.constant 15 : i32
    %scan3A_144 = arith.addi %scan3A_142, %scan3A_143 : i32
    %scan3A_145 = arith.constant 1 : i32
    scf.for %scan3A_269 = %scan3A_142 to %scan3A_144 step %scan3A_145  : i32 {
      %mul3A_270 = arith.constant 8 : i32
      %mul3A_271 = arith.muli %mul3A_270, %scan3A_269 : i32
      %add3A_272 = arith.constant 4 : i32
      %add3A_273 = arith.addi %add3A_272, %mul3A_271 : i32
      %add3A_274 = arith.constant 0 : i32
      %add3A_275 = arith.addi %add3A_273, %add3A_274 : i32
      %dma_wait3A_276 = arith.constant 0 : i32
      %dma_wait3A_277 = tpu.memref_slice %arg6[%add3A_275, %dma_wait3A_276] : memref<128x80xi32, #tpu.memory_space<vmem>> -> memref<1x80xi32, #tpu.memory_space<vmem>>
      %dma_wait3A_278 = tpu.memref_squeeze %dma_wait3A_277 : memref<1x80xi32, #tpu.memory_space<vmem>> -> memref<80xi32, #tpu.memory_space<vmem>>
      %dma_wait3A_279 = arith.constant 0 : i32
      %dma_wait3A_280 = arith.constant 0 : i32
      %dma_wait3A_281 = tpu.memref_slice %arg2[%dma_wait3A_279, %dma_wait3A_280] : memref<10000x64xf32, #tpu.memory_space<hbm>> -> memref<10000x64xf32, #tpu.memory_space<hbm>>
      tpu.wait_indirect_dma semaphore(%arg21 : memref<!tpu.dma_semaphore, #tpu.memory_space<semaphore_mem>>) src(%dma_wait3A_281 : memref<10000x64xf32, #tpu.memory_space<hbm>>) dst(%arg12 : memref<80x64xf32, #tpu.memory_space<vmem>>)
      %add3A_282 = arith.constant 0 : i32
      %add3A_283 = arith.addi %add3A_273, %add3A_282 : i32
      %dma_start3A_284 = arith.constant 0 : i32
      %dma_start3A_285 = tpu.memref_slice %arg7[%add3A_283, %dma_start3A_284] : memref<128x80xi32, #tpu.memory_space<vmem>> -> memref<1x80xi32, #tpu.memory_space<vmem>>
      %dma_start3A_286 = tpu.memref_squeeze %dma_start3A_285 : memref<1x80xi32, #tpu.memory_space<vmem>> -> memref<80xi32, #tpu.memory_space<vmem>>
      %dma_start3A_287 = arith.constant 0 : i32
      %dma_start3A_288 = arith.constant 0 : i32
      %dma_start3A_289 = tpu.memref_slice %arg16[%dma_start3A_287, %dma_start3A_288] : memref<10240x64xf32, #tpu.memory_space<vmem_shared>> -> memref<10240x64xf32, #tpu.memory_space<vmem_shared>>
      tpu.enqueue_indirect_dma source(%arg12 : memref<80x64xf32, #tpu.memory_space<vmem>>) target(%dma_start3A_289 : memref<10240x64xf32, #tpu.memory_space<vmem_shared>>) offsets(%dma_start3A_286 : memref<80xi32, #tpu.memory_space<vmem>>) semaphore(%arg29 : memref<!tpu.dma_semaphore, #tpu.memory_space<semaphore_mem>>) {add = true}
      %add3A_290 = arith.constant 0 : i32
      %add3A_291 = arith.addi %add3A_273, %add3A_290 : i32
      %sub3A = arith.constant 4 : i32
      %sub3A_292 = arith.subi %add3A_291, %sub3A : i32
      %dma_wait3A_293 = arith.constant 0 : i32
      %dma_wait3A_294 = tpu.memref_slice %arg7[%sub3A_292, %dma_wait3A_293] : memref<128x80xi32, #tpu.memory_space<vmem>> -> memref<1x80xi32, #tpu.memory_space<vmem>>
      %dma_wait3A_295 = tpu.memref_squeeze %dma_wait3A_294 : memref<1x80xi32, #tpu.memory_space<vmem>> -> memref<80xi32, #tpu.memory_space<vmem>>
      %dma_wait3A_296 = arith.constant 0 : i32
      %dma_wait3A_297 = arith.constant 0 : i32
      %dma_wait3A_298 = tpu.memref_slice %arg16[%dma_wait3A_296, %dma_wait3A_297] : memref<10240x64xf32, #tpu.memory_space<vmem_shared>> -> memref<10240x64xf32, #tpu.memory_space<vmem_shared>>
      tpu.wait_indirect_dma semaphore(%arg25 : memref<!tpu.dma_semaphore, #tpu.memory_space<semaphore_mem>>) src(%arg8 : memref<80x64xf32, #tpu.memory_space<vmem>>) dst(%dma_wait3A_298 : memref<10240x64xf32, #tpu.memory_space<vmem_shared>>)
      %add3A_299 = arith.constant 0 : i32
      %add3A_300 = arith.addi %add3A_273, %add3A_299 : i32
      %add3A_301 = arith.constant 4 : i32
      %add3A_302 = arith.addi %add3A_300, %add3A_301 : i32
      %dma_start3A_303 = arith.constant 0 : i32
      %dma_start3A_304 = tpu.memref_slice %arg6[%add3A_302, %dma_start3A_303] : memref<128x80xi32, #tpu.memory_space<vmem>> -> memref<1x80xi32, #tpu.memory_space<vmem>>
      %dma_start3A_305 = tpu.memref_squeeze %dma_start3A_304 : memref<1x80xi32, #tpu.memory_space<vmem>> -> memref<80xi32, #tpu.memory_space<vmem>>
      %dma_start3A_306 = arith.constant 0 : i32
      %dma_start3A_307 = arith.constant 0 : i32
      %dma_start3A_308 = tpu.memref_slice %arg2[%dma_start3A_306, %dma_start3A_307] : memref<10000x64xf32, #tpu.memory_space<hbm>> -> memref<10000x64xf32, #tpu.memory_space<hbm>>
      tpu.enqueue_indirect_dma source(%dma_start3A_308 : memref<10000x64xf32, #tpu.memory_space<hbm>>) target(%arg8 : memref<80x64xf32, #tpu.memory_space<vmem>>) offsets(%dma_start3A_305 : memref<80xi32, #tpu.memory_space<vmem>>) semaphore(%arg17 : memref<!tpu.dma_semaphore, #tpu.memory_space<semaphore_mem>>)
      %add3A_309 = arith.constant 1 : i32
      %add3A_310 = arith.addi %add3A_273, %add3A_309 : i32
      %dma_wait3A_311 = arith.constant 0 : i32
      %dma_wait3A_312 = tpu.memref_slice %arg6[%add3A_310, %dma_wait3A_311] : memref<128x80xi32, #tpu.memory_space<vmem>> -> memref<1x80xi32, #tpu.memory_space<vmem>>
      %dma_wait3A_313 = tpu.memref_squeeze %dma_wait3A_312 : memref<1x80xi32, #tpu.memory_space<vmem>> -> memref<80xi32, #tpu.memory_space<vmem>>
      %dma_wait3A_314 = arith.constant 0 : i32
      %dma_wait3A_315 = arith.constant 0 : i32
      %dma_wait3A_316 = tpu.memref_slice %arg2[%dma_wait3A_314, %dma_wait3A_315] : memref<10000x64xf32, #tpu.memory_space<hbm>> -> memref<10000x64xf32, #tpu.memory_space<hbm>>
      tpu.wait_indirect_dma semaphore(%arg22 : memref<!tpu.dma_semaphore, #tpu.memory_space<semaphore_mem>>) src(%dma_wait3A_316 : memref<10000x64xf32, #tpu.memory_space<hbm>>) dst(%arg13 : memref<80x64xf32, #tpu.memory_space<vmem>>)
      %add3A_317 = arith.constant 1 : i32
      %add3A_318 = arith.addi %add3A_273, %add3A_317 : i32
      %dma_start3A_319 = arith.constant 0 : i32
      %dma_start3A_320 = tpu.memref_slice %arg7[%add3A_318, %dma_start3A_319] : memref<128x80xi32, #tpu.memory_space<vmem>> -> memref<1x80xi32, #tpu.memory_space<vmem>>
      %dma_start3A_321 = tpu.memref_squeeze %dma_start3A_320 : memref<1x80xi32, #tpu.memory_space<vmem>> -> memref<80xi32, #tpu.memory_space<vmem>>
      %dma_start3A_322 = arith.constant 0 : i32
      %dma_start3A_323 = arith.constant 0 : i32
      %dma_start3A_324 = tpu.memref_slice %arg16[%dma_start3A_322, %dma_start3A_323] : memref<10240x64xf32, #tpu.memory_space<vmem_shared>> -> memref<10240x64xf32, #tpu.memory_space<vmem_shared>>
      tpu.enqueue_indirect_dma source(%arg13 : memref<80x64xf32, #tpu.memory_space<vmem>>) target(%dma_start3A_324 : memref<10240x64xf32, #tpu.memory_space<vmem_shared>>) offsets(%dma_start3A_321 : memref<80xi32, #tpu.memory_space<vmem>>) semaphore(%arg30 : memref<!tpu.dma_semaphore, #tpu.memory_space<semaphore_mem>>) {add = true}
      %add3A_325 = arith.constant 1 : i32
      %add3A_326 = arith.addi %add3A_273, %add3A_325 : i32
      %sub3A_327 = arith.constant 4 : i32
      %sub3A_328 = arith.subi %add3A_326, %sub3A_327 : i32
      %dma_wait3A_329 = arith.constant 0 : i32
      %dma_wait3A_330 = tpu.memref_slice %arg7[%sub3A_328, %dma_wait3A_329] : memref<128x80xi32, #tpu.memory_space<vmem>> -> memref<1x80xi32, #tpu.memory_space<vmem>>
      %dma_wait3A_331 = tpu.memref_squeeze %dma_wait3A_330 : memref<1x80xi32, #tpu.memory_space<vmem>> -> memref<80xi32, #tpu.memory_space<vmem>>
      %dma_wait3A_332 = arith.constant 0 : i32
      %dma_wait3A_333 = arith.constant 0 : i32
      %dma_wait3A_334 = tpu.memref_slice %arg16[%dma_wait3A_332, %dma_wait3A_333] : memref<10240x64xf32, #tpu.memory_space<vmem_shared>> -> memref<10240x64xf32, #tpu.memory_space<vmem_shared>>
      tpu.wait_indirect_dma semaphore(%arg26 : memref<!tpu.dma_semaphore, #tpu.memory_space<semaphore_mem>>) src(%arg9 : memref<80x64xf32, #tpu.memory_space<vmem>>) dst(%dma_wait3A_334 : memref<10240x64xf32, #tpu.memory_space<vmem_shared>>)
      %add3A_335 = arith.constant 1 : i32
      %add3A_336 = arith.addi %add3A_273, %add3A_335 : i32
      %add3A_337 = arith.constant 4 : i32
      %add3A_338 = arith.addi %add3A_336, %add3A_337 : i32
      %dma_start3A_339 = arith.constant 0 : i32
      %dma_start3A_340 = tpu.memref_slice %arg6[%add3A_338, %dma_start3A_339] : memref<128x80xi32, #tpu.memory_space<vmem>> -> memref<1x80xi32, #tpu.memory_space<vmem>>
      %dma_start3A_341 = tpu.memref_squeeze %dma_start3A_340 : memref<1x80xi32, #tpu.memory_space<vmem>> -> memref<80xi32, #tpu.memory_space<vmem>>
      %dma_start3A_342 = arith.constant 0 : i32
      %dma_start3A_343 = arith.constant 0 : i32
      %dma_start3A_344 = tpu.memref_slice %arg2[%dma_start3A_342, %dma_start3A_343] : memref<10000x64xf32, #tpu.memory_space<hbm>> -> memref<10000x64xf32, #tpu.memory_space<hbm>>
      tpu.enqueue_indirect_dma source(%dma_start3A_344 : memref<10000x64xf32, #tpu.memory_space<hbm>>) target(%arg9 : memref<80x64xf32, #tpu.memory_space<vmem>>) offsets(%dma_start3A_341 : memref<80xi32, #tpu.memory_space<vmem>>) semaphore(%arg18 : memref<!tpu.dma_semaphore, #tpu.memory_space<semaphore_mem>>)
      %add3A_345 = arith.constant 2 : i32
      %add3A_346 = arith.addi %add3A_273, %add3A_345 : i32
      %dma_wait3A_347 = arith.constant 0 : i32
      %dma_wait3A_348 = tpu.memref_slice %arg6[%add3A_346, %dma_wait3A_347] : memref<128x80xi32, #tpu.memory_space<vmem>> -> memref<1x80xi32, #tpu.memory_space<vmem>>
      %dma_wait3A_349 = tpu.memref_squeeze %dma_wait3A_348 : memref<1x80xi32, #tpu.memory_space<vmem>> -> memref<80xi32, #tpu.memory_space<vmem>>
      %dma_wait3A_350 = arith.constant 0 : i32
      %dma_wait3A_351 = arith.constant 0 : i32
      %dma_wait3A_352 = tpu.memref_slice %arg2[%dma_wait3A_350, %dma_wait3A_351] : memref<10000x64xf32, #tpu.memory_space<hbm>> -> memref<10000x64xf32, #tpu.memory_space<hbm>>
      tpu.wait_indirect_dma semaphore(%arg23 : memref<!tpu.dma_semaphore, #tpu.memory_space<semaphore_mem>>) src(%dma_wait3A_352 : memref<10000x64xf32, #tpu.memory_space<hbm>>) dst(%arg14 : memref<80x64xf32, #tpu.memory_space<vmem>>)
      %add3A_353 = arith.constant 2 : i32
      %add3A_354 = arith.addi %add3A_273, %add3A_353 : i32
      %dma_start3A_355 = arith.constant 0 : i32
      %dma_start3A_356 = tpu.memref_slice %arg7[%add3A_354, %dma_start3A_355] : memref<128x80xi32, #tpu.memory_space<vmem>> -> memref<1x80xi32, #tpu.memory_space<vmem>>
      %dma_start3A_357 = tpu.memref_squeeze %dma_start3A_356 : memref<1x80xi32, #tpu.memory_space<vmem>> -> memref<80xi32, #tpu.memory_space<vmem>>
      %dma_start3A_358 = arith.constant 0 : i32
      %dma_start3A_359 = arith.constant 0 : i32
      %dma_start3A_360 = tpu.memref_slice %arg16[%dma_start3A_358, %dma_start3A_359] : memref<10240x64xf32, #tpu.memory_space<vmem_shared>> -> memref<10240x64xf32, #tpu.memory_space<vmem_shared>>
      tpu.enqueue_indirect_dma source(%arg14 : memref<80x64xf32, #tpu.memory_space<vmem>>) target(%dma_start3A_360 : memref<10240x64xf32, #tpu.memory_space<vmem_shared>>) offsets(%dma_start3A_357 : memref<80xi32, #tpu.memory_space<vmem>>) semaphore(%arg31 : memref<!tpu.dma_semaphore, #tpu.memory_space<semaphore_mem>>) {add = true}
      %add3A_361 = arith.constant 2 : i32
      %add3A_362 = arith.addi %add3A_273, %add3A_361 : i32
      %sub3A_363 = arith.constant 4 : i32
      %sub3A_364 = arith.subi %add3A_362, %sub3A_363 : i32
      %dma_wait3A_365 = arith.constant 0 : i32
      %dma_wait3A_366 = tpu.memref_slice %arg7[%sub3A_364, %dma_wait3A_365] : memref<128x80xi32, #tpu.memory_space<vmem>> -> memref<1x80xi32, #tpu.memory_space<vmem>>
      %dma_wait3A_367 = tpu.memref_squeeze %dma_wait3A_366 : memref<1x80xi32, #tpu.memory_space<vmem>> -> memref<80xi32, #tpu.memory_space<vmem>>
      %dma_wait3A_368 = arith.constant 0 : i32
      %dma_wait3A_369 = arith.constant 0 : i32
      %dma_wait3A_370 = tpu.memref_slice %arg16[%dma_wait3A_368, %dma_wait3A_369] : memref<10240x64xf32, #tpu.memory_space<vmem_shared>> -> memref<10240x64xf32, #tpu.memory_space<vmem_shared>>
      tpu.wait_indirect_dma semaphore(%arg27 : memref<!tpu.dma_semaphore, #tpu.memory_space<semaphore_mem>>) src(%arg10 : memref<80x64xf32, #tpu.memory_space<vmem>>) dst(%dma_wait3A_370 : memref<10240x64xf32, #tpu.memory_space<vmem_shared>>)
      %add3A_371 = arith.constant 2 : i32
      %add3A_372 = arith.addi %add3A_273, %add3A_371 : i32
      %add3A_373 = arith.constant 4 : i32
      %add3A_374 = arith.addi %add3A_372, %add3A_373 : i32
      %dma_start3A_375 = arith.constant 0 : i32
      %dma_start3A_376 = tpu.memref_slice %arg6[%add3A_374, %dma_start3A_375] : memref<128x80xi32, #tpu.memory_space<vmem>> -> memref<1x80xi32, #tpu.memory_space<vmem>>
      %dma_start3A_377 = tpu.memref_squeeze %dma_start3A_376 : memref<1x80xi32, #tpu.memory_space<vmem>> -> memref<80xi32, #tpu.memory_space<vmem>>
      %dma_start3A_378 = arith.constant 0 : i32
      %dma_start3A_379 = arith.constant 0 : i32
      %dma_start3A_380 = tpu.memref_slice %arg2[%dma_start3A_378, %dma_start3A_379] : memref<10000x64xf32, #tpu.memory_space<hbm>> -> memref<10000x64xf32, #tpu.memory_space<hbm>>
      tpu.enqueue_indirect_dma source(%dma_start3A_380 : memref<10000x64xf32, #tpu.memory_space<hbm>>) target(%arg10 : memref<80x64xf32, #tpu.memory_space<vmem>>) offsets(%dma_start3A_377 : memref<80xi32, #tpu.memory_space<vmem>>) semaphore(%arg19 : memref<!tpu.dma_semaphore, #tpu.memory_space<semaphore_mem>>)
      %add3A_381 = arith.constant 3 : i32
      %add3A_382 = arith.addi %add3A_273, %add3A_381 : i32
      %dma_wait3A_383 = arith.constant 0 : i32
      %dma_wait3A_384 = tpu.memref_slice %arg6[%add3A_382, %dma_wait3A_383] : memref<128x80xi32, #tpu.memory_space<vmem>> -> memref<1x80xi32, #tpu.memory_space<vmem>>
      %dma_wait3A_385 = tpu.memref_squeeze %dma_wait3A_384 : memref<1x80xi32, #tpu.memory_space<vmem>> -> memref<80xi32, #tpu.memory_space<vmem>>
      %dma_wait3A_386 = arith.constant 0 : i32
      %dma_wait3A_387 = arith.constant 0 : i32
      %dma_wait3A_388 = tpu.memref_slice %arg2[%dma_wait3A_386, %dma_wait3A_387] : memref<10000x64xf32, #tpu.memory_space<hbm>> -> memref<10000x64xf32, #tpu.memory_space<hbm>>
      tpu.wait_indirect_dma semaphore(%arg24 : memref<!tpu.dma_semaphore, #tpu.memory_space<semaphore_mem>>) src(%dma_wait3A_388 : memref<10000x64xf32, #tpu.memory_space<hbm>>) dst(%arg15 : memref<80x64xf32, #tpu.memory_space<vmem>>)
      %add3A_389 = arith.constant 3 : i32
      %add3A_390 = arith.addi %add3A_273, %add3A_389 : i32
      %dma_start3A_391 = arith.constant 0 : i32
      %dma_start3A_392 = tpu.memref_slice %arg7[%add3A_390, %dma_start3A_391] : memref<128x80xi32, #tpu.memory_space<vmem>> -> memref<1x80xi32, #tpu.memory_space<vmem>>
      %dma_start3A_393 = tpu.memref_squeeze %dma_start3A_392 : memref<1x80xi32, #tpu.memory_space<vmem>> -> memref<80xi32, #tpu.memory_space<vmem>>
      %dma_start3A_394 = arith.constant 0 : i32
      %dma_start3A_395 = arith.constant 0 : i32
      %dma_start3A_396 = tpu.memref_slice %arg16[%dma_start3A_394, %dma_start3A_395] : memref<10240x64xf32, #tpu.memory_space<vmem_shared>> -> memref<10240x64xf32, #tpu.memory_space<vmem_shared>>
      tpu.enqueue_indirect_dma source(%arg15 : memref<80x64xf32, #tpu.memory_space<vmem>>) target(%dma_start3A_396 : memref<10240x64xf32, #tpu.memory_space<vmem_shared>>) offsets(%dma_start3A_393 : memref<80xi32, #tpu.memory_space<vmem>>) semaphore(%arg32 : memref<!tpu.dma_semaphore, #tpu.memory_space<semaphore_mem>>) {add = true}
      %add3A_397 = arith.constant 3 : i32
      %add3A_398 = arith.addi %add3A_273, %add3A_397 : i32
      %sub3A_399 = arith.constant 4 : i32
      %sub3A_400 = arith.subi %add3A_398, %sub3A_399 : i32
      %dma_wait3A_401 = arith.constant 0 : i32
      %dma_wait3A_402 = tpu.memref_slice %arg7[%sub3A_400, %dma_wait3A_401] : memref<128x80xi32, #tpu.memory_space<vmem>> -> memref<1x80xi32, #tpu.memory_space<vmem>>
      %dma_wait3A_403 = tpu.memref_squeeze %dma_wait3A_402 : memref<1x80xi32, #tpu.memory_space<vmem>> -> memref<80xi32, #tpu.memory_space<vmem>>
      %dma_wait3A_404 = arith.constant 0 : i32
      %dma_wait3A_405 = arith.constant 0 : i32
      %dma_wait3A_406 = tpu.memref_slice %arg16[%dma_wait3A_404, %dma_wait3A_405] : memref<10240x64xf32, #tpu.memory_space<vmem_shared>> -> memref<10240x64xf32, #tpu.memory_space<vmem_shared>>
      tpu.wait_indirect_dma semaphore(%arg28 : memref<!tpu.dma_semaphore, #tpu.memory_space<semaphore_mem>>) src(%arg11 : memref<80x64xf32, #tpu.memory_space<vmem>>) dst(%dma_wait3A_406 : memref<10240x64xf32, #tpu.memory_space<vmem_shared>>)
      %add3A_407 = arith.constant 3 : i32
      %add3A_408 = arith.addi %add3A_273, %add3A_407 : i32
      %add3A_409 = arith.constant 4 : i32
      %add3A_410 = arith.addi %add3A_408, %add3A_409 : i32
      %dma_start3A_411 = arith.constant 0 : i32
      %dma_start3A_412 = tpu.memref_slice %arg6[%add3A_410, %dma_start3A_411] : memref<128x80xi32, #tpu.memory_space<vmem>> -> memref<1x80xi32, #tpu.memory_space<vmem>>
      %dma_start3A_413 = tpu.memref_squeeze %dma_start3A_412 : memref<1x80xi32, #tpu.memory_space<vmem>> -> memref<80xi32, #tpu.memory_space<vmem>>
      %dma_start3A_414 = arith.constant 0 : i32
      %dma_start3A_415 = arith.constant 0 : i32
      %dma_start3A_416 = tpu.memref_slice %arg2[%dma_start3A_414, %dma_start3A_415] : memref<10000x64xf32, #tpu.memory_space<hbm>> -> memref<10000x64xf32, #tpu.memory_space<hbm>>
      tpu.enqueue_indirect_dma source(%dma_start3A_416 : memref<10000x64xf32, #tpu.memory_space<hbm>>) target(%arg11 : memref<80x64xf32, #tpu.memory_space<vmem>>) offsets(%dma_start3A_413 : memref<80xi32, #tpu.memory_space<vmem>>) semaphore(%arg20 : memref<!tpu.dma_semaphore, #tpu.memory_space<semaphore_mem>>)
      %add3A_417 = arith.constant 4 : i32
      %add3A_418 = arith.addi %add3A_273, %add3A_417 : i32
      %dma_wait3A_419 = arith.constant 0 : i32
      %dma_wait3A_420 = tpu.memref_slice %arg6[%add3A_418, %dma_wait3A_419] : memref<128x80xi32, #tpu.memory_space<vmem>> -> memref<1x80xi32, #tpu.memory_space<vmem>>
      %dma_wait3A_421 = tpu.memref_squeeze %dma_wait3A_420 : memref<1x80xi32, #tpu.memory_space<vmem>> -> memref<80xi32, #tpu.memory_space<vmem>>
      %dma_wait3A_422 = arith.constant 0 : i32
      %dma_wait3A_423 = arith.constant 0 : i32
      %dma_wait3A_424 = tpu.memref_slice %arg2[%dma_wait3A_422, %dma_wait3A_423] : memref<10000x64xf32, #tpu.memory_space<hbm>> -> memref<10000x64xf32, #tpu.memory_space<hbm>>
      tpu.wait_indirect_dma semaphore(%arg17 : memref<!tpu.dma_semaphore, #tpu.memory_space<semaphore_mem>>) src(%dma_wait3A_424 : memref<10000x64xf32, #tpu.memory_space<hbm>>) dst(%arg8 : memref<80x64xf32, #tpu.memory_space<vmem>>)
      %add3A_425 = arith.constant 4 : i32
      %add3A_426 = arith.addi %add3A_273, %add3A_425 : i32
      %dma_start3A_427 = arith.constant 0 : i32
      %dma_start3A_428 = tpu.memref_slice %arg7[%add3A_426, %dma_start3A_427] : memref<128x80xi32, #tpu.memory_space<vmem>> -> memref<1x80xi32, #tpu.memory_space<vmem>>
      %dma_start3A_429 = tpu.memref_squeeze %dma_start3A_428 : memref<1x80xi32, #tpu.memory_space<vmem>> -> memref<80xi32, #tpu.memory_space<vmem>>
      %dma_start3A_430 = arith.constant 0 : i32
      %dma_start3A_431 = arith.constant 0 : i32
      %dma_start3A_432 = tpu.memref_slice %arg16[%dma_start3A_430, %dma_start3A_431] : memref<10240x64xf32, #tpu.memory_space<vmem_shared>> -> memref<10240x64xf32, #tpu.memory_space<vmem_shared>>
      tpu.enqueue_indirect_dma source(%arg8 : memref<80x64xf32, #tpu.memory_space<vmem>>) target(%dma_start3A_432 : memref<10240x64xf32, #tpu.memory_space<vmem_shared>>) offsets(%dma_start3A_429 : memref<80xi32, #tpu.memory_space<vmem>>) semaphore(%arg25 : memref<!tpu.dma_semaphore, #tpu.memory_space<semaphore_mem>>) {add = true}
      %add3A_433 = arith.constant 4 : i32
      %add3A_434 = arith.addi %add3A_273, %add3A_433 : i32
      %sub3A_435 = arith.constant 4 : i32
      %sub3A_436 = arith.subi %add3A_434, %sub3A_435 : i32
      %dma_wait3A_437 = arith.constant 0 : i32
      %dma_wait3A_438 = tpu.memref_slice %arg7[%sub3A_436, %dma_wait3A_437] : memref<128x80xi32, #tpu.memory_space<vmem>> -> memref<1x80xi32, #tpu.memory_space<vmem>>
      %dma_wait3A_439 = tpu.memref_squeeze %dma_wait3A_438 : memref<1x80xi32, #tpu.memory_space<vmem>> -> memref<80xi32, #tpu.memory_space<vmem>>
      %dma_wait3A_440 = arith.constant 0 : i32
      %dma_wait3A_441 = arith.constant 0 : i32
      %dma_wait3A_442 = tpu.memref_slice %arg16[%dma_wait3A_440, %dma_wait3A_441] : memref<10240x64xf32, #tpu.memory_space<vmem_shared>> -> memref<10240x64xf32, #tpu.memory_space<vmem_shared>>
      tpu.wait_indirect_dma semaphore(%arg29 : memref<!tpu.dma_semaphore, #tpu.memory_space<semaphore_mem>>) src(%arg12 : memref<80x64xf32, #tpu.memory_space<vmem>>) dst(%dma_wait3A_442 : memref<10240x64xf32, #tpu.memory_space<vmem_shared>>)
      %add3A_443 = arith.constant 4 : i32
      %add3A_444 = arith.addi %add3A_273, %add3A_443 : i32
      %add3A_445 = arith.constant 4 : i32
      %add3A_446 = arith.addi %add3A_444, %add3A_445 : i32
      %dma_start3A_447 = arith.constant 0 : i32
      %dma_start3A_448 = tpu.memref_slice %arg6[%add3A_446, %dma_start3A_447] : memref<128x80xi32, #tpu.memory_space<vmem>> -> memref<1x80xi32, #tpu.memory_space<vmem>>
      %dma_start3A_449 = tpu.memref_squeeze %dma_start3A_448 : memref<1x80xi32, #tpu.memory_space<vmem>> -> memref<80xi32, #tpu.memory_space<vmem>>
      %dma_start3A_450 = arith.constant 0 : i32
      %dma_start3A_451 = arith.constant 0 : i32
      %dma_start3A_452 = tpu.memref_slice %arg2[%dma_start3A_450, %dma_start3A_451] : memref<10000x64xf32, #tpu.memory_space<hbm>> -> memref<10000x64xf32, #tpu.memory_space<hbm>>
      tpu.enqueue_indirect_dma source(%dma_start3A_452 : memref<10000x64xf32, #tpu.memory_space<hbm>>) target(%arg12 : memref<80x64xf32, #tpu.memory_space<vmem>>) offsets(%dma_start3A_449 : memref<80xi32, #tpu.memory_space<vmem>>) semaphore(%arg21 : memref<!tpu.dma_semaphore, #tpu.memory_space<semaphore_mem>>)
      %add3A_453 = arith.constant 5 : i32
      %add3A_454 = arith.addi %add3A_273, %add3A_453 : i32
      %dma_wait3A_455 = arith.constant 0 : i32
      %dma_wait3A_456 = tpu.memref_slice %arg6[%add3A_454, %dma_wait3A_455] : memref<128x80xi32, #tpu.memory_space<vmem>> -> memref<1x80xi32, #tpu.memory_space<vmem>>
      %dma_wait3A_457 = tpu.memref_squeeze %dma_wait3A_456 : memref<1x80xi32, #tpu.memory_space<vmem>> -> memref<80xi32, #tpu.memory_space<vmem>>
      %dma_wait3A_458 = arith.constant 0 : i32
      %dma_wait3A_459 = arith.constant 0 : i32
      %dma_wait3A_460 = tpu.memref_slice %arg2[%dma_wait3A_458, %dma_wait3A_459] : memref<10000x64xf32, #tpu.memory_space<hbm>> -> memref<10000x64xf32, #tpu.memory_space<hbm>>
      tpu.wait_indirect_dma semaphore(%arg18 : memref<!tpu.dma_semaphore, #tpu.memory_space<semaphore_mem>>) src(%dma_wait3A_460 : memref<10000x64xf32, #tpu.memory_space<hbm>>) dst(%arg9 : memref<80x64xf32, #tpu.memory_space<vmem>>)
      %add3A_461 = arith.constant 5 : i32
      %add3A_462 = arith.addi %add3A_273, %add3A_461 : i32
      %dma_start3A_463 = arith.constant 0 : i32
      %dma_start3A_464 = tpu.memref_slice %arg7[%add3A_462, %dma_start3A_463] : memref<128x80xi32, #tpu.memory_space<vmem>> -> memref<1x80xi32, #tpu.memory_space<vmem>>
      %dma_start3A_465 = tpu.memref_squeeze %dma_start3A_464 : memref<1x80xi32, #tpu.memory_space<vmem>> -> memref<80xi32, #tpu.memory_space<vmem>>
      %dma_start3A_466 = arith.constant 0 : i32
      %dma_start3A_467 = arith.constant 0 : i32
      %dma_start3A_468 = tpu.memref_slice %arg16[%dma_start3A_466, %dma_start3A_467] : memref<10240x64xf32, #tpu.memory_space<vmem_shared>> -> memref<10240x64xf32, #tpu.memory_space<vmem_shared>>
      tpu.enqueue_indirect_dma source(%arg9 : memref<80x64xf32, #tpu.memory_space<vmem>>) target(%dma_start3A_468 : memref<10240x64xf32, #tpu.memory_space<vmem_shared>>) offsets(%dma_start3A_465 : memref<80xi32, #tpu.memory_space<vmem>>) semaphore(%arg26 : memref<!tpu.dma_semaphore, #tpu.memory_space<semaphore_mem>>) {add = true}
      %add3A_469 = arith.constant 5 : i32
      %add3A_470 = arith.addi %add3A_273, %add3A_469 : i32
      %sub3A_471 = arith.constant 4 : i32
      %sub3A_472 = arith.subi %add3A_470, %sub3A_471 : i32
      %dma_wait3A_473 = arith.constant 0 : i32
      %dma_wait3A_474 = tpu.memref_slice %arg7[%sub3A_472, %dma_wait3A_473] : memref<128x80xi32, #tpu.memory_space<vmem>> -> memref<1x80xi32, #tpu.memory_space<vmem>>
      %dma_wait3A_475 = tpu.memref_squeeze %dma_wait3A_474 : memref<1x80xi32, #tpu.memory_space<vmem>> -> memref<80xi32, #tpu.memory_space<vmem>>
      %dma_wait3A_476 = arith.constant 0 : i32
      %dma_wait3A_477 = arith.constant 0 : i32
      %dma_wait3A_478 = tpu.memref_slice %arg16[%dma_wait3A_476, %dma_wait3A_477] : memref<10240x64xf32, #tpu.memory_space<vmem_shared>> -> memref<10240x64xf32, #tpu.memory_space<vmem_shared>>
      tpu.wait_indirect_dma semaphore(%arg30 : memref<!tpu.dma_semaphore, #tpu.memory_space<semaphore_mem>>) src(%arg13 : memref<80x64xf32, #tpu.memory_space<vmem>>) dst(%dma_wait3A_478 : memref<10240x64xf32, #tpu.memory_space<vmem_shared>>)
      %add3A_479 = arith.constant 5 : i32
      %add3A_480 = arith.addi %add3A_273, %add3A_479 : i32
      %add3A_481 = arith.constant 4 : i32
      %add3A_482 = arith.addi %add3A_480, %add3A_481 : i32
      %dma_start3A_483 = arith.constant 0 : i32
      %dma_start3A_484 = tpu.memref_slice %arg6[%add3A_482, %dma_start3A_483] : memref<128x80xi32, #tpu.memory_space<vmem>> -> memref<1x80xi32, #tpu.memory_space<vmem>>
      %dma_start3A_485 = tpu.memref_squeeze %dma_start3A_484 : memref<1x80xi32, #tpu.memory_space<vmem>> -> memref<80xi32, #tpu.memory_space<vmem>>
      %dma_start3A_486 = arith.constant 0 : i32
      %dma_start3A_487 = arith.constant 0 : i32
      %dma_start3A_488 = tpu.memref_slice %arg2[%dma_start3A_486, %dma_start3A_487] : memref<10000x64xf32, #tpu.memory_space<hbm>> -> memref<10000x64xf32, #tpu.memory_space<hbm>>
      tpu.enqueue_indirect_dma source(%dma_start3A_488 : memref<10000x64xf32, #tpu.memory_space<hbm>>) target(%arg13 : memref<80x64xf32, #tpu.memory_space<vmem>>) offsets(%dma_start3A_485 : memref<80xi32, #tpu.memory_space<vmem>>) semaphore(%arg22 : memref<!tpu.dma_semaphore, #tpu.memory_space<semaphore_mem>>)
      %add3A_489 = arith.constant 6 : i32
      %add3A_490 = arith.addi %add3A_273, %add3A_489 : i32
      %dma_wait3A_491 = arith.constant 0 : i32
      %dma_wait3A_492 = tpu.memref_slice %arg6[%add3A_490, %dma_wait3A_491] : memref<128x80xi32, #tpu.memory_space<vmem>> -> memref<1x80xi32, #tpu.memory_space<vmem>>
      %dma_wait3A_493 = tpu.memref_squeeze %dma_wait3A_492 : memref<1x80xi32, #tpu.memory_space<vmem>> -> memref<80xi32, #tpu.memory_space<vmem>>
      %dma_wait3A_494 = arith.constant 0 : i32
      %dma_wait3A_495 = arith.constant 0 : i32
      %dma_wait3A_496 = tpu.memref_slice %arg2[%dma_wait3A_494, %dma_wait3A_495] : memref<10000x64xf32, #tpu.memory_space<hbm>> -> memref<10000x64xf32, #tpu.memory_space<hbm>>
      tpu.wait_indirect_dma semaphore(%arg19 : memref<!tpu.dma_semaphore, #tpu.memory_space<semaphore_mem>>) src(%dma_wait3A_496 : memref<10000x64xf32, #tpu.memory_space<hbm>>) dst(%arg10 : memref<80x64xf32, #tpu.memory_space<vmem>>)
      %add3A_497 = arith.constant 6 : i32
      %add3A_498 = arith.addi %add3A_273, %add3A_497 : i32
      %dma_start3A_499 = arith.constant 0 : i32
      %dma_start3A_500 = tpu.memref_slice %arg7[%add3A_498, %dma_start3A_499] : memref<128x80xi32, #tpu.memory_space<vmem>> -> memref<1x80xi32, #tpu.memory_space<vmem>>
      %dma_start3A_501 = tpu.memref_squeeze %dma_start3A_500 : memref<1x80xi32, #tpu.memory_space<vmem>> -> memref<80xi32, #tpu.memory_space<vmem>>
      %dma_start3A_502 = arith.constant 0 : i32
      %dma_start3A_503 = arith.constant 0 : i32
      %dma_start3A_504 = tpu.memref_slice %arg16[%dma_start3A_502, %dma_start3A_503] : memref<10240x64xf32, #tpu.memory_space<vmem_shared>> -> memref<10240x64xf32, #tpu.memory_space<vmem_shared>>
      tpu.enqueue_indirect_dma source(%arg10 : memref<80x64xf32, #tpu.memory_space<vmem>>) target(%dma_start3A_504 : memref<10240x64xf32, #tpu.memory_space<vmem_shared>>) offsets(%dma_start3A_501 : memref<80xi32, #tpu.memory_space<vmem>>) semaphore(%arg27 : memref<!tpu.dma_semaphore, #tpu.memory_space<semaphore_mem>>) {add = true}
      %add3A_505 = arith.constant 6 : i32
      %add3A_506 = arith.addi %add3A_273, %add3A_505 : i32
      %sub3A_507 = arith.constant 4 : i32
      %sub3A_508 = arith.subi %add3A_506, %sub3A_507 : i32
      %dma_wait3A_509 = arith.constant 0 : i32
      %dma_wait3A_510 = tpu.memref_slice %arg7[%sub3A_508, %dma_wait3A_509] : memref<128x80xi32, #tpu.memory_space<vmem>> -> memref<1x80xi32, #tpu.memory_space<vmem>>
      %dma_wait3A_511 = tpu.memref_squeeze %dma_wait3A_510 : memref<1x80xi32, #tpu.memory_space<vmem>> -> memref<80xi32, #tpu.memory_space<vmem>>
      %dma_wait3A_512 = arith.constant 0 : i32
      %dma_wait3A_513 = arith.constant 0 : i32
      %dma_wait3A_514 = tpu.memref_slice %arg16[%dma_wait3A_512, %dma_wait3A_513] : memref<10240x64xf32, #tpu.memory_space<vmem_shared>> -> memref<10240x64xf32, #tpu.memory_space<vmem_shared>>
      tpu.wait_indirect_dma semaphore(%arg31 : memref<!tpu.dma_semaphore, #tpu.memory_space<semaphore_mem>>) src(%arg14 : memref<80x64xf32, #tpu.memory_space<vmem>>) dst(%dma_wait3A_514 : memref<10240x64xf32, #tpu.memory_space<vmem_shared>>)
      %add3A_515 = arith.constant 6 : i32
      %add3A_516 = arith.addi %add3A_273, %add3A_515 : i32
      %add3A_517 = arith.constant 4 : i32
      %add3A_518 = arith.addi %add3A_516, %add3A_517 : i32
      %dma_start3A_519 = arith.constant 0 : i32
      %dma_start3A_520 = tpu.memref_slice %arg6[%add3A_518, %dma_start3A_519] : memref<128x80xi32, #tpu.memory_space<vmem>> -> memref<1x80xi32, #tpu.memory_space<vmem>>
      %dma_start3A_521 = tpu.memref_squeeze %dma_start3A_520 : memref<1x80xi32, #tpu.memory_space<vmem>> -> memref<80xi32, #tpu.memory_space<vmem>>
      %dma_start3A_522 = arith.constant 0 : i32
      %dma_start3A_523 = arith.constant 0 : i32
      %dma_start3A_524 = tpu.memref_slice %arg2[%dma_start3A_522, %dma_start3A_523] : memref<10000x64xf32, #tpu.memory_space<hbm>> -> memref<10000x64xf32, #tpu.memory_space<hbm>>
      tpu.enqueue_indirect_dma source(%dma_start3A_524 : memref<10000x64xf32, #tpu.memory_space<hbm>>) target(%arg14 : memref<80x64xf32, #tpu.memory_space<vmem>>) offsets(%dma_start3A_521 : memref<80xi32, #tpu.memory_space<vmem>>) semaphore(%arg23 : memref<!tpu.dma_semaphore, #tpu.memory_space<semaphore_mem>>)
      %add3A_525 = arith.constant 7 : i32
      %add3A_526 = arith.addi %add3A_273, %add3A_525 : i32
      %dma_wait3A_527 = arith.constant 0 : i32
      %dma_wait3A_528 = tpu.memref_slice %arg6[%add3A_526, %dma_wait3A_527] : memref<128x80xi32, #tpu.memory_space<vmem>> -> memref<1x80xi32, #tpu.memory_space<vmem>>
      %dma_wait3A_529 = tpu.memref_squeeze %dma_wait3A_528 : memref<1x80xi32, #tpu.memory_space<vmem>> -> memref<80xi32, #tpu.memory_space<vmem>>
      %dma_wait3A_530 = arith.constant 0 : i32
      %dma_wait3A_531 = arith.constant 0 : i32
      %dma_wait3A_532 = tpu.memref_slice %arg2[%dma_wait3A_530, %dma_wait3A_531] : memref<10000x64xf32, #tpu.memory_space<hbm>> -> memref<10000x64xf32, #tpu.memory_space<hbm>>
      tpu.wait_indirect_dma semaphore(%arg20 : memref<!tpu.dma_semaphore, #tpu.memory_space<semaphore_mem>>) src(%dma_wait3A_532 : memref<10000x64xf32, #tpu.memory_space<hbm>>) dst(%arg11 : memref<80x64xf32, #tpu.memory_space<vmem>>)
      %add3A_533 = arith.constant 7 : i32
      %add3A_534 = arith.addi %add3A_273, %add3A_533 : i32
      %dma_start3A_535 = arith.constant 0 : i32
      %dma_start3A_536 = tpu.memref_slice %arg7[%add3A_534, %dma_start3A_535] : memref<128x80xi32, #tpu.memory_space<vmem>> -> memref<1x80xi32, #tpu.memory_space<vmem>>
      %dma_start3A_537 = tpu.memref_squeeze %dma_start3A_536 : memref<1x80xi32, #tpu.memory_space<vmem>> -> memref<80xi32, #tpu.memory_space<vmem>>
      %dma_start3A_538 = arith.constant 0 : i32
      %dma_start3A_539 = arith.constant 0 : i32
      %dma_start3A_540 = tpu.memref_slice %arg16[%dma_start3A_538, %dma_start3A_539] : memref<10240x64xf32, #tpu.memory_space<vmem_shared>> -> memref<10240x64xf32, #tpu.memory_space<vmem_shared>>
      tpu.enqueue_indirect_dma source(%arg11 : memref<80x64xf32, #tpu.memory_space<vmem>>) target(%dma_start3A_540 : memref<10240x64xf32, #tpu.memory_space<vmem_shared>>) offsets(%dma_start3A_537 : memref<80xi32, #tpu.memory_space<vmem>>) semaphore(%arg28 : memref<!tpu.dma_semaphore, #tpu.memory_space<semaphore_mem>>) {add = true}
      %add3A_541 = arith.constant 7 : i32
      %add3A_542 = arith.addi %add3A_273, %add3A_541 : i32
      %sub3A_543 = arith.constant 4 : i32
      %sub3A_544 = arith.subi %add3A_542, %sub3A_543 : i32
      %dma_wait3A_545 = arith.constant 0 : i32
      %dma_wait3A_546 = tpu.memref_slice %arg7[%sub3A_544, %dma_wait3A_545] : memref<128x80xi32, #tpu.memory_space<vmem>> -> memref<1x80xi32, #tpu.memory_space<vmem>>
      %dma_wait3A_547 = tpu.memref_squeeze %dma_wait3A_546 : memref<1x80xi32, #tpu.memory_space<vmem>> -> memref<80xi32, #tpu.memory_space<vmem>>
      %dma_wait3A_548 = arith.constant 0 : i32
      %dma_wait3A_549 = arith.constant 0 : i32
      %dma_wait3A_550 = tpu.memref_slice %arg16[%dma_wait3A_548, %dma_wait3A_549] : memref<10240x64xf32, #tpu.memory_space<vmem_shared>> -> memref<10240x64xf32, #tpu.memory_space<vmem_shared>>
      tpu.wait_indirect_dma semaphore(%arg32 : memref<!tpu.dma_semaphore, #tpu.memory_space<semaphore_mem>>) src(%arg15 : memref<80x64xf32, #tpu.memory_space<vmem>>) dst(%dma_wait3A_550 : memref<10240x64xf32, #tpu.memory_space<vmem_shared>>)
      %add3A_551 = arith.constant 7 : i32
      %add3A_552 = arith.addi %add3A_273, %add3A_551 : i32
      %add3A_553 = arith.constant 4 : i32
      %add3A_554 = arith.addi %add3A_552, %add3A_553 : i32
      %dma_start3A_555 = arith.constant 0 : i32
      %dma_start3A_556 = tpu.memref_slice %arg6[%add3A_554, %dma_start3A_555] : memref<128x80xi32, #tpu.memory_space<vmem>> -> memref<1x80xi32, #tpu.memory_space<vmem>>
      %dma_start3A_557 = tpu.memref_squeeze %dma_start3A_556 : memref<1x80xi32, #tpu.memory_space<vmem>> -> memref<80xi32, #tpu.memory_space<vmem>>
      %dma_start3A_558 = arith.constant 0 : i32
      %dma_start3A_559 = arith.constant 0 : i32
      %dma_start3A_560 = tpu.memref_slice %arg2[%dma_start3A_558, %dma_start3A_559] : memref<10000x64xf32, #tpu.memory_space<hbm>> -> memref<10000x64xf32, #tpu.memory_space<hbm>>
      tpu.enqueue_indirect_dma source(%dma_start3A_560 : memref<10000x64xf32, #tpu.memory_space<hbm>>) target(%arg15 : memref<80x64xf32, #tpu.memory_space<vmem>>) offsets(%dma_start3A_557 : memref<80xi32, #tpu.memory_space<vmem>>) semaphore(%arg24 : memref<!tpu.dma_semaphore, #tpu.memory_space<semaphore_mem>>)
    }
    %scan3A_146 = arith.constant 15 : i32
    %dma_wait3A_147 = arith.constant 124 : i32
    %dma_wait3A_148 = arith.constant 0 : i32
    %dma_wait3A_149 = tpu.memref_slice %arg6[%dma_wait3A_147, %dma_wait3A_148] : memref<128x80xi32, #tpu.memory_space<vmem>> -> memref<1x80xi32, #tpu.memory_space<vmem>>
    %dma_wait3A_150 = tpu.memref_squeeze %dma_wait3A_149 : memref<1x80xi32, #tpu.memory_space<vmem>> -> memref<80xi32, #tpu.memory_space<vmem>>
    %dma_wait3A_151 = arith.constant 0 : i32
    %dma_wait3A_152 = arith.constant 0 : i32
    %dma_wait3A_153 = tpu.memref_slice %arg2[%dma_wait3A_151, %dma_wait3A_152] : memref<10000x64xf32, #tpu.memory_space<hbm>> -> memref<10000x64xf32, #tpu.memory_space<hbm>>
    tpu.wait_indirect_dma semaphore(%arg21 : memref<!tpu.dma_semaphore, #tpu.memory_space<semaphore_mem>>) src(%dma_wait3A_153 : memref<10000x64xf32, #tpu.memory_space<hbm>>) dst(%arg12 : memref<80x64xf32, #tpu.memory_space<vmem>>)
    %dma_start3A_154 = arith.constant 124 : i32
    %dma_start3A_155 = arith.constant 0 : i32
    %dma_start3A_156 = tpu.memref_slice %arg7[%dma_start3A_154, %dma_start3A_155] : memref<128x80xi32, #tpu.memory_space<vmem>> -> memref<1x80xi32, #tpu.memory_space<vmem>>
    %dma_start3A_157 = tpu.memref_squeeze %dma_start3A_156 : memref<1x80xi32, #tpu.memory_space<vmem>> -> memref<80xi32, #tpu.memory_space<vmem>>
    %dma_start3A_158 = arith.constant 0 : i32
    %dma_start3A_159 = arith.constant 0 : i32
    %dma_start3A_160 = tpu.memref_slice %arg16[%dma_start3A_158, %dma_start3A_159] : memref<10240x64xf32, #tpu.memory_space<vmem_shared>> -> memref<10240x64xf32, #tpu.memory_space<vmem_shared>>
    tpu.enqueue_indirect_dma source(%arg12 : memref<80x64xf32, #tpu.memory_space<vmem>>) target(%dma_start3A_160 : memref<10240x64xf32, #tpu.memory_space<vmem_shared>>) offsets(%dma_start3A_157 : memref<80xi32, #tpu.memory_space<vmem>>) semaphore(%arg29 : memref<!tpu.dma_semaphore, #tpu.memory_space<semaphore_mem>>) {add = true}
    %dma_wait3A_161 = arith.constant 120 : i32
    %dma_wait3A_162 = arith.constant 0 : i32
    %dma_wait3A_163 = tpu.memref_slice %arg7[%dma_wait3A_161, %dma_wait3A_162] : memref<128x80xi32, #tpu.memory_space<vmem>> -> memref<1x80xi32, #tpu.memory_space<vmem>>
    %dma_wait3A_164 = tpu.memref_squeeze %dma_wait3A_163 : memref<1x80xi32, #tpu.memory_space<vmem>> -> memref<80xi32, #tpu.memory_space<vmem>>
    %dma_wait3A_165 = arith.constant 0 : i32
    %dma_wait3A_166 = arith.constant 0 : i32
    %dma_wait3A_167 = tpu.memref_slice %arg16[%dma_wait3A_165, %dma_wait3A_166] : memref<10240x64xf32, #tpu.memory_space<vmem_shared>> -> memref<10240x64xf32, #tpu.memory_space<vmem_shared>>
    tpu.wait_indirect_dma semaphore(%arg25 : memref<!tpu.dma_semaphore, #tpu.memory_space<semaphore_mem>>) src(%arg8 : memref<80x64xf32, #tpu.memory_space<vmem>>) dst(%dma_wait3A_167 : memref<10240x64xf32, #tpu.memory_space<vmem_shared>>)
    %dma_wait3A_168 = arith.constant 125 : i32
    %dma_wait3A_169 = arith.constant 0 : i32
    %dma_wait3A_170 = tpu.memref_slice %arg6[%dma_wait3A_168, %dma_wait3A_169] : memref<128x80xi32, #tpu.memory_space<vmem>> -> memref<1x80xi32, #tpu.memory_space<vmem>>
    %dma_wait3A_171 = tpu.memref_squeeze %dma_wait3A_170 : memref<1x80xi32, #tpu.memory_space<vmem>> -> memref<80xi32, #tpu.memory_space<vmem>>
    %dma_wait3A_172 = arith.constant 0 : i32
    %dma_wait3A_173 = arith.constant 0 : i32
    %dma_wait3A_174 = tpu.memref_slice %arg2[%dma_wait3A_172, %dma_wait3A_173] : memref<10000x64xf32, #tpu.memory_space<hbm>> -> memref<10000x64xf32, #tpu.memory_space<hbm>>
    tpu.wait_indirect_dma semaphore(%arg22 : memref<!tpu.dma_semaphore, #tpu.memory_space<semaphore_mem>>) src(%dma_wait3A_174 : memref<10000x64xf32, #tpu.memory_space<hbm>>) dst(%arg13 : memref<80x64xf32, #tpu.memory_space<vmem>>)
    %dma_start3A_175 = arith.constant 125 : i32
    %dma_start3A_176 = arith.constant 0 : i32
    %dma_start3A_177 = tpu.memref_slice %arg7[%dma_start3A_175, %dma_start3A_176] : memref<128x80xi32, #tpu.memory_space<vmem>> -> memref<1x80xi32, #tpu.memory_space<vmem>>
    %dma_start3A_178 = tpu.memref_squeeze %dma_start3A_177 : memref<1x80xi32, #tpu.memory_space<vmem>> -> memref<80xi32, #tpu.memory_space<vmem>>
    %dma_start3A_179 = arith.constant 0 : i32
    %dma_start3A_180 = arith.constant 0 : i32
    %dma_start3A_181 = tpu.memref_slice %arg16[%dma_start3A_179, %dma_start3A_180] : memref<10240x64xf32, #tpu.memory_space<vmem_shared>> -> memref<10240x64xf32, #tpu.memory_space<vmem_shared>>
    tpu.enqueue_indirect_dma source(%arg13 : memref<80x64xf32, #tpu.memory_space<vmem>>) target(%dma_start3A_181 : memref<10240x64xf32, #tpu.memory_space<vmem_shared>>) offsets(%dma_start3A_178 : memref<80xi32, #tpu.memory_space<vmem>>) semaphore(%arg30 : memref<!tpu.dma_semaphore, #tpu.memory_space<semaphore_mem>>) {add = true}
    %dma_wait3A_182 = arith.constant 121 : i32
    %dma_wait3A_183 = arith.constant 0 : i32
    %dma_wait3A_184 = tpu.memref_slice %arg7[%dma_wait3A_182, %dma_wait3A_183] : memref<128x80xi32, #tpu.memory_space<vmem>> -> memref<1x80xi32, #tpu.memory_space<vmem>>
    %dma_wait3A_185 = tpu.memref_squeeze %dma_wait3A_184 : memref<1x80xi32, #tpu.memory_space<vmem>> -> memref<80xi32, #tpu.memory_space<vmem>>
    %dma_wait3A_186 = arith.constant 0 : i32
    %dma_wait3A_187 = arith.constant 0 : i32
    %dma_wait3A_188 = tpu.memref_slice %arg16[%dma_wait3A_186, %dma_wait3A_187] : memref<10240x64xf32, #tpu.memory_space<vmem_shared>> -> memref<10240x64xf32, #tpu.memory_space<vmem_shared>>
    tpu.wait_indirect_dma semaphore(%arg26 : memref<!tpu.dma_semaphore, #tpu.memory_space<semaphore_mem>>) src(%arg9 : memref<80x64xf32, #tpu.memory_space<vmem>>) dst(%dma_wait3A_188 : memref<10240x64xf32, #tpu.memory_space<vmem_shared>>)
    %dma_wait3A_189 = arith.constant 126 : i32
    %dma_wait3A_190 = arith.constant 0 : i32
    %dma_wait3A_191 = tpu.memref_slice %arg6[%dma_wait3A_189, %dma_wait3A_190] : memref<128x80xi32, #tpu.memory_space<vmem>> -> memref<1x80xi32, #tpu.memory_space<vmem>>
    %dma_wait3A_192 = tpu.memref_squeeze %dma_wait3A_191 : memref<1x80xi32, #tpu.memory_space<vmem>> -> memref<80xi32, #tpu.memory_space<vmem>>
    %dma_wait3A_193 = arith.constant 0 : i32
    %dma_wait3A_194 = arith.constant 0 : i32
    %dma_wait3A_195 = tpu.memref_slice %arg2[%dma_wait3A_193, %dma_wait3A_194] : memref<10000x64xf32, #tpu.memory_space<hbm>> -> memref<10000x64xf32, #tpu.memory_space<hbm>>
    tpu.wait_indirect_dma semaphore(%arg23 : memref<!tpu.dma_semaphore, #tpu.memory_space<semaphore_mem>>) src(%dma_wait3A_195 : memref<10000x64xf32, #tpu.memory_space<hbm>>) dst(%arg14 : memref<80x64xf32, #tpu.memory_space<vmem>>)
    %dma_start3A_196 = arith.constant 126 : i32
    %dma_start3A_197 = arith.constant 0 : i32
    %dma_start3A_198 = tpu.memref_slice %arg7[%dma_start3A_196, %dma_start3A_197] : memref<128x80xi32, #tpu.memory_space<vmem>> -> memref<1x80xi32, #tpu.memory_space<vmem>>
    %dma_start3A_199 = tpu.memref_squeeze %dma_start3A_198 : memref<1x80xi32, #tpu.memory_space<vmem>> -> memref<80xi32, #tpu.memory_space<vmem>>
    %dma_start3A_200 = arith.constant 0 : i32
    %dma_start3A_201 = arith.constant 0 : i32
    %dma_start3A_202 = tpu.memref_slice %arg16[%dma_start3A_200, %dma_start3A_201] : memref<10240x64xf32, #tpu.memory_space<vmem_shared>> -> memref<10240x64xf32, #tpu.memory_space<vmem_shared>>
    tpu.enqueue_indirect_dma source(%arg14 : memref<80x64xf32, #tpu.memory_space<vmem>>) target(%dma_start3A_202 : memref<10240x64xf32, #tpu.memory_space<vmem_shared>>) offsets(%dma_start3A_199 : memref<80xi32, #tpu.memory_space<vmem>>) semaphore(%arg31 : memref<!tpu.dma_semaphore, #tpu.memory_space<semaphore_mem>>) {add = true}
    %dma_wait3A_203 = arith.constant 122 : i32
    %dma_wait3A_204 = arith.constant 0 : i32
    %dma_wait3A_205 = tpu.memref_slice %arg7[%dma_wait3A_203, %dma_wait3A_204] : memref<128x80xi32, #tpu.memory_space<vmem>> -> memref<1x80xi32, #tpu.memory_space<vmem>>
    %dma_wait3A_206 = tpu.memref_squeeze %dma_wait3A_205 : memref<1x80xi32, #tpu.memory_space<vmem>> -> memref<80xi32, #tpu.memory_space<vmem>>
    %dma_wait3A_207 = arith.constant 0 : i32
    %dma_wait3A_208 = arith.constant 0 : i32
    %dma_wait3A_209 = tpu.memref_slice %arg16[%dma_wait3A_207, %dma_wait3A_208] : memref<10240x64xf32, #tpu.memory_space<vmem_shared>> -> memref<10240x64xf32, #tpu.memory_space<vmem_shared>>
    tpu.wait_indirect_dma semaphore(%arg27 : memref<!tpu.dma_semaphore, #tpu.memory_space<semaphore_mem>>) src(%arg10 : memref<80x64xf32, #tpu.memory_space<vmem>>) dst(%dma_wait3A_209 : memref<10240x64xf32, #tpu.memory_space<vmem_shared>>)
    %dma_wait3A_210 = arith.constant 127 : i32
    %dma_wait3A_211 = arith.constant 0 : i32
    %dma_wait3A_212 = tpu.memref_slice %arg6[%dma_wait3A_210, %dma_wait3A_211] : memref<128x80xi32, #tpu.memory_space<vmem>> -> memref<1x80xi32, #tpu.memory_space<vmem>>
    %dma_wait3A_213 = tpu.memref_squeeze %dma_wait3A_212 : memref<1x80xi32, #tpu.memory_space<vmem>> -> memref<80xi32, #tpu.memory_space<vmem>>
    %dma_wait3A_214 = arith.constant 0 : i32
    %dma_wait3A_215 = arith.constant 0 : i32
    %dma_wait3A_216 = tpu.memref_slice %arg2[%dma_wait3A_214, %dma_wait3A_215] : memref<10000x64xf32, #tpu.memory_space<hbm>> -> memref<10000x64xf32, #tpu.memory_space<hbm>>
    tpu.wait_indirect_dma semaphore(%arg24 : memref<!tpu.dma_semaphore, #tpu.memory_space<semaphore_mem>>) src(%dma_wait3A_216 : memref<10000x64xf32, #tpu.memory_space<hbm>>) dst(%arg15 : memref<80x64xf32, #tpu.memory_space<vmem>>)
    %dma_start3A_217 = arith.constant 127 : i32
    %dma_start3A_218 = arith.constant 0 : i32
    %dma_start3A_219 = tpu.memref_slice %arg7[%dma_start3A_217, %dma_start3A_218] : memref<128x80xi32, #tpu.memory_space<vmem>> -> memref<1x80xi32, #tpu.memory_space<vmem>>
    %dma_start3A_220 = tpu.memref_squeeze %dma_start3A_219 : memref<1x80xi32, #tpu.memory_space<vmem>> -> memref<80xi32, #tpu.memory_space<vmem>>
    %dma_start3A_221 = arith.constant 0 : i32
    %dma_start3A_222 = arith.constant 0 : i32
    %dma_start3A_223 = tpu.memref_slice %arg16[%dma_start3A_221, %dma_start3A_222] : memref<10240x64xf32, #tpu.memory_space<vmem_shared>> -> memref<10240x64xf32, #tpu.memory_space<vmem_shared>>
    tpu.enqueue_indirect_dma source(%arg15 : memref<80x64xf32, #tpu.memory_space<vmem>>) target(%dma_start3A_223 : memref<10240x64xf32, #tpu.memory_space<vmem_shared>>) offsets(%dma_start3A_220 : memref<80xi32, #tpu.memory_space<vmem>>) semaphore(%arg32 : memref<!tpu.dma_semaphore, #tpu.memory_space<semaphore_mem>>) {add = true}
    %dma_wait3A_224 = arith.constant 123 : i32
    %dma_wait3A_225 = arith.constant 0 : i32
    %dma_wait3A_226 = tpu.memref_slice %arg7[%dma_wait3A_224, %dma_wait3A_225] : memref<128x80xi32, #tpu.memory_space<vmem>> -> memref<1x80xi32, #tpu.memory_space<vmem>>
    %dma_wait3A_227 = tpu.memref_squeeze %dma_wait3A_226 : memref<1x80xi32, #tpu.memory_space<vmem>> -> memref<80xi32, #tpu.memory_space<vmem>>
    %dma_wait3A_228 = arith.constant 0 : i32
    %dma_wait3A_229 = arith.constant 0 : i32
    %dma_wait3A_230 = tpu.memref_slice %arg16[%dma_wait3A_228, %dma_wait3A_229] : memref<10240x64xf32, #tpu.memory_space<vmem_shared>> -> memref<10240x64xf32, #tpu.memory_space<vmem_shared>>
    tpu.wait_indirect_dma semaphore(%arg28 : memref<!tpu.dma_semaphore, #tpu.memory_space<semaphore_mem>>) src(%arg11 : memref<80x64xf32, #tpu.memory_space<vmem>>) dst(%dma_wait3A_230 : memref<10240x64xf32, #tpu.memory_space<vmem_shared>>)
    %dma_wait3A_231 = arith.constant 124 : i32
    %dma_wait3A_232 = arith.constant 0 : i32
    %dma_wait3A_233 = tpu.memref_slice %arg7[%dma_wait3A_231, %dma_wait3A_232] : memref<128x80xi32, #tpu.memory_space<vmem>> -> memref<1x80xi32, #tpu.memory_space<vmem>>
    %dma_wait3A_234 = tpu.memref_squeeze %dma_wait3A_233 : memref<1x80xi32, #tpu.memory_space<vmem>> -> memref<80xi32, #tpu.memory_space<vmem>>
    %dma_wait3A_235 = arith.constant 0 : i32
    %dma_wait3A_236 = arith.constant 0 : i32
    %dma_wait3A_237 = tpu.memref_slice %arg16[%dma_wait3A_235, %dma_wait3A_236] : memref<10240x64xf32, #tpu.memory_space<vmem_shared>> -> memref<10240x64xf32, #tpu.memory_space<vmem_shared>>
    tpu.wait_indirect_dma semaphore(%arg29 : memref<!tpu.dma_semaphore, #tpu.memory_space<semaphore_mem>>) src(%arg12 : memref<80x64xf32, #tpu.memory_space<vmem>>) dst(%dma_wait3A_237 : memref<10240x64xf32, #tpu.memory_space<vmem_shared>>)
    %dma_wait3A_238 = arith.constant 125 : i32
    %dma_wait3A_239 = arith.constant 0 : i32
    %dma_wait3A_240 = tpu.memref_slice %arg7[%dma_wait3A_238, %dma_wait3A_239] : memref<128x80xi32, #tpu.memory_space<vmem>> -> memref<1x80xi32, #tpu.memory_space<vmem>>
    %dma_wait3A_241 = tpu.memref_squeeze %dma_wait3A_240 : memref<1x80xi32, #tpu.memory_space<vmem>> -> memref<80xi32, #tpu.memory_space<vmem>>
    %dma_wait3A_242 = arith.constant 0 : i32
    %dma_wait3A_243 = arith.constant 0 : i32
    %dma_wait3A_244 = tpu.memref_slice %arg16[%dma_wait3A_242, %dma_wait3A_243] : memref<10240x64xf32, #tpu.memory_space<vmem_shared>> -> memref<10240x64xf32, #tpu.memory_space<vmem_shared>>
    tpu.wait_indirect_dma semaphore(%arg30 : memref<!tpu.dma_semaphore, #tpu.memory_space<semaphore_mem>>) src(%arg13 : memref<80x64xf32, #tpu.memory_space<vmem>>) dst(%dma_wait3A_244 : memref<10240x64xf32, #tpu.memory_space<vmem_shared>>)
    %dma_wait3A_245 = arith.constant 126 : i32
    %dma_wait3A_246 = arith.constant 0 : i32
    %dma_wait3A_247 = tpu.memref_slice %arg7[%dma_wait3A_245, %dma_wait3A_246] : memref<128x80xi32, #tpu.memory_space<vmem>> -> memref<1x80xi32, #tpu.memory_space<vmem>>
    %dma_wait3A_248 = tpu.memref_squeeze %dma_wait3A_247 : memref<1x80xi32, #tpu.memory_space<vmem>> -> memref<80xi32, #tpu.memory_space<vmem>>
    %dma_wait3A_249 = arith.constant 0 : i32
    %dma_wait3A_250 = arith.constant 0 : i32
    %dma_wait3A_251 = tpu.memref_slice %arg16[%dma_wait3A_249, %dma_wait3A_250] : memref<10240x64xf32, #tpu.memory_space<vmem_shared>> -> memref<10240x64xf32, #tpu.memory_space<vmem_shared>>
    tpu.wait_indirect_dma semaphore(%arg31 : memref<!tpu.dma_semaphore, #tpu.memory_space<semaphore_mem>>) src(%arg14 : memref<80x64xf32, #tpu.memory_space<vmem>>) dst(%dma_wait3A_251 : memref<10240x64xf32, #tpu.memory_space<vmem_shared>>)
    %dma_wait3A_252 = arith.constant 127 : i32
    %dma_wait3A_253 = arith.constant 0 : i32
    %dma_wait3A_254 = tpu.memref_slice %arg7[%dma_wait3A_252, %dma_wait3A_253] : memref<128x80xi32, #tpu.memory_space<vmem>> -> memref<1x80xi32, #tpu.memory_space<vmem>>
    %dma_wait3A_255 = tpu.memref_squeeze %dma_wait3A_254 : memref<1x80xi32, #tpu.memory_space<vmem>> -> memref<80xi32, #tpu.memory_space<vmem>>
    %dma_wait3A_256 = arith.constant 0 : i32
    %dma_wait3A_257 = arith.constant 0 : i32
    %dma_wait3A_258 = tpu.memref_slice %arg16[%dma_wait3A_256, %dma_wait3A_257] : memref<10240x64xf32, #tpu.memory_space<vmem_shared>> -> memref<10240x64xf32, #tpu.memory_space<vmem_shared>>
    tpu.wait_indirect_dma semaphore(%arg32 : memref<!tpu.dma_semaphore, #tpu.memory_space<semaphore_mem>>) src(%arg15 : memref<80x64xf32, #tpu.memory_space<vmem>>) dst(%dma_wait3A_258 : memref<10240x64xf32, #tpu.memory_space<vmem_shared>>)
    %barrier3A_259 = arith.constant 0 : index
    tpu.barrier barrier_id(%barrier3A_259)
    %lt3A_260 = arith.constant 15 : i32
    %lt3A_261 = arith.cmpi slt, %arg1, %lt3A_260 : i32
    %convert_element_type3A_262 = arith.extui %lt3A_261 : i1 to i32
    %cond3A_263 = arith.constant 0 : i32
    %cond3A_264 = arith.cmpi ne, %convert_element_type3A_262, %cond3A_263 : i32
    scf.if %cond3A_264 {
      "tpu.region"() ({
        %run_scoped3A = tpu.sem_alloc : memref<!tpu.dma_semaphore, #tpu.memory_space<semaphore_mem>>
        %dma_start3A_269 = arith.constant 0 : i32
        %dma_start3A_270 = tpu.memref_slice %arg5[%arg0, %mul3A_8, %dma_start3A_269] : memref<2x10000x64xf32, #tpu.memory_space<hbm>> -> memref<1x640x64xf32, #tpu.memory_space<hbm>>
        %dma_start3A_271 = tpu.memref_squeeze %dma_start3A_270 : memref<1x640x64xf32, #tpu.memory_space<hbm>> -> memref<640x64xf32, #tpu.memory_space<hbm>>
        %dma_start3A_272 = arith.constant 0 : i32
        %dma_start3A_273 = tpu.memref_slice %arg16[%mul3A_8, %dma_start3A_272] : memref<10240x64xf32, #tpu.memory_space<vmem_shared>> -> memref<640x64xf32, #tpu.memory_space<vmem_shared>>
        tpu.enqueue_dma source(%dma_start3A_273 : memref<640x64xf32, #tpu.memory_space<vmem_shared>>) target(%dma_start3A_271 : memref<640x64xf32, #tpu.memory_space<hbm>>) target_semaphore(%run_scoped3A : memref<!tpu.dma_semaphore, #tpu.memory_space<semaphore_mem>>)
        %dma_wait3A_274 = arith.constant 0 : i32
        %dma_wait3A_275 = tpu.memref_slice %arg5[%arg0, %mul3A_8, %dma_wait3A_274] : memref<2x10000x64xf32, #tpu.memory_space<hbm>> -> memref<1x640x64xf32, #tpu.memory_space<hbm>>
        %dma_wait3A_276 = tpu.memref_squeeze %dma_wait3A_275 : memref<1x640x64xf32, #tpu.memory_space<hbm>> -> memref<640x64xf32, #tpu.memory_space<hbm>>
        %dma_wait3A_277 = arith.constant 0 : i32
        %dma_wait3A_278 = tpu.memref_slice %arg16[%mul3A_8, %dma_wait3A_277] : memref<10240x64xf32, #tpu.memory_space<vmem_shared>> -> memref<640x64xf32, #tpu.memory_space<vmem_shared>>
        tpu.wait_dma2 semaphore(%run_scoped3A : memref<!tpu.dma_semaphore, #tpu.memory_space<semaphore_mem>>) src(%dma_wait3A_278 : memref<640x64xf32, #tpu.memory_space<vmem_shared>>) dst(%dma_wait3A_276 : memref<640x64xf32, #tpu.memory_space<hbm>>)
        tpu.yield
      }) : () -> ()
    } else {
    }
    %eq3A = arith.constant 15 : i32
    %eq3A_265 = arith.cmpi eq, %arg1, %eq3A : i32
    %convert_element_type3A_266 = arith.extui %eq3A_265 : i1 to i32
    %cond3A_267 = arith.constant 0 : i32
    %cond3A_268 = arith.cmpi ne, %convert_element_type3A_266, %cond3A_267 : i32
    scf.if %cond3A_268 {
      "tpu.region"() ({
        %run_scoped3A = tpu.sem_alloc : memref<!tpu.dma_semaphore, #tpu.memory_space<semaphore_mem>>
        %dma_start3A_269 = arith.constant 9600 : i32
        %dma_start3A_270 = arith.constant 0 : i32
        %dma_start3A_271 = tpu.memref_slice %arg5[%arg0, %dma_start3A_269, %dma_start3A_270] : memref<2x10000x64xf32, #tpu.memory_space<hbm>> -> memref<1x400x64xf32, #tpu.memory_space<hbm>>
        %dma_start3A_272 = tpu.memref_squeeze %dma_start3A_271 : memref<1x400x64xf32, #tpu.memory_space<hbm>> -> memref<400x64xf32, #tpu.memory_space<hbm>>
        %dma_start3A_273 = arith.constant 9600 : i32
        %dma_start3A_274 = arith.constant 0 : i32
        %dma_start3A_275 = tpu.memref_slice %arg16[%dma_start3A_273, %dma_start3A_274] : memref<10240x64xf32, #tpu.memory_space<vmem_shared>> -> memref<400x64xf32, #tpu.memory_space<vmem_shared>>
        tpu.enqueue_dma source(%dma_start3A_275 : memref<400x64xf32, #tpu.memory_space<vmem_shared>>) target(%dma_start3A_272 : memref<400x64xf32, #tpu.memory_space<hbm>>) target_semaphore(%run_scoped3A : memref<!tpu.dma_semaphore, #tpu.memory_space<semaphore_mem>>)
        %dma_wait3A_276 = arith.constant 9600 : i32
        %dma_wait3A_277 = arith.constant 0 : i32
        %dma_wait3A_278 = tpu.memref_slice %arg5[%arg0, %dma_wait3A_276, %dma_wait3A_277] : memref<2x10000x64xf32, #tpu.memory_space<hbm>> -> memref<1x400x64xf32, #tpu.memory_space<hbm>>
        %dma_wait3A_279 = tpu.memref_squeeze %dma_wait3A_278 : memref<1x400x64xf32, #tpu.memory_space<hbm>> -> memref<400x64xf32, #tpu.memory_space<hbm>>
        %dma_wait3A_280 = arith.constant 9600 : i32
        %dma_wait3A_281 = arith.constant 0 : i32
        %dma_wait3A_282 = tpu.memref_slice %arg16[%dma_wait3A_280, %dma_wait3A_281] : memref<10240x64xf32, #tpu.memory_space<vmem_shared>> -> memref<400x64xf32, #tpu.memory_space<vmem_shared>>
        tpu.wait_dma2 semaphore(%run_scoped3A : memref<!tpu.dma_semaphore, #tpu.memory_space<semaphore_mem>>) src(%dma_wait3A_282 : memref<400x64xf32, #tpu.memory_space<vmem_shared>>) dst(%dma_wait3A_279 : memref<400x64xf32, #tpu.memory_space<hbm>>)
        tpu.yield
      }) : () -> ()
    } else {
    }
    return
  }
}

module attributes {stable_mosaic.version = 14 : i64} {
  func.func @_tc_first_body(%arg0: memref<2x10000x16xf32, #tpu.memory_space<vmem>>, %arg1: memref<10000x128xf32, #tpu.memory_space<vmem>>, %arg2: memref<128x64xf32, #tpu.memory_space<vmem>>, %arg3: memref<10000x1xf32, #tpu.memory_space<vmem>>, %arg4: memref<10000x64xf32, #tpu.memory_space<vmem>>) attributes {dimension_semantics = [], scalar_prefetch = 0 : i64, scratch_operands = 0 : i64, tpu.core_type = #tpu.core_type<tc>} {
    %get3A = arith.constant 0 : index
    %get3A_0 = arith.constant 0 : index
    %get3A_1 = arith.constant 0 : index
    %get3A_2 = vector.load %arg0[%get3A, %get3A_0, %get3A_1] : memref<2x10000x16xf32, #tpu.memory_space<vmem>>, vector<1x10000x1xf32>
    %get3A_3 = vector.shape_cast %get3A_2 : vector<1x10000x1xf32> to vector<10000x1xf32>
    %get3A_4 = arith.constant 1 : index
    %get3A_5 = arith.constant 0 : index
    %get3A_6 = arith.constant 0 : index
    %get3A_7 = vector.load %arg0[%get3A_4, %get3A_5, %get3A_6] : memref<2x10000x16xf32, #tpu.memory_space<vmem>>, vector<1x10000x1xf32>
    %get3A_8 = vector.shape_cast %get3A_7 : vector<1x10000x1xf32> to vector<10000x1xf32>
    %add3A = arith.addf %get3A_3, %get3A_8 : vector<10000x1xf32>
    %add3A_9 = arith.constant 1.000000e+00 : f32
    %add3A_10 = vector.broadcast %add3A_9 : f32 to vector<10000x1xf32>
    %add3A_11 = arith.addf %add3A, %add3A_10 : vector<10000x1xf32>
    %rsqrt3A = math.rsqrt %add3A_11 : vector<10000x1xf32>
    %get3A_12 = arith.constant 0 : index
    %get3A_13 = arith.constant 0 : index
    %get3A_14 = vector.load %arg1[%get3A_12, %get3A_13] : memref<10000x128xf32, #tpu.memory_space<vmem>>, vector<10000x128xf32>
    %get3A_15 = arith.constant 0 : index
    %get3A_16 = arith.constant 0 : index
    %get3A_17 = vector.load %arg2[%get3A_15, %get3A_16] : memref<128x64xf32, #tpu.memory_space<vmem>>, vector<128x64xf32>
    %dot_general3A = arith.constant dense<0.000000e+00> : vector<10000x64xf32>
    %dot_general3A_18 = tpu.matmul %get3A_14, %get3A_17, %dot_general3A {dimension_numbers = #tpu.dot_dimension_numbers<[1], [0], [0], [1], [0, 0, 1, 1], [], []>, transpose_lhs_hint = false} : vector<10000x128xf32>, vector<128x64xf32>, vector<10000x64xf32> -> vector<10000x64xf32>
    %swap3A = arith.constant 0 : index
    %swap3A_19 = arith.constant 0 : index
    %swap3A_20 = vector.load %arg3[%swap3A, %swap3A_19] : memref<10000x1xf32, #tpu.memory_space<vmem>>, vector<10000x1xf32>
    tpu.vector_store %arg3[%swap3A, %swap3A_19], %rsqrt3A {strides = array<i32>} : memref<10000x1xf32, #tpu.memory_space<vmem>>, vector<10000x1xf32>,
    %mul3A = vector.broadcast %rsqrt3A : vector<10000x1xf32> to vector<10000x64xf32>
    %mul3A_21 = arith.mulf %mul3A, %dot_general3A_18 : vector<10000x64xf32>
    %swap3A_22 = arith.constant 0 : index
    %swap3A_23 = arith.constant 0 : index
    %swap3A_24 = vector.load %arg4[%swap3A_22, %swap3A_23] : memref<10000x64xf32, #tpu.memory_space<vmem>>, vector<10000x64xf32>
    tpu.vector_store %arg4[%swap3A_22, %swap3A_23], %mul3A_21 {strides = array<i32>} : memref<10000x64xf32, #tpu.memory_space<vmem>>, vector<10000x64xf32>,
    return
  }
}

module attributes {stable_mosaic.version = 14 : i64} {
  func.func @_tc_mid_body(%arg0: memref<2x10000x64xf32, #tpu.memory_space<vmem>>, %arg1: memref<10000x64xf32, #tpu.memory_space<vmem>>, %arg2: memref<10000x1xf32, #tpu.memory_space<vmem>>, %arg3: memref<1x64xf32, #tpu.memory_space<vmem>>, %arg4: memref<1x64xf32, #tpu.memory_space<vmem>>, %arg5: memref<1x64xf32, #tpu.memory_space<vmem>>, %arg6: memref<1x64xf32, #tpu.memory_space<vmem>>, %arg7: memref<64x64xf32, #tpu.memory_space<vmem>>, %arg8: memref<10000x64xf32, #tpu.memory_space<vmem>>) attributes {dimension_semantics = [], scalar_prefetch = 0 : i64, scratch_operands = 0 : i64, tpu.core_type = #tpu.core_type<tc>} {
    %get3A = arith.constant 0 : index
    %get3A_0 = arith.constant 0 : index
    %get3A_1 = vector.load %arg2[%get3A, %get3A_0] : memref<10000x1xf32, #tpu.memory_space<vmem>>, vector<10000x1xf32>
    %get3A_2 = arith.constant 0 : index
    %get3A_3 = arith.constant 0 : index
    %get3A_4 = arith.constant 0 : index
    %get3A_5 = vector.load %arg0[%get3A_2, %get3A_3, %get3A_4] : memref<2x10000x64xf32, #tpu.memory_space<vmem>>, vector<1x10000x64xf32>
    %get3A_6 = vector.shape_cast %get3A_5 : vector<1x10000x64xf32> to vector<10000x64xf32>
    %get3A_7 = arith.constant 1 : index
    %get3A_8 = arith.constant 0 : index
    %get3A_9 = arith.constant 0 : index
    %get3A_10 = vector.load %arg0[%get3A_7, %get3A_8, %get3A_9] : memref<2x10000x64xf32, #tpu.memory_space<vmem>>, vector<1x10000x64xf32>
    %get3A_11 = vector.shape_cast %get3A_10 : vector<1x10000x64xf32> to vector<10000x64xf32>
    %add3A = arith.addf %get3A_6, %get3A_11 : vector<10000x64xf32>
    %get3A_12 = arith.constant 0 : index
    %get3A_13 = arith.constant 0 : index
    %get3A_14 = vector.load %arg1[%get3A_12, %get3A_13] : memref<10000x64xf32, #tpu.memory_space<vmem>>, vector<10000x64xf32>
    %add3A_15 = arith.addf %add3A, %get3A_14 : vector<10000x64xf32>
    %mul3A = vector.broadcast %get3A_1 : vector<10000x1xf32> to vector<10000x64xf32>
    %mul3A_16 = arith.mulf %mul3A, %add3A_15 : vector<10000x64xf32>
    %get3A_17 = arith.constant 0 : index
    %get3A_18 = arith.constant 0 : index
    %get3A_19 = vector.load %arg3[%get3A_17, %get3A_18] : memref<1x64xf32, #tpu.memory_space<vmem>>, vector<1x64xf32>
    %add3A_20 = vector.broadcast %get3A_19 : vector<1x64xf32> to vector<10000x64xf32>
    %add3A_21 = arith.addf %mul3A_16, %add3A_20 : vector<10000x64xf32>
    %reduce_sum3A = arith.constant dense<0.000000e+00> : vector<64xf32>
    %reduce_sum3A_22 = vector.multi_reduction <add>, %add3A_21, %reduce_sum3A [0] : vector<10000x64xf32> to vector<64xf32>
    %broadcast_in_dim3A = vector.shape_cast %reduce_sum3A_22 : vector<64xf32> to vector<1x64xf32>
    %div3A = arith.constant 1.000000e+04 : f32
    %div3A_23 = vector.broadcast %div3A : f32 to vector<1x64xf32>
    %div3A_24 = arith.divf %broadcast_in_dim3A, %div3A_23 : vector<1x64xf32>
    %get3A_25 = arith.constant 0 : index
    %get3A_26 = arith.constant 0 : index
    %get3A_27 = vector.load %arg6[%get3A_25, %get3A_26] : memref<1x64xf32, #tpu.memory_space<vmem>>, vector<1x64xf32>
    %mul3A_28 = arith.mulf %get3A_27, %div3A_24 : vector<1x64xf32>
    %sub3A = vector.broadcast %mul3A_28 : vector<1x64xf32> to vector<10000x64xf32>
    %sub3A_29 = arith.subf %add3A_21, %sub3A : vector<10000x64xf32>
    %mul3A_30 = arith.mulf %sub3A_29, %sub3A_29 : vector<10000x64xf32>
    %reduce_sum3A_31 = arith.constant dense<0.000000e+00> : vector<64xf32>
    %reduce_sum3A_32 = vector.multi_reduction <add>, %mul3A_30, %reduce_sum3A_31 [0] : vector<10000x64xf32> to vector<64xf32>
    %broadcast_in_dim3A_33 = vector.shape_cast %reduce_sum3A_32 : vector<64xf32> to vector<1x64xf32>
    %div3A_34 = arith.constant 1.000000e+04 : f32
    %div3A_35 = vector.broadcast %div3A_34 : f32 to vector<1x64xf32>
    %div3A_36 = arith.divf %broadcast_in_dim3A_33, %div3A_35 : vector<1x64xf32>
    %get3A_37 = arith.constant 0 : index
    %get3A_38 = arith.constant 0 : index
    %get3A_39 = vector.load %arg4[%get3A_37, %get3A_38] : memref<1x64xf32, #tpu.memory_space<vmem>>, vector<1x64xf32>
    %mul3A_40 = vector.broadcast %get3A_39 : vector<1x64xf32> to vector<10000x64xf32>
    %mul3A_41 = arith.mulf %mul3A_40, %sub3A_29 : vector<10000x64xf32>
    %add3A_42 = arith.constant 9.99999974E-6 : f32
    %add3A_43 = vector.broadcast %add3A_42 : f32 to vector<1x64xf32>
    %add3A_44 = arith.addf %div3A_36, %add3A_43 : vector<1x64xf32>
    %rsqrt3A = math.rsqrt %add3A_44 : vector<1x64xf32>
    %mul3A_45 = vector.broadcast %rsqrt3A : vector<1x64xf32> to vector<10000x64xf32>
    %mul3A_46 = arith.mulf %mul3A_41, %mul3A_45 : vector<10000x64xf32>
    %get3A_47 = arith.constant 0 : index
    %get3A_48 = arith.constant 0 : index
    %get3A_49 = vector.load %arg5[%get3A_47, %get3A_48] : memref<1x64xf32, #tpu.memory_space<vmem>>, vector<1x64xf32>
    %add3A_50 = vector.broadcast %get3A_49 : vector<1x64xf32> to vector<10000x64xf32>
    %add3A_51 = arith.addf %mul3A_46, %add3A_50 : vector<10000x64xf32>
    %get3A_52 = arith.constant 0 : index
    %get3A_53 = arith.constant 0 : index
    %get3A_54 = vector.load %arg7[%get3A_52, %get3A_53] : memref<64x64xf32, #tpu.memory_space<vmem>>, vector<64x64xf32>
    %dot_general3A = arith.constant dense<0.000000e+00> : vector<10000x64xf32>
    %dot_general3A_55 = tpu.matmul %add3A_51, %get3A_54, %dot_general3A {dimension_numbers = #tpu.dot_dimension_numbers<[1], [0], [0], [1], [0, 0, 1, 1], [], []>, transpose_lhs_hint = false} : vector<10000x64xf32>, vector<64x64xf32>, vector<10000x64xf32> -> vector<10000x64xf32>
    %mul3A_56 = vector.broadcast %get3A_1 : vector<10000x1xf32> to vector<10000x64xf32>
    %mul3A_57 = arith.mulf %mul3A_56, %dot_general3A_55 : vector<10000x64xf32>
    %swap3A = arith.constant 0 : index
    %swap3A_58 = arith.constant 0 : index
    %swap3A_59 = vector.load %arg8[%swap3A, %swap3A_58] : memref<10000x64xf32, #tpu.memory_space<vmem>>, vector<10000x64xf32>
    tpu.vector_store %arg8[%swap3A, %swap3A_58], %mul3A_57 {strides = array<i32>} : memref<10000x64xf32, #tpu.memory_space<vmem>>, vector<10000x64xf32>,
    return
  }
}

module attributes {stable_mosaic.version = 14 : i64} {
  func.func @_tc_last_body(%arg0: memref<2x10000x64xf32, #tpu.memory_space<vmem>>, %arg1: memref<10000x64xf32, #tpu.memory_space<vmem>>, %arg2: memref<10000x1xf32, #tpu.memory_space<vmem>>, %arg3: memref<1x64xf32, #tpu.memory_space<vmem>>, %arg4: memref<1x64xf32, #tpu.memory_space<vmem>>, %arg5: memref<1x64xf32, #tpu.memory_space<vmem>>, %arg6: memref<1x64xf32, #tpu.memory_space<vmem>>, %arg7: memref<10000x64xf32, #tpu.memory_space<vmem>>) attributes {dimension_semantics = [], scalar_prefetch = 0 : i64, scratch_operands = 0 : i64, tpu.core_type = #tpu.core_type<tc>} {
    %get3A = arith.constant 0 : index
    %get3A_0 = arith.constant 0 : index
    %get3A_1 = arith.constant 0 : index
    %get3A_2 = vector.load %arg0[%get3A, %get3A_0, %get3A_1] : memref<2x10000x64xf32, #tpu.memory_space<vmem>>, vector<1x10000x64xf32>
    %get3A_3 = vector.shape_cast %get3A_2 : vector<1x10000x64xf32> to vector<10000x64xf32>
    %get3A_4 = arith.constant 1 : index
    %get3A_5 = arith.constant 0 : index
    %get3A_6 = arith.constant 0 : index
    %get3A_7 = vector.load %arg0[%get3A_4, %get3A_5, %get3A_6] : memref<2x10000x64xf32, #tpu.memory_space<vmem>>, vector<1x10000x64xf32>
    %get3A_8 = vector.shape_cast %get3A_7 : vector<1x10000x64xf32> to vector<10000x64xf32>
    %add3A = arith.addf %get3A_3, %get3A_8 : vector<10000x64xf32>
    %get3A_9 = arith.constant 0 : index
    %get3A_10 = arith.constant 0 : index
    %get3A_11 = vector.load %arg1[%get3A_9, %get3A_10] : memref<10000x64xf32, #tpu.memory_space<vmem>>, vector<10000x64xf32>
    %add3A_12 = arith.addf %add3A, %get3A_11 : vector<10000x64xf32>
    %get3A_13 = arith.constant 0 : index
    %get3A_14 = arith.constant 0 : index
    %get3A_15 = vector.load %arg2[%get3A_13, %get3A_14] : memref<10000x1xf32, #tpu.memory_space<vmem>>, vector<10000x1xf32>
    %mul3A = vector.broadcast %get3A_15 : vector<10000x1xf32> to vector<10000x64xf32>
    %mul3A_16 = arith.mulf %mul3A, %add3A_12 : vector<10000x64xf32>
    %get3A_17 = arith.constant 0 : index
    %get3A_18 = arith.constant 0 : index
    %get3A_19 = vector.load %arg3[%get3A_17, %get3A_18] : memref<1x64xf32, #tpu.memory_space<vmem>>, vector<1x64xf32>
    %add3A_20 = vector.broadcast %get3A_19 : vector<1x64xf32> to vector<10000x64xf32>
    %add3A_21 = arith.addf %mul3A_16, %add3A_20 : vector<10000x64xf32>
    %reduce_sum3A = arith.constant dense<0.000000e+00> : vector<64xf32>
    %reduce_sum3A_22 = vector.multi_reduction <add>, %add3A_21, %reduce_sum3A [0] : vector<10000x64xf32> to vector<64xf32>
    %broadcast_in_dim3A = vector.shape_cast %reduce_sum3A_22 : vector<64xf32> to vector<1x64xf32>
    %div3A = arith.constant 1.000000e+04 : f32
    %div3A_23 = vector.broadcast %div3A : f32 to vector<1x64xf32>
    %div3A_24 = arith.divf %broadcast_in_dim3A, %div3A_23 : vector<1x64xf32>
    %get3A_25 = arith.constant 0 : index
    %get3A_26 = arith.constant 0 : index
    %get3A_27 = vector.load %arg6[%get3A_25, %get3A_26] : memref<1x64xf32, #tpu.memory_space<vmem>>, vector<1x64xf32>
    %mul3A_28 = arith.mulf %get3A_27, %div3A_24 : vector<1x64xf32>
    %sub3A = vector.broadcast %mul3A_28 : vector<1x64xf32> to vector<10000x64xf32>
    %sub3A_29 = arith.subf %add3A_21, %sub3A : vector<10000x64xf32>
    %mul3A_30 = arith.mulf %sub3A_29, %sub3A_29 : vector<10000x64xf32>
    %reduce_sum3A_31 = arith.constant dense<0.000000e+00> : vector<64xf32>
    %reduce_sum3A_32 = vector.multi_reduction <add>, %mul3A_30, %reduce_sum3A_31 [0] : vector<10000x64xf32> to vector<64xf32>
    %broadcast_in_dim3A_33 = vector.shape_cast %reduce_sum3A_32 : vector<64xf32> to vector<1x64xf32>
    %div3A_34 = arith.constant 1.000000e+04 : f32
    %div3A_35 = vector.broadcast %div3A_34 : f32 to vector<1x64xf32>
    %div3A_36 = arith.divf %broadcast_in_dim3A_33, %div3A_35 : vector<1x64xf32>
    %get3A_37 = arith.constant 0 : index
    %get3A_38 = arith.constant 0 : index
    %get3A_39 = vector.load %arg4[%get3A_37, %get3A_38] : memref<1x64xf32, #tpu.memory_space<vmem>>, vector<1x64xf32>
    %mul3A_40 = vector.broadcast %get3A_39 : vector<1x64xf32> to vector<10000x64xf32>
    %mul3A_41 = arith.mulf %mul3A_40, %sub3A_29 : vector<10000x64xf32>
    %add3A_42 = arith.constant 9.99999974E-6 : f32
    %add3A_43 = vector.broadcast %add3A_42 : f32 to vector<1x64xf32>
    %add3A_44 = arith.addf %div3A_36, %add3A_43 : vector<1x64xf32>
    %rsqrt3A = math.rsqrt %add3A_44 : vector<1x64xf32>
    %mul3A_45 = vector.broadcast %rsqrt3A : vector<1x64xf32> to vector<10000x64xf32>
    %mul3A_46 = arith.mulf %mul3A_41, %mul3A_45 : vector<10000x64xf32>
    %get3A_47 = arith.constant 0 : index
    %get3A_48 = arith.constant 0 : index
    %get3A_49 = vector.load %arg5[%get3A_47, %get3A_48] : memref<1x64xf32, #tpu.memory_space<vmem>>, vector<1x64xf32>
    %add3A_50 = vector.broadcast %get3A_49 : vector<1x64xf32> to vector<10000x64xf32>
    %add3A_51 = arith.addf %mul3A_46, %add3A_50 : vector<10000x64xf32>
    %swap3A = arith.constant 0 : index
    %swap3A_52 = arith.constant 0 : index
    %swap3A_53 = vector.load %arg7[%swap3A, %swap3A_52] : memref<10000x64xf32, #tpu.memory_space<vmem>>, vector<10000x64xf32>
    tpu.vector_store %arg7[%swap3A, %swap3A_52], %add3A_51 {strides = array<i32>} : memref<10000x64xf32, #tpu.memory_space<vmem>>, vector<10000x64xf32>,
    return
  }
}

</mosaic_0001>

<sc_bundles>
// kernel: kernel.10.cloned.1.call-start
scs
__scs_entry_jumppad:
0x0: {  	(pc) =	sbr.rel $0x88, $3  }
0x1: {  	(tag) =	ssettag $0x0;
	lr =	simm.s32 $0x1  }
0x2: {  	[smem:$0x3F90] =	sst lr;
	_ =	strace $0xD0000000  }
0x3: {  	_ = 	snop  }
0x4: {  	_ = 	snop  }
0x5: {  	_ = 	snop  }
0x6: {  	_ = 	snop  }
0x7: {  	_ = 	snop  }
__scs_overlays_trampoline_lowered:
0x8: {  	[smem:$0x3F9F] =	sst s0  }
0x9: {  	[smem:$0x3FA0] =	sst s1  }
0xa: {  	[smem:$0x3FA1] =	sst s2  }
0xb: {  	[smem:$0x3FA2] =	sst s3  }
0xc: {  	[smem:$0x3FA3] =	sst s4  }
0xd: {  	[smem:$0x3FA4] =	sst s5  }
0xe: {  	[smem:$0x3FA5] =	sst s6  }
0xf: {  	[smem:$0x3FA6] =	sst s7  }
0x10: {  	[smem:$0x3FA7] =	sst s8  }
0x11: {  	[smem:$0x3FA8] =	sst s9;
	s0 =	simm.s32 @!p0 $0x0  }
0x12: {  	s1 =	sld [smem:$0x3F8E];
	s0 =	simm.s32 @p0 $0x1  }
0x13: {  	[smem:$0x3FA9] =	sst s0;
	s0 =	simm.s32 @!p1 $0x0  }
0x14: {  	s2 =	sld [smem:$0x3F8D];
	s0 =	simm.s32 @p1 $0x1  }
0x15: {  	[smem:$0x3FAA] =	sst s0;
	s0 =	simm.s32 @!p2 $0x0  }
0x16: {  	s3 =	sld [smem:$0x3FDB];
	s0 =	simm.s32 @p2 $0x1  }
0x17: {  	s4 =	simm.s32 $0x1BF5;
	[smem:$0x3FAC] =	sst s0  }
0x18: {  	s0 =	sld [smem:$0x3F8F];
	_ =	swait.ge [sflag:s4], $0x0  }
0x19: {  	s7 =	sld [smem:$0x3F90]  }
0x1a: {  	s8 =	sadd.s32 $0xFFFFE003, lr  }
0x1b: {  	s9 =	sadd.s32 $0xFFFFFEF7, lr;
	s5 =	simm.s32 $0xFFFFFFFF;
	p2 =	slt.u32 s8, $0xFFFFF086  }
0x1c: {  	p1 =	slt.u32 s9, $0xF7A;
	s5 =	simm.s32 @!p2 $0x0  }
0x1d: {  	s5 =	simm.s32 @p1 $0x1;
	p0 =	seq.s32 s7, s2  }
0x1e: {  	s7 =	smul.u32 @!p0 $0xF7A, s2;
	p2 =	seq.s32 @!p0 s5, $0x0  }
0x1f: {  	s9 =	smul.u32 $0xF7A, s1;
	s8 =	simm.s32 @!p0 $0x1BF5;
	p2 =	por !p2, p0  }
0x20: {  	[sflag:s8] =	ssyncset.s32 @!p0 $0xFFFFF086;
	s6 =	sadd.s32 @!p0 s3, s7;
	s7 =	simm.s32 @!p0 $0x108  }
0x21: {  	s3 =	sadd.s32 s3, s9;
	s6 =	sadd.s32 @!p0 $0x88, s6;
	s7 =	simm.s32 @p2 $0x1082  }
0x22: {  	[simem:s7], [sflag:s8] =	dma.local @!p0 [hbm:s6], $0xF7A  }
0x23: {  	s9 =	sor.u32 $0xD0000000, s2;
	s6 =	simm.s32 $0x108;
	_ =	swait.ge @!p0 [sflag:s8], $0x0  }
0x24: {  	s3 =	sadd.s32 $0x88, s3;
	s6 =	simm.s32 @!p1 $0x1082;
	[sflag:s4] =	ssyncset.s32 $0xFFFFF086  }
0x25: {  	[simem:s6], [sflag:s4] =	dma.local [hbm:s3], $0xF7A  }
0x26: {  	[smem:$0x3F90] =	sst s1;
	(tag) =	ssettag s2;
	_ =	strace s9  }
0x27: {  	s1 =	sld [smem:$0x3FA0]  }
0x28: {  	s2 =	sld [smem:$0x3FA1]  }
0x29: {  	s4 =	sld [smem:$0x3FA3]  }
0x2a: {  	p0 =	seq.s32 s5, $0x0;
	s5 =	sld [smem:$0x3FA4]  }
0x2b: {  	s6 =	sld [smem:$0x3FA5]  }
0x2c: {  	s7 =	sld [smem:$0x3FA6]  }
0x2d: {  	s3 =	simm.s32 $0x108;
	s8 =	sld [smem:$0x3FA7]  }
0x2e: {  	s3 =	simm.s32 @!p0 $0x1082;
	s9 =	sld [smem:$0x3FA8]  }
0x2f: {  	lr =	sadd.s32 s0, s3;
	s0 =	sld [smem:$0x3F9F]  }
0x30: {  	s3 =	sld [smem:$0x3FA2]  }
0x31: {  	[smem:$0x3FAB] =	sst s10  }
0x32: {  	s10 =	sld [smem:$0x3FA9];
	_ =	sdelay $0x3  }
0x33: {  	p0 =	seq.s32 s10, $0x1;
	s10 =	sld [smem:$0x3FAB];
	_ =	sdelay $0x3  }
0x34: {  	[smem:$0x3FAB] =	sst s10  }
0x35: {  	s10 =	sld [smem:$0x3FAA];
	_ =	sdelay $0x3  }
0x36: {  	p1 =	seq.s32 s10, $0x1;
	s10 =	sld [smem:$0x3FAB];
	_ =	sdelay $0x3  }
0x37: {  	[smem:$0x3FAB] =	sst s10  }
0x38: {  	s10 =	sld [smem:$0x3FAC]  }
0x39: {  	_ = 	snop;
	(pc) =	sbr.ind lr, $3  }
0x3a: {  	_ = 	snop  }
0x3b: {  	_ = 	snop  }
0x3c: {  	p2 =	seq.s32 s10, $0x1;
	s10 =	sld [smem:$0x3FAB]  }
0x3d: {  	_ =	shalt  }
0x3e: {  	_ =	shalt  }
0x3f: {  	_ =	shalt  }
0x40: {  	_ =	shalt  }
0x41: {  	_ =	shalt  }
0x42: {  	_ =	shalt  }
0x43: {  	_ =	shalt  }
0x44: {  	_ =	shalt  }
0x45: {  	_ =	shalt  }
0x46: {  	_ =	shalt  }
0x47: {  	_ =	shalt  }
0x48: {  	_ =	shalt  }
0x49: {  	_ =	shalt  }
0x4a: {  	_ =	shalt  }
0x4b: {  	_ =	shalt  }
0x4c: {  	_ =	shalt  }
0x4d: {  	_ =	shalt  }
0x4e: {  	_ =	shalt  }
0x4f: {  	_ =	shalt  }
0x50: {  	_ =	shalt  }
0x51: {  	_ =	shalt  }
0x52: {  	_ =	shalt  }
0x53: {  	_ =	shalt  }
0x54: {  	_ =	shalt  }
0x55: {  	_ =	shalt  }
0x56: {  	_ =	shalt  }
0x57: {  	_ =	shalt  }
0x58: {  	_ =	shalt  }
0x59: {  	_ =	shalt  }
0x5a: {  	_ =	shalt  }
0x5b: {  	_ =	shalt  }
0x5c: {  	_ =	shalt  }
0x5d: {  	_ =	shalt  }
0x5e: {  	_ =	shalt  }
0x5f: {  	_ =	shalt  }
0x60: {  	_ =	shalt  }
0x61: {  	_ =	shalt  }
0x62: {  	_ =	shalt  }
0x63: {  	_ =	shalt  }
0x64: {  	_ =	shalt  }
0x65: {  	_ =	shalt  }
0x66: {  	_ =	shalt  }
0x67: {  	_ =	shalt  }
0x68: {  	_ =	shalt  }
0x69: {  	_ =	shalt  }
0x6a: {  	_ =	shalt  }
0x6b: {  	_ =	shalt  }
0x6c: {  	_ =	shalt  }
0x6d: {  	_ =	shalt  }
0x6e: {  	_ =	shalt  }
0x6f: {  	_ =	shalt  }
0x70: {  	_ =	shalt  }
0x71: {  	_ =	shalt  }
0x72: {  	_ =	shalt  }
0x73: {  	_ =	shalt  }
0x74: {  	_ =	shalt  }
0x75: {  	_ =	shalt  }
0x76: {  	_ =	shalt  }
0x77: {  	_ =	shalt  }
0x78: {  	_ =	shalt  }
0x79: {  	_ =	shalt  }
0x7a: {  	_ =	shalt  }
0x7b: {  	_ =	shalt  }
0x7c: {  	_ =	shalt  }
0x7d: {  	_ =	shalt  }
0x7e: {  	_ =	shalt  }
0x7f: {  	_ =	shalt  }
0x80: {  	_ =	shalt  }
0x81: {  	_ =	shalt  }
0x82: {  	_ =	shalt  }
0x83: {  	_ =	shalt  }
0x84: {  	_ =	shalt  }
0x85: {  	_ =	shalt  }
0x86: {  	_ =	shalt  }
0x87: {  	_ =	shalt  }
.Lfunc_end0:
.L_simem_size_0:
called_computation_lowered:
.L_overlay_start_0:
0x88: {  	s2 =	sld [smem:$0x3FD9]  }
0x89: {  	s3 =	sld [smem:$0x3FFE];
	_ =	sdelay $0x1  }
0x8a: {  	s1 =	srdreg.scid  }
0x8b: {  	s0 =	sand.u32 $0x1, s1  }
0x8c: {  	s17 =	sshll.u32 s0, $0xA;
	s2 =	sadd.s32 s3, s2  }
0x8d: {  	s2 =	sadd.s32 s2, s17  }
0x8e: {  	[smem:$0x3FB7] =	sst s2  }
0x8f: {  	_ = 	snop  }
0x90: {  	s2 =	sld [smem:$0x3FD0];
	(tm) =	ssettm $0x1  }
0x91: {  	s18 =	sld [smem:$0x3FFB];
	_ =	sdelay $0x3  }
0x92: {  	_ =	strace s18  }
0x93: {  	s3 =	sld [smem:$0x3FFC];
	_ =	sdelay $0x3  }
0x94: {  	_ =	strace s3  }
0x95: {  	s3 =	sld [smem:$0x3FFD];
	_ =	sdelay $0x3  }
0x96: {  	_ =	strace s3  }
0x97: {  	_ =	strace $0x8FFFFFFF  }
0x98: {  	s19 =	sld [smem:$0x3FDB];
	_ =	sdelay $0x1  }
0x99: {  	s4 =	simm.s32 $_scs_section_size  }
0x9a: {  	s5 =	simm.s32 $_size__tile_overlayer_lowered;
	s6 =	simm.s32 $_tile_overlayer_lowered  }
0x9b: {  	s22 =	simm.s32 $0x1BFF;
	s21 =	sshll.u32 s6, $0x1;
	s3 =	sadd.s32 s4, s19  }
0x9c: {  	s7 =	simm.s32 $0x0;
	s20 =	sshll.u32 s5, $0x1;
	s5 =	sadd.s32 s21, s3  }
0x9d: {  	[timem:s7], [sflag:s22] =	dma.local [hbm:s5], s20  }
0x9e: {  	_ =	swait.ge [sflag:s22], s20  }
0x9f: {  	s4 =	ssub.s32 $0x0, s20;
	[sflag:s22] =	ssyncset.done $0x0  }
0xa0: {  	[sflag:s22] =	ssyncadd.s32 s4;
	_ =	sdelay $0x1  }
0xa1: {  	s23 =	simm.s32 $0x1B8B  }
0xa2: {  	_ =	swait.ge [sflag:s23], $0x1  }
0xa3: {  	[sflag:s23] =	ssyncset.done $0x0  }
0xa4: {  	s25 =	simm.s32 $0x1B8E;
	s24 =	sld [smem:$0x3FFE];
	[sflag:s23] =	ssyncadd.s32 $0xFFFFFFFF  }
0xa5: {  	s26 =	simm.s32 $execute0_lowered;
	[smem:$0x3FD2] =	sst s25  }
0xa6: {  	s5 =	sshll.u32 s26, $0x1;
	_ =	strace $0x80000046;
	[dreg:$0x1] =	wrdreg $0xFFFFFFFF  }
0xa7: {  	s28 =	simm.s32 $_size_execute0_lowered;
	s3 =	sadd.s32 s3, s5;
	[dreg:$0x0] =	wrdreg $0x0  }
0xa8: {  	s5 =	sshll.u32 s28, $0x1;
	[dreg:$0x2] =	wrdreg s3  }
0xa9: {  	[dreg:$0x3] =	wrdreg s5  }
0xaa: {  	[dreg:$0x4] =	wrdreg $0xC0  }
0xab: {  	_ =	task [dreg:s7], $0x5FFFF  }
0xac: {  	[dreg:$0x1] =	wrdreg $0xFFFFFFFF  }
0xad: {  	[dreg:$0x0] =	wrdreg $0x60  }
0xae: {  	[dreg:$0x2] =	wrdreg s24  }
0xaf: {  	[dreg:$0x3] =	wrdreg s2  }
0xb0: {  	[dreg:$0x4] =	wrdreg $0x2D000  }
0xb1: {  	[dreg:$0x5] =	wrdreg $0x9  }
0xb2: {  	_ =	task.clear_ibuf [dreg:s7], $0x6FFFF;
	_ =	strace $0x90000046  }
0xb3: {  	s29 =	simm.s32 $0x9;
	_ =	strace $0x80000048  }
0xb4: {  	_ =	swait.ge [sflag:s29], $0x1  }
0xb5: {  	[sflag:s29] =	ssyncadd.s32 $0xFFFFFFFF  }
0xb6: {  	_ =	strace $0x90000048  }
0xb7: {  	_ =	sfence  }
0xb8: {  	s30 =	sld [smem:$0x0];
	_ =	sdelay $0x2  }
0xb9: {  	s31 =	sshll.u32 s1, $0xD;
	s1 =	sshrl.u32 s1, $0x2  }
0xba: {  	s3 =	sand.u32 $0x4000, s31;
	s1 =	sadd.s32 s1, s30  }
0xbb: {  	s0 =	sor.u32 s3, s0;
	s1 =	sshll.u32 s1, $0x11  }
0xbc: {  	s0 =	sor.u32 s1, s0  }
0xbd: {  	s0 =	sadd.s32 $0x8F2B, s0  }
0xbe: {  	[sflag:s0] =	ssyncadd.remote.s32 $0x1  }
0xbf: {  	_ =	sfence.sel $0xFFFF  }
0xc0: {  	[dreg:$0x0] =	wrdreg $0xFFFFFFFF;
	(pc) =	sbr.abs _section_cstart, $3  }
0xc1: {  	[dreg:$0x1] =	wrdreg $0xFFFFFFFF  }
0xc2: {  	_ =	task.clear_ibuf [dreg:s7], $0x2FFFF;
	_ =	strace $0x9FFFFFFF  }
0xc3: {  	(tm) =	ssettm $0x7FFFFFFF  }
tec
execute0_lowered:
.L_overlay_start_1:
0x0: {  	(tag) =	ssettag $0x1  }
0x1: {  	s4 =	rddreg [dreg:$0x0]  }
0x2: {  	s14 =	rddreg [dreg:$0x1];
	s1 =	srdreg.scid  }
0x3: {  	s0 =	stileid.u32;
	s2 =	rddreg [dreg:$0x2];
	s3 =	simm.s32 $0x0  }
0x4: {  	s18 =	simm.s32 $0x50;
	s22 =	simm.s32 $0x0;
	s6 =	sand.u32 $0x1, s1  }
0x5: {  	s5 =	sshll.u32 s0, $0x1;
	s1 =	rddreg [dreg:$0x3];
	s8 =	smul.u32 $0xA000, s0  }
0x6: {  	[smem:$0x7FF] =	sst s3;
	s11 =	smul.u32 $0x2800, s0;
	s19 =	sadd.s32 $0x25800, s2  }
0x7: {  	p0 =	seq.s32 s0, $0xF;
	s5 =	sor.u32 s6, s5;
	_ =	strace $0x80000047  }
0x8: {  	s7 =	ssub.s32 $0x2, s6;
	s13 =	smul.u32 $0x27100, s6;
	s19 =	sshrl.u32 @p0 s19, $0x3  }
0x9: {  	s20 =	sshll.u32 @!p0 s0, $0x6;
	s5 =	smul.u32 $0x500, s5;
	s30 =	sshrl.u32 s7, $0x1  }
0xa: {  	s31 =	sshrl.u32 s8, $0x2;
	s20 =	sor.u32 @!p0 $0x1C01, s20;
	s15 =	ssub.s32 s7, s30  }
0xb: {  	s12 =	sadd.s32 s31, s2;
	s16 =	sadd.s32 s11, s13;
	s17 =	sshrl.u32 s13, $0x3  }
0xc: {  	s4 =	sadd.s32 s5, s4;
	s5 =	sadd.s32 s11, s2;
	s6 =	sadd.s32 $0x500, s12  }
0xd: {  	s7 =	sadd.s32 $0xA00, s12;
	s8 =	sadd.s32 $0xF00, s12;
	s9 =	sadd.s32 $0x1400, s12  }
0xe: {  	s10 =	sadd.s32 $0x1900, s12;
	s11 =	sadd.s32 $0x1E00, s12;
	s16 =	sshrl.u32 s16, $0x3  }
0xf: {  	s12 =	sadd.s32 $0x2300, s12;
	s15 =	smax.u32 s15, $0x1;
	s4 =	sadd.s32 $0x3200, s4  }
0x10: {  	s13 =	sadd.s32 s14, s16;
	s14 =	sadd.s32 s14, s17;
	s16 =	simm.s32 $0x1  }
0x11: {  	v0 =	vimm.f32 $0.0e+00;
	v1 =	vimm.f32 $1.000000000e+00;
	s17 =	simm.s32 $0x2800;
	s21 =	sshrl.u32 @!p0 s5, $0x3;
	s14 =	sadd.s32 $0x4B00, s14  }
.LBB2_1:
0x12: {  	[tilespmem:s3], [sflag:$0x1] =	stream.linear.gather [hbm4b:s4+s3], $0x2800, $0x38;
	[tilespmem:$0x5500] =	vst v63  }
0x13: {  	_ =	swait.ge [sflag:s16], $0x2800  }
0x14: {  	[sflag:s16] =	ssyncset.done $0x0  }
0x15: {  	s23 =	simm.s32 $0x40;
	s24 =	simm.s32 $0x0;
	[sflag:s16] =	ssyncadd.s32 $0xFFFFD800  }
.LBB2_2:
0x16: {  	p1 =	sne.s32 s23, $0x13C0;
	[tilespmem:s24+$0x2800] =	vst v0;
	s24 =	smov.u32 s23;
	s23 =	sadd.s32 $0x40, s23  }
.Ltmp0:
0x17: {  	(pc) =	sbr.rel @p1 .LBB2_2-.Ltmp0, $2  }
0x18: {  	_ =	sdelay $0x2  }
0x19: {  	s24 =	sshra.s32 s24, $0x2  }
0x1a: {  	[tilespmem:s24+$0x2800] =	vst v0  }
0x1b: {  	[spmem:s5] =	stream.linear.scatter [tilespmem:s17], [sflag:$0x1], $0x500, $0x38;
	[tilespmem:$0x5500] =	vst v63  }
0x1c: {  	_ =	swait.ge [sflag:s16], $0x500  }
0x1d: {  	[sflag:s16] =	ssyncset.done $0x0  }
0x1e: {  	[sflag:s16] =	ssyncadd.s32 $0xFFFFFB00  }
0x1f: {  	[spmem:s6] =	stream.linear.scatter [tilespmem:s17], [sflag:$0x1], $0x500, $0x38;
	[tilespmem:$0x5500] =	vst v63  }
0x20: {  	_ =	swait.ge [sflag:s16], $0x500  }
0x21: {  	[sflag:s16] =	ssyncset.done $0x0  }
0x22: {  	[sflag:s16] =	ssyncadd.s32 $0xFFFFFB00  }
0x23: {  	[spmem:s7] =	stream.linear.scatter [tilespmem:s17], [sflag:$0x1], $0x500, $0x38;
	[tilespmem:$0x5500] =	vst v63  }
0x24: {  	_ =	swait.ge [sflag:s16], $0x500  }
0x25: {  	[sflag:s16] =	ssyncset.done $0x0  }
0x26: {  	[sflag:s16] =	ssyncadd.s32 $0xFFFFFB00  }
0x27: {  	[spmem:s8] =	stream.linear.scatter [tilespmem:s17], [sflag:$0x1], $0x500, $0x38;
	[tilespmem:$0x5500] =	vst v63  }
0x28: {  	_ =	swait.ge [sflag:s16], $0x500  }
0x29: {  	[sflag:s16] =	ssyncset.done $0x0  }
0x2a: {  	[sflag:s16] =	ssyncadd.s32 $0xFFFFFB00  }
0x2b: {  	[spmem:s9] =	stream.linear.scatter [tilespmem:s17], [sflag:$0x1], $0x500, $0x38;
	[tilespmem:$0x5500] =	vst v63  }
0x2c: {  	_ =	swait.ge [sflag:s16], $0x500  }
0x2d: {  	[sflag:s16] =	ssyncset.done $0x0  }
0x2e: {  	s23 =	simm.s32 @!p0 $0x2800;
	s24 =	simm.s32 @!p0 $0x1;
	[sflag:s16] =	ssyncadd.s32 $0xFFFFFB00  }
0x2f: {  	[spmem:s10] =	stream.linear.scatter @!p0 [tilespmem:s23], [sflag:$0x1], $0x500, $0x38;
	[tilespmem:$0x5500] =	vst v63  }
0x30: {  	_ =	swait.ge @!p0 [sflag:s24], $0x500  }
0x31: {  	[sflag:s24] =	ssyncset.done @!p0 $0x0  }
0x32: {  	[sflag:s24] =	ssyncadd.s32 @!p0 $0xFFFFFB00  }
0x33: {  	[spmem:s11] =	stream.linear.scatter @!p0 [tilespmem:s23], [sflag:$0x1], $0x500, $0x38;
	[tilespmem:$0x5500] =	vst v63  }
0x34: {  	_ =	swait.ge @!p0 [sflag:s24], $0x500  }
0x35: {  	[sflag:s24] =	ssyncset.done @!p0 $0x0  }
0x36: {  	[sflag:s24] =	ssyncadd.s32 @!p0 $0xFFFFFB00  }
0x37: {  	[spmem:s12] =	stream.linear.scatter @!p0 [tilespmem:s23], [sflag:$0x1], $0x500, $0x38;
	[tilespmem:$0x5500] =	vst v63  }
0x38: {  	_ =	swait.ge @!p0 [sflag:s24], $0x500  }
0x39: {  	[sflag:s24] =	ssyncset.done @!p0 $0x0  }
0x3a: {  	s23 =	simm.s32 $0x40;
	[sflag:s24] =	ssyncadd.s32 @!p0 $0xFFFFFB00;
	s24 =	simm.s32 $0x0  }
.LBB2_4:
0x3b: {  	p1 =	sne.s32 s23, $0x13C0;
	[tilespmem:s24+$0x2800] =	vst v1;
	s24 =	smov.u32 s23;
	s23 =	sadd.s32 $0x40, s23  }
.Ltmp1:
0x3c: {  	(pc) =	sbr.rel @p1 .LBB2_4-.Ltmp1, $2  }
0x3d: {  	_ =	sdelay $0x2  }
0x3e: {  	s24 =	sshra.s32 s24, $0x2  }
0x3f: {  	[tilespmem:s24+$0x2800] =	vst v1  }
0x40: {  	s23 =	simm.s32 $0x0;
	[bflag:$0x0] =	sbarrier.arrive $0xFFFF  }
0x41: {  	[spmem:s2] =	stream.indirect.scatter.add.f32 [tilespmem:s17], [sflag:$0x1], $0x10, s23, s18, $0xb8;
	[tilespmem:$0x5500] =	vst v63  }
0x42: {  	_ =	swait.ge [sflag:s16], $0x500  }
0x43: {  	s23 =	simm.s32 $0x140;
	[sflag:s16] =	ssyncset.done $0x0  }
.LBB2_6:
0x44: {  	s24 =	sshra.s32 s23, $0x2;
	[sflag:s16] =	ssyncadd.s32 $0xFFFFFB00;
	p1 =	sne.s32 s23, $0x9EC0  }
0x45: {  	[spmem:s2] =	stream.indirect.scatter.add.f32 [tilespmem:s17], [sflag:$0x1], $0x10, s24, s18, $0xb8;
	[tilespmem:$0x5500] =	vst v63  }
.Ltmp2:
0x46: {  	_ = 	snop;
	(pc) =	sbr.rel @p1 .LBB2_6-.Ltmp2, $4  }
0x47: {  	_ = 	snop  }
0x48: {  	s23 =	sadd.s32 $0x140, s23  }
0x49: {  	_ =	swait.ge [sflag:s16], $0x500  }
0x4a: {  	[sflag:s16] =	ssyncset.done $0x0  }
0x4b: {  	[sflag:s16] =	ssyncadd.s32 $0xFFFFFB00  }
0x4c: {  	s23 =	simm.s32 @p0 $0x1FC1;
	[bflag:$0x0] =	sbarrier.arrive $0xFFFF  }
0x4d: {  	[hbm:s14], [sflag:s23] =	dma.local @p0 [spmem:s19], $0x320  }
0x4e: {  	s23 =	simm.s32 @p0 $0x1  }
0x4f: {  	s22 =	sadd.s32 $0x1, s22;
	_ =	swait.ge @p0 [sflag:s23], $0x320  }
0x50: {  	p1 =	sne.s32 s22, s15;
	[sflag:s23] =	ssyncset.done @p0 $0x0  }
.Ltmp3:
0x51: {  	[sflag:s23] =	ssyncadd.s32 @p0 $0xFFFFFCE0;
	s23 =	simm.s32 @!p0 $0x1;
	(pc) =	sbr.rel @p1 .LBB2_1-.Ltmp3, $4  }
0x52: {  	[hbm:s13], [sflag:s20] =	dma.local @!p0 [spmem:s21], $0x500  }
0x53: {  	_ =	swait.ge @!p0 [sflag:s23], $0x500  }
0x54: {  	[sflag:s23] =	ssyncset.done @!p0 $0x0  }
0x55: {  	[sflag:s23] =	ssyncadd.s32 @!p0 $0xFFFFFB00  }
0x56: {  	_ =	sfence.sel $0x180000  }
0x57: {  	[bflag:$0x0] =	sbarrier.arrive $0xFFFF  }
0x58: {  	p0 =	sne.s32 s0, $0x0;
	_ =	strace $0x90000047  }
0x59: {  	s0 =	sadd.s32 @!p0 $0x100000, s1;
	[bflag:$0x2] =	sbarrier.arrive $0xFFFF  }
0x5a: {  	[sflag:s0] =	ssyncadd.tile.s32 @!p0 $0x1;
	_ =	shalt  }
.Lfunc_end2:
_tile_overlayer_lowered:
.L_overlay_start_2:
0x5b: {  	(tag) =	ssettag $0x2  }
0x5c: {  	s0 =	rddreg [dreg:$0x0];
	s2 =	stileid.u32  }
0x5d: {  	s1 =	rddreg [dreg:$0x1];
	p0 =	sne.s32 s2, $0x0  }
0x5e: {  	s3 =	rddreg [dreg:$0x2];
	[bflag:$0x3] =	sbarrier.arrive $0xFFFF;
	s2 =	simm.s32 @!p0 $0x1C01  }
0x5f: {  	[timem:s3], [sflag:s2] =	dma.local @!p0 [hbm:s0], s1  }
0x60: {  	s0 =	simm.s32 @!p0 $0x1  }
0x61: {  	_ =	swait.ge @!p0 [sflag:s0], s1  }
0x62: {  	s1 =	ssub.s32 @!p0 $0x0, s1;
	[sflag:s0] =	ssyncset.done @!p0 $0x0  }
0x63: {  	[sflag:s0] =	ssyncadd.s32 @!p0 s1  }
0x64: {  	[bflag:$0x3] =	sbarrier.arrive $0xFFFF  }
0x65: {  	_ =	shalt  }

// kernel: kernel.13.cloned.1.call-start
scs
__scs_entry_jumppad:
0x0: {  	(pc) =	sbr.rel $0x88, $3  }
0x1: {  	(tag) =	ssettag $0x0;
	lr =	simm.s32 $0x1  }
0x2: {  	[smem:$0x3F90] =	sst lr;
	_ =	strace $0xD0000000  }
0x3: {  	_ = 	snop  }
0x4: {  	_ = 	snop  }
0x5: {  	_ = 	snop  }
0x6: {  	_ = 	snop  }
0x7: {  	_ = 	snop  }
__scs_overlays_trampoline_lowered:
0x8: {  	[smem:$0x3F9F] =	sst s0  }
0x9: {  	[smem:$0x3FA0] =	sst s1  }
0xa: {  	[smem:$0x3FA1] =	sst s2  }
0xb: {  	[smem:$0x3FA2] =	sst s3  }
0xc: {  	[smem:$0x3FA3] =	sst s4  }
0xd: {  	[smem:$0x3FA4] =	sst s5  }
0xe: {  	[smem:$0x3FA5] =	sst s6  }
0xf: {  	[smem:$0x3FA6] =	sst s7  }
0x10: {  	[smem:$0x3FA7] =	sst s8  }
0x11: {  	[smem:$0x3FA8] =	sst s9;
	s0 =	simm.s32 @!p0 $0x0  }
0x12: {  	s1 =	sld [smem:$0x3F8E];
	s0 =	simm.s32 @p0 $0x1  }
0x13: {  	[smem:$0x3FA9] =	sst s0;
	s0 =	simm.s32 @!p1 $0x0  }
0x14: {  	s2 =	sld [smem:$0x3F8D];
	s0 =	simm.s32 @p1 $0x1  }
0x15: {  	[smem:$0x3FAA] =	sst s0;
	s0 =	simm.s32 @!p2 $0x0  }
0x16: {  	s3 =	sld [smem:$0x3FDB];
	s0 =	simm.s32 @p2 $0x1  }
0x17: {  	s4 =	simm.s32 $0x1BF5;
	[smem:$0x3FAC] =	sst s0  }
0x18: {  	s0 =	sld [smem:$0x3F8F];
	_ =	swait.ge [sflag:s4], $0x0  }
0x19: {  	s7 =	sld [smem:$0x3F90]  }
0x1a: {  	s8 =	sadd.s32 $0xFFFFE003, lr  }
0x1b: {  	s9 =	sadd.s32 $0xFFFFFEF7, lr;
	s5 =	simm.s32 $0xFFFFFFFF;
	p2 =	slt.u32 s8, $0xFFFFF086  }
0x1c: {  	p1 =	slt.u32 s9, $0xF7A;
	s5 =	simm.s32 @!p2 $0x0  }
0x1d: {  	s5 =	simm.s32 @p1 $0x1;
	p0 =	seq.s32 s7, s2  }
0x1e: {  	s7 =	smul.u32 @!p0 $0xF7A, s2;
	p2 =	seq.s32 @!p0 s5, $0x0  }
0x1f: {  	s9 =	smul.u32 $0xF7A, s1;
	s8 =	simm.s32 @!p0 $0x1BF5;
	p2 =	por !p2, p0  }
0x20: {  	[sflag:s8] =	ssyncset.s32 @!p0 $0xFFFFF086;
	s6 =	sadd.s32 @!p0 s3, s7;
	s7 =	simm.s32 @!p0 $0x108  }
0x21: {  	s3 =	sadd.s32 s3, s9;
	s6 =	sadd.s32 @!p0 $0x88, s6;
	s7 =	simm.s32 @p2 $0x1082  }
0x22: {  	[simem:s7], [sflag:s8] =	dma.local @!p0 [hbm:s6], $0xF7A  }
0x23: {  	s9 =	sor.u32 $0xD0000000, s2;
	s6 =	simm.s32 $0x108;
	_ =	swait.ge @!p0 [sflag:s8], $0x0  }
0x24: {  	s3 =	sadd.s32 $0x88, s3;
	s6 =	simm.s32 @!p1 $0x1082;
	[sflag:s4] =	ssyncset.s32 $0xFFFFF086  }
0x25: {  	[simem:s6], [sflag:s4] =	dma.local [hbm:s3], $0xF7A  }
0x26: {  	[smem:$0x3F90] =	sst s1;
	(tag) =	ssettag s2;
	_ =	strace s9  }
0x27: {  	s1 =	sld [smem:$0x3FA0]  }
0x28: {  	s2 =	sld [smem:$0x3FA1]  }
0x29: {  	s4 =	sld [smem:$0x3FA3]  }
0x2a: {  	p0 =	seq.s32 s5, $0x0;
	s5 =	sld [smem:$0x3FA4]  }
0x2b: {  	s6 =	sld [smem:$0x3FA5]  }
0x2c: {  	s7 =	sld [smem:$0x3FA6]  }
0x2d: {  	s3 =	simm.s32 $0x108;
	s8 =	sld [smem:$0x3FA7]  }
0x2e: {  	s3 =	simm.s32 @!p0 $0x1082;
	s9 =	sld [smem:$0x3FA8]  }
0x2f: {  	lr =	sadd.s32 s0, s3;
	s0 =	sld [smem:$0x3F9F]  }
0x30: {  	s3 =	sld [smem:$0x3FA2]  }
0x31: {  	[smem:$0x3FAB] =	sst s10  }
0x32: {  	s10 =	sld [smem:$0x3FA9];
	_ =	sdelay $0x3  }
0x33: {  	p0 =	seq.s32 s10, $0x1;
	s10 =	sld [smem:$0x3FAB];
	_ =	sdelay $0x3  }
0x34: {  	[smem:$0x3FAB] =	sst s10  }
0x35: {  	s10 =	sld [smem:$0x3FAA];
	_ =	sdelay $0x3  }
0x36: {  	p1 =	seq.s32 s10, $0x1;
	s10 =	sld [smem:$0x3FAB];
	_ =	sdelay $0x3  }
0x37: {  	[smem:$0x3FAB] =	sst s10  }
0x38: {  	s10 =	sld [smem:$0x3FAC]  }
0x39: {  	_ = 	snop;
	(pc) =	sbr.ind lr, $3  }
0x3a: {  	_ = 	snop  }
0x3b: {  	_ = 	snop  }
0x3c: {  	p2 =	seq.s32 s10, $0x1;
	s10 =	sld [smem:$0x3FAB]  }
0x3d: {  	_ =	shalt  }
0x3e: {  	_ =	shalt  }
0x3f: {  	_ =	shalt  }
0x40: {  	_ =	shalt  }
0x41: {  	_ =	shalt  }
0x42: {  	_ =	shalt  }
0x43: {  	_ =	shalt  }
0x44: {  	_ =	shalt  }
0x45: {  	_ =	shalt  }
0x46: {  	_ =	shalt  }
0x47: {  	_ =	shalt  }
0x48: {  	_ =	shalt  }
0x49: {  	_ =	shalt  }
0x4a: {  	_ =	shalt  }
0x4b: {  	_ =	shalt  }
0x4c: {  	_ =	shalt  }
0x4d: {  	_ =	shalt  }
0x4e: {  	_ =	shalt  }
0x4f: {  	_ =	shalt  }
0x50: {  	_ =	shalt  }
0x51: {  	_ =	shalt  }
0x52: {  	_ =	shalt  }
0x53: {  	_ =	shalt  }
0x54: {  	_ =	shalt  }
0x55: {  	_ =	shalt  }
0x56: {  	_ =	shalt  }
0x57: {  	_ =	shalt  }
0x58: {  	_ =	shalt  }
0x59: {  	_ =	shalt  }
0x5a: {  	_ =	shalt  }
0x5b: {  	_ =	shalt  }
0x5c: {  	_ =	shalt  }
0x5d: {  	_ =	shalt  }
0x5e: {  	_ =	shalt  }
0x5f: {  	_ =	shalt  }
0x60: {  	_ =	shalt  }
0x61: {  	_ =	shalt  }
0x62: {  	_ =	shalt  }
0x63: {  	_ =	shalt  }
0x64: {  	_ =	shalt  }
0x65: {  	_ =	shalt  }
0x66: {  	_ =	shalt  }
0x67: {  	_ =	shalt  }
0x68: {  	_ =	shalt  }
0x69: {  	_ =	shalt  }
0x6a: {  	_ =	shalt  }
0x6b: {  	_ =	shalt  }
0x6c: {  	_ =	shalt  }
0x6d: {  	_ =	shalt  }
0x6e: {  	_ =	shalt  }
0x6f: {  	_ =	shalt  }
0x70: {  	_ =	shalt  }
0x71: {  	_ =	shalt  }
0x72: {  	_ =	shalt  }
0x73: {  	_ =	shalt  }
0x74: {  	_ =	shalt  }
0x75: {  	_ =	shalt  }
0x76: {  	_ =	shalt  }
0x77: {  	_ =	shalt  }
0x78: {  	_ =	shalt  }
0x79: {  	_ =	shalt  }
0x7a: {  	_ =	shalt  }
0x7b: {  	_ =	shalt  }
0x7c: {  	_ =	shalt  }
0x7d: {  	_ =	shalt  }
0x7e: {  	_ =	shalt  }
0x7f: {  	_ =	shalt  }
0x80: {  	_ =	shalt  }
0x81: {  	_ =	shalt  }
0x82: {  	_ =	shalt  }
0x83: {  	_ =	shalt  }
0x84: {  	_ =	shalt  }
0x85: {  	_ =	shalt  }
0x86: {  	_ =	shalt  }
0x87: {  	_ =	shalt  }
.Lfunc_end0:
.L_simem_size_0:
called_computation.1_lowered:
.L_overlay_start_0:
0x88: {  	s2 =	sld [smem:$0x3FD9]  }
0x89: {  	s3 =	sld [smem:$0x3FFE];
	_ =	sdelay $0x1  }
0x8a: {  	s1 =	srdreg.scid  }
0x8b: {  	s0 =	sand.u32 $0x1, s1  }
0x8c: {  	s17 =	sshll.u32 s0, $0xA;
	s2 =	sadd.s32 s3, s2  }
0x8d: {  	s2 =	sadd.s32 s2, s17  }
0x8e: {  	[smem:$0x3FB7] =	sst s2  }
0x8f: {  	_ = 	snop  }
0x90: {  	s2 =	sld [smem:$0x3FD0];
	(tm) =	ssettm $0x1  }
0x91: {  	s18 =	sld [smem:$0x3FFB];
	_ =	sdelay $0x3  }
0x92: {  	_ =	strace s18  }
0x93: {  	s3 =	sld [smem:$0x3FFC];
	_ =	sdelay $0x3  }
0x94: {  	_ =	strace s3  }
0x95: {  	s3 =	sld [smem:$0x3FFD];
	_ =	sdelay $0x3  }
0x96: {  	_ =	strace s3  }
0x97: {  	_ =	strace $0x8FFFFFFF  }
0x98: {  	s19 =	sld [smem:$0x3FDB];
	_ =	sdelay $0x1  }
0x99: {  	s4 =	simm.s32 $_scs_section_size  }
0x9a: {  	s5 =	simm.s32 $_size__tile_overlayer_lowered;
	s6 =	simm.s32 $_tile_overlayer_lowered  }
0x9b: {  	s22 =	simm.s32 $0x1BFF;
	s21 =	sshll.u32 s6, $0x1;
	s3 =	sadd.s32 s4, s19  }
0x9c: {  	s7 =	simm.s32 $0x0;
	s20 =	sshll.u32 s5, $0x1;
	s5 =	sadd.s32 s21, s3  }
0x9d: {  	[timem:s7], [sflag:s22] =	dma.local [hbm:s5], s20  }
0x9e: {  	_ =	swait.ge [sflag:s22], s20  }
0x9f: {  	s4 =	ssub.s32 $0x0, s20;
	[sflag:s22] =	ssyncset.done $0x0  }
0xa0: {  	[sflag:s22] =	ssyncadd.s32 s4;
	_ =	sdelay $0x1  }
0xa1: {  	s23 =	simm.s32 $0x1B8B  }
0xa2: {  	_ =	swait.ge [sflag:s23], $0x1  }
0xa3: {  	[sflag:s23] =	ssyncset.done $0x0  }
0xa4: {  	s25 =	simm.s32 $0x1B8E;
	s24 =	sld [smem:$0x3FFE];
	[sflag:s23] =	ssyncadd.s32 $0xFFFFFFFF  }
0xa5: {  	s26 =	simm.s32 $execute0_lowered;
	[smem:$0x3FD2] =	sst s25  }
0xa6: {  	s5 =	sshll.u32 s26, $0x1;
	_ =	strace $0x80000049;
	[dreg:$0x1] =	wrdreg $0xFFFFFFFF  }
0xa7: {  	s28 =	simm.s32 $_size_execute0_lowered;
	s3 =	sadd.s32 s3, s5;
	[dreg:$0x0] =	wrdreg $0x0  }
0xa8: {  	s5 =	sshll.u32 s28, $0x1;
	[dreg:$0x2] =	wrdreg s3  }
0xa9: {  	[dreg:$0x3] =	wrdreg s5  }
0xaa: {  	[dreg:$0x4] =	wrdreg $0xC0  }
0xab: {  	_ =	task [dreg:s7], $0x5FFFF  }
0xac: {  	[dreg:$0x1] =	wrdreg $0xFFFFFFFF  }
0xad: {  	[dreg:$0x0] =	wrdreg $0x60  }
0xae: {  	[dreg:$0x2] =	wrdreg s2  }
0xaf: {  	[dreg:$0x3] =	wrdreg s24  }
0xb0: {  	[dreg:$0x4] =	wrdreg $0xF0000  }
0xb1: {  	[dreg:$0x5] =	wrdreg $0x9  }
0xb2: {  	_ =	task.clear_ibuf [dreg:s7], $0x6FFFF;
	_ =	strace $0x90000049  }
0xb3: {  	s29 =	simm.s32 $0x9;
	_ =	strace $0x8000004B  }
0xb4: {  	_ =	swait.ge [sflag:s29], $0x1  }
0xb5: {  	[sflag:s29] =	ssyncadd.s32 $0xFFFFFFFF  }
0xb6: {  	_ =	strace $0x9000004B  }
0xb7: {  	_ =	sfence  }
0xb8: {  	s30 =	sld [smem:$0x0];
	_ =	sdelay $0x2  }
0xb9: {  	s31 =	sshll.u32 s1, $0xD;
	s1 =	sshrl.u32 s1, $0x2  }
0xba: {  	s3 =	sand.u32 $0x4000, s31;
	s1 =	sadd.s32 s1, s30  }
0xbb: {  	s0 =	sor.u32 s3, s0;
	s1 =	sshll.u32 s1, $0x11  }
0xbc: {  	s0 =	sor.u32 s1, s0  }
0xbd: {  	s0 =	sadd.s32 $0x8F2B, s0  }
0xbe: {  	[sflag:s0] =	ssyncadd.remote.s32 $0x1  }
0xbf: {  	_ =	sfence.sel $0xFFFF  }
0xc0: {  	[dreg:$0x0] =	wrdreg $0xFFFFFFFF;
	(pc) =	sbr.abs _section_cstart, $3  }
0xc1: {  	[dreg:$0x1] =	wrdreg $0xFFFFFFFF  }
0xc2: {  	_ =	task.clear_ibuf [dreg:s7], $0x2FFFF;
	_ =	strace $0x9FFFFFFF  }
0xc3: {  	(tm) =	ssettm $0x7FFFFFFF  }
tec
execute0_lowered:
.L_overlay_start_1:
0x0: {  	(tag) =	ssettag $0x1  }
0x1: {  	s1 =	rddreg [dreg:$0x0]  }
0x2: {  	s0 =	rddreg [dreg:$0x1];
	s2 =	srdreg.scid  }
0x3: {  	s8 =	stileid.u32;
	s3 =	rddreg [dreg:$0x2]  }
0x4: {  	s5 =	simm.s32 $0x0;
	s28 =	simm.s32 $0x8C00;
	s29 =	simm.s32 $0x1  }
0x5: {  	s31 =	simm.s32 $0xA000;
	s30 =	simm.s32 $0xB400;
	s10 =	simm.s32 $0x7  }
0x6: {  	s11 =	simm.s32 $0xB;
	s12 =	simm.s32 $0x8;
	s13 =	simm.s32 $0xC  }
0x7: {  	s2 =	sand.u32 $0x1, s2;
	s4 =	sshll.u32 s8, $0x1;
	s6 =	smul.u32 $0x28000, s8  }
0x8: {  	[smem:$0x7FF] =	sst s5;
	s15 =	smul.u32 $0xA000, s8;
	p0 =	seq.s32 s8, $0xF  }
0x9: {  	s4 =	sor.u32 s2, s4;
	s14 =	ssub.s32 $0x2, s2;
	s2 =	smul.u32 $0x9C400, s2  }
0xa: {  	s8 =	simm.s32 $0x6;
	_ =	strace $0x8000004A;
	s4 =	smul.u32 $0x500, s4  }
0xb: {  	s7 =	sshrl.u32 s14, $0x1;
	s6 =	sshrl.u32 s6, $0x2;
	s17 =	sadd.s32 s15, s3  }
0xc: {  	s5 =	ssub.s32 s14, s7;
	s16 =	sadd.s32 s6, s3;
	[dreg:$0x6] =	wrdreg s17  }
0xd: {  	s23 =	sadd.s32 s15, s2;
	s2 =	sshrl.u32 s2, $0x3;
	s14 =	simm.s32 $0xE  }
0xe: {  	s15 =	simm.s32 $0xF;
	s4 =	sadd.s32 s4, s0;
	s18 =	sadd.s32 $0x1400, s16  }
0xf: {  	s0 =	sadd.s32 $0x17200, s0;
	s19 =	sadd.s32 $0x2800, s16;
	[dreg:$0x7] =	wrdreg s18  }
0x10: {  	s20 =	sadd.s32 $0x3C00, s16;
	s21 =	sadd.s32 $0x5000, s16;
	[dreg:$0x8] =	wrdreg s19  }
0x11: {  	s22 =	sadd.s32 $0x6400, s16;
	s24 =	sadd.s32 $0x7800, s16;
	[dreg:$0x9] =	wrdreg s20  }
0x12: {  	s6 =	sshrl.u32 s23, $0x3;
	s26 =	smax.u32 s5, $0x1;
	[dreg:$0xa] =	wrdreg s21  }
0x13: {  	s23 =	simm.s32 $0x3;
	s5 =	simm.s32 $0x5;
	[dreg:$0xb] =	wrdreg s22  }
0x14: {  	s9 =	sadd.s32 $0xD200, s4;
	s4 =	sadd.s32 $0x3200, s4;
	[dreg:$0xc] =	wrdreg s24  }
0x15: {  	s2 =	sadd.s32 s0, s2;
	s0 =	sadd.s32 s0, s6;
	[dreg:$0x10] =	wrdreg s26  }
0x16: {  	s18 =	simm.s32 $0x11;
	s20 =	simm.s32 $0x5000;
	s21 =	simm.s32 $0x50  }
0x17: {  	s22 =	simm.s32 $0x6400;
	s24 =	simm.s32 $0x7800;
	[dreg:$0x4] =	wrdreg s9  }
0x18: {  	s26 =	simm.s32 $0xC800;
	s6 =	simm.s32 $0x9;
	[dreg:$0x5] =	wrdreg s4  }
0x19: {  	s19 =	simm.s32 $0xD;
	s4 =	sadd.s32 $0x8C00, s16;
	[dreg:$0xe] =	wrdreg s0  }
0x1a: {  	s25 =	sadd.s32 $0x12C00, s2;
	s0 =	sadd.s32 $0x96000, s3;
	s2 =	simm.s32 $0x2  }
0x1b: {  	s9 =	simm.s32 $0xA;
	s16 =	simm.s32 $0x10;
	[dreg:$0xd] =	wrdreg s4  }
0x1c: {  	[dreg:$0xf] =	wrdreg s25;
	s0 =	sshrl.u32 @p0 s0, $0x3;
	s4 =	simm.s32 $0xDC00  }
0x1d: {  	v0 =	vimm.f32 $0.0e+00;
	s25 =	simm.s32 $0x0;
	[dreg:$0x11] =	wrdreg s0;
	s0 =	simm.s32 $0x4  }
.LBB2_1:
0x1e: {  	[dreg:$0x12] =	wrdreg s25  }
0x1f: {  	s7 =	simm.s32 $0x0;
	s17 =	rddreg [dreg:$0x4]  }
0x20: {  	[tilespmem:s7], [sflag:$0x11] =	stream.linear.gather [hbm4b:s17+s7], $0x2800, $0x38;
	[tilespmem:$0x19000] =	vst v63  }
0x21: {  	_ =	swait.ge [sflag:s18], $0x2800  }
0x22: {  	[sflag:s18] =	ssyncset.done $0x0  }
0x23: {  	s25 =	simm.s32 $0x2800;
	s17 =	rddreg [dreg:$0x5];
	[sflag:s18] =	ssyncadd.s32 $0xFFFFD800  }
0x24: {  	[tilespmem:s25], [sflag:$0x11] =	stream.linear.gather [hbm4b:s17+s7], $0x2800, $0x38;
	[tilespmem:$0x19000] =	vst v63  }
0x25: {  	_ =	swait.ge [sflag:s18], $0x2800  }
0x26: {  	[sflag:s18] =	ssyncset.done $0x0  }
0x27: {  	s25 =	simm.s32 $0x100;
	s7 =	simm.s32 $0x0;
	[sflag:s18] =	ssyncadd.s32 $0xFFFFD800  }
.LBB2_2:
0x28: {  	p1 =	sne.s32 s25, $0x4F00;
	[tilespmem:s7+$0x5030] =	vst v0;
	s17 =	smov.u32 s25;
	s25 =	sadd.s32 $0x100, s25  }
.Ltmp0:
0x29: {  	[tilespmem:s7+$0x5020] =	vst v0;
	(pc) =	sbr.rel @p1 .LBB2_2-.Ltmp0, $3  }
0x2a: {  	[tilespmem:s7+$0x5000] =	vst v0  }
0x2b: {  	[tilespmem:s7+$0x5010] =	vst v0;
	_ =	sdelay $0x1  }
0x2c: {  	s7 =	sshra.s32 s17, $0x2  }
0x2d: {  	[tilespmem:s7+$0x5030] =	vst v0  }
0x2e: {  	[tilespmem:s7+$0x5020] =	vst v0  }
0x2f: {  	[tilespmem:s7+$0x5000] =	vst v0  }
0x30: {  	[tilespmem:s7+$0x5010] =	vst v0;
	s25 =	rddreg [dreg:$0x6]  }
0x31: {  	[spmem:s25] =	stream.linear.scatter [tilespmem:s20], [sflag:$0x11], $0x1400, $0x38;
	[tilespmem:$0x19000] =	vst v63  }
0x32: {  	_ =	swait.ge [sflag:s18], $0x1400  }
0x33: {  	[sflag:s18] =	ssyncset.done $0x0  }
0x34: {  	s17 =	rddreg [dreg:$0x7];
	[sflag:s18] =	ssyncadd.s32 $0xFFFFEC00  }
0x35: {  	[spmem:s17] =	stream.linear.scatter [tilespmem:s20], [sflag:$0x11], $0x1400, $0x38;
	[tilespmem:$0x19000] =	vst v63  }
0x36: {  	_ =	swait.ge [sflag:s18], $0x1400  }
0x37: {  	[sflag:s18] =	ssyncset.done $0x0  }
0x38: {  	s25 =	rddreg [dreg:$0x8];
	[sflag:s18] =	ssyncadd.s32 $0xFFFFEC00  }
0x39: {  	[spmem:s25] =	stream.linear.scatter [tilespmem:s20], [sflag:$0x11], $0x1400, $0x38;
	[tilespmem:$0x19000] =	vst v63  }
0x3a: {  	_ =	swait.ge [sflag:s18], $0x1400  }
0x3b: {  	[sflag:s18] =	ssyncset.done $0x0  }
0x3c: {  	s17 =	rddreg [dreg:$0x9];
	[sflag:s18] =	ssyncadd.s32 $0xFFFFEC00  }
0x3d: {  	[spmem:s17] =	stream.linear.scatter [tilespmem:s20], [sflag:$0x11], $0x1400, $0x38;
	[tilespmem:$0x19000] =	vst v63  }
0x3e: {  	_ =	swait.ge [sflag:s18], $0x1400  }
0x3f: {  	[sflag:s18] =	ssyncset.done $0x0  }
0x40: {  	s25 =	rddreg [dreg:$0xa];
	[sflag:s18] =	ssyncadd.s32 $0xFFFFEC00  }
0x41: {  	[spmem:s25] =	stream.linear.scatter [tilespmem:s20], [sflag:$0x11], $0x1400, $0x38;
	[tilespmem:$0x19000] =	vst v63  }
0x42: {  	_ =	swait.ge [sflag:s18], $0x1400  }
0x43: {  	[sflag:s18] =	ssyncset.done $0x0  }
0x44: {  	s7 =	simm.s32 @!p0 $0x5000;
	s17 =	rddreg [dreg:$0xb];
	[sflag:s18] =	ssyncadd.s32 $0xFFFFEC00  }
0x45: {  	[spmem:s17] =	stream.linear.scatter @!p0 [tilespmem:s7], [sflag:$0x11], $0x1400, $0x38;
	[tilespmem:$0x19000] =	vst v63  }
0x46: {  	s17 =	simm.s32 @!p0 $0x11  }
0x47: {  	_ =	swait.ge @!p0 [sflag:s17], $0x1400  }
0x48: {  	[sflag:s17] =	ssyncset.done @!p0 $0x0  }
0x49: {  	s25 =	rddreg [dreg:$0xc];
	[sflag:s17] =	ssyncadd.s32 @!p0 $0xFFFFEC00  }
0x4a: {  	[spmem:s25] =	stream.linear.scatter @!p0 [tilespmem:s7], [sflag:$0x11], $0x1400, $0x38;
	[tilespmem:$0x19000] =	vst v63  }
0x4b: {  	_ =	swait.ge @!p0 [sflag:s17], $0x1400  }
0x4c: {  	[sflag:s17] =	ssyncset.done @!p0 $0x0  }
0x4d: {  	s25 =	rddreg [dreg:$0xd];
	[sflag:s17] =	ssyncadd.s32 @!p0 $0xFFFFEC00  }
0x4e: {  	[spmem:s25] =	stream.linear.scatter @!p0 [tilespmem:s7], [sflag:$0x11], $0x1400, $0x38;
	[tilespmem:$0x19000] =	vst v63  }
0x4f: {  	_ =	swait.ge @!p0 [sflag:s17], $0x1400  }
0x50: {  	[sflag:s17] =	ssyncset.done @!p0 $0x0  }
0x51: {  	[sflag:s17] =	ssyncadd.s32 @!p0 $0xFFFFEC00  }
0x52: {  	s17 =	simm.s32 $0x0;
	[bflag:$0x0] =	sbarrier.arrive $0xFFFF  }
0x53: {  	[tilespmem:s20], [sflag:$0x1] =	stream.indirect.gather [hbm4b:s1+s21], $0x40, s17, s21, $0xb8;
	[tilespmem:$0x19000] =	vst v63  }
0x54: {  	_ = 	snop  }
0x55: {  	[tilespmem:s22], [sflag:$0x2] =	stream.indirect.gather [hbm4b:s1+s21], $0x40, s21, s21, $0xb8;
	[tilespmem:$0x19000] =	vst v63  }
0x56: {  	s25 =	simm.s32 $0xA0  }
0x57: {  	[tilespmem:s24], [sflag:$0x3] =	stream.indirect.gather [hbm4b:s1+s21], $0x40, s25, s21, $0xb8;
	[tilespmem:$0x19000] =	vst v63  }
0x58: {  	s17 =	simm.s32 $0xF0  }
0x59: {  	[tilespmem:s28], [sflag:$0x4] =	stream.indirect.gather [hbm4b:s1+s21], $0x40, s17, s21, $0xb8;
	[tilespmem:$0x19000] =	vst v63  }
0x5a: {  	_ =	swait.ge [sflag:s29], $0x1400  }
0x5b: {  	[sflag:s29] =	ssyncset.done $0x0  }
0x5c: {  	s25 =	simm.s32 $0x2800;
	[sflag:s29] =	ssyncadd.s32 $0xFFFFEC00  }
0x5d: {  	[spmem:s3] =	stream.indirect.scatter.add.f32 [tilespmem:s20], [sflag:$0x9], $0x40, s25, s21, $0xb8;
	[tilespmem:$0x19000] =	vst v63  }
0x5e: {  	s17 =	simm.s32 $0x140  }
0x5f: {  	[tilespmem:s31], [sflag:$0x5] =	stream.indirect.gather [hbm4b:s1+s21], $0x40, s17, s21, $0xb8;
	[tilespmem:$0x19000] =	vst v63  }
0x60: {  	_ =	swait.ge [sflag:s2], $0x1400  }
0x61: {  	[sflag:s2] =	ssyncset.done $0x0  }
0x62: {  	s25 =	simm.s32 $0x2850;
	[sflag:s2] =	ssyncadd.s32 $0xFFFFEC00  }
0x63: {  	[spmem:s3] =	stream.indirect.scatter.add.f32 [tilespmem:s22], [sflag:$0xA], $0x40, s25, s21, $0xb8;
	[tilespmem:$0x19000] =	vst v63  }
0x64: {  	s17 =	simm.s32 $0x190  }
0x65: {  	[tilespmem:s30], [sflag:$0x6] =	stream.indirect.gather [hbm4b:s1+s21], $0x40, s17, s21, $0xb8;
	[tilespmem:$0x19000] =	vst v63  }
0x66: {  	_ =	swait.ge [sflag:s23], $0x1400  }
0x67: {  	[sflag:s23] =	ssyncset.done $0x0  }
0x68: {  	s25 =	simm.s32 $0x28A0;
	[sflag:s23] =	ssyncadd.s32 $0xFFFFEC00  }
0x69: {  	[spmem:s3] =	stream.indirect.scatter.add.f32 [tilespmem:s24], [sflag:$0xB], $0x40, s25, s21, $0xb8;
	[tilespmem:$0x19000] =	vst v63  }
0x6a: {  	s17 =	simm.s32 $0x1E0  }
0x6b: {  	[tilespmem:s26], [sflag:$0x7] =	stream.indirect.gather [hbm4b:s1+s21], $0x40, s17, s21, $0xb8;
	[tilespmem:$0x19000] =	vst v63  }
0x6c: {  	_ =	swait.ge [sflag:s0], $0x1400  }
0x6d: {  	[sflag:s0] =	ssyncset.done $0x0  }
0x6e: {  	s25 =	simm.s32 $0x28F0;
	[sflag:s0] =	ssyncadd.s32 $0xFFFFEC00  }
0x6f: {  	[spmem:s3] =	stream.indirect.scatter.add.f32 [tilespmem:s28], [sflag:$0xC], $0x40, s25, s21, $0xb8;
	[tilespmem:$0x19000] =	vst v63  }
0x70: {  	s17 =	simm.s32 $0x230  }
0x71: {  	[tilespmem:s4], [sflag:$0x8] =	stream.indirect.gather [hbm4b:s1+s21], $0x40, s17, s21, $0xb8;
	[tilespmem:$0x19000] =	vst v63  }
0x72: {  	_ =	swait.ge [sflag:s5], $0x1400  }
0x73: {  	[sflag:s5] =	ssyncset.done $0x0  }
0x74: {  	s25 =	simm.s32 $0x2940;
	[sflag:s5] =	ssyncadd.s32 $0xFFFFEC00  }
0x75: {  	[spmem:s3] =	stream.indirect.scatter.add.f32 [tilespmem:s31], [sflag:$0xD], $0x40, s25, s21, $0xb8;
	[tilespmem:$0x19000] =	vst v63  }
0x76: {  	_ =	swait.ge [sflag:s6], $0x1400  }
0x77: {  	[sflag:s6] =	ssyncset.done $0x0  }
0x78: {  	s17 =	simm.s32 $0x280;
	[sflag:s6] =	ssyncadd.s32 $0xFFFFEC00  }
0x79: {  	[tilespmem:s20], [sflag:$0x1] =	stream.indirect.gather [hbm4b:s1+s21], $0x40, s17, s21, $0xb8;
	[tilespmem:$0x19000] =	vst v63  }
0x7a: {  	_ =	swait.ge [sflag:s8], $0x1400  }
0x7b: {  	[sflag:s8] =	ssyncset.done $0x0  }
0x7c: {  	s25 =	simm.s32 $0x2990;
	[sflag:s8] =	ssyncadd.s32 $0xFFFFEC00  }
0x7d: {  	[spmem:s3] =	stream.indirect.scatter.add.f32 [tilespmem:s30], [sflag:$0xE], $0x40, s25, s21, $0xb8;
	[tilespmem:$0x19000] =	vst v63  }
0x7e: {  	_ =	swait.ge [sflag:s9], $0x1400  }
0x7f: {  	[sflag:s9] =	ssyncset.done $0x0  }
0x80: {  	s17 =	simm.s32 $0x2D0;
	[sflag:s9] =	ssyncadd.s32 $0xFFFFEC00  }
0x81: {  	[tilespmem:s22], [sflag:$0x2] =	stream.indirect.gather [hbm4b:s1+s21], $0x40, s17, s21, $0xb8;
	[tilespmem:$0x19000] =	vst v63  }
0x82: {  	_ =	swait.ge [sflag:s10], $0x1400  }
0x83: {  	[sflag:s10] =	ssyncset.done $0x0  }
0x84: {  	s25 =	simm.s32 $0x29E0;
	[sflag:s10] =	ssyncadd.s32 $0xFFFFEC00  }
0x85: {  	[spmem:s3] =	stream.indirect.scatter.add.f32 [tilespmem:s26], [sflag:$0xF], $0x40, s25, s21, $0xb8;
	[tilespmem:$0x19000] =	vst v63  }
0x86: {  	_ =	swait.ge [sflag:s11], $0x1400  }
0x87: {  	[sflag:s11] =	ssyncset.done $0x0  }
0x88: {  	s17 =	simm.s32 $0x320;
	[sflag:s11] =	ssyncadd.s32 $0xFFFFEC00  }
0x89: {  	[tilespmem:s24], [sflag:$0x3] =	stream.indirect.gather [hbm4b:s1+s21], $0x40, s17, s21, $0xb8;
	[tilespmem:$0x19000] =	vst v63  }
0x8a: {  	_ =	swait.ge [sflag:s12], $0x1400  }
0x8b: {  	[sflag:s12] =	ssyncset.done $0x0  }
0x8c: {  	s25 =	simm.s32 $0x2A30;
	[sflag:s12] =	ssyncadd.s32 $0xFFFFEC00  }
0x8d: {  	[spmem:s3] =	stream.indirect.scatter.add.f32 [tilespmem:s4], [sflag:$0x10], $0x40, s25, s21, $0xb8;
	[tilespmem:$0x19000] =	vst v63  }
0x8e: {  	_ =	swait.ge [sflag:s13], $0x1400  }
0x8f: {  	[sflag:s13] =	ssyncset.done $0x0  }
0x90: {  	s17 =	simm.s32 $0x370;
	[sflag:s13] =	ssyncadd.s32 $0xFFFFEC00  }
0x91: {  	[tilespmem:s28], [sflag:$0x4] =	stream.indirect.gather [hbm4b:s1+s21], $0x40, s17, s21, $0xb8;
	[tilespmem:$0x19000] =	vst v63  }
0x92: {  	_ =	swait.ge [sflag:s29], $0x1400  }
0x93: {  	[sflag:s29] =	ssyncset.done $0x0  }
0x94: {  	s25 =	simm.s32 $0x2A80;
	[sflag:s29] =	ssyncadd.s32 $0xFFFFEC00  }
0x95: {  	[spmem:s3] =	stream.indirect.scatter.add.f32 [tilespmem:s20], [sflag:$0x9], $0x40, s25, s21, $0xb8;
	[tilespmem:$0x19000] =	vst v63  }
0x96: {  	_ =	swait.ge [sflag:s19], $0x1400  }
0x97: {  	[sflag:s19] =	ssyncset.done $0x0  }
0x98: {  	s17 =	simm.s32 $0x3C0;
	[sflag:s19] =	ssyncadd.s32 $0xFFFFEC00  }
0x99: {  	[tilespmem:s31], [sflag:$0x5] =	stream.indirect.gather [hbm4b:s1+s21], $0x40, s17, s21, $0xb8;
	[tilespmem:$0x19000] =	vst v63  }
0x9a: {  	_ =	swait.ge [sflag:s2], $0x1400  }
0x9b: {  	[sflag:s2] =	ssyncset.done $0x0  }
0x9c: {  	s25 =	simm.s32 $0x2AD0;
	[sflag:s2] =	ssyncadd.s32 $0xFFFFEC00  }
0x9d: {  	[spmem:s3] =	stream.indirect.scatter.add.f32 [tilespmem:s22], [sflag:$0xA], $0x40, s25, s21, $0xb8;
	[tilespmem:$0x19000] =	vst v63  }
0x9e: {  	_ =	swait.ge [sflag:s14], $0x1400  }
0x9f: {  	[sflag:s14] =	ssyncset.done $0x0  }
0xa0: {  	s17 =	simm.s32 $0x410;
	[sflag:s14] =	ssyncadd.s32 $0xFFFFEC00  }
0xa1: {  	[tilespmem:s30], [sflag:$0x6] =	stream.indirect.gather [hbm4b:s1+s21], $0x40, s17, s21, $0xb8;
	[tilespmem:$0x19000] =	vst v63  }
0xa2: {  	_ =	swait.ge [sflag:s23], $0x1400  }
0xa3: {  	[sflag:s23] =	ssyncset.done $0x0  }
0xa4: {  	s25 =	simm.s32 $0x2B20;
	[sflag:s23] =	ssyncadd.s32 $0xFFFFEC00  }
0xa5: {  	[spmem:s3] =	stream.indirect.scatter.add.f32 [tilespmem:s24], [sflag:$0xB], $0x40, s25, s21, $0xb8;
	[tilespmem:$0x19000] =	vst v63  }
0xa6: {  	_ =	swait.ge [sflag:s15], $0x1400  }
0xa7: {  	[sflag:s15] =	ssyncset.done $0x0  }
0xa8: {  	s17 =	simm.s32 $0x460;
	[sflag:s15] =	ssyncadd.s32 $0xFFFFEC00  }
0xa9: {  	[tilespmem:s26], [sflag:$0x7] =	stream.indirect.gather [hbm4b:s1+s21], $0x40, s17, s21, $0xb8;
	[tilespmem:$0x19000] =	vst v63  }
0xaa: {  	_ =	swait.ge [sflag:s0], $0x1400  }
0xab: {  	[sflag:s0] =	ssyncset.done $0x0  }
0xac: {  	s25 =	simm.s32 $0x2B70;
	[sflag:s0] =	ssyncadd.s32 $0xFFFFEC00  }
0xad: {  	[spmem:s3] =	stream.indirect.scatter.add.f32 [tilespmem:s28], [sflag:$0xC], $0x40, s25, s21, $0xb8;
	[tilespmem:$0x19000] =	vst v63  }
0xae: {  	_ =	swait.ge [sflag:s16], $0x1400  }
0xaf: {  	[sflag:s16] =	ssyncset.done $0x0  }
0xb0: {  	s7 =	simm.s32 $0x4B0;
	s25 =	simm.s32 $0xA00;
	[sflag:s16] =	ssyncadd.s32 $0xFFFFEC00  }
.LBB2_4:
0xb1: {  	[tilespmem:s4], [sflag:$0x8] =	stream.indirect.gather [hbm4b:s1+s21], $0x40, s7, s21, $0xb8;
	[tilespmem:$0x19000] =	vst v63  }
0xb2: {  	s7 =	smov.u32 s25  }
0xb3: {  	p1 =	sne.s32 s25, $0x8C00;
	s25 =	sadd.s32 $0xA00, s25;
	_ =	swait.ge [sflag:s5], $0x1400  }
0xb4: {  	s7 =	sshra.s32 s7, $0x2;
	[sflag:s5] =	ssyncset.done $0x0  }
0xb5: {  	s17 =	sadd.s32 $0x2940, s7;
	[sflag:s5] =	ssyncadd.s32 $0xFFFFEC00  }
0xb6: {  	[spmem:s3] =	stream.indirect.scatter.add.f32 [tilespmem:s31], [sflag:$0xD], $0x40, s17, s21, $0xb8;
	[tilespmem:$0x19000] =	vst v63  }
0xb7: {  	_ =	swait.ge [sflag:s6], $0x1400  }
0xb8: {  	[sflag:s6] =	ssyncset.done $0x0  }
0xb9: {  	s17 =	sadd.s32 $0x280, s7;
	[sflag:s6] =	ssyncadd.s32 $0xFFFFEC00  }
0xba: {  	[tilespmem:s20], [sflag:$0x1] =	stream.indirect.gather [hbm4b:s1+s21], $0x40, s17, s21, $0xb8;
	[tilespmem:$0x19000] =	vst v63  }
0xbb: {  	_ =	swait.ge [sflag:s8], $0x1400  }
0xbc: {  	[sflag:s8] =	ssyncset.done $0x0  }
0xbd: {  	s17 =	sadd.s32 $0x2990, s7;
	[sflag:s8] =	ssyncadd.s32 $0xFFFFEC00  }
0xbe: {  	[spmem:s3] =	stream.indirect.scatter.add.f32 [tilespmem:s30], [sflag:$0xE], $0x40, s17, s21, $0xb8;
	[tilespmem:$0x19000] =	vst v63  }
0xbf: {  	_ =	swait.ge [sflag:s9], $0x1400  }
0xc0: {  	[sflag:s9] =	ssyncset.done $0x0  }
0xc1: {  	s17 =	sadd.s32 $0x2D0, s7;
	[sflag:s9] =	ssyncadd.s32 $0xFFFFEC00  }
0xc2: {  	[tilespmem:s22], [sflag:$0x2] =	stream.indirect.gather [hbm4b:s1+s21], $0x40, s17, s21, $0xb8;
	[tilespmem:$0x19000] =	vst v63  }
0xc3: {  	_ =	swait.ge [sflag:s10], $0x1400  }
0xc4: {  	[sflag:s10] =	ssyncset.done $0x0  }
0xc5: {  	s17 =	sadd.s32 $0x29E0, s7;
	[sflag:s10] =	ssyncadd.s32 $0xFFFFEC00  }
0xc6: {  	[spmem:s3] =	stream.indirect.scatter.add.f32 [tilespmem:s26], [sflag:$0xF], $0x40, s17, s21, $0xb8;
	[tilespmem:$0x19000] =	vst v63  }
0xc7: {  	_ =	swait.ge [sflag:s11], $0x1400  }
0xc8: {  	[sflag:s11] =	ssyncset.done $0x0  }
0xc9: {  	s17 =	sadd.s32 $0x320, s7;
	[sflag:s11] =	ssyncadd.s32 $0xFFFFEC00  }
0xca: {  	[tilespmem:s24], [sflag:$0x3] =	stream.indirect.gather [hbm4b:s1+s21], $0x40, s17, s21, $0xb8;
	[tilespmem:$0x19000] =	vst v63  }
0xcb: {  	_ =	swait.ge [sflag:s12], $0x1400  }
0xcc: {  	[sflag:s12] =	ssyncset.done $0x0  }
0xcd: {  	s17 =	sadd.s32 $0x2A30, s7;
	[sflag:s12] =	ssyncadd.s32 $0xFFFFEC00  }
0xce: {  	[spmem:s3] =	stream.indirect.scatter.add.f32 [tilespmem:s4], [sflag:$0x10], $0x40, s17, s21, $0xb8;
	[tilespmem:$0x19000] =	vst v63  }
0xcf: {  	_ =	swait.ge [sflag:s13], $0x1400  }
0xd0: {  	[sflag:s13] =	ssyncset.done $0x0  }
0xd1: {  	s17 =	sadd.s32 $0x370, s7;
	[sflag:s13] =	ssyncadd.s32 $0xFFFFEC00  }
0xd2: {  	[tilespmem:s28], [sflag:$0x4] =	stream.indirect.gather [hbm4b:s1+s21], $0x40, s17, s21, $0xb8;
	[tilespmem:$0x19000] =	vst v63  }
0xd3: {  	_ =	swait.ge [sflag:s29], $0x1400  }
0xd4: {  	[sflag:s29] =	ssyncset.done $0x0  }
0xd5: {  	s17 =	sadd.s32 $0x2A80, s7;
	[sflag:s29] =	ssyncadd.s32 $0xFFFFEC00  }
0xd6: {  	[spmem:s3] =	stream.indirect.scatter.add.f32 [tilespmem:s20], [sflag:$0x9], $0x40, s17, s21, $0xb8;
	[tilespmem:$0x19000] =	vst v63  }
0xd7: {  	_ =	swait.ge [sflag:s19], $0x1400  }
0xd8: {  	[sflag:s19] =	ssyncset.done $0x0  }
0xd9: {  	s17 =	sadd.s32 $0x3C0, s7;
	[sflag:s19] =	ssyncadd.s32 $0xFFFFEC00  }
0xda: {  	[tilespmem:s31], [sflag:$0x5] =	stream.indirect.gather [hbm4b:s1+s21], $0x40, s17, s21, $0xb8;
	[tilespmem:$0x19000] =	vst v63  }
0xdb: {  	_ =	swait.ge [sflag:s2], $0x1400  }
0xdc: {  	[sflag:s2] =	ssyncset.done $0x0  }
0xdd: {  	s17 =	sadd.s32 $0x2AD0, s7;
	[sflag:s2] =	ssyncadd.s32 $0xFFFFEC00  }
0xde: {  	[spmem:s3] =	stream.indirect.scatter.add.f32 [tilespmem:s22], [sflag:$0xA], $0x40, s17, s21, $0xb8;
	[tilespmem:$0x19000] =	vst v63  }
0xdf: {  	_ =	swait.ge [sflag:s14], $0x1400  }
0xe0: {  	[sflag:s14] =	ssyncset.done $0x0  }
0xe1: {  	s17 =	sadd.s32 $0x410, s7;
	[sflag:s14] =	ssyncadd.s32 $0xFFFFEC00  }
0xe2: {  	[tilespmem:s30], [sflag:$0x6] =	stream.indirect.gather [hbm4b:s1+s21], $0x40, s17, s21, $0xb8;
	[tilespmem:$0x19000] =	vst v63  }
0xe3: {  	_ =	swait.ge [sflag:s23], $0x1400  }
0xe4: {  	[sflag:s23] =	ssyncset.done $0x0  }
0xe5: {  	s17 =	sadd.s32 $0x2B20, s7;
	[sflag:s23] =	ssyncadd.s32 $0xFFFFEC00  }
0xe6: {  	[spmem:s3] =	stream.indirect.scatter.add.f32 [tilespmem:s24], [sflag:$0xB], $0x40, s17, s21, $0xb8;
	[tilespmem:$0x19000] =	vst v63  }
0xe7: {  	_ =	swait.ge [sflag:s15], $0x1400  }
0xe8: {  	[sflag:s15] =	ssyncset.done $0x0  }
0xe9: {  	s17 =	sadd.s32 $0x460, s7;
	[sflag:s15] =	ssyncadd.s32 $0xFFFFEC00  }
0xea: {  	[tilespmem:s26], [sflag:$0x7] =	stream.indirect.gather [hbm4b:s1+s21], $0x40, s17, s21, $0xb8;
	[tilespmem:$0x19000] =	vst v63  }
0xeb: {  	_ =	swait.ge [sflag:s0], $0x1400  }
0xec: {  	[sflag:s0] =	ssyncset.done $0x0  }
.Ltmp1:
0xed: {  	s17 =	sadd.s32 $0x2B70, s7;
	[sflag:s0] =	ssyncadd.s32 $0xFFFFEC00;
	(pc) =	sbr.rel @p1 .LBB2_4-.Ltmp1, $4  }
0xee: {  	[spmem:s3] =	stream.indirect.scatter.add.f32 [tilespmem:s28], [sflag:$0xC], $0x40, s17, s21, $0xb8;
	[tilespmem:$0x19000] =	vst v63  }
0xef: {  	_ =	swait.ge [sflag:s16], $0x1400  }
0xf0: {  	[sflag:s16] =	ssyncset.done $0x0  }
0xf1: {  	s7 =	sadd.s32 $0x4B0, s7;
	[sflag:s16] =	ssyncadd.s32 $0xFFFFEC00  }
0xf2: {  	[tilespmem:s4], [sflag:$0x8] =	stream.indirect.gather [hbm4b:s1+s21], $0x40, s7, s21, $0xb8;
	[tilespmem:$0x19000] =	vst v63  }
0xf3: {  	_ =	swait.ge [sflag:s5], $0x1400  }
0xf4: {  	[sflag:s5] =	ssyncset.done $0x0  }
0xf5: {  	s17 =	simm.s32 $0x4EC0;
	[sflag:s5] =	ssyncadd.s32 $0xFFFFEC00  }
0xf6: {  	[spmem:s3] =	stream.indirect.scatter.add.f32 [tilespmem:s31], [sflag:$0xD], $0x40, s17, s21, $0xb8;
	[tilespmem:$0x19000] =	vst v63  }
0xf7: {  	_ =	swait.ge [sflag:s6], $0x1400  }
0xf8: {  	[sflag:s6] =	ssyncset.done $0x0  }
0xf9: {  	[sflag:s6] =	ssyncadd.s32 $0xFFFFEC00  }
0xfa: {  	_ =	swait.ge [sflag:s8], $0x1400  }
0xfb: {  	[sflag:s8] =	ssyncset.done $0x0  }
0xfc: {  	s25 =	simm.s32 $0x4F10;
	[sflag:s8] =	ssyncadd.s32 $0xFFFFEC00  }
0xfd: {  	[spmem:s3] =	stream.indirect.scatter.add.f32 [tilespmem:s30], [sflag:$0xE], $0x40, s25, s21, $0xb8;
	[tilespmem:$0x19000] =	vst v63  }
0xfe: {  	_ =	swait.ge [sflag:s9], $0x1400  }
0xff: {  	[sflag:s9] =	ssyncset.done $0x0  }
0x100: {  	[sflag:s9] =	ssyncadd.s32 $0xFFFFEC00  }
0x101: {  	_ =	swait.ge [sflag:s10], $0x1400  }
0x102: {  	[sflag:s10] =	ssyncset.done $0x0  }
0x103: {  	s17 =	simm.s32 $0x4F60;
	[sflag:s10] =	ssyncadd.s32 $0xFFFFEC00  }
0x104: {  	[spmem:s3] =	stream.indirect.scatter.add.f32 [tilespmem:s26], [sflag:$0xF], $0x40, s17, s21, $0xb8;
	[tilespmem:$0x19000] =	vst v63  }
0x105: {  	_ =	swait.ge [sflag:s11], $0x1400  }
0x106: {  	[sflag:s11] =	ssyncset.done $0x0  }
0x107: {  	[sflag:s11] =	ssyncadd.s32 $0xFFFFEC00  }
0x108: {  	_ =	swait.ge [sflag:s12], $0x1400  }
0x109: {  	[sflag:s12] =	ssyncset.done $0x0  }
0x10a: {  	s25 =	simm.s32 $0x4FB0;
	[sflag:s12] =	ssyncadd.s32 $0xFFFFEC00  }
0x10b: {  	[spmem:s3] =	stream.indirect.scatter.add.f32 [tilespmem:s4], [sflag:$0x10], $0x40, s25, s21, $0xb8;
	[tilespmem:$0x19000] =	vst v63  }
0x10c: {  	_ =	swait.ge [sflag:s13], $0x1400  }
0x10d: {  	[sflag:s13] =	ssyncset.done $0x0  }
0x10e: {  	[sflag:s13] =	ssyncadd.s32 $0xFFFFEC00  }
0x10f: {  	_ =	swait.ge [sflag:s19], $0x1400  }
0x110: {  	[sflag:s19] =	ssyncset.done $0x0  }
0x111: {  	[sflag:s19] =	ssyncadd.s32 $0xFFFFEC00  }
0x112: {  	_ =	swait.ge [sflag:s14], $0x1400  }
0x113: {  	[sflag:s14] =	ssyncset.done $0x0  }
0x114: {  	[sflag:s14] =	ssyncadd.s32 $0xFFFFEC00  }
0x115: {  	_ =	swait.ge [sflag:s15], $0x1400  }
0x116: {  	[sflag:s15] =	ssyncset.done $0x0  }
0x117: {  	[sflag:s15] =	ssyncadd.s32 $0xFFFFEC00  }
0x118: {  	_ =	swait.ge [sflag:s16], $0x1400  }
0x119: {  	[sflag:s16] =	ssyncset.done $0x0  }
0x11a: {  	[sflag:s16] =	ssyncadd.s32 $0xFFFFEC00  }
0x11b: {  	[bflag:$0x0] =	sbarrier.arrive $0xFFFF  }
0x11c: {  	s17 =	rddreg [dreg:$0xf]  }
0x11d: {  	s7 =	simm.s32 @p0 $0x1FD1;
	s25 =	rddreg [dreg:$0x11]  }
0x11e: {  	[hbm:s17], [sflag:s7] =	dma.local @p0 [spmem:s25], $0xC80  }
0x11f: {  	s7 =	simm.s32 @p0 $0x11  }
0x120: {  	s17 =	stileid.u32;
	_ =	swait.ge @p0 [sflag:s7], $0xC80  }
0x121: {  	s17 =	sshll.u32 @!p0 s17, $0x6;
	[sflag:s7] =	ssyncset.done @p0 $0x0  }
0x122: {  	[sflag:s7] =	ssyncadd.s32 @p0 $0xFFFFF380;
	s7 =	sor.u32 @!p0 $0x1C11, s17;
	s17 =	rddreg [dreg:$0x6]  }
0x123: {  	s25 =	rddreg [dreg:$0xe];
	s17 =	sshrl.u32 @!p0 s17, $0x3  }
0x124: {  	[hbm:s25], [sflag:s7] =	dma.local @!p0 [spmem:s17], $0x1400  }
0x125: {  	s7 =	simm.s32 @!p0 $0x11  }
0x126: {  	_ =	swait.ge @!p0 [sflag:s7], $0x1400  }
0x127: {  	s17 =	rddreg [dreg:$0x12]  }
0x128: {  	s25 =	sadd.s32 $0x1, s17;
	s17 =	rddreg [dreg:$0x10]  }
0x129: {  	p1 =	sne.s32 s25, s17  }
.Ltmp2:
0x12a: {  	_ = 	snop;
	(pc) =	sbr.rel @p1 .LBB2_1-.Ltmp2, $3  }
0x12b: {  	_ =	sdelay $0x1  }
0x12c: {  	[sflag:s7] =	ssyncset.done @!p0 $0x0  }
0x12d: {  	[sflag:s7] =	ssyncadd.s32 @!p0 $0xFFFFEC00  }
0x12e: {  	_ =	sfence.sel $0x180000  }
0x12f: {  	[bflag:$0x0] =	sbarrier.arrive $0xFFFF  }
0x130: {  	_ =	strace $0x9000004A  }
0x131: {  	s0 =	stileid.u32;
	[bflag:$0x2] =	sbarrier.arrive $0xFFFF  }
0x132: {  	p0 =	sne.s32 s0, $0x0;
	s0 =	rddreg [dreg:$0x3]  }
0x133: {  	s0 =	sadd.s32 @!p0 $0x100000, s0  }
0x134: {  	[sflag:s0] =	ssyncadd.tile.s32 @!p0 $0x1;
	_ =	shalt  }
.Lfunc_end2:
_tile_overlayer_lowered:
.L_overlay_start_2:
0x135: {  	(tag) =	ssettag $0x2  }
0x136: {  	s0 =	rddreg [dreg:$0x0];
	s2 =	stileid.u32  }
0x137: {  	s1 =	rddreg [dreg:$0x1];
	p0 =	sne.s32 s2, $0x0  }
0x138: {  	s3 =	rddreg [dreg:$0x2];
	[bflag:$0x3] =	sbarrier.arrive $0xFFFF;
	s2 =	simm.s32 @!p0 $0x1C11  }
0x139: {  	[timem:s3], [sflag:s2] =	dma.local @!p0 [hbm:s0], s1  }
0x13a: {  	s0 =	simm.s32 @!p0 $0x11  }
0x13b: {  	_ =	swait.ge @!p0 [sflag:s0], s1  }
0x13c: {  	s1 =	ssub.s32 @!p0 $0x0, s1;
	[sflag:s0] =	ssyncset.done @!p0 $0x0  }
0x13d: {  	[sflag:s0] =	ssyncadd.s32 @!p0 s1  }
0x13e: {  	[bflag:$0x3] =	sbarrier.arrive $0xFFFF  }
0x13f: {  	_ =	shalt  }

// kernel: kernel.16.cloned.1.call-start
scs
__scs_entry_jumppad:
0x0: {  	(pc) =	sbr.rel $0x88, $3  }
0x1: {  	(tag) =	ssettag $0x0;
	lr =	simm.s32 $0x1  }
0x2: {  	[smem:$0x3F90] =	sst lr;
	_ =	strace $0xD0000000  }
0x3: {  	_ = 	snop  }
0x4: {  	_ = 	snop  }
0x5: {  	_ = 	snop  }
0x6: {  	_ = 	snop  }
0x7: {  	_ = 	snop  }
__scs_overlays_trampoline_lowered:
0x8: {  	[smem:$0x3F9F] =	sst s0  }
0x9: {  	[smem:$0x3FA0] =	sst s1  }
0xa: {  	[smem:$0x3FA1] =	sst s2  }
0xb: {  	[smem:$0x3FA2] =	sst s3  }
0xc: {  	[smem:$0x3FA3] =	sst s4  }
0xd: {  	[smem:$0x3FA4] =	sst s5  }
0xe: {  	[smem:$0x3FA5] =	sst s6  }
0xf: {  	[smem:$0x3FA6] =	sst s7  }
0x10: {  	[smem:$0x3FA7] =	sst s8  }
0x11: {  	[smem:$0x3FA8] =	sst s9;
	s0 =	simm.s32 @!p0 $0x0  }
0x12: {  	s1 =	sld [smem:$0x3F8E];
	s0 =	simm.s32 @p0 $0x1  }
0x13: {  	[smem:$0x3FA9] =	sst s0;
	s0 =	simm.s32 @!p1 $0x0  }
0x14: {  	s2 =	sld [smem:$0x3F8D];
	s0 =	simm.s32 @p1 $0x1  }
0x15: {  	[smem:$0x3FAA] =	sst s0;
	s0 =	simm.s32 @!p2 $0x0  }
0x16: {  	s3 =	sld [smem:$0x3FDB];
	s0 =	simm.s32 @p2 $0x1  }
0x17: {  	s4 =	simm.s32 $0x1BF5;
	[smem:$0x3FAC] =	sst s0  }
0x18: {  	s0 =	sld [smem:$0x3F8F];
	_ =	swait.ge [sflag:s4], $0x0  }
0x19: {  	s7 =	sld [smem:$0x3F90]  }
0x1a: {  	s8 =	sadd.s32 $0xFFFFE003, lr  }
0x1b: {  	s9 =	sadd.s32 $0xFFFFFEF7, lr;
	s5 =	simm.s32 $0xFFFFFFFF;
	p2 =	slt.u32 s8, $0xFFFFF086  }
0x1c: {  	p1 =	slt.u32 s9, $0xF7A;
	s5 =	simm.s32 @!p2 $0x0  }
0x1d: {  	s5 =	simm.s32 @p1 $0x1;
	p0 =	seq.s32 s7, s2  }
0x1e: {  	s7 =	smul.u32 @!p0 $0xF7A, s2;
	p2 =	seq.s32 @!p0 s5, $0x0  }
0x1f: {  	s9 =	smul.u32 $0xF7A, s1;
	s8 =	simm.s32 @!p0 $0x1BF5;
	p2 =	por !p2, p0  }
0x20: {  	[sflag:s8] =	ssyncset.s32 @!p0 $0xFFFFF086;
	s6 =	sadd.s32 @!p0 s3, s7;
	s7 =	simm.s32 @!p0 $0x108  }
0x21: {  	s3 =	sadd.s32 s3, s9;
	s6 =	sadd.s32 @!p0 $0x88, s6;
	s7 =	simm.s32 @p2 $0x1082  }
0x22: {  	[simem:s7], [sflag:s8] =	dma.local @!p0 [hbm:s6], $0xF7A  }
0x23: {  	s9 =	sor.u32 $0xD0000000, s2;
	s6 =	simm.s32 $0x108;
	_ =	swait.ge @!p0 [sflag:s8], $0x0  }
0x24: {  	s3 =	sadd.s32 $0x88, s3;
	s6 =	simm.s32 @!p1 $0x1082;
	[sflag:s4] =	ssyncset.s32 $0xFFFFF086  }
0x25: {  	[simem:s6], [sflag:s4] =	dma.local [hbm:s3], $0xF7A  }
0x26: {  	[smem:$0x3F90] =	sst s1;
	(tag) =	ssettag s2;
	_ =	strace s9  }
0x27: {  	s1 =	sld [smem:$0x3FA0]  }
0x28: {  	s2 =	sld [smem:$0x3FA1]  }
0x29: {  	s4 =	sld [smem:$0x3FA3]  }
0x2a: {  	p0 =	seq.s32 s5, $0x0;
	s5 =	sld [smem:$0x3FA4]  }
0x2b: {  	s6 =	sld [smem:$0x3FA5]  }
0x2c: {  	s7 =	sld [smem:$0x3FA6]  }
0x2d: {  	s3 =	simm.s32 $0x108;
	s8 =	sld [smem:$0x3FA7]  }
0x2e: {  	s3 =	simm.s32 @!p0 $0x1082;
	s9 =	sld [smem:$0x3FA8]  }
0x2f: {  	lr =	sadd.s32 s0, s3;
	s0 =	sld [smem:$0x3F9F]  }
0x30: {  	s3 =	sld [smem:$0x3FA2]  }
0x31: {  	[smem:$0x3FAB] =	sst s10  }
0x32: {  	s10 =	sld [smem:$0x3FA9];
	_ =	sdelay $0x3  }
0x33: {  	p0 =	seq.s32 s10, $0x1;
	s10 =	sld [smem:$0x3FAB];
	_ =	sdelay $0x3  }
0x34: {  	[smem:$0x3FAB] =	sst s10  }
0x35: {  	s10 =	sld [smem:$0x3FAA];
	_ =	sdelay $0x3  }
0x36: {  	p1 =	seq.s32 s10, $0x1;
	s10 =	sld [smem:$0x3FAB];
	_ =	sdelay $0x3  }
0x37: {  	[smem:$0x3FAB] =	sst s10  }
0x38: {  	s10 =	sld [smem:$0x3FAC]  }
0x39: {  	_ = 	snop;
	(pc) =	sbr.ind lr, $3  }
0x3a: {  	_ = 	snop  }
0x3b: {  	_ = 	snop  }
0x3c: {  	p2 =	seq.s32 s10, $0x1;
	s10 =	sld [smem:$0x3FAB]  }
0x3d: {  	_ =	shalt  }
0x3e: {  	_ =	shalt  }
0x3f: {  	_ =	shalt  }
0x40: {  	_ =	shalt  }
0x41: {  	_ =	shalt  }
0x42: {  	_ =	shalt  }
0x43: {  	_ =	shalt  }
0x44: {  	_ =	shalt  }
0x45: {  	_ =	shalt  }
0x46: {  	_ =	shalt  }
0x47: {  	_ =	shalt  }
0x48: {  	_ =	shalt  }
0x49: {  	_ =	shalt  }
0x4a: {  	_ =	shalt  }
0x4b: {  	_ =	shalt  }
0x4c: {  	_ =	shalt  }
0x4d: {  	_ =	shalt  }
0x4e: {  	_ =	shalt  }
0x4f: {  	_ =	shalt  }
0x50: {  	_ =	shalt  }
0x51: {  	_ =	shalt  }
0x52: {  	_ =	shalt  }
0x53: {  	_ =	shalt  }
0x54: {  	_ =	shalt  }
0x55: {  	_ =	shalt  }
0x56: {  	_ =	shalt  }
0x57: {  	_ =	shalt  }
0x58: {  	_ =	shalt  }
0x59: {  	_ =	shalt  }
0x5a: {  	_ =	shalt  }
0x5b: {  	_ =	shalt  }
0x5c: {  	_ =	shalt  }
0x5d: {  	_ =	shalt  }
0x5e: {  	_ =	shalt  }
0x5f: {  	_ =	shalt  }
0x60: {  	_ =	shalt  }
0x61: {  	_ =	shalt  }
0x62: {  	_ =	shalt  }
0x63: {  	_ =	shalt  }
0x64: {  	_ =	shalt  }
0x65: {  	_ =	shalt  }
0x66: {  	_ =	shalt  }
0x67: {  	_ =	shalt  }
0x68: {  	_ =	shalt  }
0x69: {  	_ =	shalt  }
0x6a: {  	_ =	shalt  }
0x6b: {  	_ =	shalt  }
0x6c: {  	_ =	shalt  }
0x6d: {  	_ =	shalt  }
0x6e: {  	_ =	shalt  }
0x6f: {  	_ =	shalt  }
0x70: {  	_ =	shalt  }
0x71: {  	_ =	shalt  }
0x72: {  	_ =	shalt  }
0x73: {  	_ =	shalt  }
0x74: {  	_ =	shalt  }
0x75: {  	_ =	shalt  }
0x76: {  	_ =	shalt  }
0x77: {  	_ =	shalt  }
0x78: {  	_ =	shalt  }
0x79: {  	_ =	shalt  }
0x7a: {  	_ =	shalt  }
0x7b: {  	_ =	shalt  }
0x7c: {  	_ =	shalt  }
0x7d: {  	_ =	shalt  }
0x7e: {  	_ =	shalt  }
0x7f: {  	_ =	shalt  }
0x80: {  	_ =	shalt  }
0x81: {  	_ =	shalt  }
0x82: {  	_ =	shalt  }
0x83: {  	_ =	shalt  }
0x84: {  	_ =	shalt  }
0x85: {  	_ =	shalt  }
0x86: {  	_ =	shalt  }
0x87: {  	_ =	shalt  }
.Lfunc_end0:
.L_simem_size_0:
called_computation.2_lowered:
.L_overlay_start_0:
0x88: {  	s2 =	sld [smem:$0x3FD9]  }
0x89: {  	s3 =	sld [smem:$0x3FFE];
	_ =	sdelay $0x1  }
0x8a: {  	s1 =	srdreg.scid  }
0x8b: {  	s0 =	sand.u32 $0x1, s1  }
0x8c: {  	s17 =	sshll.u32 s0, $0xA;
	s2 =	sadd.s32 s3, s2  }
0x8d: {  	s2 =	sadd.s32 s2, s17  }
0x8e: {  	[smem:$0x3FB7] =	sst s2  }
0x8f: {  	_ = 	snop  }
0x90: {  	s2 =	sld [smem:$0x3FD0];
	(tm) =	ssettm $0x1  }
0x91: {  	s18 =	sld [smem:$0x3FFB];
	_ =	sdelay $0x3  }
0x92: {  	_ =	strace s18  }
0x93: {  	s3 =	sld [smem:$0x3FFC];
	_ =	sdelay $0x3  }
0x94: {  	_ =	strace s3  }
0x95: {  	s3 =	sld [smem:$0x3FFD];
	_ =	sdelay $0x3  }
0x96: {  	_ =	strace s3  }
0x97: {  	_ =	strace $0x8FFFFFFF  }
0x98: {  	s19 =	sld [smem:$0x3FDB];
	_ =	sdelay $0x1  }
0x99: {  	s4 =	simm.s32 $_scs_section_size  }
0x9a: {  	s5 =	simm.s32 $_size__tile_overlayer_lowered;
	s6 =	simm.s32 $_tile_overlayer_lowered  }
0x9b: {  	s22 =	simm.s32 $0x1BFF;
	s21 =	sshll.u32 s6, $0x1;
	s3 =	sadd.s32 s4, s19  }
0x9c: {  	s7 =	simm.s32 $0x0;
	s20 =	sshll.u32 s5, $0x1;
	s5 =	sadd.s32 s21, s3  }
0x9d: {  	[timem:s7], [sflag:s22] =	dma.local [hbm:s5], s20  }
0x9e: {  	_ =	swait.ge [sflag:s22], s20  }
0x9f: {  	s4 =	ssub.s32 $0x0, s20;
	[sflag:s22] =	ssyncset.done $0x0  }
0xa0: {  	[sflag:s22] =	ssyncadd.s32 s4;
	_ =	sdelay $0x1  }
0xa1: {  	s23 =	simm.s32 $0x1B8B  }
0xa2: {  	_ =	swait.ge [sflag:s23], $0x1  }
0xa3: {  	[sflag:s23] =	ssyncset.done $0x0  }
0xa4: {  	s25 =	simm.s32 $0x1B8E;
	s24 =	sld [smem:$0x3FFE];
	[sflag:s23] =	ssyncadd.s32 $0xFFFFFFFF  }
0xa5: {  	s26 =	simm.s32 $execute0_lowered;
	[smem:$0x3FD2] =	sst s25  }
0xa6: {  	s5 =	sshll.u32 s26, $0x1;
	_ =	strace $0x8000004C;
	[dreg:$0x1] =	wrdreg $0xFFFFFFFF  }
0xa7: {  	s28 =	simm.s32 $_size_execute0_lowered;
	s3 =	sadd.s32 s3, s5;
	[dreg:$0x0] =	wrdreg $0x0  }
0xa8: {  	s5 =	sshll.u32 s28, $0x1;
	[dreg:$0x2] =	wrdreg s3  }
0xa9: {  	[dreg:$0x3] =	wrdreg s5  }
0xaa: {  	[dreg:$0x4] =	wrdreg $0xC0  }
0xab: {  	_ =	task [dreg:s7], $0x5FFFF  }
0xac: {  	[dreg:$0x1] =	wrdreg $0xFFFFFFFF  }
0xad: {  	[dreg:$0x0] =	wrdreg $0x60  }
0xae: {  	[dreg:$0x2] =	wrdreg s2  }
0xaf: {  	[dreg:$0x3] =	wrdreg s24  }
0xb0: {  	[dreg:$0x4] =	wrdreg $0xF0000  }
0xb1: {  	[dreg:$0x5] =	wrdreg $0x9  }
0xb2: {  	_ =	task.clear_ibuf [dreg:s7], $0x6FFFF;
	_ =	strace $0x9000004C  }
0xb3: {  	s29 =	simm.s32 $0x9;
	_ =	strace $0x8000004E  }
0xb4: {  	_ =	swait.ge [sflag:s29], $0x1  }
0xb5: {  	[sflag:s29] =	ssyncadd.s32 $0xFFFFFFFF  }
0xb6: {  	_ =	strace $0x9000004E  }
0xb7: {  	_ =	sfence  }
0xb8: {  	s30 =	sld [smem:$0x0];
	_ =	sdelay $0x2  }
0xb9: {  	s31 =	sshll.u32 s1, $0xD;
	s1 =	sshrl.u32 s1, $0x2  }
0xba: {  	s3 =	sand.u32 $0x4000, s31;
	s1 =	sadd.s32 s1, s30  }
0xbb: {  	s0 =	sor.u32 s3, s0;
	s1 =	sshll.u32 s1, $0x11  }
0xbc: {  	s0 =	sor.u32 s1, s0  }
0xbd: {  	s0 =	sadd.s32 $0x8F2B, s0  }
0xbe: {  	[sflag:s0] =	ssyncadd.remote.s32 $0x1  }
0xbf: {  	_ =	sfence.sel $0xFFFF  }
0xc0: {  	[dreg:$0x0] =	wrdreg $0xFFFFFFFF;
	(pc) =	sbr.abs _section_cstart, $3  }
0xc1: {  	[dreg:$0x1] =	wrdreg $0xFFFFFFFF  }
0xc2: {  	_ =	task.clear_ibuf [dreg:s7], $0x2FFFF;
	_ =	strace $0x9FFFFFFF  }
0xc3: {  	(tm) =	ssettm $0x7FFFFFFF  }
tec
execute0_lowered:
.L_overlay_start_1:
0x0: {  	(tag) =	ssettag $0x1  }
0x1: {  	s1 =	rddreg [dreg:$0x0]  }
0x2: {  	s0 =	rddreg [dreg:$0x1];
	s2 =	srdreg.scid  }
0x3: {  	s8 =	stileid.u32;
	s3 =	rddreg [dreg:$0x2]  }
0x4: {  	s5 =	simm.s32 $0x0;
	s28 =	simm.s32 $0x8C00;
	s29 =	simm.s32 $0x1  }
0x5: {  	s31 =	simm.s32 $0xA000;
	s30 =	simm.s32 $0xB400;
	s10 =	simm.s32 $0x7  }
0x6: {  	s11 =	simm.s32 $0xB;
	s12 =	simm.s32 $0x8;
	s13 =	simm.s32 $0xC  }
0x7: {  	s2 =	sand.u32 $0x1, s2;
	s4 =	sshll.u32 s8, $0x1;
	s6 =	smul.u32 $0x28000, s8  }
0x8: {  	[smem:$0x7FF] =	sst s5;
	s15 =	smul.u32 $0xA000, s8;
	p0 =	seq.s32 s8, $0xF  }
0x9: {  	s4 =	sor.u32 s2, s4;
	s14 =	ssub.s32 $0x2, s2;
	s2 =	smul.u32 $0x9C400, s2  }
0xa: {  	s8 =	simm.s32 $0x6;
	_ =	strace $0x8000004D;
	s4 =	smul.u32 $0x500, s4  }
0xb: {  	s7 =	sshrl.u32 s14, $0x1;
	s6 =	sshrl.u32 s6, $0x2;
	s17 =	sadd.s32 s15, s3  }
0xc: {  	s5 =	ssub.s32 s14, s7;
	s16 =	sadd.s32 s6, s3;
	[dreg:$0x6] =	wrdreg s17  }
0xd: {  	s23 =	sadd.s32 s15, s2;
	s2 =	sshrl.u32 s2, $0x3;
	s14 =	simm.s32 $0xE  }
0xe: {  	s15 =	simm.s32 $0xF;
	s4 =	sadd.s32 s4, s0;
	s18 =	sadd.s32 $0x1400, s16  }
0xf: {  	s0 =	sadd.s32 $0x17200, s0;
	s19 =	sadd.s32 $0x2800, s16;
	[dreg:$0x7] =	wrdreg s18  }
0x10: {  	s20 =	sadd.s32 $0x3C00, s16;
	s21 =	sadd.s32 $0x5000, s16;
	[dreg:$0x8] =	wrdreg s19  }
0x11: {  	s22 =	sadd.s32 $0x6400, s16;
	s24 =	sadd.s32 $0x7800, s16;
	[dreg:$0x9] =	wrdreg s20  }
0x12: {  	s6 =	sshrl.u32 s23, $0x3;
	s26 =	smax.u32 s5, $0x1;
	[dreg:$0xa] =	wrdreg s21  }
0x13: {  	s23 =	simm.s32 $0x3;
	s5 =	simm.s32 $0x5;
	[dreg:$0xb] =	wrdreg s22  }
0x14: {  	s9 =	sadd.s32 $0xD200, s4;
	s4 =	sadd.s32 $0x3200, s4;
	[dreg:$0xc] =	wrdreg s24  }
0x15: {  	s2 =	sadd.s32 s0, s2;
	s0 =	sadd.s32 s0, s6;
	[dreg:$0x10] =	wrdreg s26  }
0x16: {  	s18 =	simm.s32 $0x11;
	s20 =	simm.s32 $0x5000;
	s21 =	simm.s32 $0x50  }
0x17: {  	s22 =	simm.s32 $0x6400;
	s24 =	simm.s32 $0x7800;
	[dreg:$0x4] =	wrdreg s9  }
0x18: {  	s26 =	simm.s32 $0xC800;
	s6 =	simm.s32 $0x9;
	[dreg:$0x5] =	wrdreg s4  }
0x19: {  	s19 =	simm.s32 $0xD;
	s4 =	sadd.s32 $0x8C00, s16;
	[dreg:$0xe] =	wrdreg s0  }
0x1a: {  	s25 =	sadd.s32 $0x12C00, s2;
	s0 =	sadd.s32 $0x96000, s3;
	s2 =	simm.s32 $0x2  }
0x1b: {  	s9 =	simm.s32 $0xA;
	s16 =	simm.s32 $0x10;
	[dreg:$0xd] =	wrdreg s4  }
0x1c: {  	[dreg:$0xf] =	wrdreg s25;
	s0 =	sshrl.u32 @p0 s0, $0x3;
	s4 =	simm.s32 $0xDC00  }
0x1d: {  	v0 =	vimm.f32 $0.0e+00;
	s25 =	simm.s32 $0x0;
	[dreg:$0x11] =	wrdreg s0;
	s0 =	simm.s32 $0x4  }
.LBB2_1:
0x1e: {  	[dreg:$0x12] =	wrdreg s25  }
0x1f: {  	s7 =	simm.s32 $0x0;
	s17 =	rddreg [dreg:$0x4]  }
0x20: {  	[tilespmem:s7], [sflag:$0x11] =	stream.linear.gather [hbm4b:s17+s7], $0x2800, $0x38;
	[tilespmem:$0x19000] =	vst v63  }
0x21: {  	_ =	swait.ge [sflag:s18], $0x2800  }
0x22: {  	[sflag:s18] =	ssyncset.done $0x0  }
0x23: {  	s25 =	simm.s32 $0x2800;
	s17 =	rddreg [dreg:$0x5];
	[sflag:s18] =	ssyncadd.s32 $0xFFFFD800  }
0x24: {  	[tilespmem:s25], [sflag:$0x11] =	stream.linear.gather [hbm4b:s17+s7], $0x2800, $0x38;
	[tilespmem:$0x19000] =	vst v63  }
0x25: {  	_ =	swait.ge [sflag:s18], $0x2800  }
0x26: {  	[sflag:s18] =	ssyncset.done $0x0  }
0x27: {  	s25 =	simm.s32 $0x100;
	s7 =	simm.s32 $0x0;
	[sflag:s18] =	ssyncadd.s32 $0xFFFFD800  }
.LBB2_2:
0x28: {  	p1 =	sne.s32 s25, $0x4F00;
	[tilespmem:s7+$0x5030] =	vst v0;
	s17 =	smov.u32 s25;
	s25 =	sadd.s32 $0x100, s25  }
.Ltmp0:
0x29: {  	[tilespmem:s7+$0x5020] =	vst v0;
	(pc) =	sbr.rel @p1 .LBB2_2-.Ltmp0, $3  }
0x2a: {  	[tilespmem:s7+$0x5000] =	vst v0  }
0x2b: {  	[tilespmem:s7+$0x5010] =	vst v0;
	_ =	sdelay $0x1  }
0x2c: {  	s7 =	sshra.s32 s17, $0x2  }
0x2d: {  	[tilespmem:s7+$0x5030] =	vst v0  }
0x2e: {  	[tilespmem:s7+$0x5020] =	vst v0  }
0x2f: {  	[tilespmem:s7+$0x5000] =	vst v0  }
0x30: {  	[tilespmem:s7+$0x5010] =	vst v0;
	s25 =	rddreg [dreg:$0x6]  }
0x31: {  	[spmem:s25] =	stream.linear.scatter [tilespmem:s20], [sflag:$0x11], $0x1400, $0x38;
	[tilespmem:$0x19000] =	vst v63  }
0x32: {  	_ =	swait.ge [sflag:s18], $0x1400  }
0x33: {  	[sflag:s18] =	ssyncset.done $0x0  }
0x34: {  	s17 =	rddreg [dreg:$0x7];
	[sflag:s18] =	ssyncadd.s32 $0xFFFFEC00  }
0x35: {  	[spmem:s17] =	stream.linear.scatter [tilespmem:s20], [sflag:$0x11], $0x1400, $0x38;
	[tilespmem:$0x19000] =	vst v63  }
0x36: {  	_ =	swait.ge [sflag:s18], $0x1400  }
0x37: {  	[sflag:s18] =	ssyncset.done $0x0  }
0x38: {  	s25 =	rddreg [dreg:$0x8];
	[sflag:s18] =	ssyncadd.s32 $0xFFFFEC00  }
0x39: {  	[spmem:s25] =	stream.linear.scatter [tilespmem:s20], [sflag:$0x11], $0x1400, $0x38;
	[tilespmem:$0x19000] =	vst v63  }
0x3a: {  	_ =	swait.ge [sflag:s18], $0x1400  }
0x3b: {  	[sflag:s18] =	ssyncset.done $0x0  }
0x3c: {  	s17 =	rddreg [dreg:$0x9];
	[sflag:s18] =	ssyncadd.s32 $0xFFFFEC00  }
0x3d: {  	[spmem:s17] =	stream.linear.scatter [tilespmem:s20], [sflag:$0x11], $0x1400, $0x38;
	[tilespmem:$0x19000] =	vst v63  }
0x3e: {  	_ =	swait.ge [sflag:s18], $0x1400  }
0x3f: {  	[sflag:s18] =	ssyncset.done $0x0  }
0x40: {  	s25 =	rddreg [dreg:$0xa];
	[sflag:s18] =	ssyncadd.s32 $0xFFFFEC00  }
0x41: {  	[spmem:s25] =	stream.linear.scatter [tilespmem:s20], [sflag:$0x11], $0x1400, $0x38;
	[tilespmem:$0x19000] =	vst v63  }
0x42: {  	_ =	swait.ge [sflag:s18], $0x1400  }
0x43: {  	[sflag:s18] =	ssyncset.done $0x0  }
0x44: {  	s7 =	simm.s32 @!p0 $0x5000;
	s17 =	rddreg [dreg:$0xb];
	[sflag:s18] =	ssyncadd.s32 $0xFFFFEC00  }
0x45: {  	[spmem:s17] =	stream.linear.scatter @!p0 [tilespmem:s7], [sflag:$0x11], $0x1400, $0x38;
	[tilespmem:$0x19000] =	vst v63  }
0x46: {  	s17 =	simm.s32 @!p0 $0x11  }
0x47: {  	_ =	swait.ge @!p0 [sflag:s17], $0x1400  }
0x48: {  	[sflag:s17] =	ssyncset.done @!p0 $0x0  }
0x49: {  	s25 =	rddreg [dreg:$0xc];
	[sflag:s17] =	ssyncadd.s32 @!p0 $0xFFFFEC00  }
0x4a: {  	[spmem:s25] =	stream.linear.scatter @!p0 [tilespmem:s7], [sflag:$0x11], $0x1400, $0x38;
	[tilespmem:$0x19000] =	vst v63  }
0x4b: {  	_ =	swait.ge @!p0 [sflag:s17], $0x1400  }
0x4c: {  	[sflag:s17] =	ssyncset.done @!p0 $0x0  }
0x4d: {  	s25 =	rddreg [dreg:$0xd];
	[sflag:s17] =	ssyncadd.s32 @!p0 $0xFFFFEC00  }
0x4e: {  	[spmem:s25] =	stream.linear.scatter @!p0 [tilespmem:s7], [sflag:$0x11], $0x1400, $0x38;
	[tilespmem:$0x19000] =	vst v63  }
0x4f: {  	_ =	swait.ge @!p0 [sflag:s17], $0x1400  }
0x50: {  	[sflag:s17] =	ssyncset.done @!p0 $0x0  }
0x51: {  	[sflag:s17] =	ssyncadd.s32 @!p0 $0xFFFFEC00  }
0x52: {  	s17 =	simm.s32 $0x0;
	[bflag:$0x0] =	sbarrier.arrive $0xFFFF  }
0x53: {  	[tilespmem:s20], [sflag:$0x1] =	stream.indirect.gather [hbm4b:s1+s21], $0x40, s17, s21, $0xb8;
	[tilespmem:$0x19000] =	vst v63  }
0x54: {  	_ = 	snop  }
0x55: {  	[tilespmem:s22], [sflag:$0x2] =	stream.indirect.gather [hbm4b:s1+s21], $0x40, s21, s21, $0xb8;
	[tilespmem:$0x19000] =	vst v63  }
0x56: {  	s25 =	simm.s32 $0xA0  }
0x57: {  	[tilespmem:s24], [sflag:$0x3] =	stream.indirect.gather [hbm4b:s1+s21], $0x40, s25, s21, $0xb8;
	[tilespmem:$0x19000] =	vst v63  }
0x58: {  	s17 =	simm.s32 $0xF0  }
0x59: {  	[tilespmem:s28], [sflag:$0x4] =	stream.indirect.gather [hbm4b:s1+s21], $0x40, s17, s21, $0xb8;
	[tilespmem:$0x19000] =	vst v63  }
0x5a: {  	_ =	swait.ge [sflag:s29], $0x1400  }
0x5b: {  	[sflag:s29] =	ssyncset.done $0x0  }
0x5c: {  	s25 =	simm.s32 $0x2800;
	[sflag:s29] =	ssyncadd.s32 $0xFFFFEC00  }
0x5d: {  	[spmem:s3] =	stream.indirect.scatter.add.f32 [tilespmem:s20], [sflag:$0x9], $0x40, s25, s21, $0xb8;
	[tilespmem:$0x19000] =	vst v63  }
0x5e: {  	s17 =	simm.s32 $0x140  }
0x5f: {  	[tilespmem:s31], [sflag:$0x5] =	stream.indirect.gather [hbm4b:s1+s21], $0x40, s17, s21, $0xb8;
	[tilespmem:$0x19000] =	vst v63  }
0x60: {  	_ =	swait.ge [sflag:s2], $0x1400  }
0x61: {  	[sflag:s2] =	ssyncset.done $0x0  }
0x62: {  	s25 =	simm.s32 $0x2850;
	[sflag:s2] =	ssyncadd.s32 $0xFFFFEC00  }
0x63: {  	[spmem:s3] =	stream.indirect.scatter.add.f32 [tilespmem:s22], [sflag:$0xA], $0x40, s25, s21, $0xb8;
	[tilespmem:$0x19000] =	vst v63  }
0x64: {  	s17 =	simm.s32 $0x190  }
0x65: {  	[tilespmem:s30], [sflag:$0x6] =	stream.indirect.gather [hbm4b:s1+s21], $0x40, s17, s21, $0xb8;
	[tilespmem:$0x19000] =	vst v63  }
0x66: {  	_ =	swait.ge [sflag:s23], $0x1400  }
0x67: {  	[sflag:s23] =	ssyncset.done $0x0  }
0x68: {  	s25 =	simm.s32 $0x28A0;
	[sflag:s23] =	ssyncadd.s32 $0xFFFFEC00  }
0x69: {  	[spmem:s3] =	stream.indirect.scatter.add.f32 [tilespmem:s24], [sflag:$0xB], $0x40, s25, s21, $0xb8;
	[tilespmem:$0x19000] =	vst v63  }
0x6a: {  	s17 =	simm.s32 $0x1E0  }
0x6b: {  	[tilespmem:s26], [sflag:$0x7] =	stream.indirect.gather [hbm4b:s1+s21], $0x40, s17, s21, $0xb8;
	[tilespmem:$0x19000] =	vst v63  }
0x6c: {  	_ =	swait.ge [sflag:s0], $0x1400  }
0x6d: {  	[sflag:s0] =	ssyncset.done $0x0  }
0x6e: {  	s25 =	simm.s32 $0x28F0;
	[sflag:s0] =	ssyncadd.s32 $0xFFFFEC00  }
0x6f: {  	[spmem:s3] =	stream.indirect.scatter.add.f32 [tilespmem:s28], [sflag:$0xC], $0x40, s25, s21, $0xb8;
	[tilespmem:$0x19000] =	vst v63  }
0x70: {  	s17 =	simm.s32 $0x230  }
0x71: {  	[tilespmem:s4], [sflag:$0x8] =	stream.indirect.gather [hbm4b:s1+s21], $0x40, s17, s21, $0xb8;
	[tilespmem:$0x19000] =	vst v63  }
0x72: {  	_ =	swait.ge [sflag:s5], $0x1400  }
0x73: {  	[sflag:s5] =	ssyncset.done $0x0  }
0x74: {  	s25 =	simm.s32 $0x2940;
	[sflag:s5] =	ssyncadd.s32 $0xFFFFEC00  }
0x75: {  	[spmem:s3] =	stream.indirect.scatter.add.f32 [tilespmem:s31], [sflag:$0xD], $0x40, s25, s21, $0xb8;
	[tilespmem:$0x19000] =	vst v63  }
0x76: {  	_ =	swait.ge [sflag:s6], $0x1400  }
0x77: {  	[sflag:s6] =	ssyncset.done $0x0  }
0x78: {  	s17 =	simm.s32 $0x280;
	[sflag:s6] =	ssyncadd.s32 $0xFFFFEC00  }
0x79: {  	[tilespmem:s20], [sflag:$0x1] =	stream.indirect.gather [hbm4b:s1+s21], $0x40, s17, s21, $0xb8;
	[tilespmem:$0x19000] =	vst v63  }
0x7a: {  	_ =	swait.ge [sflag:s8], $0x1400  }
0x7b: {  	[sflag:s8] =	ssyncset.done $0x0  }
0x7c: {  	s25 =	simm.s32 $0x2990;
	[sflag:s8] =	ssyncadd.s32 $0xFFFFEC00  }
0x7d: {  	[spmem:s3] =	stream.indirect.scatter.add.f32 [tilespmem:s30], [sflag:$0xE], $0x40, s25, s21, $0xb8;
	[tilespmem:$0x19000] =	vst v63  }
0x7e: {  	_ =	swait.ge [sflag:s9], $0x1400  }
0x7f: {  	[sflag:s9] =	ssyncset.done $0x0  }
0x80: {  	s17 =	simm.s32 $0x2D0;
	[sflag:s9] =	ssyncadd.s32 $0xFFFFEC00  }
0x81: {  	[tilespmem:s22], [sflag:$0x2] =	stream.indirect.gather [hbm4b:s1+s21], $0x40, s17, s21, $0xb8;
	[tilespmem:$0x19000] =	vst v63  }
0x82: {  	_ =	swait.ge [sflag:s10], $0x1400  }
0x83: {  	[sflag:s10] =	ssyncset.done $0x0  }
0x84: {  	s25 =	simm.s32 $0x29E0;
	[sflag:s10] =	ssyncadd.s32 $0xFFFFEC00  }
0x85: {  	[spmem:s3] =	stream.indirect.scatter.add.f32 [tilespmem:s26], [sflag:$0xF], $0x40, s25, s21, $0xb8;
	[tilespmem:$0x19000] =	vst v63  }
0x86: {  	_ =	swait.ge [sflag:s11], $0x1400  }
0x87: {  	[sflag:s11] =	ssyncset.done $0x0  }
0x88: {  	s17 =	simm.s32 $0x320;
	[sflag:s11] =	ssyncadd.s32 $0xFFFFEC00  }
0x89: {  	[tilespmem:s24], [sflag:$0x3] =	stream.indirect.gather [hbm4b:s1+s21], $0x40, s17, s21, $0xb8;
	[tilespmem:$0x19000] =	vst v63  }
0x8a: {  	_ =	swait.ge [sflag:s12], $0x1400  }
0x8b: {  	[sflag:s12] =	ssyncset.done $0x0  }
0x8c: {  	s25 =	simm.s32 $0x2A30;
	[sflag:s12] =	ssyncadd.s32 $0xFFFFEC00  }
0x8d: {  	[spmem:s3] =	stream.indirect.scatter.add.f32 [tilespmem:s4], [sflag:$0x10], $0x40, s25, s21, $0xb8;
	[tilespmem:$0x19000] =	vst v63  }
0x8e: {  	_ =	swait.ge [sflag:s13], $0x1400  }
0x8f: {  	[sflag:s13] =	ssyncset.done $0x0  }
0x90: {  	s17 =	simm.s32 $0x370;
	[sflag:s13] =	ssyncadd.s32 $0xFFFFEC00  }
0x91: {  	[tilespmem:s28], [sflag:$0x4] =	stream.indirect.gather [hbm4b:s1+s21], $0x40, s17, s21, $0xb8;
	[tilespmem:$0x19000] =	vst v63  }
0x92: {  	_ =	swait.ge [sflag:s29], $0x1400  }
0x93: {  	[sflag:s29] =	ssyncset.done $0x0  }
0x94: {  	s25 =	simm.s32 $0x2A80;
	[sflag:s29] =	ssyncadd.s32 $0xFFFFEC00  }
0x95: {  	[spmem:s3] =	stream.indirect.scatter.add.f32 [tilespmem:s20], [sflag:$0x9], $0x40, s25, s21, $0xb8;
	[tilespmem:$0x19000] =	vst v63  }
0x96: {  	_ =	swait.ge [sflag:s19], $0x1400  }
0x97: {  	[sflag:s19] =	ssyncset.done $0x0  }
0x98: {  	s17 =	simm.s32 $0x3C0;
	[sflag:s19] =	ssyncadd.s32 $0xFFFFEC00  }
0x99: {  	[tilespmem:s31], [sflag:$0x5] =	stream.indirect.gather [hbm4b:s1+s21], $0x40, s17, s21, $0xb8;
	[tilespmem:$0x19000] =	vst v63  }
0x9a: {  	_ =	swait.ge [sflag:s2], $0x1400  }
0x9b: {  	[sflag:s2] =	ssyncset.done $0x0  }
0x9c: {  	s25 =	simm.s32 $0x2AD0;
	[sflag:s2] =	ssyncadd.s32 $0xFFFFEC00  }
0x9d: {  	[spmem:s3] =	stream.indirect.scatter.add.f32 [tilespmem:s22], [sflag:$0xA], $0x40, s25, s21, $0xb8;
	[tilespmem:$0x19000] =	vst v63  }
0x9e: {  	_ =	swait.ge [sflag:s14], $0x1400  }
0x9f: {  	[sflag:s14] =	ssyncset.done $0x0  }
0xa0: {  	s17 =	simm.s32 $0x410;
	[sflag:s14] =	ssyncadd.s32 $0xFFFFEC00  }
0xa1: {  	[tilespmem:s30], [sflag:$0x6] =	stream.indirect.gather [hbm4b:s1+s21], $0x40, s17, s21, $0xb8;
	[tilespmem:$0x19000] =	vst v63  }
0xa2: {  	_ =	swait.ge [sflag:s23], $0x1400  }
0xa3: {  	[sflag:s23] =	ssyncset.done $0x0  }
0xa4: {  	s25 =	simm.s32 $0x2B20;
	[sflag:s23] =	ssyncadd.s32 $0xFFFFEC00  }
0xa5: {  	[spmem:s3] =	stream.indirect.scatter.add.f32 [tilespmem:s24], [sflag:$0xB], $0x40, s25, s21, $0xb8;
	[tilespmem:$0x19000] =	vst v63  }
0xa6: {  	_ =	swait.ge [sflag:s15], $0x1400  }
0xa7: {  	[sflag:s15] =	ssyncset.done $0x0  }
0xa8: {  	s17 =	simm.s32 $0x460;
	[sflag:s15] =	ssyncadd.s32 $0xFFFFEC00  }
0xa9: {  	[tilespmem:s26], [sflag:$0x7] =	stream.indirect.gather [hbm4b:s1+s21], $0x40, s17, s21, $0xb8;
	[tilespmem:$0x19000] =	vst v63  }
0xaa: {  	_ =	swait.ge [sflag:s0], $0x1400  }
0xab: {  	[sflag:s0] =	ssyncset.done $0x0  }
0xac: {  	s25 =	simm.s32 $0x2B70;
	[sflag:s0] =	ssyncadd.s32 $0xFFFFEC00  }
0xad: {  	[spmem:s3] =	stream.indirect.scatter.add.f32 [tilespmem:s28], [sflag:$0xC], $0x40, s25, s21, $0xb8;
	[tilespmem:$0x19000] =	vst v63  }
0xae: {  	_ =	swait.ge [sflag:s16], $0x1400  }
0xaf: {  	[sflag:s16] =	ssyncset.done $0x0  }
0xb0: {  	s7 =	simm.s32 $0x4B0;
	s25 =	simm.s32 $0xA00;
	[sflag:s16] =	ssyncadd.s32 $0xFFFFEC00  }
.LBB2_4:
0xb1: {  	[tilespmem:s4], [sflag:$0x8] =	stream.indirect.gather [hbm4b:s1+s21], $0x40, s7, s21, $0xb8;
	[tilespmem:$0x19000] =	vst v63  }
0xb2: {  	s7 =	smov.u32 s25  }
0xb3: {  	p1 =	sne.s32 s25, $0x8C00;
	s25 =	sadd.s32 $0xA00, s25;
	_ =	swait.ge [sflag:s5], $0x1400  }
0xb4: {  	s7 =	sshra.s32 s7, $0x2;
	[sflag:s5] =	ssyncset.done $0x0  }
0xb5: {  	s17 =	sadd.s32 $0x2940, s7;
	[sflag:s5] =	ssyncadd.s32 $0xFFFFEC00  }
0xb6: {  	[spmem:s3] =	stream.indirect.scatter.add.f32 [tilespmem:s31], [sflag:$0xD], $0x40, s17, s21, $0xb8;
	[tilespmem:$0x19000] =	vst v63  }
0xb7: {  	_ =	swait.ge [sflag:s6], $0x1400  }
0xb8: {  	[sflag:s6] =	ssyncset.done $0x0  }
0xb9: {  	s17 =	sadd.s32 $0x280, s7;
	[sflag:s6] =	ssyncadd.s32 $0xFFFFEC00  }
0xba: {  	[tilespmem:s20], [sflag:$0x1] =	stream.indirect.gather [hbm4b:s1+s21], $0x40, s17, s21, $0xb8;
	[tilespmem:$0x19000] =	vst v63  }
0xbb: {  	_ =	swait.ge [sflag:s8], $0x1400  }
0xbc: {  	[sflag:s8] =	ssyncset.done $0x0  }
0xbd: {  	s17 =	sadd.s32 $0x2990, s7;
	[sflag:s8] =	ssyncadd.s32 $0xFFFFEC00  }
0xbe: {  	[spmem:s3] =	stream.indirect.scatter.add.f32 [tilespmem:s30], [sflag:$0xE], $0x40, s17, s21, $0xb8;
	[tilespmem:$0x19000] =	vst v63  }
0xbf: {  	_ =	swait.ge [sflag:s9], $0x1400  }
0xc0: {  	[sflag:s9] =	ssyncset.done $0x0  }
0xc1: {  	s17 =	sadd.s32 $0x2D0, s7;
	[sflag:s9] =	ssyncadd.s32 $0xFFFFEC00  }
0xc2: {  	[tilespmem:s22], [sflag:$0x2] =	stream.indirect.gather [hbm4b:s1+s21], $0x40, s17, s21, $0xb8;
	[tilespmem:$0x19000] =	vst v63  }
0xc3: {  	_ =	swait.ge [sflag:s10], $0x1400  }
0xc4: {  	[sflag:s10] =	ssyncset.done $0x0  }
0xc5: {  	s17 =	sadd.s32 $0x29E0, s7;
	[sflag:s10] =	ssyncadd.s32 $0xFFFFEC00  }
0xc6: {  	[spmem:s3] =	stream.indirect.scatter.add.f32 [tilespmem:s26], [sflag:$0xF], $0x40, s17, s21, $0xb8;
	[tilespmem:$0x19000] =	vst v63  }
0xc7: {  	_ =	swait.ge [sflag:s11], $0x1400  }
0xc8: {  	[sflag:s11] =	ssyncset.done $0x0  }
0xc9: {  	s17 =	sadd.s32 $0x320, s7;
	[sflag:s11] =	ssyncadd.s32 $0xFFFFEC00  }
0xca: {  	[tilespmem:s24], [sflag:$0x3] =	stream.indirect.gather [hbm4b:s1+s21], $0x40, s17, s21, $0xb8;
	[tilespmem:$0x19000] =	vst v63  }
0xcb: {  	_ =	swait.ge [sflag:s12], $0x1400  }
0xcc: {  	[sflag:s12] =	ssyncset.done $0x0  }
0xcd: {  	s17 =	sadd.s32 $0x2A30, s7;
	[sflag:s12] =	ssyncadd.s32 $0xFFFFEC00  }
0xce: {  	[spmem:s3] =	stream.indirect.scatter.add.f32 [tilespmem:s4], [sflag:$0x10], $0x40, s17, s21, $0xb8;
	[tilespmem:$0x19000] =	vst v63  }
0xcf: {  	_ =	swait.ge [sflag:s13], $0x1400  }
0xd0: {  	[sflag:s13] =	ssyncset.done $0x0  }
0xd1: {  	s17 =	sadd.s32 $0x370, s7;
	[sflag:s13] =	ssyncadd.s32 $0xFFFFEC00  }
0xd2: {  	[tilespmem:s28], [sflag:$0x4] =	stream.indirect.gather [hbm4b:s1+s21], $0x40, s17, s21, $0xb8;
	[tilespmem:$0x19000] =	vst v63  }
0xd3: {  	_ =	swait.ge [sflag:s29], $0x1400  }
0xd4: {  	[sflag:s29] =	ssyncset.done $0x0  }
0xd5: {  	s17 =	sadd.s32 $0x2A80, s7;
	[sflag:s29] =	ssyncadd.s32 $0xFFFFEC00  }
0xd6: {  	[spmem:s3] =	stream.indirect.scatter.add.f32 [tilespmem:s20], [sflag:$0x9], $0x40, s17, s21, $0xb8;
	[tilespmem:$0x19000] =	vst v63  }
0xd7: {  	_ =	swait.ge [sflag:s19], $0x1400  }
0xd8: {  	[sflag:s19] =	ssyncset.done $0x0  }
0xd9: {  	s17 =	sadd.s32 $0x3C0, s7;
	[sflag:s19] =	ssyncadd.s32 $0xFFFFEC00  }
0xda: {  	[tilespmem:s31], [sflag:$0x5] =	stream.indirect.gather [hbm4b:s1+s21], $0x40, s17, s21, $0xb8;
	[tilespmem:$0x19000] =	vst v63  }
0xdb: {  	_ =	swait.ge [sflag:s2], $0x1400  }
0xdc: {  	[sflag:s2] =	ssyncset.done $0x0  }
0xdd: {  	s17 =	sadd.s32 $0x2AD0, s7;
	[sflag:s2] =	ssyncadd.s32 $0xFFFFEC00  }
0xde: {  	[spmem:s3] =	stream.indirect.scatter.add.f32 [tilespmem:s22], [sflag:$0xA], $0x40, s17, s21, $0xb8;
	[tilespmem:$0x19000] =	vst v63  }
0xdf: {  	_ =	swait.ge [sflag:s14], $0x1400  }
0xe0: {  	[sflag:s14] =	ssyncset.done $0x0  }
0xe1: {  	s17 =	sadd.s32 $0x410, s7;
	[sflag:s14] =	ssyncadd.s32 $0xFFFFEC00  }
0xe2: {  	[tilespmem:s30], [sflag:$0x6] =	stream.indirect.gather [hbm4b:s1+s21], $0x40, s17, s21, $0xb8;
	[tilespmem:$0x19000] =	vst v63  }
0xe3: {  	_ =	swait.ge [sflag:s23], $0x1400  }
0xe4: {  	[sflag:s23] =	ssyncset.done $0x0  }
0xe5: {  	s17 =	sadd.s32 $0x2B20, s7;
	[sflag:s23] =	ssyncadd.s32 $0xFFFFEC00  }
0xe6: {  	[spmem:s3] =	stream.indirect.scatter.add.f32 [tilespmem:s24], [sflag:$0xB], $0x40, s17, s21, $0xb8;
	[tilespmem:$0x19000] =	vst v63  }
0xe7: {  	_ =	swait.ge [sflag:s15], $0x1400  }
0xe8: {  	[sflag:s15] =	ssyncset.done $0x0  }
0xe9: {  	s17 =	sadd.s32 $0x460, s7;
	[sflag:s15] =	ssyncadd.s32 $0xFFFFEC00  }
0xea: {  	[tilespmem:s26], [sflag:$0x7] =	stream.indirect.gather [hbm4b:s1+s21], $0x40, s17, s21, $0xb8;
	[tilespmem:$0x19000] =	vst v63  }
0xeb: {  	_ =	swait.ge [sflag:s0], $0x1400  }
0xec: {  	[sflag:s0] =	ssyncset.done $0x0  }
.Ltmp1:
0xed: {  	s17 =	sadd.s32 $0x2B70, s7;
	[sflag:s0] =	ssyncadd.s32 $0xFFFFEC00;
	(pc) =	sbr.rel @p1 .LBB2_4-.Ltmp1, $4  }
0xee: {  	[spmem:s3] =	stream.indirect.scatter.add.f32 [tilespmem:s28], [sflag:$0xC], $0x40, s17, s21, $0xb8;
	[tilespmem:$0x19000] =	vst v63  }
0xef: {  	_ =	swait.ge [sflag:s16], $0x1400  }
0xf0: {  	[sflag:s16] =	ssyncset.done $0x0  }
0xf1: {  	s7 =	sadd.s32 $0x4B0, s7;
	[sflag:s16] =	ssyncadd.s32 $0xFFFFEC00  }
0xf2: {  	[tilespmem:s4], [sflag:$0x8] =	stream.indirect.gather [hbm4b:s1+s21], $0x40, s7, s21, $0xb8;
	[tilespmem:$0x19000] =	vst v63  }
0xf3: {  	_ =	swait.ge [sflag:s5], $0x1400  }
0xf4: {  	[sflag:s5] =	ssyncset.done $0x0  }
0xf5: {  	s17 =	simm.s32 $0x4EC0;
	[sflag:s5] =	ssyncadd.s32 $0xFFFFEC00  }
0xf6: {  	[spmem:s3] =	stream.indirect.scatter.add.f32 [tilespmem:s31], [sflag:$0xD], $0x40, s17, s21, $0xb8;
	[tilespmem:$0x19000] =	vst v63  }
0xf7: {  	_ =	swait.ge [sflag:s6], $0x1400  }
0xf8: {  	[sflag:s6] =	ssyncset.done $0x0  }
0xf9: {  	[sflag:s6] =	ssyncadd.s32 $0xFFFFEC00  }
0xfa: {  	_ =	swait.ge [sflag:s8], $0x1400  }
0xfb: {  	[sflag:s8] =	ssyncset.done $0x0  }
0xfc: {  	s25 =	simm.s32 $0x4F10;
	[sflag:s8] =	ssyncadd.s32 $0xFFFFEC00  }
0xfd: {  	[spmem:s3] =	stream.indirect.scatter.add.f32 [tilespmem:s30], [sflag:$0xE], $0x40, s25, s21, $0xb8;
	[tilespmem:$0x19000] =	vst v63  }
0xfe: {  	_ =	swait.ge [sflag:s9], $0x1400  }
0xff: {  	[sflag:s9] =	ssyncset.done $0x0  }
0x100: {  	[sflag:s9] =	ssyncadd.s32 $0xFFFFEC00  }
0x101: {  	_ =	swait.ge [sflag:s10], $0x1400  }
0x102: {  	[sflag:s10] =	ssyncset.done $0x0  }
0x103: {  	s17 =	simm.s32 $0x4F60;
	[sflag:s10] =	ssyncadd.s32 $0xFFFFEC00  }
0x104: {  	[spmem:s3] =	stream.indirect.scatter.add.f32 [tilespmem:s26], [sflag:$0xF], $0x40, s17, s21, $0xb8;
	[tilespmem:$0x19000] =	vst v63  }
0x105: {  	_ =	swait.ge [sflag:s11], $0x1400  }
0x106: {  	[sflag:s11] =	ssyncset.done $0x0  }
0x107: {  	[sflag:s11] =	ssyncadd.s32 $0xFFFFEC00  }
0x108: {  	_ =	swait.ge [sflag:s12], $0x1400  }
0x109: {  	[sflag:s12] =	ssyncset.done $0x0  }
0x10a: {  	s25 =	simm.s32 $0x4FB0;
	[sflag:s12] =	ssyncadd.s32 $0xFFFFEC00  }
0x10b: {  	[spmem:s3] =	stream.indirect.scatter.add.f32 [tilespmem:s4], [sflag:$0x10], $0x40, s25, s21, $0xb8;
	[tilespmem:$0x19000] =	vst v63  }
0x10c: {  	_ =	swait.ge [sflag:s13], $0x1400  }
0x10d: {  	[sflag:s13] =	ssyncset.done $0x0  }
0x10e: {  	[sflag:s13] =	ssyncadd.s32 $0xFFFFEC00  }
0x10f: {  	_ =	swait.ge [sflag:s19], $0x1400  }
0x110: {  	[sflag:s19] =	ssyncset.done $0x0  }
0x111: {  	[sflag:s19] =	ssyncadd.s32 $0xFFFFEC00  }
0x112: {  	_ =	swait.ge [sflag:s14], $0x1400  }
0x113: {  	[sflag:s14] =	ssyncset.done $0x0  }
0x114: {  	[sflag:s14] =	ssyncadd.s32 $0xFFFFEC00  }
0x115: {  	_ =	swait.ge [sflag:s15], $0x1400  }
0x116: {  	[sflag:s15] =	ssyncset.done $0x0  }
0x117: {  	[sflag:s15] =	ssyncadd.s32 $0xFFFFEC00  }
0x118: {  	_ =	swait.ge [sflag:s16], $0x1400  }
0x119: {  	[sflag:s16] =	ssyncset.done $0x0  }
0x11a: {  	[sflag:s16] =	ssyncadd.s32 $0xFFFFEC00  }
0x11b: {  	[bflag:$0x0] =	sbarrier.arrive $0xFFFF  }
0x11c: {  	s17 =	rddreg [dreg:$0xf]  }
0x11d: {  	s7 =	simm.s32 @p0 $0x1FD1;
	s25 =	rddreg [dreg:$0x11]  }
0x11e: {  	[hbm:s17], [sflag:s7] =	dma.local @p0 [spmem:s25], $0xC80  }
0x11f: {  	s7 =	simm.s32 @p0 $0x11  }
0x120: {  	s17 =	stileid.u32;
	_ =	swait.ge @p0 [sflag:s7], $0xC80  }
0x121: {  	s17 =	sshll.u32 @!p0 s17, $0x6;
	[sflag:s7] =	ssyncset.done @p0 $0x0  }
0x122: {  	[sflag:s7] =	ssyncadd.s32 @p0 $0xFFFFF380;
	s7 =	sor.u32 @!p0 $0x1C11, s17;
	s17 =	rddreg [dreg:$0x6]  }
0x123: {  	s25 =	rddreg [dreg:$0xe];
	s17 =	sshrl.u32 @!p0 s17, $0x3  }
0x124: {  	[hbm:s25], [sflag:s7] =	dma.local @!p0 [spmem:s17], $0x1400  }
0x125: {  	s7 =	simm.s32 @!p0 $0x11  }
0x126: {  	_ =	swait.ge @!p0 [sflag:s7], $0x1400  }
0x127: {  	s17 =	rddreg [dreg:$0x12]  }
0x128: {  	s25 =	sadd.s32 $0x1, s17;
	s17 =	rddreg [dreg:$0x10]  }
0x129: {  	p1 =	sne.s32 s25, s17  }
.Ltmp2:
0x12a: {  	_ = 	snop;
	(pc) =	sbr.rel @p1 .LBB2_1-.Ltmp2, $3  }
0x12b: {  	_ =	sdelay $0x1  }
0x12c: {  	[sflag:s7] =	ssyncset.done @!p0 $0x0  }
0x12d: {  	[sflag:s7] =	ssyncadd.s32 @!p0 $0xFFFFEC00  }
0x12e: {  	_ =	sfence.sel $0x180000  }
0x12f: {  	[bflag:$0x0] =	sbarrier.arrive $0xFFFF  }
0x130: {  	_ =	strace $0x9000004D  }
0x131: {  	s0 =	stileid.u32;
	[bflag:$0x2] =	sbarrier.arrive $0xFFFF  }
0x132: {  	p0 =	sne.s32 s0, $0x0;
	s0 =	rddreg [dreg:$0x3]  }
0x133: {  	s0 =	sadd.s32 @!p0 $0x100000, s0  }
0x134: {  	[sflag:s0] =	ssyncadd.tile.s32 @!p0 $0x1;
	_ =	shalt  }
.Lfunc_end2:
_tile_overlayer_lowered:
.L_overlay_start_2:
0x135: {  	(tag) =	ssettag $0x2  }
0x136: {  	s0 =	rddreg [dreg:$0x0];
	s2 =	stileid.u32  }
0x137: {  	s1 =	rddreg [dreg:$0x1];
	p0 =	sne.s32 s2, $0x0  }
0x138: {  	s3 =	rddreg [dreg:$0x2];
	[bflag:$0x3] =	sbarrier.arrive $0xFFFF;
	s2 =	simm.s32 @!p0 $0x1C11  }
0x139: {  	[timem:s3], [sflag:s2] =	dma.local @!p0 [hbm:s0], s1  }
0x13a: {  	s0 =	simm.s32 @!p0 $0x11  }
0x13b: {  	_ =	swait.ge @!p0 [sflag:s0], s1  }
0x13c: {  	s1 =	ssub.s32 @!p0 $0x0, s1;
	[sflag:s0] =	ssyncset.done @!p0 $0x0  }
0x13d: {  	[sflag:s0] =	ssyncadd.s32 @!p0 s1  }
0x13e: {  	[bflag:$0x3] =	sbarrier.arrive $0xFFFF  }
0x13f: {  	_ =	shalt  }

// kernel: kernel.19.cloned.1.call-start
scs
__scs_entry_jumppad:
0x0: {  	(pc) =	sbr.rel $0x88, $3  }
0x1: {  	(tag) =	ssettag $0x0;
	lr =	simm.s32 $0x1  }
0x2: {  	[smem:$0x3F90] =	sst lr;
	_ =	strace $0xD0000000  }
0x3: {  	_ = 	snop  }
0x4: {  	_ = 	snop  }
0x5: {  	_ = 	snop  }
0x6: {  	_ = 	snop  }
0x7: {  	_ = 	snop  }
__scs_overlays_trampoline_lowered:
0x8: {  	[smem:$0x3F9F] =	sst s0  }
0x9: {  	[smem:$0x3FA0] =	sst s1  }
0xa: {  	[smem:$0x3FA1] =	sst s2  }
0xb: {  	[smem:$0x3FA2] =	sst s3  }
0xc: {  	[smem:$0x3FA3] =	sst s4  }
0xd: {  	[smem:$0x3FA4] =	sst s5  }
0xe: {  	[smem:$0x3FA5] =	sst s6  }
0xf: {  	[smem:$0x3FA6] =	sst s7  }
0x10: {  	[smem:$0x3FA7] =	sst s8  }
0x11: {  	[smem:$0x3FA8] =	sst s9;
	s0 =	simm.s32 @!p0 $0x0  }
0x12: {  	s1 =	sld [smem:$0x3F8E];
	s0 =	simm.s32 @p0 $0x1  }
0x13: {  	[smem:$0x3FA9] =	sst s0;
	s0 =	simm.s32 @!p1 $0x0  }
0x14: {  	s2 =	sld [smem:$0x3F8D];
	s0 =	simm.s32 @p1 $0x1  }
0x15: {  	[smem:$0x3FAA] =	sst s0;
	s0 =	simm.s32 @!p2 $0x0  }
0x16: {  	s3 =	sld [smem:$0x3FDB];
	s0 =	simm.s32 @p2 $0x1  }
0x17: {  	s4 =	simm.s32 $0x1BF5;
	[smem:$0x3FAC] =	sst s0  }
0x18: {  	s0 =	sld [smem:$0x3F8F];
	_ =	swait.ge [sflag:s4], $0x0  }
0x19: {  	s7 =	sld [smem:$0x3F90]  }
0x1a: {  	s8 =	sadd.s32 $0xFFFFE003, lr  }
0x1b: {  	s9 =	sadd.s32 $0xFFFFFEF7, lr;
	s5 =	simm.s32 $0xFFFFFFFF;
	p2 =	slt.u32 s8, $0xFFFFF086  }
0x1c: {  	p1 =	slt.u32 s9, $0xF7A;
	s5 =	simm.s32 @!p2 $0x0  }
0x1d: {  	s5 =	simm.s32 @p1 $0x1;
	p0 =	seq.s32 s7, s2  }
0x1e: {  	s7 =	smul.u32 @!p0 $0xF7A, s2;
	p2 =	seq.s32 @!p0 s5, $0x0  }
0x1f: {  	s9 =	smul.u32 $0xF7A, s1;
	s8 =	simm.s32 @!p0 $0x1BF5;
	p2 =	por !p2, p0  }
0x20: {  	[sflag:s8] =	ssyncset.s32 @!p0 $0xFFFFF086;
	s6 =	sadd.s32 @!p0 s3, s7;
	s7 =	simm.s32 @!p0 $0x108  }
0x21: {  	s3 =	sadd.s32 s3, s9;
	s6 =	sadd.s32 @!p0 $0x88, s6;
	s7 =	simm.s32 @p2 $0x1082  }
0x22: {  	[simem:s7], [sflag:s8] =	dma.local @!p0 [hbm:s6], $0xF7A  }
0x23: {  	s9 =	sor.u32 $0xD0000000, s2;
	s6 =	simm.s32 $0x108;
	_ =	swait.ge @!p0 [sflag:s8], $0x0  }
0x24: {  	s3 =	sadd.s32 $0x88, s3;
	s6 =	simm.s32 @!p1 $0x1082;
	[sflag:s4] =	ssyncset.s32 $0xFFFFF086  }
0x25: {  	[simem:s6], [sflag:s4] =	dma.local [hbm:s3], $0xF7A  }
0x26: {  	[smem:$0x3F90] =	sst s1;
	(tag) =	ssettag s2;
	_ =	strace s9  }
0x27: {  	s1 =	sld [smem:$0x3FA0]  }
0x28: {  	s2 =	sld [smem:$0x3FA1]  }
0x29: {  	s4 =	sld [smem:$0x3FA3]  }
0x2a: {  	p0 =	seq.s32 s5, $0x0;
	s5 =	sld [smem:$0x3FA4]  }
0x2b: {  	s6 =	sld [smem:$0x3FA5]  }
0x2c: {  	s7 =	sld [smem:$0x3FA6]  }
0x2d: {  	s3 =	simm.s32 $0x108;
	s8 =	sld [smem:$0x3FA7]  }
0x2e: {  	s3 =	simm.s32 @!p0 $0x1082;
	s9 =	sld [smem:$0x3FA8]  }
0x2f: {  	lr =	sadd.s32 s0, s3;
	s0 =	sld [smem:$0x3F9F]  }
0x30: {  	s3 =	sld [smem:$0x3FA2]  }
0x31: {  	[smem:$0x3FAB] =	sst s10  }
0x32: {  	s10 =	sld [smem:$0x3FA9];
	_ =	sdelay $0x3  }
0x33: {  	p0 =	seq.s32 s10, $0x1;
	s10 =	sld [smem:$0x3FAB];
	_ =	sdelay $0x3  }
0x34: {  	[smem:$0x3FAB] =	sst s10  }
0x35: {  	s10 =	sld [smem:$0x3FAA];
	_ =	sdelay $0x3  }
0x36: {  	p1 =	seq.s32 s10, $0x1;
	s10 =	sld [smem:$0x3FAB];
	_ =	sdelay $0x3  }
0x37: {  	[smem:$0x3FAB] =	sst s10  }
0x38: {  	s10 =	sld [smem:$0x3FAC]  }
0x39: {  	_ = 	snop;
	(pc) =	sbr.ind lr, $3  }
0x3a: {  	_ = 	snop  }
0x3b: {  	_ = 	snop  }
0x3c: {  	p2 =	seq.s32 s10, $0x1;
	s10 =	sld [smem:$0x3FAB]  }
0x3d: {  	_ =	shalt  }
0x3e: {  	_ =	shalt  }
0x3f: {  	_ =	shalt  }
0x40: {  	_ =	shalt  }
0x41: {  	_ =	shalt  }
0x42: {  	_ =	shalt  }
0x43: {  	_ =	shalt  }
0x44: {  	_ =	shalt  }
0x45: {  	_ =	shalt  }
0x46: {  	_ =	shalt  }
0x47: {  	_ =	shalt  }
0x48: {  	_ =	shalt  }
0x49: {  	_ =	shalt  }
0x4a: {  	_ =	shalt  }
0x4b: {  	_ =	shalt  }
0x4c: {  	_ =	shalt  }
0x4d: {  	_ =	shalt  }
0x4e: {  	_ =	shalt  }
0x4f: {  	_ =	shalt  }
0x50: {  	_ =	shalt  }
0x51: {  	_ =	shalt  }
0x52: {  	_ =	shalt  }
0x53: {  	_ =	shalt  }
0x54: {  	_ =	shalt  }
0x55: {  	_ =	shalt  }
0x56: {  	_ =	shalt  }
0x57: {  	_ =	shalt  }
0x58: {  	_ =	shalt  }
0x59: {  	_ =	shalt  }
0x5a: {  	_ =	shalt  }
0x5b: {  	_ =	shalt  }
0x5c: {  	_ =	shalt  }
0x5d: {  	_ =	shalt  }
0x5e: {  	_ =	shalt  }
0x5f: {  	_ =	shalt  }
0x60: {  	_ =	shalt  }
0x61: {  	_ =	shalt  }
0x62: {  	_ =	shalt  }
0x63: {  	_ =	shalt  }
0x64: {  	_ =	shalt  }
0x65: {  	_ =	shalt  }
0x66: {  	_ =	shalt  }
0x67: {  	_ =	shalt  }
0x68: {  	_ =	shalt  }
0x69: {  	_ =	shalt  }
0x6a: {  	_ =	shalt  }
0x6b: {  	_ =	shalt  }
0x6c: {  	_ =	shalt  }
0x6d: {  	_ =	shalt  }
0x6e: {  	_ =	shalt  }
0x6f: {  	_ =	shalt  }
0x70: {  	_ =	shalt  }
0x71: {  	_ =	shalt  }
0x72: {  	_ =	shalt  }
0x73: {  	_ =	shalt  }
0x74: {  	_ =	shalt  }
0x75: {  	_ =	shalt  }
0x76: {  	_ =	shalt  }
0x77: {  	_ =	shalt  }
0x78: {  	_ =	shalt  }
0x79: {  	_ =	shalt  }
0x7a: {  	_ =	shalt  }
0x7b: {  	_ =	shalt  }
0x7c: {  	_ =	shalt  }
0x7d: {  	_ =	shalt  }
0x7e: {  	_ =	shalt  }
0x7f: {  	_ =	shalt  }
0x80: {  	_ =	shalt  }
0x81: {  	_ =	shalt  }
0x82: {  	_ =	shalt  }
0x83: {  	_ =	shalt  }
0x84: {  	_ =	shalt  }
0x85: {  	_ =	shalt  }
0x86: {  	_ =	shalt  }
0x87: {  	_ =	shalt  }
.Lfunc_end0:
.L_simem_size_0:
called_computation.3_lowered:
.L_overlay_start_0:
0x88: {  	s2 =	sld [smem:$0x3FD9]  }
0x89: {  	s3 =	sld [smem:$0x3FFE];
	_ =	sdelay $0x1  }
0x8a: {  	s1 =	srdreg.scid  }
0x8b: {  	s0 =	sand.u32 $0x1, s1  }
0x8c: {  	s17 =	sshll.u32 s0, $0xA;
	s2 =	sadd.s32 s3, s2  }
0x8d: {  	s2 =	sadd.s32 s2, s17  }
0x8e: {  	[smem:$0x3FB7] =	sst s2  }
0x8f: {  	_ = 	snop  }
0x90: {  	s2 =	sld [smem:$0x3FD0];
	(tm) =	ssettm $0x1  }
0x91: {  	s18 =	sld [smem:$0x3FFB];
	_ =	sdelay $0x3  }
0x92: {  	_ =	strace s18  }
0x93: {  	s3 =	sld [smem:$0x3FFC];
	_ =	sdelay $0x3  }
0x94: {  	_ =	strace s3  }
0x95: {  	s3 =	sld [smem:$0x3FFD];
	_ =	sdelay $0x3  }
0x96: {  	_ =	strace s3  }
0x97: {  	_ =	strace $0x8FFFFFFF  }
0x98: {  	s19 =	sld [smem:$0x3FDB];
	_ =	sdelay $0x1  }
0x99: {  	s4 =	simm.s32 $_scs_section_size  }
0x9a: {  	s5 =	simm.s32 $_size__tile_overlayer_lowered;
	s6 =	simm.s32 $_tile_overlayer_lowered  }
0x9b: {  	s22 =	simm.s32 $0x1BFF;
	s21 =	sshll.u32 s6, $0x1;
	s3 =	sadd.s32 s4, s19  }
0x9c: {  	s7 =	simm.s32 $0x0;
	s20 =	sshll.u32 s5, $0x1;
	s5 =	sadd.s32 s21, s3  }
0x9d: {  	[timem:s7], [sflag:s22] =	dma.local [hbm:s5], s20  }
0x9e: {  	_ =	swait.ge [sflag:s22], s20  }
0x9f: {  	s4 =	ssub.s32 $0x0, s20;
	[sflag:s22] =	ssyncset.done $0x0  }
0xa0: {  	[sflag:s22] =	ssyncadd.s32 s4;
	_ =	sdelay $0x1  }
0xa1: {  	s23 =	simm.s32 $0x1B8B  }
0xa2: {  	_ =	swait.ge [sflag:s23], $0x1  }
0xa3: {  	[sflag:s23] =	ssyncset.done $0x0  }
0xa4: {  	s25 =	simm.s32 $0x1B8E;
	s24 =	sld [smem:$0x3FFE];
	[sflag:s23] =	ssyncadd.s32 $0xFFFFFFFF  }
0xa5: {  	s26 =	simm.s32 $execute0_lowered;
	[smem:$0x3FD2] =	sst s25  }
0xa6: {  	s5 =	sshll.u32 s26, $0x1;
	_ =	strace $0x8000004F;
	[dreg:$0x1] =	wrdreg $0xFFFFFFFF  }
0xa7: {  	s28 =	simm.s32 $_size_execute0_lowered;
	s3 =	sadd.s32 s3, s5;
	[dreg:$0x0] =	wrdreg $0x0  }
0xa8: {  	s5 =	sshll.u32 s28, $0x1;
	[dreg:$0x2] =	wrdreg s3  }
0xa9: {  	[dreg:$0x3] =	wrdreg s5  }
0xaa: {  	[dreg:$0x4] =	wrdreg $0xC0  }
0xab: {  	_ =	task [dreg:s7], $0x5FFFF  }
0xac: {  	[dreg:$0x1] =	wrdreg $0xFFFFFFFF  }
0xad: {  	[dreg:$0x0] =	wrdreg $0x60  }
0xae: {  	[dreg:$0x2] =	wrdreg s2  }
0xaf: {  	[dreg:$0x3] =	wrdreg s24  }
0xb0: {  	[dreg:$0x4] =	wrdreg $0xF0000  }
0xb1: {  	[dreg:$0x5] =	wrdreg $0x9  }
0xb2: {  	_ =	task.clear_ibuf [dreg:s7], $0x6FFFF;
	_ =	strace $0x9000004F  }
0xb3: {  	s29 =	simm.s32 $0x9;
	_ =	strace $0x80000051  }
0xb4: {  	_ =	swait.ge [sflag:s29], $0x1  }
0xb5: {  	[sflag:s29] =	ssyncadd.s32 $0xFFFFFFFF  }
0xb6: {  	_ =	strace $0x90000051  }
0xb7: {  	_ =	sfence  }
0xb8: {  	s30 =	sld [smem:$0x0];
	_ =	sdelay $0x2  }
0xb9: {  	s31 =	sshll.u32 s1, $0xD;
	s1 =	sshrl.u32 s1, $0x2  }
0xba: {  	s3 =	sand.u32 $0x4000, s31;
	s1 =	sadd.s32 s1, s30  }
0xbb: {  	s0 =	sor.u32 s3, s0;
	s1 =	sshll.u32 s1, $0x11  }
0xbc: {  	s0 =	sor.u32 s1, s0  }
0xbd: {  	s0 =	sadd.s32 $0x8F2B, s0  }
0xbe: {  	[sflag:s0] =	ssyncadd.remote.s32 $0x1  }
0xbf: {  	_ =	sfence.sel $0xFFFF  }
0xc0: {  	[dreg:$0x0] =	wrdreg $0xFFFFFFFF;
	(pc) =	sbr.abs _section_cstart, $3  }
0xc1: {  	[dreg:$0x1] =	wrdreg $0xFFFFFFFF  }
0xc2: {  	_ =	task.clear_ibuf [dreg:s7], $0x2FFFF;
	_ =	strace $0x9FFFFFFF  }
0xc3: {  	(tm) =	ssettm $0x7FFFFFFF  }
tec
execute0_lowered:
.L_overlay_start_1:
0x0: {  	(tag) =	ssettag $0x1  }
0x1: {  	s1 =	rddreg [dreg:$0x0]  }
0x2: {  	s0 =	rddreg [dreg:$0x1];
	s2 =	srdreg.scid  }
0x3: {  	s8 =	stileid.u32;
	s3 =	rddreg [dreg:$0x2]  }
0x4: {  	s5 =	simm.s32 $0x0;
	s28 =	simm.s32 $0x8C00;
	s29 =	simm.s32 $0x1  }
0x5: {  	s31 =	simm.s32 $0xA000;
	s30 =	simm.s32 $0xB400;
	s10 =	simm.s32 $0x7  }
0x6: {  	s11 =	simm.s32 $0xB;
	s12 =	simm.s32 $0x8;
	s13 =	simm.s32 $0xC  }
0x7: {  	s2 =	sand.u32 $0x1, s2;
	s4 =	sshll.u32 s8, $0x1;
	s6 =	smul.u32 $0x28000, s8  }
0x8: {  	[smem:$0x7FF] =	sst s5;
	s15 =	smul.u32 $0xA000, s8;
	p0 =	seq.s32 s8, $0xF  }
0x9: {  	s4 =	sor.u32 s2, s4;
	s14 =	ssub.s32 $0x2, s2;
	s2 =	smul.u32 $0x9C400, s2  }
0xa: {  	s8 =	simm.s32 $0x6;
	_ =	strace $0x80000050;
	s4 =	smul.u32 $0x500, s4  }
0xb: {  	s7 =	sshrl.u32 s14, $0x1;
	s6 =	sshrl.u32 s6, $0x2;
	s17 =	sadd.s32 s15, s3  }
0xc: {  	s5 =	ssub.s32 s14, s7;
	s16 =	sadd.s32 s6, s3;
	[dreg:$0x6] =	wrdreg s17  }
0xd: {  	s23 =	sadd.s32 s15, s2;
	s2 =	sshrl.u32 s2, $0x3;
	s14 =	simm.s32 $0xE  }
0xe: {  	s15 =	simm.s32 $0xF;
	s4 =	sadd.s32 s4, s0;
	s18 =	sadd.s32 $0x1400, s16  }
0xf: {  	s0 =	sadd.s32 $0x17200, s0;
	s19 =	sadd.s32 $0x2800, s16;
	[dreg:$0x7] =	wrdreg s18  }
0x10: {  	s20 =	sadd.s32 $0x3C00, s16;
	s21 =	sadd.s32 $0x5000, s16;
	[dreg:$0x8] =	wrdreg s19  }
0x11: {  	s22 =	sadd.s32 $0x6400, s16;
	s24 =	sadd.s32 $0x7800, s16;
	[dreg:$0x9] =	wrdreg s20  }
0x12: {  	s6 =	sshrl.u32 s23, $0x3;
	s26 =	smax.u32 s5, $0x1;
	[dreg:$0xa] =	wrdreg s21  }
0x13: {  	s23 =	simm.s32 $0x3;
	s5 =	simm.s32 $0x5;
	[dreg:$0xb] =	wrdreg s22  }
0x14: {  	s9 =	sadd.s32 $0xD200, s4;
	s4 =	sadd.s32 $0x3200, s4;
	[dreg:$0xc] =	wrdreg s24  }
0x15: {  	s2 =	sadd.s32 s0, s2;
	s0 =	sadd.s32 s0, s6;
	[dreg:$0x10] =	wrdreg s26  }
0x16: {  	s18 =	simm.s32 $0x11;
	s20 =	simm.s32 $0x5000;
	s21 =	simm.s32 $0x50  }
0x17: {  	s22 =	simm.s32 $0x6400;
	s24 =	simm.s32 $0x7800;
	[dreg:$0x4] =	wrdreg s9  }
0x18: {  	s26 =	simm.s32 $0xC800;
	s6 =	simm.s32 $0x9;
	[dreg:$0x5] =	wrdreg s4  }
0x19: {  	s19 =	simm.s32 $0xD;
	s4 =	sadd.s32 $0x8C00, s16;
	[dreg:$0xe] =	wrdreg s0  }
0x1a: {  	s25 =	sadd.s32 $0x12C00, s2;
	s0 =	sadd.s32 $0x96000, s3;
	s2 =	simm.s32 $0x2  }
0x1b: {  	s9 =	simm.s32 $0xA;
	s16 =	simm.s32 $0x10;
	[dreg:$0xd] =	wrdreg s4  }
0x1c: {  	[dreg:$0xf] =	wrdreg s25;
	s0 =	sshrl.u32 @p0 s0, $0x3;
	s4 =	simm.s32 $0xDC00  }
0x1d: {  	v0 =	vimm.f32 $0.0e+00;
	s25 =	simm.s32 $0x0;
	[dreg:$0x11] =	wrdreg s0;
	s0 =	simm.s32 $0x4  }
.LBB2_1:
0x1e: {  	[dreg:$0x12] =	wrdreg s25  }
0x1f: {  	s7 =	simm.s32 $0x0;
	s17 =	rddreg [dreg:$0x4]  }
0x20: {  	[tilespmem:s7], [sflag:$0x11] =	stream.linear.gather [hbm4b:s17+s7], $0x2800, $0x38;
	[tilespmem:$0x19000] =	vst v63  }
0x21: {  	_ =	swait.ge [sflag:s18], $0x2800  }
0x22: {  	[sflag:s18] =	ssyncset.done $0x0  }
0x23: {  	s25 =	simm.s32 $0x2800;
	s17 =	rddreg [dreg:$0x5];
	[sflag:s18] =	ssyncadd.s32 $0xFFFFD800  }
0x24: {  	[tilespmem:s25], [sflag:$0x11] =	stream.linear.gather [hbm4b:s17+s7], $0x2800, $0x38;
	[tilespmem:$0x19000] =	vst v63  }
0x25: {  	_ =	swait.ge [sflag:s18], $0x2800  }
0x26: {  	[sflag:s18] =	ssyncset.done $0x0  }
0x27: {  	s25 =	simm.s32 $0x100;
	s7 =	simm.s32 $0x0;
	[sflag:s18] =	ssyncadd.s32 $0xFFFFD800  }
.LBB2_2:
0x28: {  	p1 =	sne.s32 s25, $0x4F00;
	[tilespmem:s7+$0x5030] =	vst v0;
	s17 =	smov.u32 s25;
	s25 =	sadd.s32 $0x100, s25  }
.Ltmp0:
0x29: {  	[tilespmem:s7+$0x5020] =	vst v0;
	(pc) =	sbr.rel @p1 .LBB2_2-.Ltmp0, $3  }
0x2a: {  	[tilespmem:s7+$0x5000] =	vst v0  }
0x2b: {  	[tilespmem:s7+$0x5010] =	vst v0;
	_ =	sdelay $0x1  }
0x2c: {  	s7 =	sshra.s32 s17, $0x2  }
0x2d: {  	[tilespmem:s7+$0x5030] =	vst v0  }
0x2e: {  	[tilespmem:s7+$0x5020] =	vst v0  }
0x2f: {  	[tilespmem:s7+$0x5000] =	vst v0  }
0x30: {  	[tilespmem:s7+$0x5010] =	vst v0;
	s25 =	rddreg [dreg:$0x6]  }
0x31: {  	[spmem:s25] =	stream.linear.scatter [tilespmem:s20], [sflag:$0x11], $0x1400, $0x38;
	[tilespmem:$0x19000] =	vst v63  }
0x32: {  	_ =	swait.ge [sflag:s18], $0x1400  }
0x33: {  	[sflag:s18] =	ssyncset.done $0x0  }
0x34: {  	s17 =	rddreg [dreg:$0x7];
	[sflag:s18] =	ssyncadd.s32 $0xFFFFEC00  }
0x35: {  	[spmem:s17] =	stream.linear.scatter [tilespmem:s20], [sflag:$0x11], $0x1400, $0x38;
	[tilespmem:$0x19000] =	vst v63  }
0x36: {  	_ =	swait.ge [sflag:s18], $0x1400  }
0x37: {  	[sflag:s18] =	ssyncset.done $0x0  }
0x38: {  	s25 =	rddreg [dreg:$0x8];
	[sflag:s18] =	ssyncadd.s32 $0xFFFFEC00  }
0x39: {  	[spmem:s25] =	stream.linear.scatter [tilespmem:s20], [sflag:$0x11], $0x1400, $0x38;
	[tilespmem:$0x19000] =	vst v63  }
0x3a: {  	_ =	swait.ge [sflag:s18], $0x1400  }
0x3b: {  	[sflag:s18] =	ssyncset.done $0x0  }
0x3c: {  	s17 =	rddreg [dreg:$0x9];
	[sflag:s18] =	ssyncadd.s32 $0xFFFFEC00  }
0x3d: {  	[spmem:s17] =	stream.linear.scatter [tilespmem:s20], [sflag:$0x11], $0x1400, $0x38;
	[tilespmem:$0x19000] =	vst v63  }
0x3e: {  	_ =	swait.ge [sflag:s18], $0x1400  }
0x3f: {  	[sflag:s18] =	ssyncset.done $0x0  }
0x40: {  	s25 =	rddreg [dreg:$0xa];
	[sflag:s18] =	ssyncadd.s32 $0xFFFFEC00  }
0x41: {  	[spmem:s25] =	stream.linear.scatter [tilespmem:s20], [sflag:$0x11], $0x1400, $0x38;
	[tilespmem:$0x19000] =	vst v63  }
0x42: {  	_ =	swait.ge [sflag:s18], $0x1400  }
0x43: {  	[sflag:s18] =	ssyncset.done $0x0  }
0x44: {  	s7 =	simm.s32 @!p0 $0x5000;
	s17 =	rddreg [dreg:$0xb];
	[sflag:s18] =	ssyncadd.s32 $0xFFFFEC00  }
0x45: {  	[spmem:s17] =	stream.linear.scatter @!p0 [tilespmem:s7], [sflag:$0x11], $0x1400, $0x38;
	[tilespmem:$0x19000] =	vst v63  }
0x46: {  	s17 =	simm.s32 @!p0 $0x11  }
0x47: {  	_ =	swait.ge @!p0 [sflag:s17], $0x1400  }
0x48: {  	[sflag:s17] =	ssyncset.done @!p0 $0x0  }
0x49: {  	s25 =	rddreg [dreg:$0xc];
	[sflag:s17] =	ssyncadd.s32 @!p0 $0xFFFFEC00  }
0x4a: {  	[spmem:s25] =	stream.linear.scatter @!p0 [tilespmem:s7], [sflag:$0x11], $0x1400, $0x38;
	[tilespmem:$0x19000] =	vst v63  }
0x4b: {  	_ =	swait.ge @!p0 [sflag:s17], $0x1400  }
0x4c: {  	[sflag:s17] =	ssyncset.done @!p0 $0x0  }
0x4d: {  	s25 =	rddreg [dreg:$0xd];
	[sflag:s17] =	ssyncadd.s32 @!p0 $0xFFFFEC00  }
0x4e: {  	[spmem:s25] =	stream.linear.scatter @!p0 [tilespmem:s7], [sflag:$0x11], $0x1400, $0x38;
	[tilespmem:$0x19000] =	vst v63  }
0x4f: {  	_ =	swait.ge @!p0 [sflag:s17], $0x1400  }
0x50: {  	[sflag:s17] =	ssyncset.done @!p0 $0x0  }
0x51: {  	[sflag:s17] =	ssyncadd.s32 @!p0 $0xFFFFEC00  }
0x52: {  	s17 =	simm.s32 $0x0;
	[bflag:$0x0] =	sbarrier.arrive $0xFFFF  }
0x53: {  	[tilespmem:s20], [sflag:$0x1] =	stream.indirect.gather [hbm4b:s1+s21], $0x40, s17, s21, $0xb8;
	[tilespmem:$0x19000] =	vst v63  }
0x54: {  	_ = 	snop  }
0x55: {  	[tilespmem:s22], [sflag:$0x2] =	stream.indirect.gather [hbm4b:s1+s21], $0x40, s21, s21, $0xb8;
	[tilespmem:$0x19000] =	vst v63  }
0x56: {  	s25 =	simm.s32 $0xA0  }
0x57: {  	[tilespmem:s24], [sflag:$0x3] =	stream.indirect.gather [hbm4b:s1+s21], $0x40, s25, s21, $0xb8;
	[tilespmem:$0x19000] =	vst v63  }
0x58: {  	s17 =	simm.s32 $0xF0  }
0x59: {  	[tilespmem:s28], [sflag:$0x4] =	stream.indirect.gather [hbm4b:s1+s21], $0x40, s17, s21, $0xb8;
	[tilespmem:$0x19000] =	vst v63  }
0x5a: {  	_ =	swait.ge [sflag:s29], $0x1400  }
0x5b: {  	[sflag:s29] =	ssyncset.done $0x0  }
0x5c: {  	s25 =	simm.s32 $0x2800;
	[sflag:s29] =	ssyncadd.s32 $0xFFFFEC00  }
0x5d: {  	[spmem:s3] =	stream.indirect.scatter.add.f32 [tilespmem:s20], [sflag:$0x9], $0x40, s25, s21, $0xb8;
	[tilespmem:$0x19000] =	vst v63  }
0x5e: {  	s17 =	simm.s32 $0x140  }
0x5f: {  	[tilespmem:s31], [sflag:$0x5] =	stream.indirect.gather [hbm4b:s1+s21], $0x40, s17, s21, $0xb8;
	[tilespmem:$0x19000] =	vst v63  }
0x60: {  	_ =	swait.ge [sflag:s2], $0x1400  }
0x61: {  	[sflag:s2] =	ssyncset.done $0x0  }
0x62: {  	s25 =	simm.s32 $0x2850;
	[sflag:s2] =	ssyncadd.s32 $0xFFFFEC00  }
0x63: {  	[spmem:s3] =	stream.indirect.scatter.add.f32 [tilespmem:s22], [sflag:$0xA], $0x40, s25, s21, $0xb8;
	[tilespmem:$0x19000] =	vst v63  }
0x64: {  	s17 =	simm.s32 $0x190  }
0x65: {  	[tilespmem:s30], [sflag:$0x6] =	stream.indirect.gather [hbm4b:s1+s21], $0x40, s17, s21, $0xb8;
	[tilespmem:$0x19000] =	vst v63  }
0x66: {  	_ =	swait.ge [sflag:s23], $0x1400  }
0x67: {  	[sflag:s23] =	ssyncset.done $0x0  }
0x68: {  	s25 =	simm.s32 $0x28A0;
	[sflag:s23] =	ssyncadd.s32 $0xFFFFEC00  }
0x69: {  	[spmem:s3] =	stream.indirect.scatter.add.f32 [tilespmem:s24], [sflag:$0xB], $0x40, s25, s21, $0xb8;
	[tilespmem:$0x19000] =	vst v63  }
0x6a: {  	s17 =	simm.s32 $0x1E0  }
0x6b: {  	[tilespmem:s26], [sflag:$0x7] =	stream.indirect.gather [hbm4b:s1+s21], $0x40, s17, s21, $0xb8;
	[tilespmem:$0x19000] =	vst v63  }
0x6c: {  	_ =	swait.ge [sflag:s0], $0x1400  }
0x6d: {  	[sflag:s0] =	ssyncset.done $0x0  }
0x6e: {  	s25 =	simm.s32 $0x28F0;
	[sflag:s0] =	ssyncadd.s32 $0xFFFFEC00  }
0x6f: {  	[spmem:s3] =	stream.indirect.scatter.add.f32 [tilespmem:s28], [sflag:$0xC], $0x40, s25, s21, $0xb8;
	[tilespmem:$0x19000] =	vst v63  }
0x70: {  	s17 =	simm.s32 $0x230  }
0x71: {  	[tilespmem:s4], [sflag:$0x8] =	stream.indirect.gather [hbm4b:s1+s21], $0x40, s17, s21, $0xb8;
	[tilespmem:$0x19000] =	vst v63  }
0x72: {  	_ =	swait.ge [sflag:s5], $0x1400  }
0x73: {  	[sflag:s5] =	ssyncset.done $0x0  }
0x74: {  	s25 =	simm.s32 $0x2940;
	[sflag:s5] =	ssyncadd.s32 $0xFFFFEC00  }
0x75: {  	[spmem:s3] =	stream.indirect.scatter.add.f32 [tilespmem:s31], [sflag:$0xD], $0x40, s25, s21, $0xb8;
	[tilespmem:$0x19000] =	vst v63  }
0x76: {  	_ =	swait.ge [sflag:s6], $0x1400  }
0x77: {  	[sflag:s6] =	ssyncset.done $0x0  }
0x78: {  	s17 =	simm.s32 $0x280;
	[sflag:s6] =	ssyncadd.s32 $0xFFFFEC00  }
0x79: {  	[tilespmem:s20], [sflag:$0x1] =	stream.indirect.gather [hbm4b:s1+s21], $0x40, s17, s21, $0xb8;
	[tilespmem:$0x19000] =	vst v63  }
0x7a: {  	_ =	swait.ge [sflag:s8], $0x1400  }
0x7b: {  	[sflag:s8] =	ssyncset.done $0x0  }
0x7c: {  	s25 =	simm.s32 $0x2990;
	[sflag:s8] =	ssyncadd.s32 $0xFFFFEC00  }
0x7d: {  	[spmem:s3] =	stream.indirect.scatter.add.f32 [tilespmem:s30], [sflag:$0xE], $0x40, s25, s21, $0xb8;
	[tilespmem:$0x19000] =	vst v63  }
0x7e: {  	_ =	swait.ge [sflag:s9], $0x1400  }
0x7f: {  	[sflag:s9] =	ssyncset.done $0x0  }
0x80: {  	s17 =	simm.s32 $0x2D0;
	[sflag:s9] =	ssyncadd.s32 $0xFFFFEC00  }
0x81: {  	[tilespmem:s22], [sflag:$0x2] =	stream.indirect.gather [hbm4b:s1+s21], $0x40, s17, s21, $0xb8;
	[tilespmem:$0x19000] =	vst v63  }
0x82: {  	_ =	swait.ge [sflag:s10], $0x1400  }
0x83: {  	[sflag:s10] =	ssyncset.done $0x0  }
0x84: {  	s25 =	simm.s32 $0x29E0;
	[sflag:s10] =	ssyncadd.s32 $0xFFFFEC00  }
0x85: {  	[spmem:s3] =	stream.indirect.scatter.add.f32 [tilespmem:s26], [sflag:$0xF], $0x40, s25, s21, $0xb8;
	[tilespmem:$0x19000] =	vst v63  }
0x86: {  	_ =	swait.ge [sflag:s11], $0x1400  }
0x87: {  	[sflag:s11] =	ssyncset.done $0x0  }
0x88: {  	s17 =	simm.s32 $0x320;
	[sflag:s11] =	ssyncadd.s32 $0xFFFFEC00  }
0x89: {  	[tilespmem:s24], [sflag:$0x3] =	stream.indirect.gather [hbm4b:s1+s21], $0x40, s17, s21, $0xb8;
	[tilespmem:$0x19000] =	vst v63  }
0x8a: {  	_ =	swait.ge [sflag:s12], $0x1400  }
0x8b: {  	[sflag:s12] =	ssyncset.done $0x0  }
0x8c: {  	s25 =	simm.s32 $0x2A30;
	[sflag:s12] =	ssyncadd.s32 $0xFFFFEC00  }
0x8d: {  	[spmem:s3] =	stream.indirect.scatter.add.f32 [tilespmem:s4], [sflag:$0x10], $0x40, s25, s21, $0xb8;
	[tilespmem:$0x19000] =	vst v63  }
0x8e: {  	_ =	swait.ge [sflag:s13], $0x1400  }
0x8f: {  	[sflag:s13] =	ssyncset.done $0x0  }
0x90: {  	s17 =	simm.s32 $0x370;
	[sflag:s13] =	ssyncadd.s32 $0xFFFFEC00  }
0x91: {  	[tilespmem:s28], [sflag:$0x4] =	stream.indirect.gather [hbm4b:s1+s21], $0x40, s17, s21, $0xb8;
	[tilespmem:$0x19000] =	vst v63  }
0x92: {  	_ =	swait.ge [sflag:s29], $0x1400  }
0x93: {  	[sflag:s29] =	ssyncset.done $0x0  }
0x94: {  	s25 =	simm.s32 $0x2A80;
	[sflag:s29] =	ssyncadd.s32 $0xFFFFEC00  }
0x95: {  	[spmem:s3] =	stream.indirect.scatter.add.f32 [tilespmem:s20], [sflag:$0x9], $0x40, s25, s21, $0xb8;
	[tilespmem:$0x19000] =	vst v63  }
0x96: {  	_ =	swait.ge [sflag:s19], $0x1400  }
0x97: {  	[sflag:s19] =	ssyncset.done $0x0  }
0x98: {  	s17 =	simm.s32 $0x3C0;
	[sflag:s19] =	ssyncadd.s32 $0xFFFFEC00  }
0x99: {  	[tilespmem:s31], [sflag:$0x5] =	stream.indirect.gather [hbm4b:s1+s21], $0x40, s17, s21, $0xb8;
	[tilespmem:$0x19000] =	vst v63  }
0x9a: {  	_ =	swait.ge [sflag:s2], $0x1400  }
0x9b: {  	[sflag:s2] =	ssyncset.done $0x0  }
0x9c: {  	s25 =	simm.s32 $0x2AD0;
	[sflag:s2] =	ssyncadd.s32 $0xFFFFEC00  }
0x9d: {  	[spmem:s3] =	stream.indirect.scatter.add.f32 [tilespmem:s22], [sflag:$0xA], $0x40, s25, s21, $0xb8;
	[tilespmem:$0x19000] =	vst v63  }
0x9e: {  	_ =	swait.ge [sflag:s14], $0x1400  }
0x9f: {  	[sflag:s14] =	ssyncset.done $0x0  }
0xa0: {  	s17 =	simm.s32 $0x410;
	[sflag:s14] =	ssyncadd.s32 $0xFFFFEC00  }
0xa1: {  	[tilespmem:s30], [sflag:$0x6] =	stream.indirect.gather [hbm4b:s1+s21], $0x40, s17, s21, $0xb8;
	[tilespmem:$0x19000] =	vst v63  }
0xa2: {  	_ =	swait.ge [sflag:s23], $0x1400  }
0xa3: {  	[sflag:s23] =	ssyncset.done $0x0  }
0xa4: {  	s25 =	simm.s32 $0x2B20;
	[sflag:s23] =	ssyncadd.s32 $0xFFFFEC00  }
0xa5: {  	[spmem:s3] =	stream.indirect.scatter.add.f32 [tilespmem:s24], [sflag:$0xB], $0x40, s25, s21, $0xb8;
	[tilespmem:$0x19000] =	vst v63  }
0xa6: {  	_ =	swait.ge [sflag:s15], $0x1400  }
0xa7: {  	[sflag:s15] =	ssyncset.done $0x0  }
0xa8: {  	s17 =	simm.s32 $0x460;
	[sflag:s15] =	ssyncadd.s32 $0xFFFFEC00  }
0xa9: {  	[tilespmem:s26], [sflag:$0x7] =	stream.indirect.gather [hbm4b:s1+s21], $0x40, s17, s21, $0xb8;
	[tilespmem:$0x19000] =	vst v63  }
0xaa: {  	_ =	swait.ge [sflag:s0], $0x1400  }
0xab: {  	[sflag:s0] =	ssyncset.done $0x0  }
0xac: {  	s25 =	simm.s32 $0x2B70;
	[sflag:s0] =	ssyncadd.s32 $0xFFFFEC00  }
0xad: {  	[spmem:s3] =	stream.indirect.scatter.add.f32 [tilespmem:s28], [sflag:$0xC], $0x40, s25, s21, $0xb8;
	[tilespmem:$0x19000] =	vst v63  }
0xae: {  	_ =	swait.ge [sflag:s16], $0x1400  }
0xaf: {  	[sflag:s16] =	ssyncset.done $0x0  }
0xb0: {  	s7 =	simm.s32 $0x4B0;
	s25 =	simm.s32 $0xA00;
	[sflag:s16] =	ssyncadd.s32 $0xFFFFEC00  }
.LBB2_4:
0xb1: {  	[tilespmem:s4], [sflag:$0x8] =	stream.indirect.gather [hbm4b:s1+s21], $0x40, s7, s21, $0xb8;
	[tilespmem:$0x19000] =	vst v63  }
0xb2: {  	s7 =	smov.u32 s25  }
0xb3: {  	p1 =	sne.s32 s25, $0x8C00;
	s25 =	sadd.s32 $0xA00, s25;
	_ =	swait.ge [sflag:s5], $0x1400  }
0xb4: {  	s7 =	sshra.s32 s7, $0x2;
	[sflag:s5] =	ssyncset.done $0x0  }
0xb5: {  	s17 =	sadd.s32 $0x2940, s7;
	[sflag:s5] =	ssyncadd.s32 $0xFFFFEC00  }
0xb6: {  	[spmem:s3] =	stream.indirect.scatter.add.f32 [tilespmem:s31], [sflag:$0xD], $0x40, s17, s21, $0xb8;
	[tilespmem:$0x19000] =	vst v63  }
0xb7: {  	_ =	swait.ge [sflag:s6], $0x1400  }
0xb8: {  	[sflag:s6] =	ssyncset.done $0x0  }
0xb9: {  	s17 =	sadd.s32 $0x280, s7;
	[sflag:s6] =	ssyncadd.s32 $0xFFFFEC00  }
0xba: {  	[tilespmem:s20], [sflag:$0x1] =	stream.indirect.gather [hbm4b:s1+s21], $0x40, s17, s21, $0xb8;
	[tilespmem:$0x19000] =	vst v63  }
0xbb: {  	_ =	swait.ge [sflag:s8], $0x1400  }
0xbc: {  	[sflag:s8] =	ssyncset.done $0x0  }
0xbd: {  	s17 =	sadd.s32 $0x2990, s7;
	[sflag:s8] =	ssyncadd.s32 $0xFFFFEC00  }
0xbe: {  	[spmem:s3] =	stream.indirect.scatter.add.f32 [tilespmem:s30], [sflag:$0xE], $0x40, s17, s21, $0xb8;
	[tilespmem:$0x19000] =	vst v63  }
0xbf: {  	_ =	swait.ge [sflag:s9], $0x1400  }
0xc0: {  	[sflag:s9] =	ssyncset.done $0x0  }
0xc1: {  	s17 =	sadd.s32 $0x2D0, s7;
	[sflag:s9] =	ssyncadd.s32 $0xFFFFEC00  }
0xc2: {  	[tilespmem:s22], [sflag:$0x2] =	stream.indirect.gather [hbm4b:s1+s21], $0x40, s17, s21, $0xb8;
	[tilespmem:$0x19000] =	vst v63  }
0xc3: {  	_ =	swait.ge [sflag:s10], $0x1400  }
0xc4: {  	[sflag:s10] =	ssyncset.done $0x0  }
0xc5: {  	s17 =	sadd.s32 $0x29E0, s7;
	[sflag:s10] =	ssyncadd.s32 $0xFFFFEC00  }
0xc6: {  	[spmem:s3] =	stream.indirect.scatter.add.f32 [tilespmem:s26], [sflag:$0xF], $0x40, s17, s21, $0xb8;
	[tilespmem:$0x19000] =	vst v63  }
0xc7: {  	_ =	swait.ge [sflag:s11], $0x1400  }
0xc8: {  	[sflag:s11] =	ssyncset.done $0x0  }
0xc9: {  	s17 =	sadd.s32 $0x320, s7;
	[sflag:s11] =	ssyncadd.s32 $0xFFFFEC00  }
0xca: {  	[tilespmem:s24], [sflag:$0x3] =	stream.indirect.gather [hbm4b:s1+s21], $0x40, s17, s21, $0xb8;
	[tilespmem:$0x19000] =	vst v63  }
0xcb: {  	_ =	swait.ge [sflag:s12], $0x1400  }
0xcc: {  	[sflag:s12] =	ssyncset.done $0x0  }
0xcd: {  	s17 =	sadd.s32 $0x2A30, s7;
	[sflag:s12] =	ssyncadd.s32 $0xFFFFEC00  }
0xce: {  	[spmem:s3] =	stream.indirect.scatter.add.f32 [tilespmem:s4], [sflag:$0x10], $0x40, s17, s21, $0xb8;
	[tilespmem:$0x19000] =	vst v63  }
0xcf: {  	_ =	swait.ge [sflag:s13], $0x1400  }
0xd0: {  	[sflag:s13] =	ssyncset.done $0x0  }
0xd1: {  	s17 =	sadd.s32 $0x370, s7;
	[sflag:s13] =	ssyncadd.s32 $0xFFFFEC00  }
0xd2: {  	[tilespmem:s28], [sflag:$0x4] =	stream.indirect.gather [hbm4b:s1+s21], $0x40, s17, s21, $0xb8;
	[tilespmem:$0x19000] =	vst v63  }
0xd3: {  	_ =	swait.ge [sflag:s29], $0x1400  }
0xd4: {  	[sflag:s29] =	ssyncset.done $0x0  }
0xd5: {  	s17 =	sadd.s32 $0x2A80, s7;
	[sflag:s29] =	ssyncadd.s32 $0xFFFFEC00  }
0xd6: {  	[spmem:s3] =	stream.indirect.scatter.add.f32 [tilespmem:s20], [sflag:$0x9], $0x40, s17, s21, $0xb8;
	[tilespmem:$0x19000] =	vst v63  }
0xd7: {  	_ =	swait.ge [sflag:s19], $0x1400  }
0xd8: {  	[sflag:s19] =	ssyncset.done $0x0  }
0xd9: {  	s17 =	sadd.s32 $0x3C0, s7;
	[sflag:s19] =	ssyncadd.s32 $0xFFFFEC00  }
0xda: {  	[tilespmem:s31], [sflag:$0x5] =	stream.indirect.gather [hbm4b:s1+s21], $0x40, s17, s21, $0xb8;
	[tilespmem:$0x19000] =	vst v63  }
0xdb: {  	_ =	swait.ge [sflag:s2], $0x1400  }
0xdc: {  	[sflag:s2] =	ssyncset.done $0x0  }
0xdd: {  	s17 =	sadd.s32 $0x2AD0, s7;
	[sflag:s2] =	ssyncadd.s32 $0xFFFFEC00  }
0xde: {  	[spmem:s3] =	stream.indirect.scatter.add.f32 [tilespmem:s22], [sflag:$0xA], $0x40, s17, s21, $0xb8;
	[tilespmem:$0x19000] =	vst v63  }
0xdf: {  	_ =	swait.ge [sflag:s14], $0x1400  }
0xe0: {  	[sflag:s14] =	ssyncset.done $0x0  }
0xe1: {  	s17 =	sadd.s32 $0x410, s7;
	[sflag:s14] =	ssyncadd.s32 $0xFFFFEC00  }
0xe2: {  	[tilespmem:s30], [sflag:$0x6] =	stream.indirect.gather [hbm4b:s1+s21], $0x40, s17, s21, $0xb8;
	[tilespmem:$0x19000] =	vst v63  }
0xe3: {  	_ =	swait.ge [sflag:s23], $0x1400  }
0xe4: {  	[sflag:s23] =	ssyncset.done $0x0  }
0xe5: {  	s17 =	sadd.s32 $0x2B20, s7;
	[sflag:s23] =	ssyncadd.s32 $0xFFFFEC00  }
0xe6: {  	[spmem:s3] =	stream.indirect.scatter.add.f32 [tilespmem:s24], [sflag:$0xB], $0x40, s17, s21, $0xb8;
	[tilespmem:$0x19000] =	vst v63  }
0xe7: {  	_ =	swait.ge [sflag:s15], $0x1400  }
0xe8: {  	[sflag:s15] =	ssyncset.done $0x0  }
0xe9: {  	s17 =	sadd.s32 $0x460, s7;
	[sflag:s15] =	ssyncadd.s32 $0xFFFFEC00  }
0xea: {  	[tilespmem:s26], [sflag:$0x7] =	stream.indirect.gather [hbm4b:s1+s21], $0x40, s17, s21, $0xb8;
	[tilespmem:$0x19000] =	vst v63  }
0xeb: {  	_ =	swait.ge [sflag:s0], $0x1400  }
0xec: {  	[sflag:s0] =	ssyncset.done $0x0  }
.Ltmp1:
0xed: {  	s17 =	sadd.s32 $0x2B70, s7;
	[sflag:s0] =	ssyncadd.s32 $0xFFFFEC00;
	(pc) =	sbr.rel @p1 .LBB2_4-.Ltmp1, $4  }
0xee: {  	[spmem:s3] =	stream.indirect.scatter.add.f32 [tilespmem:s28], [sflag:$0xC], $0x40, s17, s21, $0xb8;
	[tilespmem:$0x19000] =	vst v63  }
0xef: {  	_ =	swait.ge [sflag:s16], $0x1400  }
0xf0: {  	[sflag:s16] =	ssyncset.done $0x0  }
0xf1: {  	s7 =	sadd.s32 $0x4B0, s7;
	[sflag:s16] =	ssyncadd.s32 $0xFFFFEC00  }
0xf2: {  	[tilespmem:s4], [sflag:$0x8] =	stream.indirect.gather [hbm4b:s1+s21], $0x40, s7, s21, $0xb8;
	[tilespmem:$0x19000] =	vst v63  }
0xf3: {  	_ =	swait.ge [sflag:s5], $0x1400  }
0xf4: {  	[sflag:s5] =	ssyncset.done $0x0  }
0xf5: {  	s17 =	simm.s32 $0x4EC0;
	[sflag:s5] =	ssyncadd.s32 $0xFFFFEC00  }
0xf6: {  	[spmem:s3] =	stream.indirect.scatter.add.f32 [tilespmem:s31], [sflag:$0xD], $0x40, s17, s21, $0xb8;
	[tilespmem:$0x19000] =	vst v63  }
0xf7: {  	_ =	swait.ge [sflag:s6], $0x1400  }
0xf8: {  	[sflag:s6] =	ssyncset.done $0x0  }
0xf9: {  	[sflag:s6] =	ssyncadd.s32 $0xFFFFEC00  }
0xfa: {  	_ =	swait.ge [sflag:s8], $0x1400  }
0xfb: {  	[sflag:s8] =	ssyncset.done $0x0  }
0xfc: {  	s25 =	simm.s32 $0x4F10;
	[sflag:s8] =	ssyncadd.s32 $0xFFFFEC00  }
0xfd: {  	[spmem:s3] =	stream.indirect.scatter.add.f32 [tilespmem:s30], [sflag:$0xE], $0x40, s25, s21, $0xb8;
	[tilespmem:$0x19000] =	vst v63  }
0xfe: {  	_ =	swait.ge [sflag:s9], $0x1400  }
0xff: {  	[sflag:s9] =	ssyncset.done $0x0  }
0x100: {  	[sflag:s9] =	ssyncadd.s32 $0xFFFFEC00  }
0x101: {  	_ =	swait.ge [sflag:s10], $0x1400  }
0x102: {  	[sflag:s10] =	ssyncset.done $0x0  }
0x103: {  	s17 =	simm.s32 $0x4F60;
	[sflag:s10] =	ssyncadd.s32 $0xFFFFEC00  }
0x104: {  	[spmem:s3] =	stream.indirect.scatter.add.f32 [tilespmem:s26], [sflag:$0xF], $0x40, s17, s21, $0xb8;
	[tilespmem:$0x19000] =	vst v63  }
0x105: {  	_ =	swait.ge [sflag:s11], $0x1400  }
0x106: {  	[sflag:s11] =	ssyncset.done $0x0  }
0x107: {  	[sflag:s11] =	ssyncadd.s32 $0xFFFFEC00  }
0x108: {  	_ =	swait.ge [sflag:s12], $0x1400  }
0x109: {  	[sflag:s12] =	ssyncset.done $0x0  }
0x10a: {  	s25 =	simm.s32 $0x4FB0;
	[sflag:s12] =	ssyncadd.s32 $0xFFFFEC00  }
0x10b: {  	[spmem:s3] =	stream.indirect.scatter.add.f32 [tilespmem:s4], [sflag:$0x10], $0x40, s25, s21, $0xb8;
	[tilespmem:$0x19000] =	vst v63  }
0x10c: {  	_ =	swait.ge [sflag:s13], $0x1400  }
0x10d: {  	[sflag:s13] =	ssyncset.done $0x0  }
0x10e: {  	[sflag:s13] =	ssyncadd.s32 $0xFFFFEC00  }
0x10f: {  	_ =	swait.ge [sflag:s19], $0x1400  }
0x110: {  	[sflag:s19] =	ssyncset.done $0x0  }
0x111: {  	[sflag:s19] =	ssyncadd.s32 $0xFFFFEC00  }
0x112: {  	_ =	swait.ge [sflag:s14], $0x1400  }
0x113: {  	[sflag:s14] =	ssyncset.done $0x0  }
0x114: {  	[sflag:s14] =	ssyncadd.s32 $0xFFFFEC00  }
0x115: {  	_ =	swait.ge [sflag:s15], $0x1400  }
0x116: {  	[sflag:s15] =	ssyncset.done $0x0  }
0x117: {  	[sflag:s15] =	ssyncadd.s32 $0xFFFFEC00  }
0x118: {  	_ =	swait.ge [sflag:s16], $0x1400  }
0x119: {  	[sflag:s16] =	ssyncset.done $0x0  }
0x11a: {  	[sflag:s16] =	ssyncadd.s32 $0xFFFFEC00  }
0x11b: {  	[bflag:$0x0] =	sbarrier.arrive $0xFFFF  }
0x11c: {  	s17 =	rddreg [dreg:$0xf]  }
0x11d: {  	s7 =	simm.s32 @p0 $0x1FD1;
	s25 =	rddreg [dreg:$0x11]  }
0x11e: {  	[hbm:s17], [sflag:s7] =	dma.local @p0 [spmem:s25], $0xC80  }
0x11f: {  	s7 =	simm.s32 @p0 $0x11  }
0x120: {  	s17 =	stileid.u32;
	_ =	swait.ge @p0 [sflag:s7], $0xC80  }
0x121: {  	s17 =	sshll.u32 @!p0 s17, $0x6;
	[sflag:s7] =	ssyncset.done @p0 $0x0  }
0x122: {  	[sflag:s7] =	ssyncadd.s32 @p0 $0xFFFFF380;
	s7 =	sor.u32 @!p0 $0x1C11, s17;
	s17 =	rddreg [dreg:$0x6]  }
0x123: {  	s25 =	rddreg [dreg:$0xe];
	s17 =	sshrl.u32 @!p0 s17, $0x3  }
0x124: {  	[hbm:s25], [sflag:s7] =	dma.local @!p0 [spmem:s17], $0x1400  }
0x125: {  	s7 =	simm.s32 @!p0 $0x11  }
0x126: {  	_ =	swait.ge @!p0 [sflag:s7], $0x1400  }
0x127: {  	s17 =	rddreg [dreg:$0x12]  }
0x128: {  	s25 =	sadd.s32 $0x1, s17;
	s17 =	rddreg [dreg:$0x10]  }
0x129: {  	p1 =	sne.s32 s25, s17  }
.Ltmp2:
0x12a: {  	_ = 	snop;
	(pc) =	sbr.rel @p1 .LBB2_1-.Ltmp2, $3  }
0x12b: {  	_ =	sdelay $0x1  }
0x12c: {  	[sflag:s7] =	ssyncset.done @!p0 $0x0  }
0x12d: {  	[sflag:s7] =	ssyncadd.s32 @!p0 $0xFFFFEC00  }
0x12e: {  	_ =	sfence.sel $0x180000  }
0x12f: {  	[bflag:$0x0] =	sbarrier.arrive $0xFFFF  }
0x130: {  	_ =	strace $0x90000050  }
0x131: {  	s0 =	stileid.u32;
	[bflag:$0x2] =	sbarrier.arrive $0xFFFF  }
0x132: {  	p0 =	sne.s32 s0, $0x0;
	s0 =	rddreg [dreg:$0x3]  }
0x133: {  	s0 =	sadd.s32 @!p0 $0x100000, s0  }
0x134: {  	[sflag:s0] =	ssyncadd.tile.s32 @!p0 $0x1;
	_ =	shalt  }
.Lfunc_end2:
_tile_overlayer_lowered:
.L_overlay_start_2:
0x135: {  	(tag) =	ssettag $0x2  }
0x136: {  	s0 =	rddreg [dreg:$0x0];
	s2 =	stileid.u32  }
0x137: {  	s1 =	rddreg [dreg:$0x1];
	p0 =	sne.s32 s2, $0x0  }
0x138: {  	s3 =	rddreg [dreg:$0x2];
	[bflag:$0x3] =	sbarrier.arrive $0xFFFF;
	s2 =	simm.s32 @!p0 $0x1C11  }
0x139: {  	[timem:s3], [sflag:s2] =	dma.local @!p0 [hbm:s0], s1  }
0x13a: {  	s0 =	simm.s32 @!p0 $0x11  }
0x13b: {  	_ =	swait.ge @!p0 [sflag:s0], s1  }
0x13c: {  	s1 =	ssub.s32 @!p0 $0x0, s1;
	[sflag:s0] =	ssyncset.done @!p0 $0x0  }
0x13d: {  	[sflag:s0] =	ssyncadd.s32 @!p0 s1  }
0x13e: {  	[bflag:$0x3] =	sbarrier.arrive $0xFFFF  }
0x13f: {  	_ =	shalt  }

</sc_bundles>
